<compile_context>
chip_gen: v7x
topology: tpu7x:2x2x1
jax: 0.10.2.dev20260603
libtpu: 0.0.44.dev20260713+nightly
codegen_flags: <defaults>
</compile_context>

<pallas_src>
import math

import jax
import jax.numpy as jnp
from jax import lax
from jax.experimental import pallas as pl
from jax.experimental.pallas import tpu as pltpu
from jax.experimental.pallas import tpu_sc as plsc

F32 = jnp.float32

_N = 10000
_E = 320000
_D = 128

_T = 3

_NC, _NS = 2, 16
_NW = _NC * _NS
_K = 128
_NB = 4
_CHS = ((_E + _NS * _K - 1) // (_NS * _K) + _NB - 1) // _NB * _NB
_EPAD = _NS * _K * _CHS
_NPAD = 10240
_RPT = _NPAD // _NS
_ROWBLK = 400

_DH = _D // _NC
_CW = 16
_RW = _DH


def _prologue_body(x_ref, w_ref, out_ref):
    xb = x_ref[...]
    outs = []
    for c in range(_NC):
        halves = []
        for t in range(_T):
            m = lax.dot_general(xb, w_ref[t], (((1,), (0,)), ((), ())),
                                preferred_element_type=F32)
            halves.append(m[:, c * _DH:(c + 1) * _DH])
        outs.append(jnp.stack(halves, axis=0))
    out_ref[...] = jnp.stack(outs, axis=0)


def _build_table(x, w_src):
    grid = _N // _ROWBLK
    return pl.pallas_call(
        _prologue_body,
        grid=(grid,),
        in_specs=[
            pl.BlockSpec((_ROWBLK, _D), lambda i: (i, 0)),
            pl.BlockSpec((_T, _D, _D), lambda i: (0, 0, 0)),
        ],
        out_specs=pl.BlockSpec((_NC, _T, _ROWBLK, _RW), lambda i: (0, 0, i, 0)),
        out_shape=jax.ShapeDtypeStruct((_NC, _T, _N, _RW), F32),
    )(x, w_src)


def _sc_body(table_hbm, epk_hbm, zeros_hbm, zc_hbm, out1_hbm, out2_hbm,
             epkA, epkB,
             idxg0, idxg1, idxg2, idxg3,
             idxs0, idxs1, idxs2, idxs3,
             rows0, rows1, rows2, rows3,
             ohb0, ohb1, ohb2, ohb3,
             old0, old1, old2, old3,
             acc, cacc, seA, seB, sg0, sg1, sg2, sg3, ss, sc2):
    cid = lax.axis_index("c")
    sid = lax.axis_index("s")

    idxg = [idxg0, idxg1, idxg2, idxg3]
    idxs = [idxs0, idxs1, idxs2, idxs3]
    rows = [rows0, rows1, rows2, rows3]
    ohb = [ohb0, ohb1, ohb2, ohb3]
    old = [old0, old1, old2, old3]
    sg = [sg0, sg1, sg2, sg3]

    rbase = pl.multiple_of(sid * _RPT, 8)
    pltpu.sync_copy(zeros_hbm, acc.at[pl.ds(rbase, _RPT)])
    pltpu.sync_copy(zc_hbm, cacc.at[pl.ds(rbase, _RPT)])
    plsc.subcore_barrier()

    zi = jnp.zeros((16,), jnp.int32)
    for k in range(_NB):
        pltpu.sync_copy(cacc.at[pl.ds(_NPAD - _K, _K)], ohb[k])

        def zo(i, c, o=old[k]):
            o[pl.ds(i * 16, 16)] = zi
            return c

        lax.fori_loop(0, _K // 16, zo, 0)

    ebase = sid * (_CHS * _K)
    lane = lax.iota(jnp.int32, 16)
    ones = jnp.ones((16,), F32)
    zf = jnp.zeros((16,), F32)

    def unpack(epk_v, off, ig, isr, oh, ol):
        for i in range(_K // 16):
            e = epk_v[pl.ds(off + i * 16, 16)]
            et = lax.bitwise_and(lax.shift_right_logical(e, 14), 3)
            gi = lax.bitwise_and(e, 0x3FFF) + (et + cid * _T) * _N
            d = lax.shift_right_logical(e, 16)
            ig[pl.ds(i * 16, 16)] = gi
            isr[pl.ds(i * 16, 16)] = d
            rvec = i * 16 + lane
            prev = ol[pl.ds(i * 16, 16)]
            plsc.store_scatter(oh, [rvec, prev], zf)
            plsc.store_scatter(oh, [rvec, et], ones)
            ol[pl.ds(i * 16, 16)] = et

    def eblk(bi):
        base = pl.multiple_of(ebase + bi * (_NB * _K), 8)
        return epk_hbm.at[pl.ds(base, _NB * _K)]

    pltpu.sync_copy(eblk(0), epkA)
    for k in range(_NB):
        unpack(epkA, k * _K, idxg[k], idxs[k], ohb[k], old[k])
        pltpu.async_copy(table_hbm.at[idxg[k]], rows[k], sg[k])
    pltpu.async_copy(eblk(1), epkB, seB)

    def step(epk_v, k):
        pltpu.make_async_copy(table_hbm.at[idxg[k]], rows[k], sg[k]).wait()
        pltpu.async_copy(rows[k], acc.at[idxs[k]], ss, add=True)
        pltpu.async_copy(ohb[k], cacc.at[idxs[k]], sc2, add=True)
        pltpu.make_async_copy(rows[k], acc.at[idxs[k]], ss).wait()
        pltpu.make_async_copy(ohb[k], cacc.at[idxs[k]], sc2).wait()
        unpack(epk_v, k * _K, idxg[k], idxs[k], ohb[k], old[k])
        pltpu.async_copy(table_hbm.at[idxg[k]], rows[k], sg[k])

    def block(i, carry):
        pltpu.make_async_copy(eblk(2 * i + 1), epkB, seB).wait()
        pltpu.async_copy(eblk(2 * i + 2), epkA, seA)
        for k in range(_NB):
            step(epkB, k)
        pltpu.make_async_copy(eblk(2 * i + 2), epkA, seA).wait()
        pltpu.async_copy(eblk(2 * i + 3), epkB, seB)
        for k in range(_NB):
            step(epkA, k)
        return carry

    nblk = _CHS // _NB
    lax.fori_loop(0, nblk // 2, block, 0)

    for k in range(_NB):
        pltpu.make_async_copy(table_hbm.at[idxg[k]], rows[k], sg[k]).wait()
    pltpu.make_async_copy(eblk(nblk + 1), epkB, seB).wait()
    plsc.subcore_barrier()

    pltpu.sync_copy(acc.at[pl.ds(rbase, _RPT)],
                    out1_hbm.at[cid, pl.ds(rbase, _RPT)])
    pltpu.sync_copy(cacc.at[pl.ds(rbase, _RPT)],
                    out2_hbm.at[cid, pl.ds(rbase, _RPT)])


def _sc_scatter(table2d, epk, zeros, zc):
    mesh = plsc.VectorSubcoreMesh(core_axis_name="c", subcore_axis_name="s")
    kern = pl.kernel(
        _sc_body,
        out_type=(
            jax.ShapeDtypeStruct((_NC, _NPAD, _RW), F32),
            jax.ShapeDtypeStruct((_NC, _NPAD, _CW), F32),
        ),
        mesh=mesh,
        scratch_types=[
            pltpu.VMEM((_NB * _K,), jnp.int32),
            pltpu.VMEM((_NB * _K,), jnp.int32),
            pltpu.VMEM((_K,), jnp.int32),
            pltpu.VMEM((_K,), jnp.int32),
            pltpu.VMEM((_K,), jnp.int32),
            pltpu.VMEM((_K,), jnp.int32),
            pltpu.VMEM((_K,), jnp.int32),
            pltpu.VMEM((_K,), jnp.int32),
            pltpu.VMEM((_K,), jnp.int32),
            pltpu.VMEM((_K,), jnp.int32),
            pltpu.VMEM((_K, _RW), F32),
            pltpu.VMEM((_K, _RW), F32),
            pltpu.VMEM((_K, _RW), F32),
            pltpu.VMEM((_K, _RW), F32),
            pltpu.VMEM((_K, _CW), F32),
            pltpu.VMEM((_K, _CW), F32),
            pltpu.VMEM((_K, _CW), F32),
            pltpu.VMEM((_K, _CW), F32),
            pltpu.VMEM((_K,), jnp.int32),
            pltpu.VMEM((_K,), jnp.int32),
            pltpu.VMEM((_K,), jnp.int32),
            pltpu.VMEM((_K,), jnp.int32),
            pltpu.VMEM_SHARED((_NPAD, _RW), F32),
            pltpu.VMEM_SHARED((_NPAD, _CW), F32),
            pltpu.SemaphoreType.DMA,
            pltpu.SemaphoreType.DMA,
            pltpu.SemaphoreType.DMA,
            pltpu.SemaphoreType.DMA,
            pltpu.SemaphoreType.DMA,
            pltpu.SemaphoreType.DMA,
            pltpu.SemaphoreType.DMA,
            pltpu.SemaphoreType.DMA,
        ],
        compiler_params=pltpu.CompilerParams(
            needs_layout_passes=False, use_tc_tiling_on_sc=False),
    )
    return kern(table2d, epk, zeros, zc)


def _epilogue_body(x_ref, p_ref, c_ref, wd_ref, b_ref, wu_ref, bu_ref, g_ref,
                   be_ref, out_ref):
    xb = x_ref[...]
    p = p_ref[...]
    num = jnp.concatenate([p[0], p[1]], axis=1)
    cnt = jnp.zeros((xb.shape[0], 1), F32)
    for t in range(_T):
        ct = c_ref[0, :, t:t + 1]
        bt = lax.dot_general(xb, wd_ref[t], (((1,), (0,)), ((), ())),
                             preferred_element_type=F32) + b_ref[t]
        num = num + ct * bt
        cnt = cnt + ct
    agg = num / jnp.maximum(cnt, 1.0)
    h = (lax.dot_general(xb, wu_ref[:_D], (((1,), (0,)), ((), ())),
                         preferred_element_type=F32)
         + lax.dot_general(agg, wu_ref[_D:], (((1,), (0,)), ((), ())),
                           preferred_element_type=F32)
         + bu_ref[...])
    mu = jnp.mean(h, axis=1, keepdims=True)
    d = h - mu
    var = jnp.mean(d * d, axis=1, keepdims=True)
    ln = d * lax.rsqrt(var + 1e-5) * g_ref[...] + be_ref[...]
    gelu = 0.5 * ln * (1.0 + lax.erf(ln * (1.0 / math.sqrt(2.0))))
    out_ref[...] = xb + gelu


def _epilogue(x, partials, counts, w_dst, bst, wu, bu, gamma, beta):
    grid = _N // _ROWBLK
    return pl.pallas_call(
        _epilogue_body,
        grid=(grid,),
        in_specs=[
            pl.BlockSpec((_ROWBLK, _D), lambda i: (i, 0)),
            pl.BlockSpec((_NC, _ROWBLK, _RW), lambda i: (0, i, 0)),
            pl.BlockSpec((1, _ROWBLK, _CW), lambda i: (0, i, 0)),
            pl.BlockSpec((_T, _D, _D), lambda i: (0, 0, 0)),
            pl.BlockSpec((_T, 1, _D), lambda i: (0, 0, 0)),
            pl.BlockSpec((2 * _D, _D), lambda i: (0, 0)),
            pl.BlockSpec((1, _D), lambda i: (0, 0)),
            pl.BlockSpec((1, _D), lambda i: (0, 0)),
            pl.BlockSpec((1, _D), lambda i: (0, 0)),
        ],
        out_specs=pl.BlockSpec((_ROWBLK, _D), lambda i: (i, 0)),
        out_shape=jax.ShapeDtypeStruct((_N, _D), F32),
    )(x, partials, counts, w_dst, bst, wu, bu, gamma, beta)


@jax.jit
def kernel(x, edge_index, edge_type, W0, b0, W1, b1, W2, b2, Wu, bu, gamma,
           beta):
    src = edge_index[0].astype(jnp.int32)
    dst = edge_index[1].astype(jnp.int32)
    et = edge_type.astype(jnp.int32)

    w_src = jnp.stack([W0[:_D], W1[:_D], W2[:_D]])
    w_dst = jnp.stack([W0[_D:], W1[_D:], W2[_D:]])
    bst = jnp.stack([b0, b1, b2])[:, None, :]

    pad = _EPAD + 2 * _NB * _K - _E
    epk = src | (et << 14) | (dst << 16)
    epk = jnp.concatenate([epk, jnp.full((pad,), _N << 16, jnp.int32)])
    zeros = jnp.zeros((_RPT, _RW), F32)
    zc = jnp.zeros((_RPT, _CW), F32)

    table = _build_table(x, w_src).reshape(_NC * _T * _N, _RW)
    partials, counts = _sc_scatter(table, epk, zeros, zc)
    return _epilogue(x, partials, counts, w_dst, bst, Wu, bu[None, :],
                     gamma[None, :], beta[None, :])

# --- scband reference (transcript-rebuilt; emitter-appended) ---
"""Pipeline reference for scband-hetero-gnnlayer-3616362463347 (READ-ONLY COPY).

The authoritative reference and input builder live on the scoring server;
editing this copy changes nothing except your own understanding.
"""

import jax, jax.numpy as jnp
import numpy as np

N, E, D = 10000, 320000, 128

def _linear_params(key, fin, fout):
    kw, kb = jax.random.split(key)
    lim = 1.0 / np.sqrt(fin)
    W = jax.random.uniform(kw, (fin, fout), minval=-lim, maxval=lim, dtype=jnp.float32)
    b = jax.random.uniform(kb, (fout,), minval=-lim, maxval=lim, dtype=jnp.float32)
    return W, b

def setup_inputs(seed: int = 0) -> dict:
    key = jax.random.key(seed)
    ks = jax.random.split(key, 8)
    x = jax.random.normal(ks[0], (N, D), dtype=jnp.float32)
    edge_index = jax.random.randint(ks[1], (2, E), 0, N)
    edge_type = jax.random.randint(ks[2], (E,), 0, 3)
    W0, b0 = _linear_params(ks[3], 2 * D, D)
    W1, b1 = _linear_params(ks[4], 2 * D, D)
    W2, b2 = _linear_params(ks[5], 2 * D, D)
    Wu, bu = _linear_params(ks[6], 2 * D, D)
    gamma = jnp.ones((D,), dtype=jnp.float32)
    beta = jnp.zeros((D,), dtype=jnp.float32)
    return {"x": x, "edge_index": edge_index, "edge_type": edge_type,
            "W0": W0, "b0": b0, "W1": W1, "b1": b1, "W2": W2, "b2": b2,
            "Wu": Wu, "bu": bu, "gamma": gamma, "beta": beta}

def reference(x, edge_index, edge_type, W0, b0, W1, b1, W2, b2, Wu, bu, gamma, beta):
    n_nodes = x.shape[0]
    src = edge_index[0]
    dst = edge_index[1]
    msg_input = jnp.concatenate([x[src], x[dst]], axis=-1)  # [E, 2D]
    m0 = msg_input @ W0 + b0
    m1 = msg_input @ W1 + b1
    m2 = msg_input @ W2 + b2
    et = edge_type[:, None]
    messages = jnp.where(et == 0, m0, jnp.where(et == 1, m1, m2))
    agg = jax.ops.segment_sum(messages, dst, num_segments=n_nodes)
    count = jax.ops.segment_sum(jnp.ones((messages.shape[0], 1), dtype=x.dtype), dst, num_segments=n_nodes)
    count = jnp.clip(count, 1.0)
    agg = agg / count
    h = jnp.concatenate([x, agg], axis=-1) @ Wu + bu
    mu = jnp.mean(h, axis=-1, keepdims=True)
    var = jnp.var(h, axis=-1, keepdims=True)
    ln = (h - mu) / jnp.sqrt(var + 1e-5) * gamma + beta
    x_updated = jax.nn.gelu(ln, approximate=False)
    return x + x_updated

if __name__ == "__main__":
    import jax
    _d = setup_inputs()
    print(jax.jit(kernel)(*tuple(_d.values())))

</pallas_src>

<mosaic_0001>
#map = affine_map<(d0, d1) -> (0, 0)>
#map1 = affine_map<(d0, d1) -> (0)>
#map2 = affine_map<(d0, d1) -> (0, 0, 0)>
module attributes {stable_mosaic.version = 14 : i64} {
  func.func @_sc_body(%arg0: i32, %arg1: i32, %arg2: memref<60000x64xf32, #tpu.memory_space<hbm>>, %arg3: memref<328704xi32, #tpu.memory_space<hbm>>, %arg4: memref<640x64xf32, #tpu.memory_space<hbm>>, %arg5: memref<640x16xf32, #tpu.memory_space<hbm>>, %arg6: memref<2x10240x64xf32, #tpu.memory_space<hbm>>, %arg7: memref<2x10240x16xf32, #tpu.memory_space<hbm>>, %arg8: memref<512xi32, #tpu.memory_space<vmem>>, %arg9: memref<512xi32, #tpu.memory_space<vmem>>, %arg10: memref<128xi32, #tpu.memory_space<vmem>>, %arg11: memref<128xi32, #tpu.memory_space<vmem>>, %arg12: memref<128xi32, #tpu.memory_space<vmem>>, %arg13: memref<128xi32, #tpu.memory_space<vmem>>, %arg14: memref<128xi32, #tpu.memory_space<vmem>>, %arg15: memref<128xi32, #tpu.memory_space<vmem>>, %arg16: memref<128xi32, #tpu.memory_space<vmem>>, %arg17: memref<128xi32, #tpu.memory_space<vmem>>, %arg18: memref<128x64xf32, #tpu.memory_space<vmem>>, %arg19: memref<128x64xf32, #tpu.memory_space<vmem>>, %arg20: memref<128x64xf32, #tpu.memory_space<vmem>>, %arg21: memref<128x64xf32, #tpu.memory_space<vmem>>, %arg22: memref<128x16xf32, #tpu.memory_space<vmem>>, %arg23: memref<128x16xf32, #tpu.memory_space<vmem>>, %arg24: memref<128x16xf32, #tpu.memory_space<vmem>>, %arg25: memref<128x16xf32, #tpu.memory_space<vmem>>, %arg26: memref<128xi32, #tpu.memory_space<vmem>>, %arg27: memref<128xi32, #tpu.memory_space<vmem>>, %arg28: memref<128xi32, #tpu.memory_space<vmem>>, %arg29: memref<128xi32, #tpu.memory_space<vmem>>, %arg30: memref<10240x64xf32, #tpu.memory_space<vmem_shared>>, %arg31: memref<10240x16xf32, #tpu.memory_space<vmem_shared>>, %arg32: memref<!tpu.dma_semaphore, #tpu.memory_space<semaphore_mem>>, %arg33: memref<!tpu.dma_semaphore, #tpu.memory_space<semaphore_mem>>, %arg34: memref<!tpu.dma_semaphore, #tpu.memory_space<semaphore_mem>>, %arg35: memref<!tpu.dma_semaphore, #tpu.memory_space<semaphore_mem>>, %arg36: memref<!tpu.dma_semaphore, #tpu.memory_space<semaphore_mem>>, %arg37: memref<!tpu.dma_semaphore, #tpu.memory_space<semaphore_mem>>, %arg38: memref<!tpu.dma_semaphore, #tpu.memory_space<semaphore_mem>>, %arg39: memref<!tpu.dma_semaphore, #tpu.memory_space<semaphore_mem>>) attributes {dimension_semantics = [#tpu.dimension_semantics<core_parallel>, #tpu.dimension_semantics<subcore_parallel>], iteration_bounds = array<i64: 2, 16>, scalar_prefetch = 0 : i64, scratch_operands = 32 : i64, tpu.core_type = #tpu.core_type<sc_vector_subcore>, window_params = [{transform_indices = #map}, {transform_indices = #map1}, {transform_indices = #map}, {transform_indices = #map}, {transform_indices = #map2}, {transform_indices = #map2}]} {
    %mul3A = arith.constant 640 : i32
    %mul3A_0 = arith.muli %arg1, %mul3A : i32
    %multiple_of3A = tpu.assume_multiple %mul3A_0, 8 : i32
    "tpu.region"() ({
      %run_scoped3A = tpu.sem_alloc : memref<!tpu.dma_semaphore, #tpu.memory_space<semaphore_mem>>
      %dma_start3A_1124 = arith.constant 0 : i32
      %dma_start3A_1125 = tpu.memref_slice %arg30[%multiple_of3A, %dma_start3A_1124] : memref<10240x64xf32, #tpu.memory_space<vmem_shared>> -> memref<640x64xf32, #tpu.memory_space<vmem_shared>>
      tpu.enqueue_dma source(%arg4 : memref<640x64xf32, #tpu.memory_space<hbm>>) target(%dma_start3A_1125 : memref<640x64xf32, #tpu.memory_space<vmem_shared>>) target_semaphore(%run_scoped3A : memref<!tpu.dma_semaphore, #tpu.memory_space<semaphore_mem>>)
      %dma_wait3A_1126 = arith.constant 0 : i32
      %dma_wait3A_1127 = tpu.memref_slice %arg30[%multiple_of3A, %dma_wait3A_1126] : memref<10240x64xf32, #tpu.memory_space<vmem_shared>> -> memref<640x64xf32, #tpu.memory_space<vmem_shared>>
      tpu.wait_dma2 semaphore(%run_scoped3A : memref<!tpu.dma_semaphore, #tpu.memory_space<semaphore_mem>>) src(%arg4 : memref<640x64xf32, #tpu.memory_space<hbm>>) dst(%dma_wait3A_1127 : memref<640x64xf32, #tpu.memory_space<vmem_shared>>)
      tpu.yield
    }) : () -> ()
    "tpu.region"() ({
      %run_scoped3A = tpu.sem_alloc : memref<!tpu.dma_semaphore, #tpu.memory_space<semaphore_mem>>
      %dma_start3A_1124 = arith.constant 0 : i32
      %dma_start3A_1125 = tpu.memref_slice %arg31[%multiple_of3A, %dma_start3A_1124] : memref<10240x16xf32, #tpu.memory_space<vmem_shared>> -> memref<640x16xf32, #tpu.memory_space<vmem_shared>>
      tpu.enqueue_dma source(%arg5 : memref<640x16xf32, #tpu.memory_space<hbm>>) target(%dma_start3A_1125 : memref<640x16xf32, #tpu.memory_space<vmem_shared>>) target_semaphore(%run_scoped3A : memref<!tpu.dma_semaphore, #tpu.memory_space<semaphore_mem>>)
      %dma_wait3A_1126 = arith.constant 0 : i32
      %dma_wait3A_1127 = tpu.memref_slice %arg31[%multiple_of3A, %dma_wait3A_1126] : memref<10240x16xf32, #tpu.memory_space<vmem_shared>> -> memref<640x16xf32, #tpu.memory_space<vmem_shared>>
      tpu.wait_dma2 semaphore(%run_scoped3A : memref<!tpu.dma_semaphore, #tpu.memory_space<semaphore_mem>>) src(%arg5 : memref<640x16xf32, #tpu.memory_space<hbm>>) dst(%dma_wait3A_1127 : memref<640x16xf32, #tpu.memory_space<vmem_shared>>)
      tpu.yield
    }) : () -> ()
    %barrier3A = arith.constant 0 : index
    tpu.barrier barrier_id(%barrier3A)
    %broadcast_in_dim3A = arith.constant 0 : i32
    %broadcast_in_dim3A_1 = vector.broadcast %broadcast_in_dim3A : i32 to vector<16xi32>
    "tpu.region"() ({
      %run_scoped3A = tpu.sem_alloc : memref<!tpu.dma_semaphore, #tpu.memory_space<semaphore_mem>>
      %dma_start3A_1124 = arith.constant 10112 : i32
      %dma_start3A_1125 = arith.constant 0 : i32
      %dma_start3A_1126 = tpu.memref_slice %arg31[%dma_start3A_1124, %dma_start3A_1125] : memref<10240x16xf32, #tpu.memory_space<vmem_shared>> -> memref<128x16xf32, #tpu.memory_space<vmem_shared>>
      %dma_start3A_1127 = arith.constant 10112 : i32
      %dma_start3A_1128 = arith.constant 0 : i32
      %dma_start3A_1129 = tpu.memref_slice %arg31[%dma_start3A_1127, %dma_start3A_1128] : memref<10240x16xf32, #tpu.memory_space<vmem_shared>> -> memref<128x16xf32, #tpu.memory_space<vmem_shared>>
      tpu.enqueue_dma source(%dma_start3A_1129 : memref<128x16xf32, #tpu.memory_space<vmem_shared>>) target(%arg22 : memref<128x16xf32, #tpu.memory_space<vmem>>) target_semaphore(%run_scoped3A : memref<!tpu.dma_semaphore, #tpu.memory_space<semaphore_mem>>)
      %dma_wait3A_1130 = arith.constant 10112 : i32
      %dma_wait3A_1131 = arith.constant 0 : i32
      %dma_wait3A_1132 = tpu.memref_slice %arg31[%dma_wait3A_1130, %dma_wait3A_1131] : memref<10240x16xf32, #tpu.memory_space<vmem_shared>> -> memref<128x16xf32, #tpu.memory_space<vmem_shared>>
      %dma_wait3A_1133 = arith.constant 10112 : i32
      %dma_wait3A_1134 = arith.constant 0 : i32
      %dma_wait3A_1135 = tpu.memref_slice %arg31[%dma_wait3A_1133, %dma_wait3A_1134] : memref<10240x16xf32, #tpu.memory_space<vmem_shared>> -> memref<128x16xf32, #tpu.memory_space<vmem_shared>>
      tpu.wait_dma2 semaphore(%run_scoped3A : memref<!tpu.dma_semaphore, #tpu.memory_space<semaphore_mem>>) src(%dma_wait3A_1135 : memref<128x16xf32, #tpu.memory_space<vmem_shared>>) dst(%arg22 : memref<128x16xf32, #tpu.memory_space<vmem>>)
      tpu.yield
    }) : () -> ()
    %scan3A = arith.constant 0 : i32
    %scan3A_2 = arith.constant 0 : i32
    %scan3A_3 = arith.constant 8 : i32
    %scan3A_4 = arith.addi %scan3A_2, %scan3A_3 : i32
    %scan3A_5 = arith.constant 1 : i32
    scf.for %scan3A_1124 = %scan3A_2 to %scan3A_4 step %scan3A_5  : i32 {
      %mul3A_1125 = arith.constant 16 : i32
      %mul3A_1126 = arith.muli %scan3A_1124, %mul3A_1125 : i32
      %swap3A_1127 = arith.index_cast %mul3A_1126 : i32 to index
      %swap3A_1128 = tpu.vector_load %arg26[%swap3A_1127] {strides = array<i32>} : memref<128xi32, #tpu.memory_space<vmem>>, vector<16xi32>,
      tpu.vector_store %arg26[%swap3A_1127], %broadcast_in_dim3A_1 {strides = array<i32>} : memref<128xi32, #tpu.memory_space<vmem>>, vector<16xi32>,
    }
    %scan3A_6 = arith.constant 8 : i32
    "tpu.region"() ({
      %run_scoped3A = tpu.sem_alloc : memref<!tpu.dma_semaphore, #tpu.memory_space<semaphore_mem>>
      %dma_start3A_1124 = arith.constant 10112 : i32
      %dma_start3A_1125 = arith.constant 0 : i32
      %dma_start3A_1126 = tpu.memref_slice %arg31[%dma_start3A_1124, %dma_start3A_1125] : memref<10240x16xf32, #tpu.memory_space<vmem_shared>> -> memref<128x16xf32, #tpu.memory_space<vmem_shared>>
      %dma_start3A_1127 = arith.constant 10112 : i32
      %dma_start3A_1128 = arith.constant 0 : i32
      %dma_start3A_1129 = tpu.memref_slice %arg31[%dma_start3A_1127, %dma_start3A_1128] : memref<10240x16xf32, #tpu.memory_space<vmem_shared>> -> memref<128x16xf32, #tpu.memory_space<vmem_shared>>
      tpu.enqueue_dma source(%dma_start3A_1129 : memref<128x16xf32, #tpu.memory_space<vmem_shared>>) target(%arg23 : memref<128x16xf32, #tpu.memory_space<vmem>>) target_semaphore(%run_scoped3A : memref<!tpu.dma_semaphore, #tpu.memory_space<semaphore_mem>>)
      %dma_wait3A_1130 = arith.constant 10112 : i32
      %dma_wait3A_1131 = arith.constant 0 : i32
      %dma_wait3A_1132 = tpu.memref_slice %arg31[%dma_wait3A_1130, %dma_wait3A_1131] : memref<10240x16xf32, #tpu.memory_space<vmem_shared>> -> memref<128x16xf32, #tpu.memory_space<vmem_shared>>
      %dma_wait3A_1133 = arith.constant 10112 : i32
      %dma_wait3A_1134 = arith.constant 0 : i32
      %dma_wait3A_1135 = tpu.memref_slice %arg31[%dma_wait3A_1133, %dma_wait3A_1134] : memref<10240x16xf32, #tpu.memory_space<vmem_shared>> -> memref<128x16xf32, #tpu.memory_space<vmem_shared>>
      tpu.wait_dma2 semaphore(%run_scoped3A : memref<!tpu.dma_semaphore, #tpu.memory_space<semaphore_mem>>) src(%dma_wait3A_1135 : memref<128x16xf32, #tpu.memory_space<vmem_shared>>) dst(%arg23 : memref<128x16xf32, #tpu.memory_space<vmem>>)
      tpu.yield
    }) : () -> ()
    %scan3A_7 = arith.constant 0 : i32
    %scan3A_8 = arith.constant 0 : i32
    %scan3A_9 = arith.constant 8 : i32
    %scan3A_10 = arith.addi %scan3A_8, %scan3A_9 : i32
    %scan3A_11 = arith.constant 1 : i32
    scf.for %scan3A_1124 = %scan3A_8 to %scan3A_10 step %scan3A_11  : i32 {
      %mul3A_1125 = arith.constant 16 : i32
      %mul3A_1126 = arith.muli %scan3A_1124, %mul3A_1125 : i32
      %swap3A_1127 = arith.index_cast %mul3A_1126 : i32 to index
      %swap3A_1128 = tpu.vector_load %arg27[%swap3A_1127] {strides = array<i32>} : memref<128xi32, #tpu.memory_space<vmem>>, vector<16xi32>,
      tpu.vector_store %arg27[%swap3A_1127], %broadcast_in_dim3A_1 {strides = array<i32>} : memref<128xi32, #tpu.memory_space<vmem>>, vector<16xi32>,
    }
    %scan3A_12 = arith.constant 8 : i32
    "tpu.region"() ({
      %run_scoped3A = tpu.sem_alloc : memref<!tpu.dma_semaphore, #tpu.memory_space<semaphore_mem>>
      %dma_start3A_1124 = arith.constant 10112 : i32
      %dma_start3A_1125 = arith.constant 0 : i32
      %dma_start3A_1126 = tpu.memref_slice %arg31[%dma_start3A_1124, %dma_start3A_1125] : memref<10240x16xf32, #tpu.memory_space<vmem_shared>> -> memref<128x16xf32, #tpu.memory_space<vmem_shared>>
      %dma_start3A_1127 = arith.constant 10112 : i32
      %dma_start3A_1128 = arith.constant 0 : i32
      %dma_start3A_1129 = tpu.memref_slice %arg31[%dma_start3A_1127, %dma_start3A_1128] : memref<10240x16xf32, #tpu.memory_space<vmem_shared>> -> memref<128x16xf32, #tpu.memory_space<vmem_shared>>
      tpu.enqueue_dma source(%dma_start3A_1129 : memref<128x16xf32, #tpu.memory_space<vmem_shared>>) target(%arg24 : memref<128x16xf32, #tpu.memory_space<vmem>>) target_semaphore(%run_scoped3A : memref<!tpu.dma_semaphore, #tpu.memory_space<semaphore_mem>>)
      %dma_wait3A_1130 = arith.constant 10112 : i32
      %dma_wait3A_1131 = arith.constant 0 : i32
      %dma_wait3A_1132 = tpu.memref_slice %arg31[%dma_wait3A_1130, %dma_wait3A_1131] : memref<10240x16xf32, #tpu.memory_space<vmem_shared>> -> memref<128x16xf32, #tpu.memory_space<vmem_shared>>
      %dma_wait3A_1133 = arith.constant 10112 : i32
      %dma_wait3A_1134 = arith.constant 0 : i32
      %dma_wait3A_1135 = tpu.memref_slice %arg31[%dma_wait3A_1133, %dma_wait3A_1134] : memref<10240x16xf32, #tpu.memory_space<vmem_shared>> -> memref<128x16xf32, #tpu.memory_space<vmem_shared>>
      tpu.wait_dma2 semaphore(%run_scoped3A : memref<!tpu.dma_semaphore, #tpu.memory_space<semaphore_mem>>) src(%dma_wait3A_1135 : memref<128x16xf32, #tpu.memory_space<vmem_shared>>) dst(%arg24 : memref<128x16xf32, #tpu.memory_space<vmem>>)
      tpu.yield
    }) : () -> ()
    %scan3A_13 = arith.constant 0 : i32
    %scan3A_14 = arith.constant 0 : i32
    %scan3A_15 = arith.constant 8 : i32
    %scan3A_16 = arith.addi %scan3A_14, %scan3A_15 : i32
    %scan3A_17 = arith.constant 1 : i32
    scf.for %scan3A_1124 = %scan3A_14 to %scan3A_16 step %scan3A_17  : i32 {
      %mul3A_1125 = arith.constant 16 : i32
      %mul3A_1126 = arith.muli %scan3A_1124, %mul3A_1125 : i32
      %swap3A_1127 = arith.index_cast %mul3A_1126 : i32 to index
      %swap3A_1128 = tpu.vector_load %arg28[%swap3A_1127] {strides = array<i32>} : memref<128xi32, #tpu.memory_space<vmem>>, vector<16xi32>,
      tpu.vector_store %arg28[%swap3A_1127], %broadcast_in_dim3A_1 {strides = array<i32>} : memref<128xi32, #tpu.memory_space<vmem>>, vector<16xi32>,
    }
    %scan3A_18 = arith.constant 8 : i32
    "tpu.region"() ({
      %run_scoped3A = tpu.sem_alloc : memref<!tpu.dma_semaphore, #tpu.memory_space<semaphore_mem>>
      %dma_start3A_1124 = arith.constant 10112 : i32
      %dma_start3A_1125 = arith.constant 0 : i32
      %dma_start3A_1126 = tpu.memref_slice %arg31[%dma_start3A_1124, %dma_start3A_1125] : memref<10240x16xf32, #tpu.memory_space<vmem_shared>> -> memref<128x16xf32, #tpu.memory_space<vmem_shared>>
      %dma_start3A_1127 = arith.constant 10112 : i32
      %dma_start3A_1128 = arith.constant 0 : i32
      %dma_start3A_1129 = tpu.memref_slice %arg31[%dma_start3A_1127, %dma_start3A_1128] : memref<10240x16xf32, #tpu.memory_space<vmem_shared>> -> memref<128x16xf32, #tpu.memory_space<vmem_shared>>
      tpu.enqueue_dma source(%dma_start3A_1129 : memref<128x16xf32, #tpu.memory_space<vmem_shared>>) target(%arg25 : memref<128x16xf32, #tpu.memory_space<vmem>>) target_semaphore(%run_scoped3A : memref<!tpu.dma_semaphore, #tpu.memory_space<semaphore_mem>>)
      %dma_wait3A_1130 = arith.constant 10112 : i32
      %dma_wait3A_1131 = arith.constant 0 : i32
      %dma_wait3A_1132 = tpu.memref_slice %arg31[%dma_wait3A_1130, %dma_wait3A_1131] : memref<10240x16xf32, #tpu.memory_space<vmem_shared>> -> memref<128x16xf32, #tpu.memory_space<vmem_shared>>
      %dma_wait3A_1133 = arith.constant 10112 : i32
      %dma_wait3A_1134 = arith.constant 0 : i32
      %dma_wait3A_1135 = tpu.memref_slice %arg31[%dma_wait3A_1133, %dma_wait3A_1134] : memref<10240x16xf32, #tpu.memory_space<vmem_shared>> -> memref<128x16xf32, #tpu.memory_space<vmem_shared>>
      tpu.wait_dma2 semaphore(%run_scoped3A : memref<!tpu.dma_semaphore, #tpu.memory_space<semaphore_mem>>) src(%dma_wait3A_1135 : memref<128x16xf32, #tpu.memory_space<vmem_shared>>) dst(%arg25 : memref<128x16xf32, #tpu.memory_space<vmem>>)
      tpu.yield
    }) : () -> ()
    %scan3A_19 = arith.constant 0 : i32
    %scan3A_20 = arith.constant 0 : i32
    %scan3A_21 = arith.constant 8 : i32
    %scan3A_22 = arith.addi %scan3A_20, %scan3A_21 : i32
    %scan3A_23 = arith.constant 1 : i32
    scf.for %scan3A_1124 = %scan3A_20 to %scan3A_22 step %scan3A_23  : i32 {
      %mul3A_1125 = arith.constant 16 : i32
      %mul3A_1126 = arith.muli %scan3A_1124, %mul3A_1125 : i32
      %swap3A_1127 = arith.index_cast %mul3A_1126 : i32 to index
      %swap3A_1128 = tpu.vector_load %arg29[%swap3A_1127] {strides = array<i32>} : memref<128xi32, #tpu.memory_space<vmem>>, vector<16xi32>,
      tpu.vector_store %arg29[%swap3A_1127], %broadcast_in_dim3A_1 {strides = array<i32>} : memref<128xi32, #tpu.memory_space<vmem>>, vector<16xi32>,
    }
    %scan3A_24 = arith.constant 8 : i32
    %mul3A_25 = arith.constant 20480 : i32
    %mul3A_26 = arith.muli %arg1, %mul3A_25 : i32
    %iota3A = tpu.iota {dimensions = array<i32: 0>} : vector<16xi32>
    %broadcast_in_dim3A_27 = arith.constant 1.000000e+00 : f32
    %broadcast_in_dim3A_28 = vector.broadcast %broadcast_in_dim3A_27 : f32 to vector<16xf32>
    %broadcast_in_dim3A_29 = arith.constant 0.000000e+00 : f32
    %broadcast_in_dim3A_30 = vector.broadcast %broadcast_in_dim3A_29 : f32 to vector<16xf32>
    %add3A = arith.constant 0 : i32
    %add3A_31 = arith.addi %mul3A_26, %add3A : i32
    %multiple_of3A_32 = tpu.assume_multiple %add3A_31, 8 : i32
    "tpu.region"() ({
      %run_scoped3A = tpu.sem_alloc : memref<!tpu.dma_semaphore, #tpu.memory_space<semaphore_mem>>
      %dma_start3A_1124 = tpu.memref_slice %arg3[%multiple_of3A_32] : memref<328704xi32, #tpu.memory_space<hbm>> -> memref<512xi32, #tpu.memory_space<hbm>>
      %dma_start3A_1125 = tpu.memref_slice %arg3[%multiple_of3A_32] : memref<328704xi32, #tpu.memory_space<hbm>> -> memref<512xi32, #tpu.memory_space<hbm>>
      tpu.enqueue_dma source(%dma_start3A_1125 : memref<512xi32, #tpu.memory_space<hbm>>) target(%arg8 : memref<512xi32, #tpu.memory_space<vmem>>) target_semaphore(%run_scoped3A : memref<!tpu.dma_semaphore, #tpu.memory_space<semaphore_mem>>)
      %dma_wait3A_1126 = tpu.memref_slice %arg3[%multiple_of3A_32] : memref<328704xi32, #tpu.memory_space<hbm>> -> memref<512xi32, #tpu.memory_space<hbm>>
      %dma_wait3A_1127 = tpu.memref_slice %arg3[%multiple_of3A_32] : memref<328704xi32, #tpu.memory_space<hbm>> -> memref<512xi32, #tpu.memory_space<hbm>>
      tpu.wait_dma2 semaphore(%run_scoped3A : memref<!tpu.dma_semaphore, #tpu.memory_space<semaphore_mem>>) src(%dma_wait3A_1127 : memref<512xi32, #tpu.memory_space<hbm>>) dst(%arg8 : memref<512xi32, #tpu.memory_space<vmem>>)
      tpu.yield
    }) : () -> ()
    %get3A = arith.constant 0 : index
    %get3A_33 = tpu.vector_load %arg8[%get3A] {strides = array<i32>} : memref<512xi32, #tpu.memory_space<vmem>>, vector<16xi32>,
    %shift_right_logical3A = arith.constant 14 : i32
    %shift_right_logical3A_34 = vector.broadcast %shift_right_logical3A : i32 to vector<16xi32>
    %shift_right_logical3A_35 = arith.shrui %get3A_33, %shift_right_logical3A_34 : vector<16xi32>
    %and3A = arith.constant 3 : i32
    %and3A_36 = vector.broadcast %and3A : i32 to vector<16xi32>
    %and3A_37 = arith.andi %shift_right_logical3A_35, %and3A_36 : vector<16xi32>
    %and3A_38 = arith.constant 16383 : i32
    %and3A_39 = vector.broadcast %and3A_38 : i32 to vector<16xi32>
    %and3A_40 = arith.andi %get3A_33, %and3A_39 : vector<16xi32>
    %mul3A_41 = arith.constant 3 : i32
    %mul3A_42 = arith.muli %arg0, %mul3A_41 : i32
    %add3A_43 = vector.broadcast %mul3A_42 : i32 to vector<16xi32>
    %add3A_44 = arith.addi %and3A_37, %add3A_43 : vector<16xi32>
    %mul3A_45 = arith.constant 10000 : i32
    %mul3A_46 = vector.broadcast %mul3A_45 : i32 to vector<16xi32>
    %mul3A_47 = arith.muli %add3A_44, %mul3A_46 : vector<16xi32>
    %add3A_48 = arith.addi %and3A_40, %mul3A_47 : vector<16xi32>
    %shift_right_logical3A_49 = arith.constant 16 : i32
    %shift_right_logical3A_50 = vector.broadcast %shift_right_logical3A_49 : i32 to vector<16xi32>
    %shift_right_logical3A_51 = arith.shrui %get3A_33, %shift_right_logical3A_50 : vector<16xi32>
    %swap3A = arith.constant 0 : index
    %swap3A_52 = tpu.vector_load %arg10[%swap3A] {strides = array<i32>} : memref<128xi32, #tpu.memory_space<vmem>>, vector<16xi32>,
    tpu.vector_store %arg10[%swap3A], %add3A_48 {strides = array<i32>} : memref<128xi32, #tpu.memory_space<vmem>>, vector<16xi32>,
    %swap3A_53 = arith.constant 0 : index
    %swap3A_54 = tpu.vector_load %arg14[%swap3A_53] {strides = array<i32>} : memref<128xi32, #tpu.memory_space<vmem>>, vector<16xi32>,
    tpu.vector_store %arg14[%swap3A_53], %shift_right_logical3A_51 {strides = array<i32>} : memref<128xi32, #tpu.memory_space<vmem>>, vector<16xi32>,
    %add3A_55 = arith.constant 0 : i32
    %add3A_56 = vector.broadcast %add3A_55 : i32 to vector<16xi32>
    %add3A_57 = arith.addi %add3A_56, %iota3A : vector<16xi32>
    %get3A_58 = arith.constant 0 : index
    %get3A_59 = tpu.vector_load %arg26[%get3A_58] {strides = array<i32>} : memref<128xi32, #tpu.memory_space<vmem>>, vector<16xi32>,
    tpu.vector_store_idx %arg22[%add3A_57, %get3A_59], %broadcast_in_dim3A_30 : memref<128x16xf32, #tpu.memory_space<vmem>>[vector<16xi32>, vector<16xi32>], vector<16xf32>,
    tpu.vector_store_idx %arg22[%add3A_57, %and3A_37], %broadcast_in_dim3A_28 : memref<128x16xf32, #tpu.memory_space<vmem>>[vector<16xi32>, vector<16xi32>], vector<16xf32>,
    %swap3A_60 = arith.constant 0 : index
    %swap3A_61 = tpu.vector_load %arg26[%swap3A_60] {strides = array<i32>} : memref<128xi32, #tpu.memory_space<vmem>>, vector<16xi32>,
    tpu.vector_store %arg26[%swap3A_60], %and3A_37 {strides = array<i32>} : memref<128xi32, #tpu.memory_space<vmem>>, vector<16xi32>,
    %get3A_62 = arith.constant 16 : index
    %get3A_63 = tpu.vector_load %arg8[%get3A_62] {strides = array<i32>} : memref<512xi32, #tpu.memory_space<vmem>>, vector<16xi32>,
    %shift_right_logical3A_64 = arith.constant 14 : i32
    %shift_right_logical3A_65 = vector.broadcast %shift_right_logical3A_64 : i32 to vector<16xi32>
    %shift_right_logical3A_66 = arith.shrui %get3A_63, %shift_right_logical3A_65 : vector<16xi32>
    %and3A_67 = arith.constant 3 : i32
    %and3A_68 = vector.broadcast %and3A_67 : i32 to vector<16xi32>
    %and3A_69 = arith.andi %shift_right_logical3A_66, %and3A_68 : vector<16xi32>
    %and3A_70 = arith.constant 16383 : i32
    %and3A_71 = vector.broadcast %and3A_70 : i32 to vector<16xi32>
    %and3A_72 = arith.andi %get3A_63, %and3A_71 : vector<16xi32>
    %mul3A_73 = arith.constant 3 : i32
    %mul3A_74 = arith.muli %arg0, %mul3A_73 : i32
    %add3A_75 = vector.broadcast %mul3A_74 : i32 to vector<16xi32>
    %add3A_76 = arith.addi %and3A_69, %add3A_75 : vector<16xi32>
    %mul3A_77 = arith.constant 10000 : i32
    %mul3A_78 = vector.broadcast %mul3A_77 : i32 to vector<16xi32>
    %mul3A_79 = arith.muli %add3A_76, %mul3A_78 : vector<16xi32>
    %add3A_80 = arith.addi %and3A_72, %mul3A_79 : vector<16xi32>
    %shift_right_logical3A_81 = arith.constant 16 : i32
    %shift_right_logical3A_82 = vector.broadcast %shift_right_logical3A_81 : i32 to vector<16xi32>
    %shift_right_logical3A_83 = arith.shrui %get3A_63, %shift_right_logical3A_82 : vector<16xi32>
    %swap3A_84 = arith.constant 16 : index
    %swap3A_85 = tpu.vector_load %arg10[%swap3A_84] {strides = array<i32>} : memref<128xi32, #tpu.memory_space<vmem>>, vector<16xi32>,
    tpu.vector_store %arg10[%swap3A_84], %add3A_80 {strides = array<i32>} : memref<128xi32, #tpu.memory_space<vmem>>, vector<16xi32>,
    %swap3A_86 = arith.constant 16 : index
    %swap3A_87 = tpu.vector_load %arg14[%swap3A_86] {strides = array<i32>} : memref<128xi32, #tpu.memory_space<vmem>>, vector<16xi32>,
    tpu.vector_store %arg14[%swap3A_86], %shift_right_logical3A_83 {strides = array<i32>} : memref<128xi32, #tpu.memory_space<vmem>>, vector<16xi32>,
    %add3A_88 = arith.constant 16 : i32
    %add3A_89 = vector.broadcast %add3A_88 : i32 to vector<16xi32>
    %add3A_90 = arith.addi %add3A_89, %iota3A : vector<16xi32>
    %get3A_91 = arith.constant 16 : index
    %get3A_92 = tpu.vector_load %arg26[%get3A_91] {strides = array<i32>} : memref<128xi32, #tpu.memory_space<vmem>>, vector<16xi32>,
    tpu.vector_store_idx %arg22[%add3A_90, %get3A_92], %broadcast_in_dim3A_30 : memref<128x16xf32, #tpu.memory_space<vmem>>[vector<16xi32>, vector<16xi32>], vector<16xf32>,
    tpu.vector_store_idx %arg22[%add3A_90, %and3A_69], %broadcast_in_dim3A_28 : memref<128x16xf32, #tpu.memory_space<vmem>>[vector<16xi32>, vector<16xi32>], vector<16xf32>,
    %swap3A_93 = arith.constant 16 : index
    %swap3A_94 = tpu.vector_load %arg26[%swap3A_93] {strides = array<i32>} : memref<128xi32, #tpu.memory_space<vmem>>, vector<16xi32>,
    tpu.vector_store %arg26[%swap3A_93], %and3A_69 {strides = array<i32>} : memref<128xi32, #tpu.memory_space<vmem>>, vector<16xi32>,
    %get3A_95 = arith.constant 32 : index
    %get3A_96 = tpu.vector_load %arg8[%get3A_95] {strides = array<i32>} : memref<512xi32, #tpu.memory_space<vmem>>, vector<16xi32>,
    %shift_right_logical3A_97 = arith.constant 14 : i32
    %shift_right_logical3A_98 = vector.broadcast %shift_right_logical3A_97 : i32 to vector<16xi32>
    %shift_right_logical3A_99 = arith.shrui %get3A_96, %shift_right_logical3A_98 : vector<16xi32>
    %and3A_100 = arith.constant 3 : i32
    %and3A_101 = vector.broadcast %and3A_100 : i32 to vector<16xi32>
    %and3A_102 = arith.andi %shift_right_logical3A_99, %and3A_101 : vector<16xi32>
    %and3A_103 = arith.constant 16383 : i32
    %and3A_104 = vector.broadcast %and3A_103 : i32 to vector<16xi32>
    %and3A_105 = arith.andi %get3A_96, %and3A_104 : vector<16xi32>
    %mul3A_106 = arith.constant 3 : i32
    %mul3A_107 = arith.muli %arg0, %mul3A_106 : i32
    %add3A_108 = vector.broadcast %mul3A_107 : i32 to vector<16xi32>
    %add3A_109 = arith.addi %and3A_102, %add3A_108 : vector<16xi32>
    %mul3A_110 = arith.constant 10000 : i32
    %mul3A_111 = vector.broadcast %mul3A_110 : i32 to vector<16xi32>
    %mul3A_112 = arith.muli %add3A_109, %mul3A_111 : vector<16xi32>
    %add3A_113 = arith.addi %and3A_105, %mul3A_112 : vector<16xi32>
    %shift_right_logical3A_114 = arith.constant 16 : i32
    %shift_right_logical3A_115 = vector.broadcast %shift_right_logical3A_114 : i32 to vector<16xi32>
    %shift_right_logical3A_116 = arith.shrui %get3A_96, %shift_right_logical3A_115 : vector<16xi32>
    %swap3A_117 = arith.constant 32 : index
    %swap3A_118 = tpu.vector_load %arg10[%swap3A_117] {strides = array<i32>} : memref<128xi32, #tpu.memory_space<vmem>>, vector<16xi32>,
    tpu.vector_store %arg10[%swap3A_117], %add3A_113 {strides = array<i32>} : memref<128xi32, #tpu.memory_space<vmem>>, vector<16xi32>,
    %swap3A_119 = arith.constant 32 : index
    %swap3A_120 = tpu.vector_load %arg14[%swap3A_119] {strides = array<i32>} : memref<128xi32, #tpu.memory_space<vmem>>, vector<16xi32>,
    tpu.vector_store %arg14[%swap3A_119], %shift_right_logical3A_116 {strides = array<i32>} : memref<128xi32, #tpu.memory_space<vmem>>, vector<16xi32>,
    %add3A_121 = arith.constant 32 : i32
    %add3A_122 = vector.broadcast %add3A_121 : i32 to vector<16xi32>
    %add3A_123 = arith.addi %add3A_122, %iota3A : vector<16xi32>
    %get3A_124 = arith.constant 32 : index
    %get3A_125 = tpu.vector_load %arg26[%get3A_124] {strides = array<i32>} : memref<128xi32, #tpu.memory_space<vmem>>, vector<16xi32>,
    tpu.vector_store_idx %arg22[%add3A_123, %get3A_125], %broadcast_in_dim3A_30 : memref<128x16xf32, #tpu.memory_space<vmem>>[vector<16xi32>, vector<16xi32>], vector<16xf32>,
    tpu.vector_store_idx %arg22[%add3A_123, %and3A_102], %broadcast_in_dim3A_28 : memref<128x16xf32, #tpu.memory_space<vmem>>[vector<16xi32>, vector<16xi32>], vector<16xf32>,
    %swap3A_126 = arith.constant 32 : index
    %swap3A_127 = tpu.vector_load %arg26[%swap3A_126] {strides = array<i32>} : memref<128xi32, #tpu.memory_space<vmem>>, vector<16xi32>,
    tpu.vector_store %arg26[%swap3A_126], %and3A_102 {strides = array<i32>} : memref<128xi32, #tpu.memory_space<vmem>>, vector<16xi32>,
    %get3A_128 = arith.constant 48 : index
    %get3A_129 = tpu.vector_load %arg8[%get3A_128] {strides = array<i32>} : memref<512xi32, #tpu.memory_space<vmem>>, vector<16xi32>,
    %shift_right_logical3A_130 = arith.constant 14 : i32
    %shift_right_logical3A_131 = vector.broadcast %shift_right_logical3A_130 : i32 to vector<16xi32>
    %shift_right_logical3A_132 = arith.shrui %get3A_129, %shift_right_logical3A_131 : vector<16xi32>
    %and3A_133 = arith.constant 3 : i32
    %and3A_134 = vector.broadcast %and3A_133 : i32 to vector<16xi32>
    %and3A_135 = arith.andi %shift_right_logical3A_132, %and3A_134 : vector<16xi32>
    %and3A_136 = arith.constant 16383 : i32
    %and3A_137 = vector.broadcast %and3A_136 : i32 to vector<16xi32>
    %and3A_138 = arith.andi %get3A_129, %and3A_137 : vector<16xi32>
    %mul3A_139 = arith.constant 3 : i32
    %mul3A_140 = arith.muli %arg0, %mul3A_139 : i32
    %add3A_141 = vector.broadcast %mul3A_140 : i32 to vector<16xi32>
    %add3A_142 = arith.addi %and3A_135, %add3A_141 : vector<16xi32>
    %mul3A_143 = arith.constant 10000 : i32
    %mul3A_144 = vector.broadcast %mul3A_143 : i32 to vector<16xi32>
    %mul3A_145 = arith.muli %add3A_142, %mul3A_144 : vector<16xi32>
    %add3A_146 = arith.addi %and3A_138, %mul3A_145 : vector<16xi32>
    %shift_right_logical3A_147 = arith.constant 16 : i32
    %shift_right_logical3A_148 = vector.broadcast %shift_right_logical3A_147 : i32 to vector<16xi32>
    %shift_right_logical3A_149 = arith.shrui %get3A_129, %shift_right_logical3A_148 : vector<16xi32>
    %swap3A_150 = arith.constant 48 : index
    %swap3A_151 = tpu.vector_load %arg10[%swap3A_150] {strides = array<i32>} : memref<128xi32, #tpu.memory_space<vmem>>, vector<16xi32>,
    tpu.vector_store %arg10[%swap3A_150], %add3A_146 {strides = array<i32>} : memref<128xi32, #tpu.memory_space<vmem>>, vector<16xi32>,
    %swap3A_152 = arith.constant 48 : index
    %swap3A_153 = tpu.vector_load %arg14[%swap3A_152] {strides = array<i32>} : memref<128xi32, #tpu.memory_space<vmem>>, vector<16xi32>,
    tpu.vector_store %arg14[%swap3A_152], %shift_right_logical3A_149 {strides = array<i32>} : memref<128xi32, #tpu.memory_space<vmem>>, vector<16xi32>,
    %add3A_154 = arith.constant 48 : i32
    %add3A_155 = vector.broadcast %add3A_154 : i32 to vector<16xi32>
    %add3A_156 = arith.addi %add3A_155, %iota3A : vector<16xi32>
    %get3A_157 = arith.constant 48 : index
    %get3A_158 = tpu.vector_load %arg26[%get3A_157] {strides = array<i32>} : memref<128xi32, #tpu.memory_space<vmem>>, vector<16xi32>,
    tpu.vector_store_idx %arg22[%add3A_156, %get3A_158], %broadcast_in_dim3A_30 : memref<128x16xf32, #tpu.memory_space<vmem>>[vector<16xi32>, vector<16xi32>], vector<16xf32>,
    tpu.vector_store_idx %arg22[%add3A_156, %and3A_135], %broadcast_in_dim3A_28 : memref<128x16xf32, #tpu.memory_space<vmem>>[vector<16xi32>, vector<16xi32>], vector<16xf32>,
    %swap3A_159 = arith.constant 48 : index
    %swap3A_160 = tpu.vector_load %arg26[%swap3A_159] {strides = array<i32>} : memref<128xi32, #tpu.memory_space<vmem>>, vector<16xi32>,
    tpu.vector_store %arg26[%swap3A_159], %and3A_135 {strides = array<i32>} : memref<128xi32, #tpu.memory_space<vmem>>, vector<16xi32>,
    %get3A_161 = arith.constant 64 : index
    %get3A_162 = tpu.vector_load %arg8[%get3A_161] {strides = array<i32>} : memref<512xi32, #tpu.memory_space<vmem>>, vector<16xi32>,
    %shift_right_logical3A_163 = arith.constant 14 : i32
    %shift_right_logical3A_164 = vector.broadcast %shift_right_logical3A_163 : i32 to vector<16xi32>
    %shift_right_logical3A_165 = arith.shrui %get3A_162, %shift_right_logical3A_164 : vector<16xi32>
    %and3A_166 = arith.constant 3 : i32
    %and3A_167 = vector.broadcast %and3A_166 : i32 to vector<16xi32>
    %and3A_168 = arith.andi %shift_right_logical3A_165, %and3A_167 : vector<16xi32>
    %and3A_169 = arith.constant 16383 : i32
    %and3A_170 = vector.broadcast %and3A_169 : i32 to vector<16xi32>
    %and3A_171 = arith.andi %get3A_162, %and3A_170 : vector<16xi32>
    %mul3A_172 = arith.constant 3 : i32
    %mul3A_173 = arith.muli %arg0, %mul3A_172 : i32
    %add3A_174 = vector.broadcast %mul3A_173 : i32 to vector<16xi32>
    %add3A_175 = arith.addi %and3A_168, %add3A_174 : vector<16xi32>
    %mul3A_176 = arith.constant 10000 : i32
    %mul3A_177 = vector.broadcast %mul3A_176 : i32 to vector<16xi32>
    %mul3A_178 = arith.muli %add3A_175, %mul3A_177 : vector<16xi32>
    %add3A_179 = arith.addi %and3A_171, %mul3A_178 : vector<16xi32>
    %shift_right_logical3A_180 = arith.constant 16 : i32
    %shift_right_logical3A_181 = vector.broadcast %shift_right_logical3A_180 : i32 to vector<16xi32>
    %shift_right_logical3A_182 = arith.shrui %get3A_162, %shift_right_logical3A_181 : vector<16xi32>
    %swap3A_183 = arith.constant 64 : index
    %swap3A_184 = tpu.vector_load %arg10[%swap3A_183] {strides = array<i32>} : memref<128xi32, #tpu.memory_space<vmem>>, vector<16xi32>,
    tpu.vector_store %arg10[%swap3A_183], %add3A_179 {strides = array<i32>} : memref<128xi32, #tpu.memory_space<vmem>>, vector<16xi32>,
    %swap3A_185 = arith.constant 64 : index
    %swap3A_186 = tpu.vector_load %arg14[%swap3A_185] {strides = array<i32>} : memref<128xi32, #tpu.memory_space<vmem>>, vector<16xi32>,
    tpu.vector_store %arg14[%swap3A_185], %shift_right_logical3A_182 {strides = array<i32>} : memref<128xi32, #tpu.memory_space<vmem>>, vector<16xi32>,
    %add3A_187 = arith.constant 64 : i32
    %add3A_188 = vector.broadcast %add3A_187 : i32 to vector<16xi32>
    %add3A_189 = arith.addi %add3A_188, %iota3A : vector<16xi32>
    %get3A_190 = arith.constant 64 : index
    %get3A_191 = tpu.vector_load %arg26[%get3A_190] {strides = array<i32>} : memref<128xi32, #tpu.memory_space<vmem>>, vector<16xi32>,
    tpu.vector_store_idx %arg22[%add3A_189, %get3A_191], %broadcast_in_dim3A_30 : memref<128x16xf32, #tpu.memory_space<vmem>>[vector<16xi32>, vector<16xi32>], vector<16xf32>,
    tpu.vector_store_idx %arg22[%add3A_189, %and3A_168], %broadcast_in_dim3A_28 : memref<128x16xf32, #tpu.memory_space<vmem>>[vector<16xi32>, vector<16xi32>], vector<16xf32>,
    %swap3A_192 = arith.constant 64 : index
    %swap3A_193 = tpu.vector_load %arg26[%swap3A_192] {strides = array<i32>} : memref<128xi32, #tpu.memory_space<vmem>>, vector<16xi32>,
    tpu.vector_store %arg26[%swap3A_192], %and3A_168 {strides = array<i32>} : memref<128xi32, #tpu.memory_space<vmem>>, vector<16xi32>,
    %get3A_194 = arith.constant 80 : index
    %get3A_195 = tpu.vector_load %arg8[%get3A_194] {strides = array<i32>} : memref<512xi32, #tpu.memory_space<vmem>>, vector<16xi32>,
    %shift_right_logical3A_196 = arith.constant 14 : i32
    %shift_right_logical3A_197 = vector.broadcast %shift_right_logical3A_196 : i32 to vector<16xi32>
    %shift_right_logical3A_198 = arith.shrui %get3A_195, %shift_right_logical3A_197 : vector<16xi32>
    %and3A_199 = arith.constant 3 : i32
    %and3A_200 = vector.broadcast %and3A_199 : i32 to vector<16xi32>
    %and3A_201 = arith.andi %shift_right_logical3A_198, %and3A_200 : vector<16xi32>
    %and3A_202 = arith.constant 16383 : i32
    %and3A_203 = vector.broadcast %and3A_202 : i32 to vector<16xi32>
    %and3A_204 = arith.andi %get3A_195, %and3A_203 : vector<16xi32>
    %mul3A_205 = arith.constant 3 : i32
    %mul3A_206 = arith.muli %arg0, %mul3A_205 : i32
    %add3A_207 = vector.broadcast %mul3A_206 : i32 to vector<16xi32>
    %add3A_208 = arith.addi %and3A_201, %add3A_207 : vector<16xi32>
    %mul3A_209 = arith.constant 10000 : i32
    %mul3A_210 = vector.broadcast %mul3A_209 : i32 to vector<16xi32>
    %mul3A_211 = arith.muli %add3A_208, %mul3A_210 : vector<16xi32>
    %add3A_212 = arith.addi %and3A_204, %mul3A_211 : vector<16xi32>
    %shift_right_logical3A_213 = arith.constant 16 : i32
    %shift_right_logical3A_214 = vector.broadcast %shift_right_logical3A_213 : i32 to vector<16xi32>
    %shift_right_logical3A_215 = arith.shrui %get3A_195, %shift_right_logical3A_214 : vector<16xi32>
    %swap3A_216 = arith.constant 80 : index
    %swap3A_217 = tpu.vector_load %arg10[%swap3A_216] {strides = array<i32>} : memref<128xi32, #tpu.memory_space<vmem>>, vector<16xi32>,
    tpu.vector_store %arg10[%swap3A_216], %add3A_212 {strides = array<i32>} : memref<128xi32, #tpu.memory_space<vmem>>, vector<16xi32>,
    %swap3A_218 = arith.constant 80 : index
    %swap3A_219 = tpu.vector_load %arg14[%swap3A_218] {strides = array<i32>} : memref<128xi32, #tpu.memory_space<vmem>>, vector<16xi32>,
    tpu.vector_store %arg14[%swap3A_218], %shift_right_logical3A_215 {strides = array<i32>} : memref<128xi32, #tpu.memory_space<vmem>>, vector<16xi32>,
    %add3A_220 = arith.constant 80 : i32
    %add3A_221 = vector.broadcast %add3A_220 : i32 to vector<16xi32>
    %add3A_222 = arith.addi %add3A_221, %iota3A : vector<16xi32>
    %get3A_223 = arith.constant 80 : index
    %get3A_224 = tpu.vector_load %arg26[%get3A_223] {strides = array<i32>} : memref<128xi32, #tpu.memory_space<vmem>>, vector<16xi32>,
    tpu.vector_store_idx %arg22[%add3A_222, %get3A_224], %broadcast_in_dim3A_30 : memref<128x16xf32, #tpu.memory_space<vmem>>[vector<16xi32>, vector<16xi32>], vector<16xf32>,
    tpu.vector_store_idx %arg22[%add3A_222, %and3A_201], %broadcast_in_dim3A_28 : memref<128x16xf32, #tpu.memory_space<vmem>>[vector<16xi32>, vector<16xi32>], vector<16xf32>,
    %swap3A_225 = arith.constant 80 : index
    %swap3A_226 = tpu.vector_load %arg26[%swap3A_225] {strides = array<i32>} : memref<128xi32, #tpu.memory_space<vmem>>, vector<16xi32>,
    tpu.vector_store %arg26[%swap3A_225], %and3A_201 {strides = array<i32>} : memref<128xi32, #tpu.memory_space<vmem>>, vector<16xi32>,
    %get3A_227 = arith.constant 96 : index
    %get3A_228 = tpu.vector_load %arg8[%get3A_227] {strides = array<i32>} : memref<512xi32, #tpu.memory_space<vmem>>, vector<16xi32>,
    %shift_right_logical3A_229 = arith.constant 14 : i32
    %shift_right_logical3A_230 = vector.broadcast %shift_right_logical3A_229 : i32 to vector<16xi32>
    %shift_right_logical3A_231 = arith.shrui %get3A_228, %shift_right_logical3A_230 : vector<16xi32>
    %and3A_232 = arith.constant 3 : i32
    %and3A_233 = vector.broadcast %and3A_232 : i32 to vector<16xi32>
    %and3A_234 = arith.andi %shift_right_logical3A_231, %and3A_233 : vector<16xi32>
    %and3A_235 = arith.constant 16383 : i32
    %and3A_236 = vector.broadcast %and3A_235 : i32 to vector<16xi32>
    %and3A_237 = arith.andi %get3A_228, %and3A_236 : vector<16xi32>
    %mul3A_238 = arith.constant 3 : i32
    %mul3A_239 = arith.muli %arg0, %mul3A_238 : i32
    %add3A_240 = vector.broadcast %mul3A_239 : i32 to vector<16xi32>
    %add3A_241 = arith.addi %and3A_234, %add3A_240 : vector<16xi32>
    %mul3A_242 = arith.constant 10000 : i32
    %mul3A_243 = vector.broadcast %mul3A_242 : i32 to vector<16xi32>
    %mul3A_244 = arith.muli %add3A_241, %mul3A_243 : vector<16xi32>
    %add3A_245 = arith.addi %and3A_237, %mul3A_244 : vector<16xi32>
    %shift_right_logical3A_246 = arith.constant 16 : i32
    %shift_right_logical3A_247 = vector.broadcast %shift_right_logical3A_246 : i32 to vector<16xi32>
    %shift_right_logical3A_248 = arith.shrui %get3A_228, %shift_right_logical3A_247 : vector<16xi32>
    %swap3A_249 = arith.constant 96 : index
    %swap3A_250 = tpu.vector_load %arg10[%swap3A_249] {strides = array<i32>} : memref<128xi32, #tpu.memory_space<vmem>>, vector<16xi32>,
    tpu.vector_store %arg10[%swap3A_249], %add3A_245 {strides = array<i32>} : memref<128xi32, #tpu.memory_space<vmem>>, vector<16xi32>,
    %swap3A_251 = arith.constant 96 : index
    %swap3A_252 = tpu.vector_load %arg14[%swap3A_251] {strides = array<i32>} : memref<128xi32, #tpu.memory_space<vmem>>, vector<16xi32>,
    tpu.vector_store %arg14[%swap3A_251], %shift_right_logical3A_248 {strides = array<i32>} : memref<128xi32, #tpu.memory_space<vmem>>, vector<16xi32>,
    %add3A_253 = arith.constant 96 : i32
    %add3A_254 = vector.broadcast %add3A_253 : i32 to vector<16xi32>
    %add3A_255 = arith.addi %add3A_254, %iota3A : vector<16xi32>
    %get3A_256 = arith.constant 96 : index
    %get3A_257 = tpu.vector_load %arg26[%get3A_256] {strides = array<i32>} : memref<128xi32, #tpu.memory_space<vmem>>, vector<16xi32>,
    tpu.vector_store_idx %arg22[%add3A_255, %get3A_257], %broadcast_in_dim3A_30 : memref<128x16xf32, #tpu.memory_space<vmem>>[vector<16xi32>, vector<16xi32>], vector<16xf32>,
    tpu.vector_store_idx %arg22[%add3A_255, %and3A_234], %broadcast_in_dim3A_28 : memref<128x16xf32, #tpu.memory_space<vmem>>[vector<16xi32>, vector<16xi32>], vector<16xf32>,
    %swap3A_258 = arith.constant 96 : index
    %swap3A_259 = tpu.vector_load %arg26[%swap3A_258] {strides = array<i32>} : memref<128xi32, #tpu.memory_space<vmem>>, vector<16xi32>,
    tpu.vector_store %arg26[%swap3A_258], %and3A_234 {strides = array<i32>} : memref<128xi32, #tpu.memory_space<vmem>>, vector<16xi32>,
    %get3A_260 = arith.constant 112 : index
    %get3A_261 = tpu.vector_load %arg8[%get3A_260] {strides = array<i32>} : memref<512xi32, #tpu.memory_space<vmem>>, vector<16xi32>,
    %shift_right_logical3A_262 = arith.constant 14 : i32
    %shift_right_logical3A_263 = vector.broadcast %shift_right_logical3A_262 : i32 to vector<16xi32>
    %shift_right_logical3A_264 = arith.shrui %get3A_261, %shift_right_logical3A_263 : vector<16xi32>
    %and3A_265 = arith.constant 3 : i32
    %and3A_266 = vector.broadcast %and3A_265 : i32 to vector<16xi32>
    %and3A_267 = arith.andi %shift_right_logical3A_264, %and3A_266 : vector<16xi32>
    %and3A_268 = arith.constant 16383 : i32
    %and3A_269 = vector.broadcast %and3A_268 : i32 to vector<16xi32>
    %and3A_270 = arith.andi %get3A_261, %and3A_269 : vector<16xi32>
    %mul3A_271 = arith.constant 3 : i32
    %mul3A_272 = arith.muli %arg0, %mul3A_271 : i32
    %add3A_273 = vector.broadcast %mul3A_272 : i32 to vector<16xi32>
    %add3A_274 = arith.addi %and3A_267, %add3A_273 : vector<16xi32>
    %mul3A_275 = arith.constant 10000 : i32
    %mul3A_276 = vector.broadcast %mul3A_275 : i32 to vector<16xi32>
    %mul3A_277 = arith.muli %add3A_274, %mul3A_276 : vector<16xi32>
    %add3A_278 = arith.addi %and3A_270, %mul3A_277 : vector<16xi32>
    %shift_right_logical3A_279 = arith.constant 16 : i32
    %shift_right_logical3A_280 = vector.broadcast %shift_right_logical3A_279 : i32 to vector<16xi32>
    %shift_right_logical3A_281 = arith.shrui %get3A_261, %shift_right_logical3A_280 : vector<16xi32>
    %swap3A_282 = arith.constant 112 : index
    %swap3A_283 = tpu.vector_load %arg10[%swap3A_282] {strides = array<i32>} : memref<128xi32, #tpu.memory_space<vmem>>, vector<16xi32>,
    tpu.vector_store %arg10[%swap3A_282], %add3A_278 {strides = array<i32>} : memref<128xi32, #tpu.memory_space<vmem>>, vector<16xi32>,
    %swap3A_284 = arith.constant 112 : index
    %swap3A_285 = tpu.vector_load %arg14[%swap3A_284] {strides = array<i32>} : memref<128xi32, #tpu.memory_space<vmem>>, vector<16xi32>,
    tpu.vector_store %arg14[%swap3A_284], %shift_right_logical3A_281 {strides = array<i32>} : memref<128xi32, #tpu.memory_space<vmem>>, vector<16xi32>,
    %add3A_286 = arith.constant 112 : i32
    %add3A_287 = vector.broadcast %add3A_286 : i32 to vector<16xi32>
    %add3A_288 = arith.addi %add3A_287, %iota3A : vector<16xi32>
    %get3A_289 = arith.constant 112 : index
    %get3A_290 = tpu.vector_load %arg26[%get3A_289] {strides = array<i32>} : memref<128xi32, #tpu.memory_space<vmem>>, vector<16xi32>,
    tpu.vector_store_idx %arg22[%add3A_288, %get3A_290], %broadcast_in_dim3A_30 : memref<128x16xf32, #tpu.memory_space<vmem>>[vector<16xi32>, vector<16xi32>], vector<16xf32>,
    tpu.vector_store_idx %arg22[%add3A_288, %and3A_267], %broadcast_in_dim3A_28 : memref<128x16xf32, #tpu.memory_space<vmem>>[vector<16xi32>, vector<16xi32>], vector<16xf32>,
    %swap3A_291 = arith.constant 112 : index
    %swap3A_292 = tpu.vector_load %arg26[%swap3A_291] {strides = array<i32>} : memref<128xi32, #tpu.memory_space<vmem>>, vector<16xi32>,
    tpu.vector_store %arg26[%swap3A_291], %and3A_267 {strides = array<i32>} : memref<128xi32, #tpu.memory_space<vmem>>, vector<16xi32>,
    %dma_start3A = arith.constant 0 : i32
    %dma_start3A_293 = arith.constant 0 : i32
    %dma_start3A_294 = tpu.memref_slice %arg2[%dma_start3A, %dma_start3A_293] : memref<60000x64xf32, #tpu.memory_space<hbm>> -> memref<60000x64xf32, #tpu.memory_space<hbm>>
    tpu.enqueue_indirect_dma source(%dma_start3A_294 : memref<60000x64xf32, #tpu.memory_space<hbm>>) target(%arg18 : memref<128x64xf32, #tpu.memory_space<vmem>>) offsets(%arg10 : memref<128xi32, #tpu.memory_space<vmem>>) semaphore(%arg34 : memref<!tpu.dma_semaphore, #tpu.memory_space<semaphore_mem>>)
    %get3A_295 = arith.constant 128 : index
    %get3A_296 = tpu.vector_load %arg8[%get3A_295] {strides = array<i32>} : memref<512xi32, #tpu.memory_space<vmem>>, vector<16xi32>,
    %shift_right_logical3A_297 = arith.constant 14 : i32
    %shift_right_logical3A_298 = vector.broadcast %shift_right_logical3A_297 : i32 to vector<16xi32>
    %shift_right_logical3A_299 = arith.shrui %get3A_296, %shift_right_logical3A_298 : vector<16xi32>
    %and3A_300 = arith.constant 3 : i32
    %and3A_301 = vector.broadcast %and3A_300 : i32 to vector<16xi32>
    %and3A_302 = arith.andi %shift_right_logical3A_299, %and3A_301 : vector<16xi32>
    %and3A_303 = arith.constant 16383 : i32
    %and3A_304 = vector.broadcast %and3A_303 : i32 to vector<16xi32>
    %and3A_305 = arith.andi %get3A_296, %and3A_304 : vector<16xi32>
    %mul3A_306 = arith.constant 3 : i32
    %mul3A_307 = arith.muli %arg0, %mul3A_306 : i32
    %add3A_308 = vector.broadcast %mul3A_307 : i32 to vector<16xi32>
    %add3A_309 = arith.addi %and3A_302, %add3A_308 : vector<16xi32>
    %mul3A_310 = arith.constant 10000 : i32
    %mul3A_311 = vector.broadcast %mul3A_310 : i32 to vector<16xi32>
    %mul3A_312 = arith.muli %add3A_309, %mul3A_311 : vector<16xi32>
    %add3A_313 = arith.addi %and3A_305, %mul3A_312 : vector<16xi32>
    %shift_right_logical3A_314 = arith.constant 16 : i32
    %shift_right_logical3A_315 = vector.broadcast %shift_right_logical3A_314 : i32 to vector<16xi32>
    %shift_right_logical3A_316 = arith.shrui %get3A_296, %shift_right_logical3A_315 : vector<16xi32>
    %swap3A_317 = arith.constant 0 : index
    %swap3A_318 = tpu.vector_load %arg11[%swap3A_317] {strides = array<i32>} : memref<128xi32, #tpu.memory_space<vmem>>, vector<16xi32>,
    tpu.vector_store %arg11[%swap3A_317], %add3A_313 {strides = array<i32>} : memref<128xi32, #tpu.memory_space<vmem>>, vector<16xi32>,
    %swap3A_319 = arith.constant 0 : index
    %swap3A_320 = tpu.vector_load %arg15[%swap3A_319] {strides = array<i32>} : memref<128xi32, #tpu.memory_space<vmem>>, vector<16xi32>,
    tpu.vector_store %arg15[%swap3A_319], %shift_right_logical3A_316 {strides = array<i32>} : memref<128xi32, #tpu.memory_space<vmem>>, vector<16xi32>,
    %add3A_321 = arith.constant 0 : i32
    %add3A_322 = vector.broadcast %add3A_321 : i32 to vector<16xi32>
    %add3A_323 = arith.addi %add3A_322, %iota3A : vector<16xi32>
    %get3A_324 = arith.constant 0 : index
    %get3A_325 = tpu.vector_load %arg27[%get3A_324] {strides = array<i32>} : memref<128xi32, #tpu.memory_space<vmem>>, vector<16xi32>,
    tpu.vector_store_idx %arg23[%add3A_323, %get3A_325], %broadcast_in_dim3A_30 : memref<128x16xf32, #tpu.memory_space<vmem>>[vector<16xi32>, vector<16xi32>], vector<16xf32>,
    tpu.vector_store_idx %arg23[%add3A_323, %and3A_302], %broadcast_in_dim3A_28 : memref<128x16xf32, #tpu.memory_space<vmem>>[vector<16xi32>, vector<16xi32>], vector<16xf32>,
    %swap3A_326 = arith.constant 0 : index
    %swap3A_327 = tpu.vector_load %arg27[%swap3A_326] {strides = array<i32>} : memref<128xi32, #tpu.memory_space<vmem>>, vector<16xi32>,
    tpu.vector_store %arg27[%swap3A_326], %and3A_302 {strides = array<i32>} : memref<128xi32, #tpu.memory_space<vmem>>, vector<16xi32>,
    %get3A_328 = arith.constant 144 : index
    %get3A_329 = tpu.vector_load %arg8[%get3A_328] {strides = array<i32>} : memref<512xi32, #tpu.memory_space<vmem>>, vector<16xi32>,
    %shift_right_logical3A_330 = arith.constant 14 : i32
    %shift_right_logical3A_331 = vector.broadcast %shift_right_logical3A_330 : i32 to vector<16xi32>
    %shift_right_logical3A_332 = arith.shrui %get3A_329, %shift_right_logical3A_331 : vector<16xi32>
    %and3A_333 = arith.constant 3 : i32
    %and3A_334 = vector.broadcast %and3A_333 : i32 to vector<16xi32>
    %and3A_335 = arith.andi %shift_right_logical3A_332, %and3A_334 : vector<16xi32>
    %and3A_336 = arith.constant 16383 : i32
    %and3A_337 = vector.broadcast %and3A_336 : i32 to vector<16xi32>
    %and3A_338 = arith.andi %get3A_329, %and3A_337 : vector<16xi32>
    %mul3A_339 = arith.constant 3 : i32
    %mul3A_340 = arith.muli %arg0, %mul3A_339 : i32
    %add3A_341 = vector.broadcast %mul3A_340 : i32 to vector<16xi32>
    %add3A_342 = arith.addi %and3A_335, %add3A_341 : vector<16xi32>
    %mul3A_343 = arith.constant 10000 : i32
    %mul3A_344 = vector.broadcast %mul3A_343 : i32 to vector<16xi32>
    %mul3A_345 = arith.muli %add3A_342, %mul3A_344 : vector<16xi32>
    %add3A_346 = arith.addi %and3A_338, %mul3A_345 : vector<16xi32>
    %shift_right_logical3A_347 = arith.constant 16 : i32
    %shift_right_logical3A_348 = vector.broadcast %shift_right_logical3A_347 : i32 to vector<16xi32>
    %shift_right_logical3A_349 = arith.shrui %get3A_329, %shift_right_logical3A_348 : vector<16xi32>
    %swap3A_350 = arith.constant 16 : index
    %swap3A_351 = tpu.vector_load %arg11[%swap3A_350] {strides = array<i32>} : memref<128xi32, #tpu.memory_space<vmem>>, vector<16xi32>,
    tpu.vector_store %arg11[%swap3A_350], %add3A_346 {strides = array<i32>} : memref<128xi32, #tpu.memory_space<vmem>>, vector<16xi32>,
    %swap3A_352 = arith.constant 16 : index
    %swap3A_353 = tpu.vector_load %arg15[%swap3A_352] {strides = array<i32>} : memref<128xi32, #tpu.memory_space<vmem>>, vector<16xi32>,
    tpu.vector_store %arg15[%swap3A_352], %shift_right_logical3A_349 {strides = array<i32>} : memref<128xi32, #tpu.memory_space<vmem>>, vector<16xi32>,
    %add3A_354 = arith.constant 16 : i32
    %add3A_355 = vector.broadcast %add3A_354 : i32 to vector<16xi32>
    %add3A_356 = arith.addi %add3A_355, %iota3A : vector<16xi32>
    %get3A_357 = arith.constant 16 : index
    %get3A_358 = tpu.vector_load %arg27[%get3A_357] {strides = array<i32>} : memref<128xi32, #tpu.memory_space<vmem>>, vector<16xi32>,
    tpu.vector_store_idx %arg23[%add3A_356, %get3A_358], %broadcast_in_dim3A_30 : memref<128x16xf32, #tpu.memory_space<vmem>>[vector<16xi32>, vector<16xi32>], vector<16xf32>,
    tpu.vector_store_idx %arg23[%add3A_356, %and3A_335], %broadcast_in_dim3A_28 : memref<128x16xf32, #tpu.memory_space<vmem>>[vector<16xi32>, vector<16xi32>], vector<16xf32>,
    %swap3A_359 = arith.constant 16 : index
    %swap3A_360 = tpu.vector_load %arg27[%swap3A_359] {strides = array<i32>} : memref<128xi32, #tpu.memory_space<vmem>>, vector<16xi32>,
    tpu.vector_store %arg27[%swap3A_359], %and3A_335 {strides = array<i32>} : memref<128xi32, #tpu.memory_space<vmem>>, vector<16xi32>,
    %get3A_361 = arith.constant 160 : index
    %get3A_362 = tpu.vector_load %arg8[%get3A_361] {strides = array<i32>} : memref<512xi32, #tpu.memory_space<vmem>>, vector<16xi32>,
    %shift_right_logical3A_363 = arith.constant 14 : i32
    %shift_right_logical3A_364 = vector.broadcast %shift_right_logical3A_363 : i32 to vector<16xi32>
    %shift_right_logical3A_365 = arith.shrui %get3A_362, %shift_right_logical3A_364 : vector<16xi32>
    %and3A_366 = arith.constant 3 : i32
    %and3A_367 = vector.broadcast %and3A_366 : i32 to vector<16xi32>
    %and3A_368 = arith.andi %shift_right_logical3A_365, %and3A_367 : vector<16xi32>
    %and3A_369 = arith.constant 16383 : i32
    %and3A_370 = vector.broadcast %and3A_369 : i32 to vector<16xi32>
    %and3A_371 = arith.andi %get3A_362, %and3A_370 : vector<16xi32>
    %mul3A_372 = arith.constant 3 : i32
    %mul3A_373 = arith.muli %arg0, %mul3A_372 : i32
    %add3A_374 = vector.broadcast %mul3A_373 : i32 to vector<16xi32>
    %add3A_375 = arith.addi %and3A_368, %add3A_374 : vector<16xi32>
    %mul3A_376 = arith.constant 10000 : i32
    %mul3A_377 = vector.broadcast %mul3A_376 : i32 to vector<16xi32>
    %mul3A_378 = arith.muli %add3A_375, %mul3A_377 : vector<16xi32>
    %add3A_379 = arith.addi %and3A_371, %mul3A_378 : vector<16xi32>
    %shift_right_logical3A_380 = arith.constant 16 : i32
    %shift_right_logical3A_381 = vector.broadcast %shift_right_logical3A_380 : i32 to vector<16xi32>
    %shift_right_logical3A_382 = arith.shrui %get3A_362, %shift_right_logical3A_381 : vector<16xi32>
    %swap3A_383 = arith.constant 32 : index
    %swap3A_384 = tpu.vector_load %arg11[%swap3A_383] {strides = array<i32>} : memref<128xi32, #tpu.memory_space<vmem>>, vector<16xi32>,
    tpu.vector_store %arg11[%swap3A_383], %add3A_379 {strides = array<i32>} : memref<128xi32, #tpu.memory_space<vmem>>, vector<16xi32>,
    %swap3A_385 = arith.constant 32 : index
    %swap3A_386 = tpu.vector_load %arg15[%swap3A_385] {strides = array<i32>} : memref<128xi32, #tpu.memory_space<vmem>>, vector<16xi32>,
    tpu.vector_store %arg15[%swap3A_385], %shift_right_logical3A_382 {strides = array<i32>} : memref<128xi32, #tpu.memory_space<vmem>>, vector<16xi32>,
    %add3A_387 = arith.constant 32 : i32
    %add3A_388 = vector.broadcast %add3A_387 : i32 to vector<16xi32>
    %add3A_389 = arith.addi %add3A_388, %iota3A : vector<16xi32>
    %get3A_390 = arith.constant 32 : index
    %get3A_391 = tpu.vector_load %arg27[%get3A_390] {strides = array<i32>} : memref<128xi32, #tpu.memory_space<vmem>>, vector<16xi32>,
    tpu.vector_store_idx %arg23[%add3A_389, %get3A_391], %broadcast_in_dim3A_30 : memref<128x16xf32, #tpu.memory_space<vmem>>[vector<16xi32>, vector<16xi32>], vector<16xf32>,
    tpu.vector_store_idx %arg23[%add3A_389, %and3A_368], %broadcast_in_dim3A_28 : memref<128x16xf32, #tpu.memory_space<vmem>>[vector<16xi32>, vector<16xi32>], vector<16xf32>,
    %swap3A_392 = arith.constant 32 : index
    %swap3A_393 = tpu.vector_load %arg27[%swap3A_392] {strides = array<i32>} : memref<128xi32, #tpu.memory_space<vmem>>, vector<16xi32>,
    tpu.vector_store %arg27[%swap3A_392], %and3A_368 {strides = array<i32>} : memref<128xi32, #tpu.memory_space<vmem>>, vector<16xi32>,
    %get3A_394 = arith.constant 176 : index
    %get3A_395 = tpu.vector_load %arg8[%get3A_394] {strides = array<i32>} : memref<512xi32, #tpu.memory_space<vmem>>, vector<16xi32>,
    %shift_right_logical3A_396 = arith.constant 14 : i32
    %shift_right_logical3A_397 = vector.broadcast %shift_right_logical3A_396 : i32 to vector<16xi32>
    %shift_right_logical3A_398 = arith.shrui %get3A_395, %shift_right_logical3A_397 : vector<16xi32>
    %and3A_399 = arith.constant 3 : i32
    %and3A_400 = vector.broadcast %and3A_399 : i32 to vector<16xi32>
    %and3A_401 = arith.andi %shift_right_logical3A_398, %and3A_400 : vector<16xi32>
    %and3A_402 = arith.constant 16383 : i32
    %and3A_403 = vector.broadcast %and3A_402 : i32 to vector<16xi32>
    %and3A_404 = arith.andi %get3A_395, %and3A_403 : vector<16xi32>
    %mul3A_405 = arith.constant 3 : i32
    %mul3A_406 = arith.muli %arg0, %mul3A_405 : i32
    %add3A_407 = vector.broadcast %mul3A_406 : i32 to vector<16xi32>
    %add3A_408 = arith.addi %and3A_401, %add3A_407 : vector<16xi32>
    %mul3A_409 = arith.constant 10000 : i32
    %mul3A_410 = vector.broadcast %mul3A_409 : i32 to vector<16xi32>
    %mul3A_411 = arith.muli %add3A_408, %mul3A_410 : vector<16xi32>
    %add3A_412 = arith.addi %and3A_404, %mul3A_411 : vector<16xi32>
    %shift_right_logical3A_413 = arith.constant 16 : i32
    %shift_right_logical3A_414 = vector.broadcast %shift_right_logical3A_413 : i32 to vector<16xi32>
    %shift_right_logical3A_415 = arith.shrui %get3A_395, %shift_right_logical3A_414 : vector<16xi32>
    %swap3A_416 = arith.constant 48 : index
    %swap3A_417 = tpu.vector_load %arg11[%swap3A_416] {strides = array<i32>} : memref<128xi32, #tpu.memory_space<vmem>>, vector<16xi32>,
    tpu.vector_store %arg11[%swap3A_416], %add3A_412 {strides = array<i32>} : memref<128xi32, #tpu.memory_space<vmem>>, vector<16xi32>,
    %swap3A_418 = arith.constant 48 : index
    %swap3A_419 = tpu.vector_load %arg15[%swap3A_418] {strides = array<i32>} : memref<128xi32, #tpu.memory_space<vmem>>, vector<16xi32>,
    tpu.vector_store %arg15[%swap3A_418], %shift_right_logical3A_415 {strides = array<i32>} : memref<128xi32, #tpu.memory_space<vmem>>, vector<16xi32>,
    %add3A_420 = arith.constant 48 : i32
    %add3A_421 = vector.broadcast %add3A_420 : i32 to vector<16xi32>
    %add3A_422 = arith.addi %add3A_421, %iota3A : vector<16xi32>
    %get3A_423 = arith.constant 48 : index
    %get3A_424 = tpu.vector_load %arg27[%get3A_423] {strides = array<i32>} : memref<128xi32, #tpu.memory_space<vmem>>, vector<16xi32>,
    tpu.vector_store_idx %arg23[%add3A_422, %get3A_424], %broadcast_in_dim3A_30 : memref<128x16xf32, #tpu.memory_space<vmem>>[vector<16xi32>, vector<16xi32>], vector<16xf32>,
    tpu.vector_store_idx %arg23[%add3A_422, %and3A_401], %broadcast_in_dim3A_28 : memref<128x16xf32, #tpu.memory_space<vmem>>[vector<16xi32>, vector<16xi32>], vector<16xf32>,
    %swap3A_425 = arith.constant 48 : index
    %swap3A_426 = tpu.vector_load %arg27[%swap3A_425] {strides = array<i32>} : memref<128xi32, #tpu.memory_space<vmem>>, vector<16xi32>,
    tpu.vector_store %arg27[%swap3A_425], %and3A_401 {strides = array<i32>} : memref<128xi32, #tpu.memory_space<vmem>>, vector<16xi32>,
    %get3A_427 = arith.constant 192 : index
    %get3A_428 = tpu.vector_load %arg8[%get3A_427] {strides = array<i32>} : memref<512xi32, #tpu.memory_space<vmem>>, vector<16xi32>,
    %shift_right_logical3A_429 = arith.constant 14 : i32
    %shift_right_logical3A_430 = vector.broadcast %shift_right_logical3A_429 : i32 to vector<16xi32>
    %shift_right_logical3A_431 = arith.shrui %get3A_428, %shift_right_logical3A_430 : vector<16xi32>
    %and3A_432 = arith.constant 3 : i32
    %and3A_433 = vector.broadcast %and3A_432 : i32 to vector<16xi32>
    %and3A_434 = arith.andi %shift_right_logical3A_431, %and3A_433 : vector<16xi32>
    %and3A_435 = arith.constant 16383 : i32
    %and3A_436 = vector.broadcast %and3A_435 : i32 to vector<16xi32>
    %and3A_437 = arith.andi %get3A_428, %and3A_436 : vector<16xi32>
    %mul3A_438 = arith.constant 3 : i32
    %mul3A_439 = arith.muli %arg0, %mul3A_438 : i32
    %add3A_440 = vector.broadcast %mul3A_439 : i32 to vector<16xi32>
    %add3A_441 = arith.addi %and3A_434, %add3A_440 : vector<16xi32>
    %mul3A_442 = arith.constant 10000 : i32
    %mul3A_443 = vector.broadcast %mul3A_442 : i32 to vector<16xi32>
    %mul3A_444 = arith.muli %add3A_441, %mul3A_443 : vector<16xi32>
    %add3A_445 = arith.addi %and3A_437, %mul3A_444 : vector<16xi32>
    %shift_right_logical3A_446 = arith.constant 16 : i32
    %shift_right_logical3A_447 = vector.broadcast %shift_right_logical3A_446 : i32 to vector<16xi32>
    %shift_right_logical3A_448 = arith.shrui %get3A_428, %shift_right_logical3A_447 : vector<16xi32>
    %swap3A_449 = arith.constant 64 : index
    %swap3A_450 = tpu.vector_load %arg11[%swap3A_449] {strides = array<i32>} : memref<128xi32, #tpu.memory_space<vmem>>, vector<16xi32>,
    tpu.vector_store %arg11[%swap3A_449], %add3A_445 {strides = array<i32>} : memref<128xi32, #tpu.memory_space<vmem>>, vector<16xi32>,
    %swap3A_451 = arith.constant 64 : index
    %swap3A_452 = tpu.vector_load %arg15[%swap3A_451] {strides = array<i32>} : memref<128xi32, #tpu.memory_space<vmem>>, vector<16xi32>,
    tpu.vector_store %arg15[%swap3A_451], %shift_right_logical3A_448 {strides = array<i32>} : memref<128xi32, #tpu.memory_space<vmem>>, vector<16xi32>,
    %add3A_453 = arith.constant 64 : i32
    %add3A_454 = vector.broadcast %add3A_453 : i32 to vector<16xi32>
    %add3A_455 = arith.addi %add3A_454, %iota3A : vector<16xi32>
    %get3A_456 = arith.constant 64 : index
    %get3A_457 = tpu.vector_load %arg27[%get3A_456] {strides = array<i32>} : memref<128xi32, #tpu.memory_space<vmem>>, vector<16xi32>,
    tpu.vector_store_idx %arg23[%add3A_455, %get3A_457], %broadcast_in_dim3A_30 : memref<128x16xf32, #tpu.memory_space<vmem>>[vector<16xi32>, vector<16xi32>], vector<16xf32>,
    tpu.vector_store_idx %arg23[%add3A_455, %and3A_434], %broadcast_in_dim3A_28 : memref<128x16xf32, #tpu.memory_space<vmem>>[vector<16xi32>, vector<16xi32>], vector<16xf32>,
    %swap3A_458 = arith.constant 64 : index
    %swap3A_459 = tpu.vector_load %arg27[%swap3A_458] {strides = array<i32>} : memref<128xi32, #tpu.memory_space<vmem>>, vector<16xi32>,
    tpu.vector_store %arg27[%swap3A_458], %and3A_434 {strides = array<i32>} : memref<128xi32, #tpu.memory_space<vmem>>, vector<16xi32>,
    %get3A_460 = arith.constant 208 : index
    %get3A_461 = tpu.vector_load %arg8[%get3A_460] {strides = array<i32>} : memref<512xi32, #tpu.memory_space<vmem>>, vector<16xi32>,
    %shift_right_logical3A_462 = arith.constant 14 : i32
    %shift_right_logical3A_463 = vector.broadcast %shift_right_logical3A_462 : i32 to vector<16xi32>
    %shift_right_logical3A_464 = arith.shrui %get3A_461, %shift_right_logical3A_463 : vector<16xi32>
    %and3A_465 = arith.constant 3 : i32
    %and3A_466 = vector.broadcast %and3A_465 : i32 to vector<16xi32>
    %and3A_467 = arith.andi %shift_right_logical3A_464, %and3A_466 : vector<16xi32>
    %and3A_468 = arith.constant 16383 : i32
    %and3A_469 = vector.broadcast %and3A_468 : i32 to vector<16xi32>
    %and3A_470 = arith.andi %get3A_461, %and3A_469 : vector<16xi32>
    %mul3A_471 = arith.constant 3 : i32
    %mul3A_472 = arith.muli %arg0, %mul3A_471 : i32
    %add3A_473 = vector.broadcast %mul3A_472 : i32 to vector<16xi32>
    %add3A_474 = arith.addi %and3A_467, %add3A_473 : vector<16xi32>
    %mul3A_475 = arith.constant 10000 : i32
    %mul3A_476 = vector.broadcast %mul3A_475 : i32 to vector<16xi32>
    %mul3A_477 = arith.muli %add3A_474, %mul3A_476 : vector<16xi32>
    %add3A_478 = arith.addi %and3A_470, %mul3A_477 : vector<16xi32>
    %shift_right_logical3A_479 = arith.constant 16 : i32
    %shift_right_logical3A_480 = vector.broadcast %shift_right_logical3A_479 : i32 to vector<16xi32>
    %shift_right_logical3A_481 = arith.shrui %get3A_461, %shift_right_logical3A_480 : vector<16xi32>
    %swap3A_482 = arith.constant 80 : index
    %swap3A_483 = tpu.vector_load %arg11[%swap3A_482] {strides = array<i32>} : memref<128xi32, #tpu.memory_space<vmem>>, vector<16xi32>,
    tpu.vector_store %arg11[%swap3A_482], %add3A_478 {strides = array<i32>} : memref<128xi32, #tpu.memory_space<vmem>>, vector<16xi32>,
    %swap3A_484 = arith.constant 80 : index
    %swap3A_485 = tpu.vector_load %arg15[%swap3A_484] {strides = array<i32>} : memref<128xi32, #tpu.memory_space<vmem>>, vector<16xi32>,
    tpu.vector_store %arg15[%swap3A_484], %shift_right_logical3A_481 {strides = array<i32>} : memref<128xi32, #tpu.memory_space<vmem>>, vector<16xi32>,
    %add3A_486 = arith.constant 80 : i32
    %add3A_487 = vector.broadcast %add3A_486 : i32 to vector<16xi32>
    %add3A_488 = arith.addi %add3A_487, %iota3A : vector<16xi32>
    %get3A_489 = arith.constant 80 : index
    %get3A_490 = tpu.vector_load %arg27[%get3A_489] {strides = array<i32>} : memref<128xi32, #tpu.memory_space<vmem>>, vector<16xi32>,
    tpu.vector_store_idx %arg23[%add3A_488, %get3A_490], %broadcast_in_dim3A_30 : memref<128x16xf32, #tpu.memory_space<vmem>>[vector<16xi32>, vector<16xi32>], vector<16xf32>,
    tpu.vector_store_idx %arg23[%add3A_488, %and3A_467], %broadcast_in_dim3A_28 : memref<128x16xf32, #tpu.memory_space<vmem>>[vector<16xi32>, vector<16xi32>], vector<16xf32>,
    %swap3A_491 = arith.constant 80 : index
    %swap3A_492 = tpu.vector_load %arg27[%swap3A_491] {strides = array<i32>} : memref<128xi32, #tpu.memory_space<vmem>>, vector<16xi32>,
    tpu.vector_store %arg27[%swap3A_491], %and3A_467 {strides = array<i32>} : memref<128xi32, #tpu.memory_space<vmem>>, vector<16xi32>,
    %get3A_493 = arith.constant 224 : index
    %get3A_494 = tpu.vector_load %arg8[%get3A_493] {strides = array<i32>} : memref<512xi32, #tpu.memory_space<vmem>>, vector<16xi32>,
    %shift_right_logical3A_495 = arith.constant 14 : i32
    %shift_right_logical3A_496 = vector.broadcast %shift_right_logical3A_495 : i32 to vector<16xi32>
    %shift_right_logical3A_497 = arith.shrui %get3A_494, %shift_right_logical3A_496 : vector<16xi32>
    %and3A_498 = arith.constant 3 : i32
    %and3A_499 = vector.broadcast %and3A_498 : i32 to vector<16xi32>
    %and3A_500 = arith.andi %shift_right_logical3A_497, %and3A_499 : vector<16xi32>
    %and3A_501 = arith.constant 16383 : i32
    %and3A_502 = vector.broadcast %and3A_501 : i32 to vector<16xi32>
    %and3A_503 = arith.andi %get3A_494, %and3A_502 : vector<16xi32>
    %mul3A_504 = arith.constant 3 : i32
    %mul3A_505 = arith.muli %arg0, %mul3A_504 : i32
    %add3A_506 = vector.broadcast %mul3A_505 : i32 to vector<16xi32>
    %add3A_507 = arith.addi %and3A_500, %add3A_506 : vector<16xi32>
    %mul3A_508 = arith.constant 10000 : i32
    %mul3A_509 = vector.broadcast %mul3A_508 : i32 to vector<16xi32>
    %mul3A_510 = arith.muli %add3A_507, %mul3A_509 : vector<16xi32>
    %add3A_511 = arith.addi %and3A_503, %mul3A_510 : vector<16xi32>
    %shift_right_logical3A_512 = arith.constant 16 : i32
    %shift_right_logical3A_513 = vector.broadcast %shift_right_logical3A_512 : i32 to vector<16xi32>
    %shift_right_logical3A_514 = arith.shrui %get3A_494, %shift_right_logical3A_513 : vector<16xi32>
    %swap3A_515 = arith.constant 96 : index
    %swap3A_516 = tpu.vector_load %arg11[%swap3A_515] {strides = array<i32>} : memref<128xi32, #tpu.memory_space<vmem>>, vector<16xi32>,
    tpu.vector_store %arg11[%swap3A_515], %add3A_511 {strides = array<i32>} : memref<128xi32, #tpu.memory_space<vmem>>, vector<16xi32>,
    %swap3A_517 = arith.constant 96 : index
    %swap3A_518 = tpu.vector_load %arg15[%swap3A_517] {strides = array<i32>} : memref<128xi32, #tpu.memory_space<vmem>>, vector<16xi32>,
    tpu.vector_store %arg15[%swap3A_517], %shift_right_logical3A_514 {strides = array<i32>} : memref<128xi32, #tpu.memory_space<vmem>>, vector<16xi32>,
    %add3A_519 = arith.constant 96 : i32
    %add3A_520 = vector.broadcast %add3A_519 : i32 to vector<16xi32>
    %add3A_521 = arith.addi %add3A_520, %iota3A : vector<16xi32>
    %get3A_522 = arith.constant 96 : index
    %get3A_523 = tpu.vector_load %arg27[%get3A_522] {strides = array<i32>} : memref<128xi32, #tpu.memory_space<vmem>>, vector<16xi32>,
    tpu.vector_store_idx %arg23[%add3A_521, %get3A_523], %broadcast_in_dim3A_30 : memref<128x16xf32, #tpu.memory_space<vmem>>[vector<16xi32>, vector<16xi32>], vector<16xf32>,
    tpu.vector_store_idx %arg23[%add3A_521, %and3A_500], %broadcast_in_dim3A_28 : memref<128x16xf32, #tpu.memory_space<vmem>>[vector<16xi32>, vector<16xi32>], vector<16xf32>,
    %swap3A_524 = arith.constant 96 : index
    %swap3A_525 = tpu.vector_load %arg27[%swap3A_524] {strides = array<i32>} : memref<128xi32, #tpu.memory_space<vmem>>, vector<16xi32>,
    tpu.vector_store %arg27[%swap3A_524], %and3A_500 {strides = array<i32>} : memref<128xi32, #tpu.memory_space<vmem>>, vector<16xi32>,
    %get3A_526 = arith.constant 240 : index
    %get3A_527 = tpu.vector_load %arg8[%get3A_526] {strides = array<i32>} : memref<512xi32, #tpu.memory_space<vmem>>, vector<16xi32>,
    %shift_right_logical3A_528 = arith.constant 14 : i32
    %shift_right_logical3A_529 = vector.broadcast %shift_right_logical3A_528 : i32 to vector<16xi32>
    %shift_right_logical3A_530 = arith.shrui %get3A_527, %shift_right_logical3A_529 : vector<16xi32>
    %and3A_531 = arith.constant 3 : i32
    %and3A_532 = vector.broadcast %and3A_531 : i32 to vector<16xi32>
    %and3A_533 = arith.andi %shift_right_logical3A_530, %and3A_532 : vector<16xi32>
    %and3A_534 = arith.constant 16383 : i32
    %and3A_535 = vector.broadcast %and3A_534 : i32 to vector<16xi32>
    %and3A_536 = arith.andi %get3A_527, %and3A_535 : vector<16xi32>
    %mul3A_537 = arith.constant 3 : i32
    %mul3A_538 = arith.muli %arg0, %mul3A_537 : i32
    %add3A_539 = vector.broadcast %mul3A_538 : i32 to vector<16xi32>
    %add3A_540 = arith.addi %and3A_533, %add3A_539 : vector<16xi32>
    %mul3A_541 = arith.constant 10000 : i32
    %mul3A_542 = vector.broadcast %mul3A_541 : i32 to vector<16xi32>
    %mul3A_543 = arith.muli %add3A_540, %mul3A_542 : vector<16xi32>
    %add3A_544 = arith.addi %and3A_536, %mul3A_543 : vector<16xi32>
    %shift_right_logical3A_545 = arith.constant 16 : i32
    %shift_right_logical3A_546 = vector.broadcast %shift_right_logical3A_545 : i32 to vector<16xi32>
    %shift_right_logical3A_547 = arith.shrui %get3A_527, %shift_right_logical3A_546 : vector<16xi32>
    %swap3A_548 = arith.constant 112 : index
    %swap3A_549 = tpu.vector_load %arg11[%swap3A_548] {strides = array<i32>} : memref<128xi32, #tpu.memory_space<vmem>>, vector<16xi32>,
    tpu.vector_store %arg11[%swap3A_548], %add3A_544 {strides = array<i32>} : memref<128xi32, #tpu.memory_space<vmem>>, vector<16xi32>,
    %swap3A_550 = arith.constant 112 : index
    %swap3A_551 = tpu.vector_load %arg15[%swap3A_550] {strides = array<i32>} : memref<128xi32, #tpu.memory_space<vmem>>, vector<16xi32>,
    tpu.vector_store %arg15[%swap3A_550], %shift_right_logical3A_547 {strides = array<i32>} : memref<128xi32, #tpu.memory_space<vmem>>, vector<16xi32>,
    %add3A_552 = arith.constant 112 : i32
    %add3A_553 = vector.broadcast %add3A_552 : i32 to vector<16xi32>
    %add3A_554 = arith.addi %add3A_553, %iota3A : vector<16xi32>
    %get3A_555 = arith.constant 112 : index
    %get3A_556 = tpu.vector_load %arg27[%get3A_555] {strides = array<i32>} : memref<128xi32, #tpu.memory_space<vmem>>, vector<16xi32>,
    tpu.vector_store_idx %arg23[%add3A_554, %get3A_556], %broadcast_in_dim3A_30 : memref<128x16xf32, #tpu.memory_space<vmem>>[vector<16xi32>, vector<16xi32>], vector<16xf32>,
    tpu.vector_store_idx %arg23[%add3A_554, %and3A_533], %broadcast_in_dim3A_28 : memref<128x16xf32, #tpu.memory_space<vmem>>[vector<16xi32>, vector<16xi32>], vector<16xf32>,
    %swap3A_557 = arith.constant 112 : index
    %swap3A_558 = tpu.vector_load %arg27[%swap3A_557] {strides = array<i32>} : memref<128xi32, #tpu.memory_space<vmem>>, vector<16xi32>,
    tpu.vector_store %arg27[%swap3A_557], %and3A_533 {strides = array<i32>} : memref<128xi32, #tpu.memory_space<vmem>>, vector<16xi32>,
    %dma_start3A_559 = arith.constant 0 : i32
    %dma_start3A_560 = arith.constant 0 : i32
    %dma_start3A_561 = tpu.memref_slice %arg2[%dma_start3A_559, %dma_start3A_560] : memref<60000x64xf32, #tpu.memory_space<hbm>> -> memref<60000x64xf32, #tpu.memory_space<hbm>>
    tpu.enqueue_indirect_dma source(%dma_start3A_561 : memref<60000x64xf32, #tpu.memory_space<hbm>>) target(%arg19 : memref<128x64xf32, #tpu.memory_space<vmem>>) offsets(%arg11 : memref<128xi32, #tpu.memory_space<vmem>>) semaphore(%arg35 : memref<!tpu.dma_semaphore, #tpu.memory_space<semaphore_mem>>)
    %get3A_562 = arith.constant 256 : index
    %get3A_563 = tpu.vector_load %arg8[%get3A_562] {strides = array<i32>} : memref<512xi32, #tpu.memory_space<vmem>>, vector<16xi32>,
    %shift_right_logical3A_564 = arith.constant 14 : i32
    %shift_right_logical3A_565 = vector.broadcast %shift_right_logical3A_564 : i32 to vector<16xi32>
    %shift_right_logical3A_566 = arith.shrui %get3A_563, %shift_right_logical3A_565 : vector<16xi32>
    %and3A_567 = arith.constant 3 : i32
    %and3A_568 = vector.broadcast %and3A_567 : i32 to vector<16xi32>
    %and3A_569 = arith.andi %shift_right_logical3A_566, %and3A_568 : vector<16xi32>
    %and3A_570 = arith.constant 16383 : i32
    %and3A_571 = vector.broadcast %and3A_570 : i32 to vector<16xi32>
    %and3A_572 = arith.andi %get3A_563, %and3A_571 : vector<16xi32>
    %mul3A_573 = arith.constant 3 : i32
    %mul3A_574 = arith.muli %arg0, %mul3A_573 : i32
    %add3A_575 = vector.broadcast %mul3A_574 : i32 to vector<16xi32>
    %add3A_576 = arith.addi %and3A_569, %add3A_575 : vector<16xi32>
    %mul3A_577 = arith.constant 10000 : i32
    %mul3A_578 = vector.broadcast %mul3A_577 : i32 to vector<16xi32>
    %mul3A_579 = arith.muli %add3A_576, %mul3A_578 : vector<16xi32>
    %add3A_580 = arith.addi %and3A_572, %mul3A_579 : vector<16xi32>
    %shift_right_logical3A_581 = arith.constant 16 : i32
    %shift_right_logical3A_582 = vector.broadcast %shift_right_logical3A_581 : i32 to vector<16xi32>
    %shift_right_logical3A_583 = arith.shrui %get3A_563, %shift_right_logical3A_582 : vector<16xi32>
    %swap3A_584 = arith.constant 0 : index
    %swap3A_585 = tpu.vector_load %arg12[%swap3A_584] {strides = array<i32>} : memref<128xi32, #tpu.memory_space<vmem>>, vector<16xi32>,
    tpu.vector_store %arg12[%swap3A_584], %add3A_580 {strides = array<i32>} : memref<128xi32, #tpu.memory_space<vmem>>, vector<16xi32>,
    %swap3A_586 = arith.constant 0 : index
    %swap3A_587 = tpu.vector_load %arg16[%swap3A_586] {strides = array<i32>} : memref<128xi32, #tpu.memory_space<vmem>>, vector<16xi32>,
    tpu.vector_store %arg16[%swap3A_586], %shift_right_logical3A_583 {strides = array<i32>} : memref<128xi32, #tpu.memory_space<vmem>>, vector<16xi32>,
    %add3A_588 = arith.constant 0 : i32
    %add3A_589 = vector.broadcast %add3A_588 : i32 to vector<16xi32>
    %add3A_590 = arith.addi %add3A_589, %iota3A : vector<16xi32>
    %get3A_591 = arith.constant 0 : index
    %get3A_592 = tpu.vector_load %arg28[%get3A_591] {strides = array<i32>} : memref<128xi32, #tpu.memory_space<vmem>>, vector<16xi32>,
    tpu.vector_store_idx %arg24[%add3A_590, %get3A_592], %broadcast_in_dim3A_30 : memref<128x16xf32, #tpu.memory_space<vmem>>[vector<16xi32>, vector<16xi32>], vector<16xf32>,
    tpu.vector_store_idx %arg24[%add3A_590, %and3A_569], %broadcast_in_dim3A_28 : memref<128x16xf32, #tpu.memory_space<vmem>>[vector<16xi32>, vector<16xi32>], vector<16xf32>,
    %swap3A_593 = arith.constant 0 : index
    %swap3A_594 = tpu.vector_load %arg28[%swap3A_593] {strides = array<i32>} : memref<128xi32, #tpu.memory_space<vmem>>, vector<16xi32>,
    tpu.vector_store %arg28[%swap3A_593], %and3A_569 {strides = array<i32>} : memref<128xi32, #tpu.memory_space<vmem>>, vector<16xi32>,
    %get3A_595 = arith.constant 272 : index
    %get3A_596 = tpu.vector_load %arg8[%get3A_595] {strides = array<i32>} : memref<512xi32, #tpu.memory_space<vmem>>, vector<16xi32>,
    %shift_right_logical3A_597 = arith.constant 14 : i32
    %shift_right_logical3A_598 = vector.broadcast %shift_right_logical3A_597 : i32 to vector<16xi32>
    %shift_right_logical3A_599 = arith.shrui %get3A_596, %shift_right_logical3A_598 : vector<16xi32>
    %and3A_600 = arith.constant 3 : i32
    %and3A_601 = vector.broadcast %and3A_600 : i32 to vector<16xi32>
    %and3A_602 = arith.andi %shift_right_logical3A_599, %and3A_601 : vector<16xi32>
    %and3A_603 = arith.constant 16383 : i32
    %and3A_604 = vector.broadcast %and3A_603 : i32 to vector<16xi32>
    %and3A_605 = arith.andi %get3A_596, %and3A_604 : vector<16xi32>
    %mul3A_606 = arith.constant 3 : i32
    %mul3A_607 = arith.muli %arg0, %mul3A_606 : i32
    %add3A_608 = vector.broadcast %mul3A_607 : i32 to vector<16xi32>
    %add3A_609 = arith.addi %and3A_602, %add3A_608 : vector<16xi32>
    %mul3A_610 = arith.constant 10000 : i32
    %mul3A_611 = vector.broadcast %mul3A_610 : i32 to vector<16xi32>
    %mul3A_612 = arith.muli %add3A_609, %mul3A_611 : vector<16xi32>
    %add3A_613 = arith.addi %and3A_605, %mul3A_612 : vector<16xi32>
    %shift_right_logical3A_614 = arith.constant 16 : i32
    %shift_right_logical3A_615 = vector.broadcast %shift_right_logical3A_614 : i32 to vector<16xi32>
    %shift_right_logical3A_616 = arith.shrui %get3A_596, %shift_right_logical3A_615 : vector<16xi32>
    %swap3A_617 = arith.constant 16 : index
    %swap3A_618 = tpu.vector_load %arg12[%swap3A_617] {strides = array<i32>} : memref<128xi32, #tpu.memory_space<vmem>>, vector<16xi32>,
    tpu.vector_store %arg12[%swap3A_617], %add3A_613 {strides = array<i32>} : memref<128xi32, #tpu.memory_space<vmem>>, vector<16xi32>,
    %swap3A_619 = arith.constant 16 : index
    %swap3A_620 = tpu.vector_load %arg16[%swap3A_619] {strides = array<i32>} : memref<128xi32, #tpu.memory_space<vmem>>, vector<16xi32>,
    tpu.vector_store %arg16[%swap3A_619], %shift_right_logical3A_616 {strides = array<i32>} : memref<128xi32, #tpu.memory_space<vmem>>, vector<16xi32>,
    %add3A_621 = arith.constant 16 : i32
    %add3A_622 = vector.broadcast %add3A_621 : i32 to vector<16xi32>
    %add3A_623 = arith.addi %add3A_622, %iota3A : vector<16xi32>
    %get3A_624 = arith.constant 16 : index
    %get3A_625 = tpu.vector_load %arg28[%get3A_624] {strides = array<i32>} : memref<128xi32, #tpu.memory_space<vmem>>, vector<16xi32>,
    tpu.vector_store_idx %arg24[%add3A_623, %get3A_625], %broadcast_in_dim3A_30 : memref<128x16xf32, #tpu.memory_space<vmem>>[vector<16xi32>, vector<16xi32>], vector<16xf32>,
    tpu.vector_store_idx %arg24[%add3A_623, %and3A_602], %broadcast_in_dim3A_28 : memref<128x16xf32, #tpu.memory_space<vmem>>[vector<16xi32>, vector<16xi32>], vector<16xf32>,
    %swap3A_626 = arith.constant 16 : index
    %swap3A_627 = tpu.vector_load %arg28[%swap3A_626] {strides = array<i32>} : memref<128xi32, #tpu.memory_space<vmem>>, vector<16xi32>,
    tpu.vector_store %arg28[%swap3A_626], %and3A_602 {strides = array<i32>} : memref<128xi32, #tpu.memory_space<vmem>>, vector<16xi32>,
    %get3A_628 = arith.constant 288 : index
    %get3A_629 = tpu.vector_load %arg8[%get3A_628] {strides = array<i32>} : memref<512xi32, #tpu.memory_space<vmem>>, vector<16xi32>,
    %shift_right_logical3A_630 = arith.constant 14 : i32
    %shift_right_logical3A_631 = vector.broadcast %shift_right_logical3A_630 : i32 to vector<16xi32>
    %shift_right_logical3A_632 = arith.shrui %get3A_629, %shift_right_logical3A_631 : vector<16xi32>
    %and3A_633 = arith.constant 3 : i32
    %and3A_634 = vector.broadcast %and3A_633 : i32 to vector<16xi32>
    %and3A_635 = arith.andi %shift_right_logical3A_632, %and3A_634 : vector<16xi32>
    %and3A_636 = arith.constant 16383 : i32
    %and3A_637 = vector.broadcast %and3A_636 : i32 to vector<16xi32>
    %and3A_638 = arith.andi %get3A_629, %and3A_637 : vector<16xi32>
    %mul3A_639 = arith.constant 3 : i32
    %mul3A_640 = arith.muli %arg0, %mul3A_639 : i32
    %add3A_641 = vector.broadcast %mul3A_640 : i32 to vector<16xi32>
    %add3A_642 = arith.addi %and3A_635, %add3A_641 : vector<16xi32>
    %mul3A_643 = arith.constant 10000 : i32
    %mul3A_644 = vector.broadcast %mul3A_643 : i32 to vector<16xi32>
    %mul3A_645 = arith.muli %add3A_642, %mul3A_644 : vector<16xi32>
    %add3A_646 = arith.addi %and3A_638, %mul3A_645 : vector<16xi32>
    %shift_right_logical3A_647 = arith.constant 16 : i32
    %shift_right_logical3A_648 = vector.broadcast %shift_right_logical3A_647 : i32 to vector<16xi32>
    %shift_right_logical3A_649 = arith.shrui %get3A_629, %shift_right_logical3A_648 : vector<16xi32>
    %swap3A_650 = arith.constant 32 : index
    %swap3A_651 = tpu.vector_load %arg12[%swap3A_650] {strides = array<i32>} : memref<128xi32, #tpu.memory_space<vmem>>, vector<16xi32>,
    tpu.vector_store %arg12[%swap3A_650], %add3A_646 {strides = array<i32>} : memref<128xi32, #tpu.memory_space<vmem>>, vector<16xi32>,
    %swap3A_652 = arith.constant 32 : index
    %swap3A_653 = tpu.vector_load %arg16[%swap3A_652] {strides = array<i32>} : memref<128xi32, #tpu.memory_space<vmem>>, vector<16xi32>,
    tpu.vector_store %arg16[%swap3A_652], %shift_right_logical3A_649 {strides = array<i32>} : memref<128xi32, #tpu.memory_space<vmem>>, vector<16xi32>,
    %add3A_654 = arith.constant 32 : i32
    %add3A_655 = vector.broadcast %add3A_654 : i32 to vector<16xi32>
    %add3A_656 = arith.addi %add3A_655, %iota3A : vector<16xi32>
    %get3A_657 = arith.constant 32 : index
    %get3A_658 = tpu.vector_load %arg28[%get3A_657] {strides = array<i32>} : memref<128xi32, #tpu.memory_space<vmem>>, vector<16xi32>,
    tpu.vector_store_idx %arg24[%add3A_656, %get3A_658], %broadcast_in_dim3A_30 : memref<128x16xf32, #tpu.memory_space<vmem>>[vector<16xi32>, vector<16xi32>], vector<16xf32>,
    tpu.vector_store_idx %arg24[%add3A_656, %and3A_635], %broadcast_in_dim3A_28 : memref<128x16xf32, #tpu.memory_space<vmem>>[vector<16xi32>, vector<16xi32>], vector<16xf32>,
    %swap3A_659 = arith.constant 32 : index
    %swap3A_660 = tpu.vector_load %arg28[%swap3A_659] {strides = array<i32>} : memref<128xi32, #tpu.memory_space<vmem>>, vector<16xi32>,
    tpu.vector_store %arg28[%swap3A_659], %and3A_635 {strides = array<i32>} : memref<128xi32, #tpu.memory_space<vmem>>, vector<16xi32>,
    %get3A_661 = arith.constant 304 : index
    %get3A_662 = tpu.vector_load %arg8[%get3A_661] {strides = array<i32>} : memref<512xi32, #tpu.memory_space<vmem>>, vector<16xi32>,
    %shift_right_logical3A_663 = arith.constant 14 : i32
    %shift_right_logical3A_664 = vector.broadcast %shift_right_logical3A_663 : i32 to vector<16xi32>
    %shift_right_logical3A_665 = arith.shrui %get3A_662, %shift_right_logical3A_664 : vector<16xi32>
    %and3A_666 = arith.constant 3 : i32
    %and3A_667 = vector.broadcast %and3A_666 : i32 to vector<16xi32>
    %and3A_668 = arith.andi %shift_right_logical3A_665, %and3A_667 : vector<16xi32>
    %and3A_669 = arith.constant 16383 : i32
    %and3A_670 = vector.broadcast %and3A_669 : i32 to vector<16xi32>
    %and3A_671 = arith.andi %get3A_662, %and3A_670 : vector<16xi32>
    %mul3A_672 = arith.constant 3 : i32
    %mul3A_673 = arith.muli %arg0, %mul3A_672 : i32
    %add3A_674 = vector.broadcast %mul3A_673 : i32 to vector<16xi32>
    %add3A_675 = arith.addi %and3A_668, %add3A_674 : vector<16xi32>
    %mul3A_676 = arith.constant 10000 : i32
    %mul3A_677 = vector.broadcast %mul3A_676 : i32 to vector<16xi32>
    %mul3A_678 = arith.muli %add3A_675, %mul3A_677 : vector<16xi32>
    %add3A_679 = arith.addi %and3A_671, %mul3A_678 : vector<16xi32>
    %shift_right_logical3A_680 = arith.constant 16 : i32
    %shift_right_logical3A_681 = vector.broadcast %shift_right_logical3A_680 : i32 to vector<16xi32>
    %shift_right_logical3A_682 = arith.shrui %get3A_662, %shift_right_logical3A_681 : vector<16xi32>
    %swap3A_683 = arith.constant 48 : index
    %swap3A_684 = tpu.vector_load %arg12[%swap3A_683] {strides = array<i32>} : memref<128xi32, #tpu.memory_space<vmem>>, vector<16xi32>,
    tpu.vector_store %arg12[%swap3A_683], %add3A_679 {strides = array<i32>} : memref<128xi32, #tpu.memory_space<vmem>>, vector<16xi32>,
    %swap3A_685 = arith.constant 48 : index
    %swap3A_686 = tpu.vector_load %arg16[%swap3A_685] {strides = array<i32>} : memref<128xi32, #tpu.memory_space<vmem>>, vector<16xi32>,
    tpu.vector_store %arg16[%swap3A_685], %shift_right_logical3A_682 {strides = array<i32>} : memref<128xi32, #tpu.memory_space<vmem>>, vector<16xi32>,
    %add3A_687 = arith.constant 48 : i32
    %add3A_688 = vector.broadcast %add3A_687 : i32 to vector<16xi32>
    %add3A_689 = arith.addi %add3A_688, %iota3A : vector<16xi32>
    %get3A_690 = arith.constant 48 : index
    %get3A_691 = tpu.vector_load %arg28[%get3A_690] {strides = array<i32>} : memref<128xi32, #tpu.memory_space<vmem>>, vector<16xi32>,
    tpu.vector_store_idx %arg24[%add3A_689, %get3A_691], %broadcast_in_dim3A_30 : memref<128x16xf32, #tpu.memory_space<vmem>>[vector<16xi32>, vector<16xi32>], vector<16xf32>,
    tpu.vector_store_idx %arg24[%add3A_689, %and3A_668], %broadcast_in_dim3A_28 : memref<128x16xf32, #tpu.memory_space<vmem>>[vector<16xi32>, vector<16xi32>], vector<16xf32>,
    %swap3A_692 = arith.constant 48 : index
    %swap3A_693 = tpu.vector_load %arg28[%swap3A_692] {strides = array<i32>} : memref<128xi32, #tpu.memory_space<vmem>>, vector<16xi32>,
    tpu.vector_store %arg28[%swap3A_692], %and3A_668 {strides = array<i32>} : memref<128xi32, #tpu.memory_space<vmem>>, vector<16xi32>,
    %get3A_694 = arith.constant 320 : index
    %get3A_695 = tpu.vector_load %arg8[%get3A_694] {strides = array<i32>} : memref<512xi32, #tpu.memory_space<vmem>>, vector<16xi32>,
    %shift_right_logical3A_696 = arith.constant 14 : i32
    %shift_right_logical3A_697 = vector.broadcast %shift_right_logical3A_696 : i32 to vector<16xi32>
    %shift_right_logical3A_698 = arith.shrui %get3A_695, %shift_right_logical3A_697 : vector<16xi32>
    %and3A_699 = arith.constant 3 : i32
    %and3A_700 = vector.broadcast %and3A_699 : i32 to vector<16xi32>
    %and3A_701 = arith.andi %shift_right_logical3A_698, %and3A_700 : vector<16xi32>
    %and3A_702 = arith.constant 16383 : i32
    %and3A_703 = vector.broadcast %and3A_702 : i32 to vector<16xi32>
    %and3A_704 = arith.andi %get3A_695, %and3A_703 : vector<16xi32>
    %mul3A_705 = arith.constant 3 : i32
    %mul3A_706 = arith.muli %arg0, %mul3A_705 : i32
    %add3A_707 = vector.broadcast %mul3A_706 : i32 to vector<16xi32>
    %add3A_708 = arith.addi %and3A_701, %add3A_707 : vector<16xi32>
    %mul3A_709 = arith.constant 10000 : i32
    %mul3A_710 = vector.broadcast %mul3A_709 : i32 to vector<16xi32>
    %mul3A_711 = arith.muli %add3A_708, %mul3A_710 : vector<16xi32>
    %add3A_712 = arith.addi %and3A_704, %mul3A_711 : vector<16xi32>
    %shift_right_logical3A_713 = arith.constant 16 : i32
    %shift_right_logical3A_714 = vector.broadcast %shift_right_logical3A_713 : i32 to vector<16xi32>
    %shift_right_logical3A_715 = arith.shrui %get3A_695, %shift_right_logical3A_714 : vector<16xi32>
    %swap3A_716 = arith.constant 64 : index
    %swap3A_717 = tpu.vector_load %arg12[%swap3A_716] {strides = array<i32>} : memref<128xi32, #tpu.memory_space<vmem>>, vector<16xi32>,
    tpu.vector_store %arg12[%swap3A_716], %add3A_712 {strides = array<i32>} : memref<128xi32, #tpu.memory_space<vmem>>, vector<16xi32>,
    %swap3A_718 = arith.constant 64 : index
    %swap3A_719 = tpu.vector_load %arg16[%swap3A_718] {strides = array<i32>} : memref<128xi32, #tpu.memory_space<vmem>>, vector<16xi32>,
    tpu.vector_store %arg16[%swap3A_718], %shift_right_logical3A_715 {strides = array<i32>} : memref<128xi32, #tpu.memory_space<vmem>>, vector<16xi32>,
    %add3A_720 = arith.constant 64 : i32
    %add3A_721 = vector.broadcast %add3A_720 : i32 to vector<16xi32>
    %add3A_722 = arith.addi %add3A_721, %iota3A : vector<16xi32>
    %get3A_723 = arith.constant 64 : index
    %get3A_724 = tpu.vector_load %arg28[%get3A_723] {strides = array<i32>} : memref<128xi32, #tpu.memory_space<vmem>>, vector<16xi32>,
    tpu.vector_store_idx %arg24[%add3A_722, %get3A_724], %broadcast_in_dim3A_30 : memref<128x16xf32, #tpu.memory_space<vmem>>[vector<16xi32>, vector<16xi32>], vector<16xf32>,
    tpu.vector_store_idx %arg24[%add3A_722, %and3A_701], %broadcast_in_dim3A_28 : memref<128x16xf32, #tpu.memory_space<vmem>>[vector<16xi32>, vector<16xi32>], vector<16xf32>,
    %swap3A_725 = arith.constant 64 : index
    %swap3A_726 = tpu.vector_load %arg28[%swap3A_725] {strides = array<i32>} : memref<128xi32, #tpu.memory_space<vmem>>, vector<16xi32>,
    tpu.vector_store %arg28[%swap3A_725], %and3A_701 {strides = array<i32>} : memref<128xi32, #tpu.memory_space<vmem>>, vector<16xi32>,
    %get3A_727 = arith.constant 336 : index
    %get3A_728 = tpu.vector_load %arg8[%get3A_727] {strides = array<i32>} : memref<512xi32, #tpu.memory_space<vmem>>, vector<16xi32>,
    %shift_right_logical3A_729 = arith.constant 14 : i32
    %shift_right_logical3A_730 = vector.broadcast %shift_right_logical3A_729 : i32 to vector<16xi32>
    %shift_right_logical3A_731 = arith.shrui %get3A_728, %shift_right_logical3A_730 : vector<16xi32>
    %and3A_732 = arith.constant 3 : i32
    %and3A_733 = vector.broadcast %and3A_732 : i32 to vector<16xi32>
    %and3A_734 = arith.andi %shift_right_logical3A_731, %and3A_733 : vector<16xi32>
    %and3A_735 = arith.constant 16383 : i32
    %and3A_736 = vector.broadcast %and3A_735 : i32 to vector<16xi32>
    %and3A_737 = arith.andi %get3A_728, %and3A_736 : vector<16xi32>
    %mul3A_738 = arith.constant 3 : i32
    %mul3A_739 = arith.muli %arg0, %mul3A_738 : i32
    %add3A_740 = vector.broadcast %mul3A_739 : i32 to vector<16xi32>
    %add3A_741 = arith.addi %and3A_734, %add3A_740 : vector<16xi32>
    %mul3A_742 = arith.constant 10000 : i32
    %mul3A_743 = vector.broadcast %mul3A_742 : i32 to vector<16xi32>
    %mul3A_744 = arith.muli %add3A_741, %mul3A_743 : vector<16xi32>
    %add3A_745 = arith.addi %and3A_737, %mul3A_744 : vector<16xi32>
    %shift_right_logical3A_746 = arith.constant 16 : i32
    %shift_right_logical3A_747 = vector.broadcast %shift_right_logical3A_746 : i32 to vector<16xi32>
    %shift_right_logical3A_748 = arith.shrui %get3A_728, %shift_right_logical3A_747 : vector<16xi32>
    %swap3A_749 = arith.constant 80 : index
    %swap3A_750 = tpu.vector_load %arg12[%swap3A_749] {strides = array<i32>} : memref<128xi32, #tpu.memory_space<vmem>>, vector<16xi32>,
    tpu.vector_store %arg12[%swap3A_749], %add3A_745 {strides = array<i32>} : memref<128xi32, #tpu.memory_space<vmem>>, vector<16xi32>,
    %swap3A_751 = arith.constant 80 : index
    %swap3A_752 = tpu.vector_load %arg16[%swap3A_751] {strides = array<i32>} : memref<128xi32, #tpu.memory_space<vmem>>, vector<16xi32>,
    tpu.vector_store %arg16[%swap3A_751], %shift_right_logical3A_748 {strides = array<i32>} : memref<128xi32, #tpu.memory_space<vmem>>, vector<16xi32>,
    %add3A_753 = arith.constant 80 : i32
    %add3A_754 = vector.broadcast %add3A_753 : i32 to vector<16xi32>
    %add3A_755 = arith.addi %add3A_754, %iota3A : vector<16xi32>
    %get3A_756 = arith.constant 80 : index
    %get3A_757 = tpu.vector_load %arg28[%get3A_756] {strides = array<i32>} : memref<128xi32, #tpu.memory_space<vmem>>, vector<16xi32>,
    tpu.vector_store_idx %arg24[%add3A_755, %get3A_757], %broadcast_in_dim3A_30 : memref<128x16xf32, #tpu.memory_space<vmem>>[vector<16xi32>, vector<16xi32>], vector<16xf32>,
    tpu.vector_store_idx %arg24[%add3A_755, %and3A_734], %broadcast_in_dim3A_28 : memref<128x16xf32, #tpu.memory_space<vmem>>[vector<16xi32>, vector<16xi32>], vector<16xf32>,
    %swap3A_758 = arith.constant 80 : index
    %swap3A_759 = tpu.vector_load %arg28[%swap3A_758] {strides = array<i32>} : memref<128xi32, #tpu.memory_space<vmem>>, vector<16xi32>,
    tpu.vector_store %arg28[%swap3A_758], %and3A_734 {strides = array<i32>} : memref<128xi32, #tpu.memory_space<vmem>>, vector<16xi32>,
    %get3A_760 = arith.constant 352 : index
    %get3A_761 = tpu.vector_load %arg8[%get3A_760] {strides = array<i32>} : memref<512xi32, #tpu.memory_space<vmem>>, vector<16xi32>,
    %shift_right_logical3A_762 = arith.constant 14 : i32
    %shift_right_logical3A_763 = vector.broadcast %shift_right_logical3A_762 : i32 to vector<16xi32>
    %shift_right_logical3A_764 = arith.shrui %get3A_761, %shift_right_logical3A_763 : vector<16xi32>
    %and3A_765 = arith.constant 3 : i32
    %and3A_766 = vector.broadcast %and3A_765 : i32 to vector<16xi32>
    %and3A_767 = arith.andi %shift_right_logical3A_764, %and3A_766 : vector<16xi32>
    %and3A_768 = arith.constant 16383 : i32
    %and3A_769 = vector.broadcast %and3A_768 : i32 to vector<16xi32>
    %and3A_770 = arith.andi %get3A_761, %and3A_769 : vector<16xi32>
    %mul3A_771 = arith.constant 3 : i32
    %mul3A_772 = arith.muli %arg0, %mul3A_771 : i32
    %add3A_773 = vector.broadcast %mul3A_772 : i32 to vector<16xi32>
    %add3A_774 = arith.addi %and3A_767, %add3A_773 : vector<16xi32>
    %mul3A_775 = arith.constant 10000 : i32
    %mul3A_776 = vector.broadcast %mul3A_775 : i32 to vector<16xi32>
    %mul3A_777 = arith.muli %add3A_774, %mul3A_776 : vector<16xi32>
    %add3A_778 = arith.addi %and3A_770, %mul3A_777 : vector<16xi32>
    %shift_right_logical3A_779 = arith.constant 16 : i32
    %shift_right_logical3A_780 = vector.broadcast %shift_right_logical3A_779 : i32 to vector<16xi32>
    %shift_right_logical3A_781 = arith.shrui %get3A_761, %shift_right_logical3A_780 : vector<16xi32>
    %swap3A_782 = arith.constant 96 : index
    %swap3A_783 = tpu.vector_load %arg12[%swap3A_782] {strides = array<i32>} : memref<128xi32, #tpu.memory_space<vmem>>, vector<16xi32>,
    tpu.vector_store %arg12[%swap3A_782], %add3A_778 {strides = array<i32>} : memref<128xi32, #tpu.memory_space<vmem>>, vector<16xi32>,
    %swap3A_784 = arith.constant 96 : index
    %swap3A_785 = tpu.vector_load %arg16[%swap3A_784] {strides = array<i32>} : memref<128xi32, #tpu.memory_space<vmem>>, vector<16xi32>,
    tpu.vector_store %arg16[%swap3A_784], %shift_right_logical3A_781 {strides = array<i32>} : memref<128xi32, #tpu.memory_space<vmem>>, vector<16xi32>,
    %add3A_786 = arith.constant 96 : i32
    %add3A_787 = vector.broadcast %add3A_786 : i32 to vector<16xi32>
    %add3A_788 = arith.addi %add3A_787, %iota3A : vector<16xi32>
    %get3A_789 = arith.constant 96 : index
    %get3A_790 = tpu.vector_load %arg28[%get3A_789] {strides = array<i32>} : memref<128xi32, #tpu.memory_space<vmem>>, vector<16xi32>,
    tpu.vector_store_idx %arg24[%add3A_788, %get3A_790], %broadcast_in_dim3A_30 : memref<128x16xf32, #tpu.memory_space<vmem>>[vector<16xi32>, vector<16xi32>], vector<16xf32>,
    tpu.vector_store_idx %arg24[%add3A_788, %and3A_767], %broadcast_in_dim3A_28 : memref<128x16xf32, #tpu.memory_space<vmem>>[vector<16xi32>, vector<16xi32>], vector<16xf32>,
    %swap3A_791 = arith.constant 96 : index
    %swap3A_792 = tpu.vector_load %arg28[%swap3A_791] {strides = array<i32>} : memref<128xi32, #tpu.memory_space<vmem>>, vector<16xi32>,
    tpu.vector_store %arg28[%swap3A_791], %and3A_767 {strides = array<i32>} : memref<128xi32, #tpu.memory_space<vmem>>, vector<16xi32>,
    %get3A_793 = arith.constant 368 : index
    %get3A_794 = tpu.vector_load %arg8[%get3A_793] {strides = array<i32>} : memref<512xi32, #tpu.memory_space<vmem>>, vector<16xi32>,
    %shift_right_logical3A_795 = arith.constant 14 : i32
    %shift_right_logical3A_796 = vector.broadcast %shift_right_logical3A_795 : i32 to vector<16xi32>
    %shift_right_logical3A_797 = arith.shrui %get3A_794, %shift_right_logical3A_796 : vector<16xi32>
    %and3A_798 = arith.constant 3 : i32
    %and3A_799 = vector.broadcast %and3A_798 : i32 to vector<16xi32>
    %and3A_800 = arith.andi %shift_right_logical3A_797, %and3A_799 : vector<16xi32>
    %and3A_801 = arith.constant 16383 : i32
    %and3A_802 = vector.broadcast %and3A_801 : i32 to vector<16xi32>
    %and3A_803 = arith.andi %get3A_794, %and3A_802 : vector<16xi32>
    %mul3A_804 = arith.constant 3 : i32
    %mul3A_805 = arith.muli %arg0, %mul3A_804 : i32
    %add3A_806 = vector.broadcast %mul3A_805 : i32 to vector<16xi32>
    %add3A_807 = arith.addi %and3A_800, %add3A_806 : vector<16xi32>
    %mul3A_808 = arith.constant 10000 : i32
    %mul3A_809 = vector.broadcast %mul3A_808 : i32 to vector<16xi32>
    %mul3A_810 = arith.muli %add3A_807, %mul3A_809 : vector<16xi32>
    %add3A_811 = arith.addi %and3A_803, %mul3A_810 : vector<16xi32>
    %shift_right_logical3A_812 = arith.constant 16 : i32
    %shift_right_logical3A_813 = vector.broadcast %shift_right_logical3A_812 : i32 to vector<16xi32>
    %shift_right_logical3A_814 = arith.shrui %get3A_794, %shift_right_logical3A_813 : vector<16xi32>
    %swap3A_815 = arith.constant 112 : index
    %swap3A_816 = tpu.vector_load %arg12[%swap3A_815] {strides = array<i32>} : memref<128xi32, #tpu.memory_space<vmem>>, vector<16xi32>,
    tpu.vector_store %arg12[%swap3A_815], %add3A_811 {strides = array<i32>} : memref<128xi32, #tpu.memory_space<vmem>>, vector<16xi32>,
    %swap3A_817 = arith.constant 112 : index
    %swap3A_818 = tpu.vector_load %arg16[%swap3A_817] {strides = array<i32>} : memref<128xi32, #tpu.memory_space<vmem>>, vector<16xi32>,
    tpu.vector_store %arg16[%swap3A_817], %shift_right_logical3A_814 {strides = array<i32>} : memref<128xi32, #tpu.memory_space<vmem>>, vector<16xi32>,
    %add3A_819 = arith.constant 112 : i32
    %add3A_820 = vector.broadcast %add3A_819 : i32 to vector<16xi32>
    %add3A_821 = arith.addi %add3A_820, %iota3A : vector<16xi32>
    %get3A_822 = arith.constant 112 : index
    %get3A_823 = tpu.vector_load %arg28[%get3A_822] {strides = array<i32>} : memref<128xi32, #tpu.memory_space<vmem>>, vector<16xi32>,
    tpu.vector_store_idx %arg24[%add3A_821, %get3A_823], %broadcast_in_dim3A_30 : memref<128x16xf32, #tpu.memory_space<vmem>>[vector<16xi32>, vector<16xi32>], vector<16xf32>,
    tpu.vector_store_idx %arg24[%add3A_821, %and3A_800], %broadcast_in_dim3A_28 : memref<128x16xf32, #tpu.memory_space<vmem>>[vector<16xi32>, vector<16xi32>], vector<16xf32>,
    %swap3A_824 = arith.constant 112 : index
    %swap3A_825 = tpu.vector_load %arg28[%swap3A_824] {strides = array<i32>} : memref<128xi32, #tpu.memory_space<vmem>>, vector<16xi32>,
    tpu.vector_store %arg28[%swap3A_824], %and3A_800 {strides = array<i32>} : memref<128xi32, #tpu.memory_space<vmem>>, vector<16xi32>,
    %dma_start3A_826 = arith.constant 0 : i32
    %dma_start3A_827 = arith.constant 0 : i32
    %dma_start3A_828 = tpu.memref_slice %arg2[%dma_start3A_826, %dma_start3A_827] : memref<60000x64xf32, #tpu.memory_space<hbm>> -> memref<60000x64xf32, #tpu.memory_space<hbm>>
    tpu.enqueue_indirect_dma source(%dma_start3A_828 : memref<60000x64xf32, #tpu.memory_space<hbm>>) target(%arg20 : memref<128x64xf32, #tpu.memory_space<vmem>>) offsets(%arg12 : memref<128xi32, #tpu.memory_space<vmem>>) semaphore(%arg36 : memref<!tpu.dma_semaphore, #tpu.memory_space<semaphore_mem>>)
    %get3A_829 = arith.constant 384 : index
    %get3A_830 = tpu.vector_load %arg8[%get3A_829] {strides = array<i32>} : memref<512xi32, #tpu.memory_space<vmem>>, vector<16xi32>,
    %shift_right_logical3A_831 = arith.constant 14 : i32
    %shift_right_logical3A_832 = vector.broadcast %shift_right_logical3A_831 : i32 to vector<16xi32>
    %shift_right_logical3A_833 = arith.shrui %get3A_830, %shift_right_logical3A_832 : vector<16xi32>
    %and3A_834 = arith.constant 3 : i32
    %and3A_835 = vector.broadcast %and3A_834 : i32 to vector<16xi32>
    %and3A_836 = arith.andi %shift_right_logical3A_833, %and3A_835 : vector<16xi32>
    %and3A_837 = arith.constant 16383 : i32
    %and3A_838 = vector.broadcast %and3A_837 : i32 to vector<16xi32>
    %and3A_839 = arith.andi %get3A_830, %and3A_838 : vector<16xi32>
    %mul3A_840 = arith.constant 3 : i32
    %mul3A_841 = arith.muli %arg0, %mul3A_840 : i32
    %add3A_842 = vector.broadcast %mul3A_841 : i32 to vector<16xi32>
    %add3A_843 = arith.addi %and3A_836, %add3A_842 : vector<16xi32>
    %mul3A_844 = arith.constant 10000 : i32
    %mul3A_845 = vector.broadcast %mul3A_844 : i32 to vector<16xi32>
    %mul3A_846 = arith.muli %add3A_843, %mul3A_845 : vector<16xi32>
    %add3A_847 = arith.addi %and3A_839, %mul3A_846 : vector<16xi32>
    %shift_right_logical3A_848 = arith.constant 16 : i32
    %shift_right_logical3A_849 = vector.broadcast %shift_right_logical3A_848 : i32 to vector<16xi32>
    %shift_right_logical3A_850 = arith.shrui %get3A_830, %shift_right_logical3A_849 : vector<16xi32>
    %swap3A_851 = arith.constant 0 : index
    %swap3A_852 = tpu.vector_load %arg13[%swap3A_851] {strides = array<i32>} : memref<128xi32, #tpu.memory_space<vmem>>, vector<16xi32>,
    tpu.vector_store %arg13[%swap3A_851], %add3A_847 {strides = array<i32>} : memref<128xi32, #tpu.memory_space<vmem>>, vector<16xi32>,
    %swap3A_853 = arith.constant 0 : index
    %swap3A_854 = tpu.vector_load %arg17[%swap3A_853] {strides = array<i32>} : memref<128xi32, #tpu.memory_space<vmem>>, vector<16xi32>,
    tpu.vector_store %arg17[%swap3A_853], %shift_right_logical3A_850 {strides = array<i32>} : memref<128xi32, #tpu.memory_space<vmem>>, vector<16xi32>,
    %add3A_855 = arith.constant 0 : i32
    %add3A_856 = vector.broadcast %add3A_855 : i32 to vector<16xi32>
    %add3A_857 = arith.addi %add3A_856, %iota3A : vector<16xi32>
    %get3A_858 = arith.constant 0 : index
    %get3A_859 = tpu.vector_load %arg29[%get3A_858] {strides = array<i32>} : memref<128xi32, #tpu.memory_space<vmem>>, vector<16xi32>,
    tpu.vector_store_idx %arg25[%add3A_857, %get3A_859], %broadcast_in_dim3A_30 : memref<128x16xf32, #tpu.memory_space<vmem>>[vector<16xi32>, vector<16xi32>], vector<16xf32>,
    tpu.vector_store_idx %arg25[%add3A_857, %and3A_836], %broadcast_in_dim3A_28 : memref<128x16xf32, #tpu.memory_space<vmem>>[vector<16xi32>, vector<16xi32>], vector<16xf32>,
    %swap3A_860 = arith.constant 0 : index
    %swap3A_861 = tpu.vector_load %arg29[%swap3A_860] {strides = array<i32>} : memref<128xi32, #tpu.memory_space<vmem>>, vector<16xi32>,
    tpu.vector_store %arg29[%swap3A_860], %and3A_836 {strides = array<i32>} : memref<128xi32, #tpu.memory_space<vmem>>, vector<16xi32>,
    %get3A_862 = arith.constant 400 : index
    %get3A_863 = tpu.vector_load %arg8[%get3A_862] {strides = array<i32>} : memref<512xi32, #tpu.memory_space<vmem>>, vector<16xi32>,
    %shift_right_logical3A_864 = arith.constant 14 : i32
    %shift_right_logical3A_865 = vector.broadcast %shift_right_logical3A_864 : i32 to vector<16xi32>
    %shift_right_logical3A_866 = arith.shrui %get3A_863, %shift_right_logical3A_865 : vector<16xi32>
    %and3A_867 = arith.constant 3 : i32
    %and3A_868 = vector.broadcast %and3A_867 : i32 to vector<16xi32>
    %and3A_869 = arith.andi %shift_right_logical3A_866, %and3A_868 : vector<16xi32>
    %and3A_870 = arith.constant 16383 : i32
    %and3A_871 = vector.broadcast %and3A_870 : i32 to vector<16xi32>
    %and3A_872 = arith.andi %get3A_863, %and3A_871 : vector<16xi32>
    %mul3A_873 = arith.constant 3 : i32
    %mul3A_874 = arith.muli %arg0, %mul3A_873 : i32
    %add3A_875 = vector.broadcast %mul3A_874 : i32 to vector<16xi32>
    %add3A_876 = arith.addi %and3A_869, %add3A_875 : vector<16xi32>
    %mul3A_877 = arith.constant 10000 : i32
    %mul3A_878 = vector.broadcast %mul3A_877 : i32 to vector<16xi32>
    %mul3A_879 = arith.muli %add3A_876, %mul3A_878 : vector<16xi32>
    %add3A_880 = arith.addi %and3A_872, %mul3A_879 : vector<16xi32>
    %shift_right_logical3A_881 = arith.constant 16 : i32
    %shift_right_logical3A_882 = vector.broadcast %shift_right_logical3A_881 : i32 to vector<16xi32>
    %shift_right_logical3A_883 = arith.shrui %get3A_863, %shift_right_logical3A_882 : vector<16xi32>
    %swap3A_884 = arith.constant 16 : index
    %swap3A_885 = tpu.vector_load %arg13[%swap3A_884] {strides = array<i32>} : memref<128xi32, #tpu.memory_space<vmem>>, vector<16xi32>,
    tpu.vector_store %arg13[%swap3A_884], %add3A_880 {strides = array<i32>} : memref<128xi32, #tpu.memory_space<vmem>>, vector<16xi32>,
    %swap3A_886 = arith.constant 16 : index
    %swap3A_887 = tpu.vector_load %arg17[%swap3A_886] {strides = array<i32>} : memref<128xi32, #tpu.memory_space<vmem>>, vector<16xi32>,
    tpu.vector_store %arg17[%swap3A_886], %shift_right_logical3A_883 {strides = array<i32>} : memref<128xi32, #tpu.memory_space<vmem>>, vector<16xi32>,
    %add3A_888 = arith.constant 16 : i32
    %add3A_889 = vector.broadcast %add3A_888 : i32 to vector<16xi32>
    %add3A_890 = arith.addi %add3A_889, %iota3A : vector<16xi32>
    %get3A_891 = arith.constant 16 : index
    %get3A_892 = tpu.vector_load %arg29[%get3A_891] {strides = array<i32>} : memref<128xi32, #tpu.memory_space<vmem>>, vector<16xi32>,
    tpu.vector_store_idx %arg25[%add3A_890, %get3A_892], %broadcast_in_dim3A_30 : memref<128x16xf32, #tpu.memory_space<vmem>>[vector<16xi32>, vector<16xi32>], vector<16xf32>,
    tpu.vector_store_idx %arg25[%add3A_890, %and3A_869], %broadcast_in_dim3A_28 : memref<128x16xf32, #tpu.memory_space<vmem>>[vector<16xi32>, vector<16xi32>], vector<16xf32>,
    %swap3A_893 = arith.constant 16 : index
    %swap3A_894 = tpu.vector_load %arg29[%swap3A_893] {strides = array<i32>} : memref<128xi32, #tpu.memory_space<vmem>>, vector<16xi32>,
    tpu.vector_store %arg29[%swap3A_893], %and3A_869 {strides = array<i32>} : memref<128xi32, #tpu.memory_space<vmem>>, vector<16xi32>,
    %get3A_895 = arith.constant 416 : index
    %get3A_896 = tpu.vector_load %arg8[%get3A_895] {strides = array<i32>} : memref<512xi32, #tpu.memory_space<vmem>>, vector<16xi32>,
    %shift_right_logical3A_897 = arith.constant 14 : i32
    %shift_right_logical3A_898 = vector.broadcast %shift_right_logical3A_897 : i32 to vector<16xi32>
    %shift_right_logical3A_899 = arith.shrui %get3A_896, %shift_right_logical3A_898 : vector<16xi32>
    %and3A_900 = arith.constant 3 : i32
    %and3A_901 = vector.broadcast %and3A_900 : i32 to vector<16xi32>
    %and3A_902 = arith.andi %shift_right_logical3A_899, %and3A_901 : vector<16xi32>
    %and3A_903 = arith.constant 16383 : i32
    %and3A_904 = vector.broadcast %and3A_903 : i32 to vector<16xi32>
    %and3A_905 = arith.andi %get3A_896, %and3A_904 : vector<16xi32>
    %mul3A_906 = arith.constant 3 : i32
    %mul3A_907 = arith.muli %arg0, %mul3A_906 : i32
    %add3A_908 = vector.broadcast %mul3A_907 : i32 to vector<16xi32>
    %add3A_909 = arith.addi %and3A_902, %add3A_908 : vector<16xi32>
    %mul3A_910 = arith.constant 10000 : i32
    %mul3A_911 = vector.broadcast %mul3A_910 : i32 to vector<16xi32>
    %mul3A_912 = arith.muli %add3A_909, %mul3A_911 : vector<16xi32>
    %add3A_913 = arith.addi %and3A_905, %mul3A_912 : vector<16xi32>
    %shift_right_logical3A_914 = arith.constant 16 : i32
    %shift_right_logical3A_915 = vector.broadcast %shift_right_logical3A_914 : i32 to vector<16xi32>
    %shift_right_logical3A_916 = arith.shrui %get3A_896, %shift_right_logical3A_915 : vector<16xi32>
    %swap3A_917 = arith.constant 32 : index
    %swap3A_918 = tpu.vector_load %arg13[%swap3A_917] {strides = array<i32>} : memref<128xi32, #tpu.memory_space<vmem>>, vector<16xi32>,
    tpu.vector_store %arg13[%swap3A_917], %add3A_913 {strides = array<i32>} : memref<128xi32, #tpu.memory_space<vmem>>, vector<16xi32>,
    %swap3A_919 = arith.constant 32 : index
    %swap3A_920 = tpu.vector_load %arg17[%swap3A_919] {strides = array<i32>} : memref<128xi32, #tpu.memory_space<vmem>>, vector<16xi32>,
    tpu.vector_store %arg17[%swap3A_919], %shift_right_logical3A_916 {strides = array<i32>} : memref<128xi32, #tpu.memory_space<vmem>>, vector<16xi32>,
    %add3A_921 = arith.constant 32 : i32
    %add3A_922 = vector.broadcast %add3A_921 : i32 to vector<16xi32>
    %add3A_923 = arith.addi %add3A_922, %iota3A : vector<16xi32>
    %get3A_924 = arith.constant 32 : index
    %get3A_925 = tpu.vector_load %arg29[%get3A_924] {strides = array<i32>} : memref<128xi32, #tpu.memory_space<vmem>>, vector<16xi32>,
    tpu.vector_store_idx %arg25[%add3A_923, %get3A_925], %broadcast_in_dim3A_30 : memref<128x16xf32, #tpu.memory_space<vmem>>[vector<16xi32>, vector<16xi32>], vector<16xf32>,
    tpu.vector_store_idx %arg25[%add3A_923, %and3A_902], %broadcast_in_dim3A_28 : memref<128x16xf32, #tpu.memory_space<vmem>>[vector<16xi32>, vector<16xi32>], vector<16xf32>,
    %swap3A_926 = arith.constant 32 : index
    %swap3A_927 = tpu.vector_load %arg29[%swap3A_926] {strides = array<i32>} : memref<128xi32, #tpu.memory_space<vmem>>, vector<16xi32>,
    tpu.vector_store %arg29[%swap3A_926], %and3A_902 {strides = array<i32>} : memref<128xi32, #tpu.memory_space<vmem>>, vector<16xi32>,
    %get3A_928 = arith.constant 432 : index
    %get3A_929 = tpu.vector_load %arg8[%get3A_928] {strides = array<i32>} : memref<512xi32, #tpu.memory_space<vmem>>, vector<16xi32>,
    %shift_right_logical3A_930 = arith.constant 14 : i32
    %shift_right_logical3A_931 = vector.broadcast %shift_right_logical3A_930 : i32 to vector<16xi32>
    %shift_right_logical3A_932 = arith.shrui %get3A_929, %shift_right_logical3A_931 : vector<16xi32>
    %and3A_933 = arith.constant 3 : i32
    %and3A_934 = vector.broadcast %and3A_933 : i32 to vector<16xi32>
    %and3A_935 = arith.andi %shift_right_logical3A_932, %and3A_934 : vector<16xi32>
    %and3A_936 = arith.constant 16383 : i32
    %and3A_937 = vector.broadcast %and3A_936 : i32 to vector<16xi32>
    %and3A_938 = arith.andi %get3A_929, %and3A_937 : vector<16xi32>
    %mul3A_939 = arith.constant 3 : i32
    %mul3A_940 = arith.muli %arg0, %mul3A_939 : i32
    %add3A_941 = vector.broadcast %mul3A_940 : i32 to vector<16xi32>
    %add3A_942 = arith.addi %and3A_935, %add3A_941 : vector<16xi32>
    %mul3A_943 = arith.constant 10000 : i32
    %mul3A_944 = vector.broadcast %mul3A_943 : i32 to vector<16xi32>
    %mul3A_945 = arith.muli %add3A_942, %mul3A_944 : vector<16xi32>
    %add3A_946 = arith.addi %and3A_938, %mul3A_945 : vector<16xi32>
    %shift_right_logical3A_947 = arith.constant 16 : i32
    %shift_right_logical3A_948 = vector.broadcast %shift_right_logical3A_947 : i32 to vector<16xi32>
    %shift_right_logical3A_949 = arith.shrui %get3A_929, %shift_right_logical3A_948 : vector<16xi32>
    %swap3A_950 = arith.constant 48 : index
    %swap3A_951 = tpu.vector_load %arg13[%swap3A_950] {strides = array<i32>} : memref<128xi32, #tpu.memory_space<vmem>>, vector<16xi32>,
    tpu.vector_store %arg13[%swap3A_950], %add3A_946 {strides = array<i32>} : memref<128xi32, #tpu.memory_space<vmem>>, vector<16xi32>,
    %swap3A_952 = arith.constant 48 : index
    %swap3A_953 = tpu.vector_load %arg17[%swap3A_952] {strides = array<i32>} : memref<128xi32, #tpu.memory_space<vmem>>, vector<16xi32>,
    tpu.vector_store %arg17[%swap3A_952], %shift_right_logical3A_949 {strides = array<i32>} : memref<128xi32, #tpu.memory_space<vmem>>, vector<16xi32>,
    %add3A_954 = arith.constant 48 : i32
    %add3A_955 = vector.broadcast %add3A_954 : i32 to vector<16xi32>
    %add3A_956 = arith.addi %add3A_955, %iota3A : vector<16xi32>
    %get3A_957 = arith.constant 48 : index
    %get3A_958 = tpu.vector_load %arg29[%get3A_957] {strides = array<i32>} : memref<128xi32, #tpu.memory_space<vmem>>, vector<16xi32>,
    tpu.vector_store_idx %arg25[%add3A_956, %get3A_958], %broadcast_in_dim3A_30 : memref<128x16xf32, #tpu.memory_space<vmem>>[vector<16xi32>, vector<16xi32>], vector<16xf32>,
    tpu.vector_store_idx %arg25[%add3A_956, %and3A_935], %broadcast_in_dim3A_28 : memref<128x16xf32, #tpu.memory_space<vmem>>[vector<16xi32>, vector<16xi32>], vector<16xf32>,
    %swap3A_959 = arith.constant 48 : index
    %swap3A_960 = tpu.vector_load %arg29[%swap3A_959] {strides = array<i32>} : memref<128xi32, #tpu.memory_space<vmem>>, vector<16xi32>,
    tpu.vector_store %arg29[%swap3A_959], %and3A_935 {strides = array<i32>} : memref<128xi32, #tpu.memory_space<vmem>>, vector<16xi32>,
    %get3A_961 = arith.constant 448 : index
    %get3A_962 = tpu.vector_load %arg8[%get3A_961] {strides = array<i32>} : memref<512xi32, #tpu.memory_space<vmem>>, vector<16xi32>,
    %shift_right_logical3A_963 = arith.constant 14 : i32
    %shift_right_logical3A_964 = vector.broadcast %shift_right_logical3A_963 : i32 to vector<16xi32>
    %shift_right_logical3A_965 = arith.shrui %get3A_962, %shift_right_logical3A_964 : vector<16xi32>
    %and3A_966 = arith.constant 3 : i32
    %and3A_967 = vector.broadcast %and3A_966 : i32 to vector<16xi32>
    %and3A_968 = arith.andi %shift_right_logical3A_965, %and3A_967 : vector<16xi32>
    %and3A_969 = arith.constant 16383 : i32
    %and3A_970 = vector.broadcast %and3A_969 : i32 to vector<16xi32>
    %and3A_971 = arith.andi %get3A_962, %and3A_970 : vector<16xi32>
    %mul3A_972 = arith.constant 3 : i32
    %mul3A_973 = arith.muli %arg0, %mul3A_972 : i32
    %add3A_974 = vector.broadcast %mul3A_973 : i32 to vector<16xi32>
    %add3A_975 = arith.addi %and3A_968, %add3A_974 : vector<16xi32>
    %mul3A_976 = arith.constant 10000 : i32
    %mul3A_977 = vector.broadcast %mul3A_976 : i32 to vector<16xi32>
    %mul3A_978 = arith.muli %add3A_975, %mul3A_977 : vector<16xi32>
    %add3A_979 = arith.addi %and3A_971, %mul3A_978 : vector<16xi32>
    %shift_right_logical3A_980 = arith.constant 16 : i32
    %shift_right_logical3A_981 = vector.broadcast %shift_right_logical3A_980 : i32 to vector<16xi32>
    %shift_right_logical3A_982 = arith.shrui %get3A_962, %shift_right_logical3A_981 : vector<16xi32>
    %swap3A_983 = arith.constant 64 : index
    %swap3A_984 = tpu.vector_load %arg13[%swap3A_983] {strides = array<i32>} : memref<128xi32, #tpu.memory_space<vmem>>, vector<16xi32>,
    tpu.vector_store %arg13[%swap3A_983], %add3A_979 {strides = array<i32>} : memref<128xi32, #tpu.memory_space<vmem>>, vector<16xi32>,
    %swap3A_985 = arith.constant 64 : index
    %swap3A_986 = tpu.vector_load %arg17[%swap3A_985] {strides = array<i32>} : memref<128xi32, #tpu.memory_space<vmem>>, vector<16xi32>,
    tpu.vector_store %arg17[%swap3A_985], %shift_right_logical3A_982 {strides = array<i32>} : memref<128xi32, #tpu.memory_space<vmem>>, vector<16xi32>,
    %add3A_987 = arith.constant 64 : i32
    %add3A_988 = vector.broadcast %add3A_987 : i32 to vector<16xi32>
    %add3A_989 = arith.addi %add3A_988, %iota3A : vector<16xi32>
    %get3A_990 = arith.constant 64 : index
    %get3A_991 = tpu.vector_load %arg29[%get3A_990] {strides = array<i32>} : memref<128xi32, #tpu.memory_space<vmem>>, vector<16xi32>,
    tpu.vector_store_idx %arg25[%add3A_989, %get3A_991], %broadcast_in_dim3A_30 : memref<128x16xf32, #tpu.memory_space<vmem>>[vector<16xi32>, vector<16xi32>], vector<16xf32>,
    tpu.vector_store_idx %arg25[%add3A_989, %and3A_968], %broadcast_in_dim3A_28 : memref<128x16xf32, #tpu.memory_space<vmem>>[vector<16xi32>, vector<16xi32>], vector<16xf32>,
    %swap3A_992 = arith.constant 64 : index
    %swap3A_993 = tpu.vector_load %arg29[%swap3A_992] {strides = array<i32>} : memref<128xi32, #tpu.memory_space<vmem>>, vector<16xi32>,
    tpu.vector_store %arg29[%swap3A_992], %and3A_968 {strides = array<i32>} : memref<128xi32, #tpu.memory_space<vmem>>, vector<16xi32>,
    %get3A_994 = arith.constant 464 : index
    %get3A_995 = tpu.vector_load %arg8[%get3A_994] {strides = array<i32>} : memref<512xi32, #tpu.memory_space<vmem>>, vector<16xi32>,
    %shift_right_logical3A_996 = arith.constant 14 : i32
    %shift_right_logical3A_997 = vector.broadcast %shift_right_logical3A_996 : i32 to vector<16xi32>
    %shift_right_logical3A_998 = arith.shrui %get3A_995, %shift_right_logical3A_997 : vector<16xi32>
    %and3A_999 = arith.constant 3 : i32
    %and3A_1000 = vector.broadcast %and3A_999 : i32 to vector<16xi32>
    %and3A_1001 = arith.andi %shift_right_logical3A_998, %and3A_1000 : vector<16xi32>
    %and3A_1002 = arith.constant 16383 : i32
    %and3A_1003 = vector.broadcast %and3A_1002 : i32 to vector<16xi32>
    %and3A_1004 = arith.andi %get3A_995, %and3A_1003 : vector<16xi32>
    %mul3A_1005 = arith.constant 3 : i32
    %mul3A_1006 = arith.muli %arg0, %mul3A_1005 : i32
    %add3A_1007 = vector.broadcast %mul3A_1006 : i32 to vector<16xi32>
    %add3A_1008 = arith.addi %and3A_1001, %add3A_1007 : vector<16xi32>
    %mul3A_1009 = arith.constant 10000 : i32
    %mul3A_1010 = vector.broadcast %mul3A_1009 : i32 to vector<16xi32>
    %mul3A_1011 = arith.muli %add3A_1008, %mul3A_1010 : vector<16xi32>
    %add3A_1012 = arith.addi %and3A_1004, %mul3A_1011 : vector<16xi32>
    %shift_right_logical3A_1013 = arith.constant 16 : i32
    %shift_right_logical3A_1014 = vector.broadcast %shift_right_logical3A_1013 : i32 to vector<16xi32>
    %shift_right_logical3A_1015 = arith.shrui %get3A_995, %shift_right_logical3A_1014 : vector<16xi32>
    %swap3A_1016 = arith.constant 80 : index
    %swap3A_1017 = tpu.vector_load %arg13[%swap3A_1016] {strides = array<i32>} : memref<128xi32, #tpu.memory_space<vmem>>, vector<16xi32>,
    tpu.vector_store %arg13[%swap3A_1016], %add3A_1012 {strides = array<i32>} : memref<128xi32, #tpu.memory_space<vmem>>, vector<16xi32>,
    %swap3A_1018 = arith.constant 80 : index
    %swap3A_1019 = tpu.vector_load %arg17[%swap3A_1018] {strides = array<i32>} : memref<128xi32, #tpu.memory_space<vmem>>, vector<16xi32>,
    tpu.vector_store %arg17[%swap3A_1018], %shift_right_logical3A_1015 {strides = array<i32>} : memref<128xi32, #tpu.memory_space<vmem>>, vector<16xi32>,
    %add3A_1020 = arith.constant 80 : i32
    %add3A_1021 = vector.broadcast %add3A_1020 : i32 to vector<16xi32>
    %add3A_1022 = arith.addi %add3A_1021, %iota3A : vector<16xi32>
    %get3A_1023 = arith.constant 80 : index
    %get3A_1024 = tpu.vector_load %arg29[%get3A_1023] {strides = array<i32>} : memref<128xi32, #tpu.memory_space<vmem>>, vector<16xi32>,
    tpu.vector_store_idx %arg25[%add3A_1022, %get3A_1024], %broadcast_in_dim3A_30 : memref<128x16xf32, #tpu.memory_space<vmem>>[vector<16xi32>, vector<16xi32>], vector<16xf32>,
    tpu.vector_store_idx %arg25[%add3A_1022, %and3A_1001], %broadcast_in_dim3A_28 : memref<128x16xf32, #tpu.memory_space<vmem>>[vector<16xi32>, vector<16xi32>], vector<16xf32>,
    %swap3A_1025 = arith.constant 80 : index
    %swap3A_1026 = tpu.vector_load %arg29[%swap3A_1025] {strides = array<i32>} : memref<128xi32, #tpu.memory_space<vmem>>, vector<16xi32>,
    tpu.vector_store %arg29[%swap3A_1025], %and3A_1001 {strides = array<i32>} : memref<128xi32, #tpu.memory_space<vmem>>, vector<16xi32>,
    %get3A_1027 = arith.constant 480 : index
    %get3A_1028 = tpu.vector_load %arg8[%get3A_1027] {strides = array<i32>} : memref<512xi32, #tpu.memory_space<vmem>>, vector<16xi32>,
    %shift_right_logical3A_1029 = arith.constant 14 : i32
    %shift_right_logical3A_1030 = vector.broadcast %shift_right_logical3A_1029 : i32 to vector<16xi32>
    %shift_right_logical3A_1031 = arith.shrui %get3A_1028, %shift_right_logical3A_1030 : vector<16xi32>
    %and3A_1032 = arith.constant 3 : i32
    %and3A_1033 = vector.broadcast %and3A_1032 : i32 to vector<16xi32>
    %and3A_1034 = arith.andi %shift_right_logical3A_1031, %and3A_1033 : vector<16xi32>
    %and3A_1035 = arith.constant 16383 : i32
    %and3A_1036 = vector.broadcast %and3A_1035 : i32 to vector<16xi32>
    %and3A_1037 = arith.andi %get3A_1028, %and3A_1036 : vector<16xi32>
    %mul3A_1038 = arith.constant 3 : i32
    %mul3A_1039 = arith.muli %arg0, %mul3A_1038 : i32
    %add3A_1040 = vector.broadcast %mul3A_1039 : i32 to vector<16xi32>
    %add3A_1041 = arith.addi %and3A_1034, %add3A_1040 : vector<16xi32>
    %mul3A_1042 = arith.constant 10000 : i32
    %mul3A_1043 = vector.broadcast %mul3A_1042 : i32 to vector<16xi32>
    %mul3A_1044 = arith.muli %add3A_1041, %mul3A_1043 : vector<16xi32>
    %add3A_1045 = arith.addi %and3A_1037, %mul3A_1044 : vector<16xi32>
    %shift_right_logical3A_1046 = arith.constant 16 : i32
    %shift_right_logical3A_1047 = vector.broadcast %shift_right_logical3A_1046 : i32 to vector<16xi32>
    %shift_right_logical3A_1048 = arith.shrui %get3A_1028, %shift_right_logical3A_1047 : vector<16xi32>
    %swap3A_1049 = arith.constant 96 : index
    %swap3A_1050 = tpu.vector_load %arg13[%swap3A_1049] {strides = array<i32>} : memref<128xi32, #tpu.memory_space<vmem>>, vector<16xi32>,
    tpu.vector_store %arg13[%swap3A_1049], %add3A_1045 {strides = array<i32>} : memref<128xi32, #tpu.memory_space<vmem>>, vector<16xi32>,
    %swap3A_1051 = arith.constant 96 : index
    %swap3A_1052 = tpu.vector_load %arg17[%swap3A_1051] {strides = array<i32>} : memref<128xi32, #tpu.memory_space<vmem>>, vector<16xi32>,
    tpu.vector_store %arg17[%swap3A_1051], %shift_right_logical3A_1048 {strides = array<i32>} : memref<128xi32, #tpu.memory_space<vmem>>, vector<16xi32>,
    %add3A_1053 = arith.constant 96 : i32
    %add3A_1054 = vector.broadcast %add3A_1053 : i32 to vector<16xi32>
    %add3A_1055 = arith.addi %add3A_1054, %iota3A : vector<16xi32>
    %get3A_1056 = arith.constant 96 : index
    %get3A_1057 = tpu.vector_load %arg29[%get3A_1056] {strides = array<i32>} : memref<128xi32, #tpu.memory_space<vmem>>, vector<16xi32>,
    tpu.vector_store_idx %arg25[%add3A_1055, %get3A_1057], %broadcast_in_dim3A_30 : memref<128x16xf32, #tpu.memory_space<vmem>>[vector<16xi32>, vector<16xi32>], vector<16xf32>,
    tpu.vector_store_idx %arg25[%add3A_1055, %and3A_1034], %broadcast_in_dim3A_28 : memref<128x16xf32, #tpu.memory_space<vmem>>[vector<16xi32>, vector<16xi32>], vector<16xf32>,
    %swap3A_1058 = arith.constant 96 : index
    %swap3A_1059 = tpu.vector_load %arg29[%swap3A_1058] {strides = array<i32>} : memref<128xi32, #tpu.memory_space<vmem>>, vector<16xi32>,
    tpu.vector_store %arg29[%swap3A_1058], %and3A_1034 {strides = array<i32>} : memref<128xi32, #tpu.memory_space<vmem>>, vector<16xi32>,
    %get3A_1060 = arith.constant 496 : index
    %get3A_1061 = tpu.vector_load %arg8[%get3A_1060] {strides = array<i32>} : memref<512xi32, #tpu.memory_space<vmem>>, vector<16xi32>,
    %shift_right_logical3A_1062 = arith.constant 14 : i32
    %shift_right_logical3A_1063 = vector.broadcast %shift_right_logical3A_1062 : i32 to vector<16xi32>
    %shift_right_logical3A_1064 = arith.shrui %get3A_1061, %shift_right_logical3A_1063 : vector<16xi32>
    %and3A_1065 = arith.constant 3 : i32
    %and3A_1066 = vector.broadcast %and3A_1065 : i32 to vector<16xi32>
    %and3A_1067 = arith.andi %shift_right_logical3A_1064, %and3A_1066 : vector<16xi32>
    %and3A_1068 = arith.constant 16383 : i32
    %and3A_1069 = vector.broadcast %and3A_1068 : i32 to vector<16xi32>
    %and3A_1070 = arith.andi %get3A_1061, %and3A_1069 : vector<16xi32>
    %mul3A_1071 = arith.constant 3 : i32
    %mul3A_1072 = arith.muli %arg0, %mul3A_1071 : i32
    %add3A_1073 = vector.broadcast %mul3A_1072 : i32 to vector<16xi32>
    %add3A_1074 = arith.addi %and3A_1067, %add3A_1073 : vector<16xi32>
    %mul3A_1075 = arith.constant 10000 : i32
    %mul3A_1076 = vector.broadcast %mul3A_1075 : i32 to vector<16xi32>
    %mul3A_1077 = arith.muli %add3A_1074, %mul3A_1076 : vector<16xi32>
    %add3A_1078 = arith.addi %and3A_1070, %mul3A_1077 : vector<16xi32>
    %shift_right_logical3A_1079 = arith.constant 16 : i32
    %shift_right_logical3A_1080 = vector.broadcast %shift_right_logical3A_1079 : i32 to vector<16xi32>
    %shift_right_logical3A_1081 = arith.shrui %get3A_1061, %shift_right_logical3A_1080 : vector<16xi32>
    %swap3A_1082 = arith.constant 112 : index
    %swap3A_1083 = tpu.vector_load %arg13[%swap3A_1082] {strides = array<i32>} : memref<128xi32, #tpu.memory_space<vmem>>, vector<16xi32>,
    tpu.vector_store %arg13[%swap3A_1082], %add3A_1078 {strides = array<i32>} : memref<128xi32, #tpu.memory_space<vmem>>, vector<16xi32>,
    %swap3A_1084 = arith.constant 112 : index
    %swap3A_1085 = tpu.vector_load %arg17[%swap3A_1084] {strides = array<i32>} : memref<128xi32, #tpu.memory_space<vmem>>, vector<16xi32>,
    tpu.vector_store %arg17[%swap3A_1084], %shift_right_logical3A_1081 {strides = array<i32>} : memref<128xi32, #tpu.memory_space<vmem>>, vector<16xi32>,
    %add3A_1086 = arith.constant 112 : i32
    %add3A_1087 = vector.broadcast %add3A_1086 : i32 to vector<16xi32>
    %add3A_1088 = arith.addi %add3A_1087, %iota3A : vector<16xi32>
    %get3A_1089 = arith.constant 112 : index
    %get3A_1090 = tpu.vector_load %arg29[%get3A_1089] {strides = array<i32>} : memref<128xi32, #tpu.memory_space<vmem>>, vector<16xi32>,
    tpu.vector_store_idx %arg25[%add3A_1088, %get3A_1090], %broadcast_in_dim3A_30 : memref<128x16xf32, #tpu.memory_space<vmem>>[vector<16xi32>, vector<16xi32>], vector<16xf32>,
    tpu.vector_store_idx %arg25[%add3A_1088, %and3A_1067], %broadcast_in_dim3A_28 : memref<128x16xf32, #tpu.memory_space<vmem>>[vector<16xi32>, vector<16xi32>], vector<16xf32>,
    %swap3A_1091 = arith.constant 112 : index
    %swap3A_1092 = tpu.vector_load %arg29[%swap3A_1091] {strides = array<i32>} : memref<128xi32, #tpu.memory_space<vmem>>, vector<16xi32>,
    tpu.vector_store %arg29[%swap3A_1091], %and3A_1067 {strides = array<i32>} : memref<128xi32, #tpu.memory_space<vmem>>, vector<16xi32>,
    %dma_start3A_1093 = arith.constant 0 : i32
    %dma_start3A_1094 = arith.constant 0 : i32
    %dma_start3A_1095 = tpu.memref_slice %arg2[%dma_start3A_1093, %dma_start3A_1094] : memref<60000x64xf32, #tpu.memory_space<hbm>> -> memref<60000x64xf32, #tpu.memory_space<hbm>>
    tpu.enqueue_indirect_dma source(%dma_start3A_1095 : memref<60000x64xf32, #tpu.memory_space<hbm>>) target(%arg21 : memref<128x64xf32, #tpu.memory_space<vmem>>) offsets(%arg13 : memref<128xi32, #tpu.memory_space<vmem>>) semaphore(%arg37 : memref<!tpu.dma_semaphore, #tpu.memory_space<semaphore_mem>>)
    %add3A_1096 = arith.constant 512 : i32
    %add3A_1097 = arith.addi %mul3A_26, %add3A_1096 : i32
    %multiple_of3A_1098 = tpu.assume_multiple %add3A_1097, 8 : i32
    %dma_start3A_1099 = tpu.memref_slice %arg3[%multiple_of3A_1098] : memref<328704xi32, #tpu.memory_space<hbm>> -> memref<512xi32, #tpu.memory_space<hbm>>
    %dma_start3A_1100 = tpu.memref_slice %arg3[%multiple_of3A_1098] : memref<328704xi32, #tpu.memory_space<hbm>> -> memref<512xi32, #tpu.memory_space<hbm>>
    tpu.enqueue_dma source(%dma_start3A_1100 : memref<512xi32, #tpu.memory_space<hbm>>) target(%arg9 : memref<512xi32, #tpu.memory_space<vmem>>) target_semaphore(%arg33 : memref<!tpu.dma_semaphore, #tpu.memory_space<semaphore_mem>>)
    %scan3A_1101 = arith.constant 0 : i32
    %scan3A_1102 = arith.constant 0 : i32
    %scan3A_1103 = arith.constant 20 : i32
    %scan3A_1104 = arith.addi %scan3A_1102, %scan3A_1103 : i32
    %scan3A_1105 = arith.constant 1 : i32
    scf.for %scan3A_1124 = %scan3A_1102 to %scan3A_1104 step %scan3A_1105  : i32 {
      %mul3A_1125 = arith.constant 2 : i32
      %mul3A_1126 = arith.muli %mul3A_1125, %scan3A_1124 : i32
      %add3A_1127 = arith.constant 1 : i32
      %add3A_1128 = arith.addi %mul3A_1126, %add3A_1127 : i32
      %mul3A_1129 = arith.constant 512 : i32
      %mul3A_1130 = arith.muli %add3A_1128, %mul3A_1129 : i32
      %add3A_1131 = arith.addi %mul3A_26, %mul3A_1130 : i32
      %multiple_of3A_1132 = tpu.assume_multiple %add3A_1131, 8 : i32
      %dma_wait3A_1133 = tpu.memref_slice %arg3[%multiple_of3A_1132] : memref<328704xi32, #tpu.memory_space<hbm>> -> memref<512xi32, #tpu.memory_space<hbm>>
      %dma_wait3A_1134 = tpu.memref_slice %arg3[%multiple_of3A_1132] : memref<328704xi32, #tpu.memory_space<hbm>> -> memref<512xi32, #tpu.memory_space<hbm>>
      tpu.wait_dma2 semaphore(%arg33 : memref<!tpu.dma_semaphore, #tpu.memory_space<semaphore_mem>>) src(%dma_wait3A_1134 : memref<512xi32, #tpu.memory_space<hbm>>) dst(%arg9 : memref<512xi32, #tpu.memory_space<vmem>>)
      %mul3A_1135 = arith.constant 2 : i32
      %mul3A_1136 = arith.muli %mul3A_1135, %scan3A_1124 : i32
      %add3A_1137 = arith.constant 2 : i32
      %add3A_1138 = arith.addi %mul3A_1136, %add3A_1137 : i32
      %mul3A_1139 = arith.constant 512 : i32
      %mul3A_1140 = arith.muli %add3A_1138, %mul3A_1139 : i32
      %add3A_1141 = arith.addi %mul3A_26, %mul3A_1140 : i32
      %multiple_of3A_1142 = tpu.assume_multiple %add3A_1141, 8 : i32
      %dma_start3A_1143 = tpu.memref_slice %arg3[%multiple_of3A_1142] : memref<328704xi32, #tpu.memory_space<hbm>> -> memref<512xi32, #tpu.memory_space<hbm>>
      %dma_start3A_1144 = tpu.memref_slice %arg3[%multiple_of3A_1142] : memref<328704xi32, #tpu.memory_space<hbm>> -> memref<512xi32, #tpu.memory_space<hbm>>
      tpu.enqueue_dma source(%dma_start3A_1144 : memref<512xi32, #tpu.memory_space<hbm>>) target(%arg8 : memref<512xi32, #tpu.memory_space<vmem>>) target_semaphore(%arg32 : memref<!tpu.dma_semaphore, #tpu.memory_space<semaphore_mem>>)
      %dma_wait3A_1145 = arith.constant 0 : i32
      %dma_wait3A_1146 = arith.constant 0 : i32
      %dma_wait3A_1147 = tpu.memref_slice %arg2[%dma_wait3A_1145, %dma_wait3A_1146] : memref<60000x64xf32, #tpu.memory_space<hbm>> -> memref<60000x64xf32, #tpu.memory_space<hbm>>
      tpu.wait_indirect_dma semaphore(%arg34 : memref<!tpu.dma_semaphore, #tpu.memory_space<semaphore_mem>>) src(%dma_wait3A_1147 : memref<60000x64xf32, #tpu.memory_space<hbm>>) dst(%arg18 : memref<128x64xf32, #tpu.memory_space<vmem>>)
      %dma_start3A_1148 = arith.constant 0 : i32
      %dma_start3A_1149 = arith.constant 0 : i32
      %dma_start3A_1150 = tpu.memref_slice %arg30[%dma_start3A_1148, %dma_start3A_1149] : memref<10240x64xf32, #tpu.memory_space<vmem_shared>> -> memref<10240x64xf32, #tpu.memory_space<vmem_shared>>
      tpu.enqueue_indirect_dma source(%arg18 : memref<128x64xf32, #tpu.memory_space<vmem>>) target(%dma_start3A_1150 : memref<10240x64xf32, #tpu.memory_space<vmem_shared>>) offsets(%arg14 : memref<128xi32, #tpu.memory_space<vmem>>) semaphore(%arg38 : memref<!tpu.dma_semaphore, #tpu.memory_space<semaphore_mem>>) {add = true}
      %dma_start3A_1151 = arith.constant 0 : i32
      %dma_start3A_1152 = arith.constant 0 : i32
      %dma_start3A_1153 = tpu.memref_slice %arg31[%dma_start3A_1151, %dma_start3A_1152] : memref<10240x16xf32, #tpu.memory_space<vmem_shared>> -> memref<10240x16xf32, #tpu.memory_space<vmem_shared>>
      tpu.enqueue_indirect_dma source(%arg22 : memref<128x16xf32, #tpu.memory_space<vmem>>) target(%dma_start3A_1153 : memref<10240x16xf32, #tpu.memory_space<vmem_shared>>) offsets(%arg14 : memref<128xi32, #tpu.memory_space<vmem>>) semaphore(%arg39 : memref<!tpu.dma_semaphore, #tpu.memory_space<semaphore_mem>>) {add = true}
      %dma_wait3A_1154 = arith.constant 0 : i32
      %dma_wait3A_1155 = arith.constant 0 : i32
      %dma_wait3A_1156 = tpu.memref_slice %arg30[%dma_wait3A_1154, %dma_wait3A_1155] : memref<10240x64xf32, #tpu.memory_space<vmem_shared>> -> memref<10240x64xf32, #tpu.memory_space<vmem_shared>>
      tpu.wait_indirect_dma semaphore(%arg38 : memref<!tpu.dma_semaphore, #tpu.memory_space<semaphore_mem>>) src(%arg18 : memref<128x64xf32, #tpu.memory_space<vmem>>) dst(%dma_wait3A_1156 : memref<10240x64xf32, #tpu.memory_space<vmem_shared>>)
      %dma_wait3A_1157 = arith.constant 0 : i32
      %dma_wait3A_1158 = arith.constant 0 : i32
      %dma_wait3A_1159 = tpu.memref_slice %arg31[%dma_wait3A_1157, %dma_wait3A_1158] : memref<10240x16xf32, #tpu.memory_space<vmem_shared>> -> memref<10240x16xf32, #tpu.memory_space<vmem_shared>>
      tpu.wait_indirect_dma semaphore(%arg39 : memref<!tpu.dma_semaphore, #tpu.memory_space<semaphore_mem>>) src(%arg22 : memref<128x16xf32, #tpu.memory_space<vmem>>) dst(%dma_wait3A_1159 : memref<10240x16xf32, #tpu.memory_space<vmem_shared>>)
      %get3A_1160 = arith.constant 0 : index
      %get3A_1161 = tpu.vector_load %arg9[%get3A_1160] {strides = array<i32>} : memref<512xi32, #tpu.memory_space<vmem>>, vector<16xi32>,
      %shift_right_logical3A_1162 = arith.constant 14 : i32
      %shift_right_logical3A_1163 = vector.broadcast %shift_right_logical3A_1162 : i32 to vector<16xi32>
      %shift_right_logical3A_1164 = arith.shrui %get3A_1161, %shift_right_logical3A_1163 : vector<16xi32>
      %and3A_1165 = arith.constant 3 : i32
      %and3A_1166 = vector.broadcast %and3A_1165 : i32 to vector<16xi32>
      %and3A_1167 = arith.andi %shift_right_logical3A_1164, %and3A_1166 : vector<16xi32>
      %and3A_1168 = arith.constant 16383 : i32
      %and3A_1169 = vector.broadcast %and3A_1168 : i32 to vector<16xi32>
      %and3A_1170 = arith.andi %get3A_1161, %and3A_1169 : vector<16xi32>
      %mul3A_1171 = arith.constant 3 : i32
      %mul3A_1172 = arith.muli %arg0, %mul3A_1171 : i32
      %add3A_1173 = vector.broadcast %mul3A_1172 : i32 to vector<16xi32>
      %add3A_1174 = arith.addi %and3A_1167, %add3A_1173 : vector<16xi32>
      %mul3A_1175 = arith.constant 10000 : i32
      %mul3A_1176 = vector.broadcast %mul3A_1175 : i32 to vector<16xi32>
      %mul3A_1177 = arith.muli %add3A_1174, %mul3A_1176 : vector<16xi32>
      %add3A_1178 = arith.addi %and3A_1170, %mul3A_1177 : vector<16xi32>
      %shift_right_logical3A_1179 = arith.constant 16 : i32
      %shift_right_logical3A_1180 = vector.broadcast %shift_right_logical3A_1179 : i32 to vector<16xi32>
      %shift_right_logical3A_1181 = arith.shrui %get3A_1161, %shift_right_logical3A_1180 : vector<16xi32>
      %swap3A_1182 = arith.constant 0 : index
      %swap3A_1183 = tpu.vector_load %arg10[%swap3A_1182] {strides = array<i32>} : memref<128xi32, #tpu.memory_space<vmem>>, vector<16xi32>,
      tpu.vector_store %arg10[%swap3A_1182], %add3A_1178 {strides = array<i32>} : memref<128xi32, #tpu.memory_space<vmem>>, vector<16xi32>,
      %swap3A_1184 = arith.constant 0 : index
      %swap3A_1185 = tpu.vector_load %arg14[%swap3A_1184] {strides = array<i32>} : memref<128xi32, #tpu.memory_space<vmem>>, vector<16xi32>,
      tpu.vector_store %arg14[%swap3A_1184], %shift_right_logical3A_1181 {strides = array<i32>} : memref<128xi32, #tpu.memory_space<vmem>>, vector<16xi32>,
      %add3A_1186 = arith.constant 0 : i32
      %add3A_1187 = vector.broadcast %add3A_1186 : i32 to vector<16xi32>
      %add3A_1188 = arith.addi %add3A_1187, %iota3A : vector<16xi32>
      %get3A_1189 = arith.constant 0 : index
      %get3A_1190 = tpu.vector_load %arg26[%get3A_1189] {strides = array<i32>} : memref<128xi32, #tpu.memory_space<vmem>>, vector<16xi32>,
      tpu.vector_store_idx %arg22[%add3A_1188, %get3A_1190], %broadcast_in_dim3A_30 : memref<128x16xf32, #tpu.memory_space<vmem>>[vector<16xi32>, vector<16xi32>], vector<16xf32>,
      tpu.vector_store_idx %arg22[%add3A_1188, %and3A_1167], %broadcast_in_dim3A_28 : memref<128x16xf32, #tpu.memory_space<vmem>>[vector<16xi32>, vector<16xi32>], vector<16xf32>,
      %swap3A_1191 = arith.constant 0 : index
      %swap3A_1192 = tpu.vector_load %arg26[%swap3A_1191] {strides = array<i32>} : memref<128xi32, #tpu.memory_space<vmem>>, vector<16xi32>,
      tpu.vector_store %arg26[%swap3A_1191], %and3A_1167 {strides = array<i32>} : memref<128xi32, #tpu.memory_space<vmem>>, vector<16xi32>,
      %get3A_1193 = arith.constant 16 : index
      %get3A_1194 = tpu.vector_load %arg9[%get3A_1193] {strides = array<i32>} : memref<512xi32, #tpu.memory_space<vmem>>, vector<16xi32>,
      %shift_right_logical3A_1195 = arith.constant 14 : i32
      %shift_right_logical3A_1196 = vector.broadcast %shift_right_logical3A_1195 : i32 to vector<16xi32>
      %shift_right_logical3A_1197 = arith.shrui %get3A_1194, %shift_right_logical3A_1196 : vector<16xi32>
      %and3A_1198 = arith.constant 3 : i32
      %and3A_1199 = vector.broadcast %and3A_1198 : i32 to vector<16xi32>
      %and3A_1200 = arith.andi %shift_right_logical3A_1197, %and3A_1199 : vector<16xi32>
      %and3A_1201 = arith.constant 16383 : i32
      %and3A_1202 = vector.broadcast %and3A_1201 : i32 to vector<16xi32>
      %and3A_1203 = arith.andi %get3A_1194, %and3A_1202 : vector<16xi32>
      %mul3A_1204 = arith.constant 3 : i32
      %mul3A_1205 = arith.muli %arg0, %mul3A_1204 : i32
      %add3A_1206 = vector.broadcast %mul3A_1205 : i32 to vector<16xi32>
      %add3A_1207 = arith.addi %and3A_1200, %add3A_1206 : vector<16xi32>
      %mul3A_1208 = arith.constant 10000 : i32
      %mul3A_1209 = vector.broadcast %mul3A_1208 : i32 to vector<16xi32>
      %mul3A_1210 = arith.muli %add3A_1207, %mul3A_1209 : vector<16xi32>
      %add3A_1211 = arith.addi %and3A_1203, %mul3A_1210 : vector<16xi32>
      %shift_right_logical3A_1212 = arith.constant 16 : i32
      %shift_right_logical3A_1213 = vector.broadcast %shift_right_logical3A_1212 : i32 to vector<16xi32>
      %shift_right_logical3A_1214 = arith.shrui %get3A_1194, %shift_right_logical3A_1213 : vector<16xi32>
      %swap3A_1215 = arith.constant 16 : index
      %swap3A_1216 = tpu.vector_load %arg10[%swap3A_1215] {strides = array<i32>} : memref<128xi32, #tpu.memory_space<vmem>>, vector<16xi32>,
      tpu.vector_store %arg10[%swap3A_1215], %add3A_1211 {strides = array<i32>} : memref<128xi32, #tpu.memory_space<vmem>>, vector<16xi32>,
      %swap3A_1217 = arith.constant 16 : index
      %swap3A_1218 = tpu.vector_load %arg14[%swap3A_1217] {strides = array<i32>} : memref<128xi32, #tpu.memory_space<vmem>>, vector<16xi32>,
      tpu.vector_store %arg14[%swap3A_1217], %shift_right_logical3A_1214 {strides = array<i32>} : memref<128xi32, #tpu.memory_space<vmem>>, vector<16xi32>,
      %add3A_1219 = arith.constant 16 : i32
      %add3A_1220 = vector.broadcast %add3A_1219 : i32 to vector<16xi32>
      %add3A_1221 = arith.addi %add3A_1220, %iota3A : vector<16xi32>
      %get3A_1222 = arith.constant 16 : index
      %get3A_1223 = tpu.vector_load %arg26[%get3A_1222] {strides = array<i32>} : memref<128xi32, #tpu.memory_space<vmem>>, vector<16xi32>,
      tpu.vector_store_idx %arg22[%add3A_1221, %get3A_1223], %broadcast_in_dim3A_30 : memref<128x16xf32, #tpu.memory_space<vmem>>[vector<16xi32>, vector<16xi32>], vector<16xf32>,
      tpu.vector_store_idx %arg22[%add3A_1221, %and3A_1200], %broadcast_in_dim3A_28 : memref<128x16xf32, #tpu.memory_space<vmem>>[vector<16xi32>, vector<16xi32>], vector<16xf32>,
      %swap3A_1224 = arith.constant 16 : index
      %swap3A_1225 = tpu.vector_load %arg26[%swap3A_1224] {strides = array<i32>} : memref<128xi32, #tpu.memory_space<vmem>>, vector<16xi32>,
      tpu.vector_store %arg26[%swap3A_1224], %and3A_1200 {strides = array<i32>} : memref<128xi32, #tpu.memory_space<vmem>>, vector<16xi32>,
      %get3A_1226 = arith.constant 32 : index
      %get3A_1227 = tpu.vector_load %arg9[%get3A_1226] {strides = array<i32>} : memref<512xi32, #tpu.memory_space<vmem>>, vector<16xi32>,
      %shift_right_logical3A_1228 = arith.constant 14 : i32
      %shift_right_logical3A_1229 = vector.broadcast %shift_right_logical3A_1228 : i32 to vector<16xi32>
      %shift_right_logical3A_1230 = arith.shrui %get3A_1227, %shift_right_logical3A_1229 : vector<16xi32>
      %and3A_1231 = arith.constant 3 : i32
      %and3A_1232 = vector.broadcast %and3A_1231 : i32 to vector<16xi32>
      %and3A_1233 = arith.andi %shift_right_logical3A_1230, %and3A_1232 : vector<16xi32>
      %and3A_1234 = arith.constant 16383 : i32
      %and3A_1235 = vector.broadcast %and3A_1234 : i32 to vector<16xi32>
      %and3A_1236 = arith.andi %get3A_1227, %and3A_1235 : vector<16xi32>
      %mul3A_1237 = arith.constant 3 : i32
      %mul3A_1238 = arith.muli %arg0, %mul3A_1237 : i32
      %add3A_1239 = vector.broadcast %mul3A_1238 : i32 to vector<16xi32>
      %add3A_1240 = arith.addi %and3A_1233, %add3A_1239 : vector<16xi32>
      %mul3A_1241 = arith.constant 10000 : i32
      %mul3A_1242 = vector.broadcast %mul3A_1241 : i32 to vector<16xi32>
      %mul3A_1243 = arith.muli %add3A_1240, %mul3A_1242 : vector<16xi32>
      %add3A_1244 = arith.addi %and3A_1236, %mul3A_1243 : vector<16xi32>
      %shift_right_logical3A_1245 = arith.constant 16 : i32
      %shift_right_logical3A_1246 = vector.broadcast %shift_right_logical3A_1245 : i32 to vector<16xi32>
      %shift_right_logical3A_1247 = arith.shrui %get3A_1227, %shift_right_logical3A_1246 : vector<16xi32>
      %swap3A_1248 = arith.constant 32 : index
      %swap3A_1249 = tpu.vector_load %arg10[%swap3A_1248] {strides = array<i32>} : memref<128xi32, #tpu.memory_space<vmem>>, vector<16xi32>,
      tpu.vector_store %arg10[%swap3A_1248], %add3A_1244 {strides = array<i32>} : memref<128xi32, #tpu.memory_space<vmem>>, vector<16xi32>,
      %swap3A_1250 = arith.constant 32 : index
      %swap3A_1251 = tpu.vector_load %arg14[%swap3A_1250] {strides = array<i32>} : memref<128xi32, #tpu.memory_space<vmem>>, vector<16xi32>,
      tpu.vector_store %arg14[%swap3A_1250], %shift_right_logical3A_1247 {strides = array<i32>} : memref<128xi32, #tpu.memory_space<vmem>>, vector<16xi32>,
      %add3A_1252 = arith.constant 32 : i32
      %add3A_1253 = vector.broadcast %add3A_1252 : i32 to vector<16xi32>
      %add3A_1254 = arith.addi %add3A_1253, %iota3A : vector<16xi32>
      %get3A_1255 = arith.constant 32 : index
      %get3A_1256 = tpu.vector_load %arg26[%get3A_1255] {strides = array<i32>} : memref<128xi32, #tpu.memory_space<vmem>>, vector<16xi32>,
      tpu.vector_store_idx %arg22[%add3A_1254, %get3A_1256], %broadcast_in_dim3A_30 : memref<128x16xf32, #tpu.memory_space<vmem>>[vector<16xi32>, vector<16xi32>], vector<16xf32>,
      tpu.vector_store_idx %arg22[%add3A_1254, %and3A_1233], %broadcast_in_dim3A_28 : memref<128x16xf32, #tpu.memory_space<vmem>>[vector<16xi32>, vector<16xi32>], vector<16xf32>,
      %swap3A_1257 = arith.constant 32 : index
      %swap3A_1258 = tpu.vector_load %arg26[%swap3A_1257] {strides = array<i32>} : memref<128xi32, #tpu.memory_space<vmem>>, vector<16xi32>,
      tpu.vector_store %arg26[%swap3A_1257], %and3A_1233 {strides = array<i32>} : memref<128xi32, #tpu.memory_space<vmem>>, vector<16xi32>,
      %get3A_1259 = arith.constant 48 : index
      %get3A_1260 = tpu.vector_load %arg9[%get3A_1259] {strides = array<i32>} : memref<512xi32, #tpu.memory_space<vmem>>, vector<16xi32>,
      %shift_right_logical3A_1261 = arith.constant 14 : i32
      %shift_right_logical3A_1262 = vector.broadcast %shift_right_logical3A_1261 : i32 to vector<16xi32>
      %shift_right_logical3A_1263 = arith.shrui %get3A_1260, %shift_right_logical3A_1262 : vector<16xi32>
      %and3A_1264 = arith.constant 3 : i32
      %and3A_1265 = vector.broadcast %and3A_1264 : i32 to vector<16xi32>
      %and3A_1266 = arith.andi %shift_right_logical3A_1263, %and3A_1265 : vector<16xi32>
      %and3A_1267 = arith.constant 16383 : i32
      %and3A_1268 = vector.broadcast %and3A_1267 : i32 to vector<16xi32>
      %and3A_1269 = arith.andi %get3A_1260, %and3A_1268 : vector<16xi32>
      %mul3A_1270 = arith.constant 3 : i32
      %mul3A_1271 = arith.muli %arg0, %mul3A_1270 : i32
      %add3A_1272 = vector.broadcast %mul3A_1271 : i32 to vector<16xi32>
      %add3A_1273 = arith.addi %and3A_1266, %add3A_1272 : vector<16xi32>
      %mul3A_1274 = arith.constant 10000 : i32
      %mul3A_1275 = vector.broadcast %mul3A_1274 : i32 to vector<16xi32>
      %mul3A_1276 = arith.muli %add3A_1273, %mul3A_1275 : vector<16xi32>
      %add3A_1277 = arith.addi %and3A_1269, %mul3A_1276 : vector<16xi32>
      %shift_right_logical3A_1278 = arith.constant 16 : i32
      %shift_right_logical3A_1279 = vector.broadcast %shift_right_logical3A_1278 : i32 to vector<16xi32>
      %shift_right_logical3A_1280 = arith.shrui %get3A_1260, %shift_right_logical3A_1279 : vector<16xi32>
      %swap3A_1281 = arith.constant 48 : index
      %swap3A_1282 = tpu.vector_load %arg10[%swap3A_1281] {strides = array<i32>} : memref<128xi32, #tpu.memory_space<vmem>>, vector<16xi32>,
      tpu.vector_store %arg10[%swap3A_1281], %add3A_1277 {strides = array<i32>} : memref<128xi32, #tpu.memory_space<vmem>>, vector<16xi32>,
      %swap3A_1283 = arith.constant 48 : index
      %swap3A_1284 = tpu.vector_load %arg14[%swap3A_1283] {strides = array<i32>} : memref<128xi32, #tpu.memory_space<vmem>>, vector<16xi32>,
      tpu.vector_store %arg14[%swap3A_1283], %shift_right_logical3A_1280 {strides = array<i32>} : memref<128xi32, #tpu.memory_space<vmem>>, vector<16xi32>,
      %add3A_1285 = arith.constant 48 : i32
      %add3A_1286 = vector.broadcast %add3A_1285 : i32 to vector<16xi32>
      %add3A_1287 = arith.addi %add3A_1286, %iota3A : vector<16xi32>
      %get3A_1288 = arith.constant 48 : index
      %get3A_1289 = tpu.vector_load %arg26[%get3A_1288] {strides = array<i32>} : memref<128xi32, #tpu.memory_space<vmem>>, vector<16xi32>,
      tpu.vector_store_idx %arg22[%add3A_1287, %get3A_1289], %broadcast_in_dim3A_30 : memref<128x16xf32, #tpu.memory_space<vmem>>[vector<16xi32>, vector<16xi32>], vector<16xf32>,
      tpu.vector_store_idx %arg22[%add3A_1287, %and3A_1266], %broadcast_in_dim3A_28 : memref<128x16xf32, #tpu.memory_space<vmem>>[vector<16xi32>, vector<16xi32>], vector<16xf32>,
      %swap3A_1290 = arith.constant 48 : index
      %swap3A_1291 = tpu.vector_load %arg26[%swap3A_1290] {strides = array<i32>} : memref<128xi32, #tpu.memory_space<vmem>>, vector<16xi32>,
      tpu.vector_store %arg26[%swap3A_1290], %and3A_1266 {strides = array<i32>} : memref<128xi32, #tpu.memory_space<vmem>>, vector<16xi32>,
      %get3A_1292 = arith.constant 64 : index
      %get3A_1293 = tpu.vector_load %arg9[%get3A_1292] {strides = array<i32>} : memref<512xi32, #tpu.memory_space<vmem>>, vector<16xi32>,
      %shift_right_logical3A_1294 = arith.constant 14 : i32
      %shift_right_logical3A_1295 = vector.broadcast %shift_right_logical3A_1294 : i32 to vector<16xi32>
      %shift_right_logical3A_1296 = arith.shrui %get3A_1293, %shift_right_logical3A_1295 : vector<16xi32>
      %and3A_1297 = arith.constant 3 : i32
      %and3A_1298 = vector.broadcast %and3A_1297 : i32 to vector<16xi32>
      %and3A_1299 = arith.andi %shift_right_logical3A_1296, %and3A_1298 : vector<16xi32>
      %and3A_1300 = arith.constant 16383 : i32
      %and3A_1301 = vector.broadcast %and3A_1300 : i32 to vector<16xi32>
      %and3A_1302 = arith.andi %get3A_1293, %and3A_1301 : vector<16xi32>
      %mul3A_1303 = arith.constant 3 : i32
      %mul3A_1304 = arith.muli %arg0, %mul3A_1303 : i32
      %add3A_1305 = vector.broadcast %mul3A_1304 : i32 to vector<16xi32>
      %add3A_1306 = arith.addi %and3A_1299, %add3A_1305 : vector<16xi32>
      %mul3A_1307 = arith.constant 10000 : i32
      %mul3A_1308 = vector.broadcast %mul3A_1307 : i32 to vector<16xi32>
      %mul3A_1309 = arith.muli %add3A_1306, %mul3A_1308 : vector<16xi32>
      %add3A_1310 = arith.addi %and3A_1302, %mul3A_1309 : vector<16xi32>
      %shift_right_logical3A_1311 = arith.constant 16 : i32
      %shift_right_logical3A_1312 = vector.broadcast %shift_right_logical3A_1311 : i32 to vector<16xi32>
      %shift_right_logical3A_1313 = arith.shrui %get3A_1293, %shift_right_logical3A_1312 : vector<16xi32>
      %swap3A_1314 = arith.constant 64 : index
      %swap3A_1315 = tpu.vector_load %arg10[%swap3A_1314] {strides = array<i32>} : memref<128xi32, #tpu.memory_space<vmem>>, vector<16xi32>,
      tpu.vector_store %arg10[%swap3A_1314], %add3A_1310 {strides = array<i32>} : memref<128xi32, #tpu.memory_space<vmem>>, vector<16xi32>,
      %swap3A_1316 = arith.constant 64 : index
      %swap3A_1317 = tpu.vector_load %arg14[%swap3A_1316] {strides = array<i32>} : memref<128xi32, #tpu.memory_space<vmem>>, vector<16xi32>,
      tpu.vector_store %arg14[%swap3A_1316], %shift_right_logical3A_1313 {strides = array<i32>} : memref<128xi32, #tpu.memory_space<vmem>>, vector<16xi32>,
      %add3A_1318 = arith.constant 64 : i32
      %add3A_1319 = vector.broadcast %add3A_1318 : i32 to vector<16xi32>
      %add3A_1320 = arith.addi %add3A_1319, %iota3A : vector<16xi32>
      %get3A_1321 = arith.constant 64 : index
      %get3A_1322 = tpu.vector_load %arg26[%get3A_1321] {strides = array<i32>} : memref<128xi32, #tpu.memory_space<vmem>>, vector<16xi32>,
      tpu.vector_store_idx %arg22[%add3A_1320, %get3A_1322], %broadcast_in_dim3A_30 : memref<128x16xf32, #tpu.memory_space<vmem>>[vector<16xi32>, vector<16xi32>], vector<16xf32>,
      tpu.vector_store_idx %arg22[%add3A_1320, %and3A_1299], %broadcast_in_dim3A_28 : memref<128x16xf32, #tpu.memory_space<vmem>>[vector<16xi32>, vector<16xi32>], vector<16xf32>,
      %swap3A_1323 = arith.constant 64 : index
      %swap3A_1324 = tpu.vector_load %arg26[%swap3A_1323] {strides = array<i32>} : memref<128xi32, #tpu.memory_space<vmem>>, vector<16xi32>,
      tpu.vector_store %arg26[%swap3A_1323], %and3A_1299 {strides = array<i32>} : memref<128xi32, #tpu.memory_space<vmem>>, vector<16xi32>,
      %get3A_1325 = arith.constant 80 : index
      %get3A_1326 = tpu.vector_load %arg9[%get3A_1325] {strides = array<i32>} : memref<512xi32, #tpu.memory_space<vmem>>, vector<16xi32>,
      %shift_right_logical3A_1327 = arith.constant 14 : i32
      %shift_right_logical3A_1328 = vector.broadcast %shift_right_logical3A_1327 : i32 to vector<16xi32>
      %shift_right_logical3A_1329 = arith.shrui %get3A_1326, %shift_right_logical3A_1328 : vector<16xi32>
      %and3A_1330 = arith.constant 3 : i32
      %and3A_1331 = vector.broadcast %and3A_1330 : i32 to vector<16xi32>
      %and3A_1332 = arith.andi %shift_right_logical3A_1329, %and3A_1331 : vector<16xi32>
      %and3A_1333 = arith.constant 16383 : i32
      %and3A_1334 = vector.broadcast %and3A_1333 : i32 to vector<16xi32>
      %and3A_1335 = arith.andi %get3A_1326, %and3A_1334 : vector<16xi32>
      %mul3A_1336 = arith.constant 3 : i32
      %mul3A_1337 = arith.muli %arg0, %mul3A_1336 : i32
      %add3A_1338 = vector.broadcast %mul3A_1337 : i32 to vector<16xi32>
      %add3A_1339 = arith.addi %and3A_1332, %add3A_1338 : vector<16xi32>
      %mul3A_1340 = arith.constant 10000 : i32
      %mul3A_1341 = vector.broadcast %mul3A_1340 : i32 to vector<16xi32>
      %mul3A_1342 = arith.muli %add3A_1339, %mul3A_1341 : vector<16xi32>
      %add3A_1343 = arith.addi %and3A_1335, %mul3A_1342 : vector<16xi32>
      %shift_right_logical3A_1344 = arith.constant 16 : i32
      %shift_right_logical3A_1345 = vector.broadcast %shift_right_logical3A_1344 : i32 to vector<16xi32>
      %shift_right_logical3A_1346 = arith.shrui %get3A_1326, %shift_right_logical3A_1345 : vector<16xi32>
      %swap3A_1347 = arith.constant 80 : index
      %swap3A_1348 = tpu.vector_load %arg10[%swap3A_1347] {strides = array<i32>} : memref<128xi32, #tpu.memory_space<vmem>>, vector<16xi32>,
      tpu.vector_store %arg10[%swap3A_1347], %add3A_1343 {strides = array<i32>} : memref<128xi32, #tpu.memory_space<vmem>>, vector<16xi32>,
      %swap3A_1349 = arith.constant 80 : index
      %swap3A_1350 = tpu.vector_load %arg14[%swap3A_1349] {strides = array<i32>} : memref<128xi32, #tpu.memory_space<vmem>>, vector<16xi32>,
      tpu.vector_store %arg14[%swap3A_1349], %shift_right_logical3A_1346 {strides = array<i32>} : memref<128xi32, #tpu.memory_space<vmem>>, vector<16xi32>,
      %add3A_1351 = arith.constant 80 : i32
      %add3A_1352 = vector.broadcast %add3A_1351 : i32 to vector<16xi32>
      %add3A_1353 = arith.addi %add3A_1352, %iota3A : vector<16xi32>
      %get3A_1354 = arith.constant 80 : index
      %get3A_1355 = tpu.vector_load %arg26[%get3A_1354] {strides = array<i32>} : memref<128xi32, #tpu.memory_space<vmem>>, vector<16xi32>,
      tpu.vector_store_idx %arg22[%add3A_1353, %get3A_1355], %broadcast_in_dim3A_30 : memref<128x16xf32, #tpu.memory_space<vmem>>[vector<16xi32>, vector<16xi32>], vector<16xf32>,
      tpu.vector_store_idx %arg22[%add3A_1353, %and3A_1332], %broadcast_in_dim3A_28 : memref<128x16xf32, #tpu.memory_space<vmem>>[vector<16xi32>, vector<16xi32>], vector<16xf32>,
      %swap3A_1356 = arith.constant 80 : index
      %swap3A_1357 = tpu.vector_load %arg26[%swap3A_1356] {strides = array<i32>} : memref<128xi32, #tpu.memory_space<vmem>>, vector<16xi32>,
      tpu.vector_store %arg26[%swap3A_1356], %and3A_1332 {strides = array<i32>} : memref<128xi32, #tpu.memory_space<vmem>>, vector<16xi32>,
      %get3A_1358 = arith.constant 96 : index
      %get3A_1359 = tpu.vector_load %arg9[%get3A_1358] {strides = array<i32>} : memref<512xi32, #tpu.memory_space<vmem>>, vector<16xi32>,
      %shift_right_logical3A_1360 = arith.constant 14 : i32
      %shift_right_logical3A_1361 = vector.broadcast %shift_right_logical3A_1360 : i32 to vector<16xi32>
      %shift_right_logical3A_1362 = arith.shrui %get3A_1359, %shift_right_logical3A_1361 : vector<16xi32>
      %and3A_1363 = arith.constant 3 : i32
      %and3A_1364 = vector.broadcast %and3A_1363 : i32 to vector<16xi32>
      %and3A_1365 = arith.andi %shift_right_logical3A_1362, %and3A_1364 : vector<16xi32>
      %and3A_1366 = arith.constant 16383 : i32
      %and3A_1367 = vector.broadcast %and3A_1366 : i32 to vector<16xi32>
      %and3A_1368 = arith.andi %get3A_1359, %and3A_1367 : vector<16xi32>
      %mul3A_1369 = arith.constant 3 : i32
      %mul3A_1370 = arith.muli %arg0, %mul3A_1369 : i32
      %add3A_1371 = vector.broadcast %mul3A_1370 : i32 to vector<16xi32>
      %add3A_1372 = arith.addi %and3A_1365, %add3A_1371 : vector<16xi32>
      %mul3A_1373 = arith.constant 10000 : i32
      %mul3A_1374 = vector.broadcast %mul3A_1373 : i32 to vector<16xi32>
      %mul3A_1375 = arith.muli %add3A_1372, %mul3A_1374 : vector<16xi32>
      %add3A_1376 = arith.addi %and3A_1368, %mul3A_1375 : vector<16xi32>
      %shift_right_logical3A_1377 = arith.constant 16 : i32
      %shift_right_logical3A_1378 = vector.broadcast %shift_right_logical3A_1377 : i32 to vector<16xi32>
      %shift_right_logical3A_1379 = arith.shrui %get3A_1359, %shift_right_logical3A_1378 : vector<16xi32>
      %swap3A_1380 = arith.constant 96 : index
      %swap3A_1381 = tpu.vector_load %arg10[%swap3A_1380] {strides = array<i32>} : memref<128xi32, #tpu.memory_space<vmem>>, vector<16xi32>,
      tpu.vector_store %arg10[%swap3A_1380], %add3A_1376 {strides = array<i32>} : memref<128xi32, #tpu.memory_space<vmem>>, vector<16xi32>,
      %swap3A_1382 = arith.constant 96 : index
      %swap3A_1383 = tpu.vector_load %arg14[%swap3A_1382] {strides = array<i32>} : memref<128xi32, #tpu.memory_space<vmem>>, vector<16xi32>,
      tpu.vector_store %arg14[%swap3A_1382], %shift_right_logical3A_1379 {strides = array<i32>} : memref<128xi32, #tpu.memory_space<vmem>>, vector<16xi32>,
      %add3A_1384 = arith.constant 96 : i32
      %add3A_1385 = vector.broadcast %add3A_1384 : i32 to vector<16xi32>
      %add3A_1386 = arith.addi %add3A_1385, %iota3A : vector<16xi32>
      %get3A_1387 = arith.constant 96 : index
      %get3A_1388 = tpu.vector_load %arg26[%get3A_1387] {strides = array<i32>} : memref<128xi32, #tpu.memory_space<vmem>>, vector<16xi32>,
      tpu.vector_store_idx %arg22[%add3A_1386, %get3A_1388], %broadcast_in_dim3A_30 : memref<128x16xf32, #tpu.memory_space<vmem>>[vector<16xi32>, vector<16xi32>], vector<16xf32>,
      tpu.vector_store_idx %arg22[%add3A_1386, %and3A_1365], %broadcast_in_dim3A_28 : memref<128x16xf32, #tpu.memory_space<vmem>>[vector<16xi32>, vector<16xi32>], vector<16xf32>,
      %swap3A_1389 = arith.constant 96 : index
      %swap3A_1390 = tpu.vector_load %arg26[%swap3A_1389] {strides = array<i32>} : memref<128xi32, #tpu.memory_space<vmem>>, vector<16xi32>,
      tpu.vector_store %arg26[%swap3A_1389], %and3A_1365 {strides = array<i32>} : memref<128xi32, #tpu.memory_space<vmem>>, vector<16xi32>,
      %get3A_1391 = arith.constant 112 : index
      %get3A_1392 = tpu.vector_load %arg9[%get3A_1391] {strides = array<i32>} : memref<512xi32, #tpu.memory_space<vmem>>, vector<16xi32>,
      %shift_right_logical3A_1393 = arith.constant 14 : i32
      %shift_right_logical3A_1394 = vector.broadcast %shift_right_logical3A_1393 : i32 to vector<16xi32>
      %shift_right_logical3A_1395 = arith.shrui %get3A_1392, %shift_right_logical3A_1394 : vector<16xi32>
      %and3A_1396 = arith.constant 3 : i32
      %and3A_1397 = vector.broadcast %and3A_1396 : i32 to vector<16xi32>
      %and3A_1398 = arith.andi %shift_right_logical3A_1395, %and3A_1397 : vector<16xi32>
      %and3A_1399 = arith.constant 16383 : i32
      %and3A_1400 = vector.broadcast %and3A_1399 : i32 to vector<16xi32>
      %and3A_1401 = arith.andi %get3A_1392, %and3A_1400 : vector<16xi32>
      %mul3A_1402 = arith.constant 3 : i32
      %mul3A_1403 = arith.muli %arg0, %mul3A_1402 : i32
      %add3A_1404 = vector.broadcast %mul3A_1403 : i32 to vector<16xi32>
      %add3A_1405 = arith.addi %and3A_1398, %add3A_1404 : vector<16xi32>
      %mul3A_1406 = arith.constant 10000 : i32
      %mul3A_1407 = vector.broadcast %mul3A_1406 : i32 to vector<16xi32>
      %mul3A_1408 = arith.muli %add3A_1405, %mul3A_1407 : vector<16xi32>
      %add3A_1409 = arith.addi %and3A_1401, %mul3A_1408 : vector<16xi32>
      %shift_right_logical3A_1410 = arith.constant 16 : i32
      %shift_right_logical3A_1411 = vector.broadcast %shift_right_logical3A_1410 : i32 to vector<16xi32>
      %shift_right_logical3A_1412 = arith.shrui %get3A_1392, %shift_right_logical3A_1411 : vector<16xi32>
      %swap3A_1413 = arith.constant 112 : index
      %swap3A_1414 = tpu.vector_load %arg10[%swap3A_1413] {strides = array<i32>} : memref<128xi32, #tpu.memory_space<vmem>>, vector<16xi32>,
      tpu.vector_store %arg10[%swap3A_1413], %add3A_1409 {strides = array<i32>} : memref<128xi32, #tpu.memory_space<vmem>>, vector<16xi32>,
      %swap3A_1415 = arith.constant 112 : index
      %swap3A_1416 = tpu.vector_load %arg14[%swap3A_1415] {strides = array<i32>} : memref<128xi32, #tpu.memory_space<vmem>>, vector<16xi32>,
      tpu.vector_store %arg14[%swap3A_1415], %shift_right_logical3A_1412 {strides = array<i32>} : memref<128xi32, #tpu.memory_space<vmem>>, vector<16xi32>,
      %add3A_1417 = arith.constant 112 : i32
      %add3A_1418 = vector.broadcast %add3A_1417 : i32 to vector<16xi32>
      %add3A_1419 = arith.addi %add3A_1418, %iota3A : vector<16xi32>
      %get3A_1420 = arith.constant 112 : index
      %get3A_1421 = tpu.vector_load %arg26[%get3A_1420] {strides = array<i32>} : memref<128xi32, #tpu.memory_space<vmem>>, vector<16xi32>,
      tpu.vector_store_idx %arg22[%add3A_1419, %get3A_1421], %broadcast_in_dim3A_30 : memref<128x16xf32, #tpu.memory_space<vmem>>[vector<16xi32>, vector<16xi32>], vector<16xf32>,
      tpu.vector_store_idx %arg22[%add3A_1419, %and3A_1398], %broadcast_in_dim3A_28 : memref<128x16xf32, #tpu.memory_space<vmem>>[vector<16xi32>, vector<16xi32>], vector<16xf32>,
      %swap3A_1422 = arith.constant 112 : index
      %swap3A_1423 = tpu.vector_load %arg26[%swap3A_1422] {strides = array<i32>} : memref<128xi32, #tpu.memory_space<vmem>>, vector<16xi32>,
      tpu.vector_store %arg26[%swap3A_1422], %and3A_1398 {strides = array<i32>} : memref<128xi32, #tpu.memory_space<vmem>>, vector<16xi32>,
      %dma_start3A_1424 = arith.constant 0 : i32
      %dma_start3A_1425 = arith.constant 0 : i32
      %dma_start3A_1426 = tpu.memref_slice %arg2[%dma_start3A_1424, %dma_start3A_1425] : memref<60000x64xf32, #tpu.memory_space<hbm>> -> memref<60000x64xf32, #tpu.memory_space<hbm>>
      tpu.enqueue_indirect_dma source(%dma_start3A_1426 : memref<60000x64xf32, #tpu.memory_space<hbm>>) target(%arg18 : memref<128x64xf32, #tpu.memory_space<vmem>>) offsets(%arg10 : memref<128xi32, #tpu.memory_space<vmem>>) semaphore(%arg34 : memref<!tpu.dma_semaphore, #tpu.memory_space<semaphore_mem>>)
      %dma_wait3A_1427 = arith.constant 0 : i32
      %dma_wait3A_1428 = arith.constant 0 : i32
      %dma_wait3A_1429 = tpu.memref_slice %arg2[%dma_wait3A_1427, %dma_wait3A_1428] : memref<60000x64xf32, #tpu.memory_space<hbm>> -> memref<60000x64xf32, #tpu.memory_space<hbm>>
      tpu.wait_indirect_dma semaphore(%arg35 : memref<!tpu.dma_semaphore, #tpu.memory_space<semaphore_mem>>) src(%dma_wait3A_1429 : memref<60000x64xf32, #tpu.memory_space<hbm>>) dst(%arg19 : memref<128x64xf32, #tpu.memory_space<vmem>>)
      %dma_start3A_1430 = arith.constant 0 : i32
      %dma_start3A_1431 = arith.constant 0 : i32
      %dma_start3A_1432 = tpu.memref_slice %arg30[%dma_start3A_1430, %dma_start3A_1431] : memref<10240x64xf32, #tpu.memory_space<vmem_shared>> -> memref<10240x64xf32, #tpu.memory_space<vmem_shared>>
      tpu.enqueue_indirect_dma source(%arg19 : memref<128x64xf32, #tpu.memory_space<vmem>>) target(%dma_start3A_1432 : memref<10240x64xf32, #tpu.memory_space<vmem_shared>>) offsets(%arg15 : memref<128xi32, #tpu.memory_space<vmem>>) semaphore(%arg38 : memref<!tpu.dma_semaphore, #tpu.memory_space<semaphore_mem>>) {add = true}
      %dma_start3A_1433 = arith.constant 0 : i32
      %dma_start3A_1434 = arith.constant 0 : i32
      %dma_start3A_1435 = tpu.memref_slice %arg31[%dma_start3A_1433, %dma_start3A_1434] : memref<10240x16xf32, #tpu.memory_space<vmem_shared>> -> memref<10240x16xf32, #tpu.memory_space<vmem_shared>>
      tpu.enqueue_indirect_dma source(%arg23 : memref<128x16xf32, #tpu.memory_space<vmem>>) target(%dma_start3A_1435 : memref<10240x16xf32, #tpu.memory_space<vmem_shared>>) offsets(%arg15 : memref<128xi32, #tpu.memory_space<vmem>>) semaphore(%arg39 : memref<!tpu.dma_semaphore, #tpu.memory_space<semaphore_mem>>) {add = true}
      %dma_wait3A_1436 = arith.constant 0 : i32
      %dma_wait3A_1437 = arith.constant 0 : i32
      %dma_wait3A_1438 = tpu.memref_slice %arg30[%dma_wait3A_1436, %dma_wait3A_1437] : memref<10240x64xf32, #tpu.memory_space<vmem_shared>> -> memref<10240x64xf32, #tpu.memory_space<vmem_shared>>
      tpu.wait_indirect_dma semaphore(%arg38 : memref<!tpu.dma_semaphore, #tpu.memory_space<semaphore_mem>>) src(%arg19 : memref<128x64xf32, #tpu.memory_space<vmem>>) dst(%dma_wait3A_1438 : memref<10240x64xf32, #tpu.memory_space<vmem_shared>>)
      %dma_wait3A_1439 = arith.constant 0 : i32
      %dma_wait3A_1440 = arith.constant 0 : i32
      %dma_wait3A_1441 = tpu.memref_slice %arg31[%dma_wait3A_1439, %dma_wait3A_1440] : memref<10240x16xf32, #tpu.memory_space<vmem_shared>> -> memref<10240x16xf32, #tpu.memory_space<vmem_shared>>
      tpu.wait_indirect_dma semaphore(%arg39 : memref<!tpu.dma_semaphore, #tpu.memory_space<semaphore_mem>>) src(%arg23 : memref<128x16xf32, #tpu.memory_space<vmem>>) dst(%dma_wait3A_1441 : memref<10240x16xf32, #tpu.memory_space<vmem_shared>>)
      %get3A_1442 = arith.constant 128 : index
      %get3A_1443 = tpu.vector_load %arg9[%get3A_1442] {strides = array<i32>} : memref<512xi32, #tpu.memory_space<vmem>>, vector<16xi32>,
      %shift_right_logical3A_1444 = arith.constant 14 : i32
      %shift_right_logical3A_1445 = vector.broadcast %shift_right_logical3A_1444 : i32 to vector<16xi32>
      %shift_right_logical3A_1446 = arith.shrui %get3A_1443, %shift_right_logical3A_1445 : vector<16xi32>
      %and3A_1447 = arith.constant 3 : i32
      %and3A_1448 = vector.broadcast %and3A_1447 : i32 to vector<16xi32>
      %and3A_1449 = arith.andi %shift_right_logical3A_1446, %and3A_1448 : vector<16xi32>
      %and3A_1450 = arith.constant 16383 : i32
      %and3A_1451 = vector.broadcast %and3A_1450 : i32 to vector<16xi32>
      %and3A_1452 = arith.andi %get3A_1443, %and3A_1451 : vector<16xi32>
      %mul3A_1453 = arith.constant 3 : i32
      %mul3A_1454 = arith.muli %arg0, %mul3A_1453 : i32
      %add3A_1455 = vector.broadcast %mul3A_1454 : i32 to vector<16xi32>
      %add3A_1456 = arith.addi %and3A_1449, %add3A_1455 : vector<16xi32>
      %mul3A_1457 = arith.constant 10000 : i32
      %mul3A_1458 = vector.broadcast %mul3A_1457 : i32 to vector<16xi32>
      %mul3A_1459 = arith.muli %add3A_1456, %mul3A_1458 : vector<16xi32>
      %add3A_1460 = arith.addi %and3A_1452, %mul3A_1459 : vector<16xi32>
      %shift_right_logical3A_1461 = arith.constant 16 : i32
      %shift_right_logical3A_1462 = vector.broadcast %shift_right_logical3A_1461 : i32 to vector<16xi32>
      %shift_right_logical3A_1463 = arith.shrui %get3A_1443, %shift_right_logical3A_1462 : vector<16xi32>
      %swap3A_1464 = arith.constant 0 : index
      %swap3A_1465 = tpu.vector_load %arg11[%swap3A_1464] {strides = array<i32>} : memref<128xi32, #tpu.memory_space<vmem>>, vector<16xi32>,
      tpu.vector_store %arg11[%swap3A_1464], %add3A_1460 {strides = array<i32>} : memref<128xi32, #tpu.memory_space<vmem>>, vector<16xi32>,
      %swap3A_1466 = arith.constant 0 : index
      %swap3A_1467 = tpu.vector_load %arg15[%swap3A_1466] {strides = array<i32>} : memref<128xi32, #tpu.memory_space<vmem>>, vector<16xi32>,
      tpu.vector_store %arg15[%swap3A_1466], %shift_right_logical3A_1463 {strides = array<i32>} : memref<128xi32, #tpu.memory_space<vmem>>, vector<16xi32>,
      %add3A_1468 = arith.constant 0 : i32
      %add3A_1469 = vector.broadcast %add3A_1468 : i32 to vector<16xi32>
      %add3A_1470 = arith.addi %add3A_1469, %iota3A : vector<16xi32>
      %get3A_1471 = arith.constant 0 : index
      %get3A_1472 = tpu.vector_load %arg27[%get3A_1471] {strides = array<i32>} : memref<128xi32, #tpu.memory_space<vmem>>, vector<16xi32>,
      tpu.vector_store_idx %arg23[%add3A_1470, %get3A_1472], %broadcast_in_dim3A_30 : memref<128x16xf32, #tpu.memory_space<vmem>>[vector<16xi32>, vector<16xi32>], vector<16xf32>,
      tpu.vector_store_idx %arg23[%add3A_1470, %and3A_1449], %broadcast_in_dim3A_28 : memref<128x16xf32, #tpu.memory_space<vmem>>[vector<16xi32>, vector<16xi32>], vector<16xf32>,
      %swap3A_1473 = arith.constant 0 : index
      %swap3A_1474 = tpu.vector_load %arg27[%swap3A_1473] {strides = array<i32>} : memref<128xi32, #tpu.memory_space<vmem>>, vector<16xi32>,
      tpu.vector_store %arg27[%swap3A_1473], %and3A_1449 {strides = array<i32>} : memref<128xi32, #tpu.memory_space<vmem>>, vector<16xi32>,
      %get3A_1475 = arith.constant 144 : index
      %get3A_1476 = tpu.vector_load %arg9[%get3A_1475] {strides = array<i32>} : memref<512xi32, #tpu.memory_space<vmem>>, vector<16xi32>,
      %shift_right_logical3A_1477 = arith.constant 14 : i32
      %shift_right_logical3A_1478 = vector.broadcast %shift_right_logical3A_1477 : i32 to vector<16xi32>
      %shift_right_logical3A_1479 = arith.shrui %get3A_1476, %shift_right_logical3A_1478 : vector<16xi32>
      %and3A_1480 = arith.constant 3 : i32
      %and3A_1481 = vector.broadcast %and3A_1480 : i32 to vector<16xi32>
      %and3A_1482 = arith.andi %shift_right_logical3A_1479, %and3A_1481 : vector<16xi32>
      %and3A_1483 = arith.constant 16383 : i32
      %and3A_1484 = vector.broadcast %and3A_1483 : i32 to vector<16xi32>
      %and3A_1485 = arith.andi %get3A_1476, %and3A_1484 : vector<16xi32>
      %mul3A_1486 = arith.constant 3 : i32
      %mul3A_1487 = arith.muli %arg0, %mul3A_1486 : i32
      %add3A_1488 = vector.broadcast %mul3A_1487 : i32 to vector<16xi32>
      %add3A_1489 = arith.addi %and3A_1482, %add3A_1488 : vector<16xi32>
      %mul3A_1490 = arith.constant 10000 : i32
      %mul3A_1491 = vector.broadcast %mul3A_1490 : i32 to vector<16xi32>
      %mul3A_1492 = arith.muli %add3A_1489, %mul3A_1491 : vector<16xi32>
      %add3A_1493 = arith.addi %and3A_1485, %mul3A_1492 : vector<16xi32>
      %shift_right_logical3A_1494 = arith.constant 16 : i32
      %shift_right_logical3A_1495 = vector.broadcast %shift_right_logical3A_1494 : i32 to vector<16xi32>
      %shift_right_logical3A_1496 = arith.shrui %get3A_1476, %shift_right_logical3A_1495 : vector<16xi32>
      %swap3A_1497 = arith.constant 16 : index
      %swap3A_1498 = tpu.vector_load %arg11[%swap3A_1497] {strides = array<i32>} : memref<128xi32, #tpu.memory_space<vmem>>, vector<16xi32>,
      tpu.vector_store %arg11[%swap3A_1497], %add3A_1493 {strides = array<i32>} : memref<128xi32, #tpu.memory_space<vmem>>, vector<16xi32>,
      %swap3A_1499 = arith.constant 16 : index
      %swap3A_1500 = tpu.vector_load %arg15[%swap3A_1499] {strides = array<i32>} : memref<128xi32, #tpu.memory_space<vmem>>, vector<16xi32>,
      tpu.vector_store %arg15[%swap3A_1499], %shift_right_logical3A_1496 {strides = array<i32>} : memref<128xi32, #tpu.memory_space<vmem>>, vector<16xi32>,
      %add3A_1501 = arith.constant 16 : i32
      %add3A_1502 = vector.broadcast %add3A_1501 : i32 to vector<16xi32>
      %add3A_1503 = arith.addi %add3A_1502, %iota3A : vector<16xi32>
      %get3A_1504 = arith.constant 16 : index
      %get3A_1505 = tpu.vector_load %arg27[%get3A_1504] {strides = array<i32>} : memref<128xi32, #tpu.memory_space<vmem>>, vector<16xi32>,
      tpu.vector_store_idx %arg23[%add3A_1503, %get3A_1505], %broadcast_in_dim3A_30 : memref<128x16xf32, #tpu.memory_space<vmem>>[vector<16xi32>, vector<16xi32>], vector<16xf32>,
      tpu.vector_store_idx %arg23[%add3A_1503, %and3A_1482], %broadcast_in_dim3A_28 : memref<128x16xf32, #tpu.memory_space<vmem>>[vector<16xi32>, vector<16xi32>], vector<16xf32>,
      %swap3A_1506 = arith.constant 16 : index
      %swap3A_1507 = tpu.vector_load %arg27[%swap3A_1506] {strides = array<i32>} : memref<128xi32, #tpu.memory_space<vmem>>, vector<16xi32>,
      tpu.vector_store %arg27[%swap3A_1506], %and3A_1482 {strides = array<i32>} : memref<128xi32, #tpu.memory_space<vmem>>, vector<16xi32>,
      %get3A_1508 = arith.constant 160 : index
      %get3A_1509 = tpu.vector_load %arg9[%get3A_1508] {strides = array<i32>} : memref<512xi32, #tpu.memory_space<vmem>>, vector<16xi32>,
      %shift_right_logical3A_1510 = arith.constant 14 : i32
      %shift_right_logical3A_1511 = vector.broadcast %shift_right_logical3A_1510 : i32 to vector<16xi32>
      %shift_right_logical3A_1512 = arith.shrui %get3A_1509, %shift_right_logical3A_1511 : vector<16xi32>
      %and3A_1513 = arith.constant 3 : i32
      %and3A_1514 = vector.broadcast %and3A_1513 : i32 to vector<16xi32>
      %and3A_1515 = arith.andi %shift_right_logical3A_1512, %and3A_1514 : vector<16xi32>
      %and3A_1516 = arith.constant 16383 : i32
      %and3A_1517 = vector.broadcast %and3A_1516 : i32 to vector<16xi32>
      %and3A_1518 = arith.andi %get3A_1509, %and3A_1517 : vector<16xi32>
      %mul3A_1519 = arith.constant 3 : i32
      %mul3A_1520 = arith.muli %arg0, %mul3A_1519 : i32
      %add3A_1521 = vector.broadcast %mul3A_1520 : i32 to vector<16xi32>
      %add3A_1522 = arith.addi %and3A_1515, %add3A_1521 : vector<16xi32>
      %mul3A_1523 = arith.constant 10000 : i32
      %mul3A_1524 = vector.broadcast %mul3A_1523 : i32 to vector<16xi32>
      %mul3A_1525 = arith.muli %add3A_1522, %mul3A_1524 : vector<16xi32>
      %add3A_1526 = arith.addi %and3A_1518, %mul3A_1525 : vector<16xi32>
      %shift_right_logical3A_1527 = arith.constant 16 : i32
      %shift_right_logical3A_1528 = vector.broadcast %shift_right_logical3A_1527 : i32 to vector<16xi32>
      %shift_right_logical3A_1529 = arith.shrui %get3A_1509, %shift_right_logical3A_1528 : vector<16xi32>
      %swap3A_1530 = arith.constant 32 : index
      %swap3A_1531 = tpu.vector_load %arg11[%swap3A_1530] {strides = array<i32>} : memref<128xi32, #tpu.memory_space<vmem>>, vector<16xi32>,
      tpu.vector_store %arg11[%swap3A_1530], %add3A_1526 {strides = array<i32>} : memref<128xi32, #tpu.memory_space<vmem>>, vector<16xi32>,
      %swap3A_1532 = arith.constant 32 : index
      %swap3A_1533 = tpu.vector_load %arg15[%swap3A_1532] {strides = array<i32>} : memref<128xi32, #tpu.memory_space<vmem>>, vector<16xi32>,
      tpu.vector_store %arg15[%swap3A_1532], %shift_right_logical3A_1529 {strides = array<i32>} : memref<128xi32, #tpu.memory_space<vmem>>, vector<16xi32>,
      %add3A_1534 = arith.constant 32 : i32
      %add3A_1535 = vector.broadcast %add3A_1534 : i32 to vector<16xi32>
      %add3A_1536 = arith.addi %add3A_1535, %iota3A : vector<16xi32>
      %get3A_1537 = arith.constant 32 : index
      %get3A_1538 = tpu.vector_load %arg27[%get3A_1537] {strides = array<i32>} : memref<128xi32, #tpu.memory_space<vmem>>, vector<16xi32>,
      tpu.vector_store_idx %arg23[%add3A_1536, %get3A_1538], %broadcast_in_dim3A_30 : memref<128x16xf32, #tpu.memory_space<vmem>>[vector<16xi32>, vector<16xi32>], vector<16xf32>,
      tpu.vector_store_idx %arg23[%add3A_1536, %and3A_1515], %broadcast_in_dim3A_28 : memref<128x16xf32, #tpu.memory_space<vmem>>[vector<16xi32>, vector<16xi32>], vector<16xf32>,
      %swap3A_1539 = arith.constant 32 : index
      %swap3A_1540 = tpu.vector_load %arg27[%swap3A_1539] {strides = array<i32>} : memref<128xi32, #tpu.memory_space<vmem>>, vector<16xi32>,
      tpu.vector_store %arg27[%swap3A_1539], %and3A_1515 {strides = array<i32>} : memref<128xi32, #tpu.memory_space<vmem>>, vector<16xi32>,
      %get3A_1541 = arith.constant 176 : index
      %get3A_1542 = tpu.vector_load %arg9[%get3A_1541] {strides = array<i32>} : memref<512xi32, #tpu.memory_space<vmem>>, vector<16xi32>,
      %shift_right_logical3A_1543 = arith.constant 14 : i32
      %shift_right_logical3A_1544 = vector.broadcast %shift_right_logical3A_1543 : i32 to vector<16xi32>
      %shift_right_logical3A_1545 = arith.shrui %get3A_1542, %shift_right_logical3A_1544 : vector<16xi32>
      %and3A_1546 = arith.constant 3 : i32
      %and3A_1547 = vector.broadcast %and3A_1546 : i32 to vector<16xi32>
      %and3A_1548 = arith.andi %shift_right_logical3A_1545, %and3A_1547 : vector<16xi32>
      %and3A_1549 = arith.constant 16383 : i32
      %and3A_1550 = vector.broadcast %and3A_1549 : i32 to vector<16xi32>
      %and3A_1551 = arith.andi %get3A_1542, %and3A_1550 : vector<16xi32>
      %mul3A_1552 = arith.constant 3 : i32
      %mul3A_1553 = arith.muli %arg0, %mul3A_1552 : i32
      %add3A_1554 = vector.broadcast %mul3A_1553 : i32 to vector<16xi32>
      %add3A_1555 = arith.addi %and3A_1548, %add3A_1554 : vector<16xi32>
      %mul3A_1556 = arith.constant 10000 : i32
      %mul3A_1557 = vector.broadcast %mul3A_1556 : i32 to vector<16xi32>
      %mul3A_1558 = arith.muli %add3A_1555, %mul3A_1557 : vector<16xi32>
      %add3A_1559 = arith.addi %and3A_1551, %mul3A_1558 : vector<16xi32>
      %shift_right_logical3A_1560 = arith.constant 16 : i32
      %shift_right_logical3A_1561 = vector.broadcast %shift_right_logical3A_1560 : i32 to vector<16xi32>
      %shift_right_logical3A_1562 = arith.shrui %get3A_1542, %shift_right_logical3A_1561 : vector<16xi32>
      %swap3A_1563 = arith.constant 48 : index
      %swap3A_1564 = tpu.vector_load %arg11[%swap3A_1563] {strides = array<i32>} : memref<128xi32, #tpu.memory_space<vmem>>, vector<16xi32>,
      tpu.vector_store %arg11[%swap3A_1563], %add3A_1559 {strides = array<i32>} : memref<128xi32, #tpu.memory_space<vmem>>, vector<16xi32>,
      %swap3A_1565 = arith.constant 48 : index
      %swap3A_1566 = tpu.vector_load %arg15[%swap3A_1565] {strides = array<i32>} : memref<128xi32, #tpu.memory_space<vmem>>, vector<16xi32>,
      tpu.vector_store %arg15[%swap3A_1565], %shift_right_logical3A_1562 {strides = array<i32>} : memref<128xi32, #tpu.memory_space<vmem>>, vector<16xi32>,
      %add3A_1567 = arith.constant 48 : i32
      %add3A_1568 = vector.broadcast %add3A_1567 : i32 to vector<16xi32>
      %add3A_1569 = arith.addi %add3A_1568, %iota3A : vector<16xi32>
      %get3A_1570 = arith.constant 48 : index
      %get3A_1571 = tpu.vector_load %arg27[%get3A_1570] {strides = array<i32>} : memref<128xi32, #tpu.memory_space<vmem>>, vector<16xi32>,
      tpu.vector_store_idx %arg23[%add3A_1569, %get3A_1571], %broadcast_in_dim3A_30 : memref<128x16xf32, #tpu.memory_space<vmem>>[vector<16xi32>, vector<16xi32>], vector<16xf32>,
      tpu.vector_store_idx %arg23[%add3A_1569, %and3A_1548], %broadcast_in_dim3A_28 : memref<128x16xf32, #tpu.memory_space<vmem>>[vector<16xi32>, vector<16xi32>], vector<16xf32>,
      %swap3A_1572 = arith.constant 48 : index
      %swap3A_1573 = tpu.vector_load %arg27[%swap3A_1572] {strides = array<i32>} : memref<128xi32, #tpu.memory_space<vmem>>, vector<16xi32>,
      tpu.vector_store %arg27[%swap3A_1572], %and3A_1548 {strides = array<i32>} : memref<128xi32, #tpu.memory_space<vmem>>, vector<16xi32>,
      %get3A_1574 = arith.constant 192 : index
      %get3A_1575 = tpu.vector_load %arg9[%get3A_1574] {strides = array<i32>} : memref<512xi32, #tpu.memory_space<vmem>>, vector<16xi32>,
      %shift_right_logical3A_1576 = arith.constant 14 : i32
      %shift_right_logical3A_1577 = vector.broadcast %shift_right_logical3A_1576 : i32 to vector<16xi32>
      %shift_right_logical3A_1578 = arith.shrui %get3A_1575, %shift_right_logical3A_1577 : vector<16xi32>
      %and3A_1579 = arith.constant 3 : i32
      %and3A_1580 = vector.broadcast %and3A_1579 : i32 to vector<16xi32>
      %and3A_1581 = arith.andi %shift_right_logical3A_1578, %and3A_1580 : vector<16xi32>
      %and3A_1582 = arith.constant 16383 : i32
      %and3A_1583 = vector.broadcast %and3A_1582 : i32 to vector<16xi32>
      %and3A_1584 = arith.andi %get3A_1575, %and3A_1583 : vector<16xi32>
      %mul3A_1585 = arith.constant 3 : i32
      %mul3A_1586 = arith.muli %arg0, %mul3A_1585 : i32
      %add3A_1587 = vector.broadcast %mul3A_1586 : i32 to vector<16xi32>
      %add3A_1588 = arith.addi %and3A_1581, %add3A_1587 : vector<16xi32>
      %mul3A_1589 = arith.constant 10000 : i32
      %mul3A_1590 = vector.broadcast %mul3A_1589 : i32 to vector<16xi32>
      %mul3A_1591 = arith.muli %add3A_1588, %mul3A_1590 : vector<16xi32>
      %add3A_1592 = arith.addi %and3A_1584, %mul3A_1591 : vector<16xi32>
      %shift_right_logical3A_1593 = arith.constant 16 : i32
      %shift_right_logical3A_1594 = vector.broadcast %shift_right_logical3A_1593 : i32 to vector<16xi32>
      %shift_right_logical3A_1595 = arith.shrui %get3A_1575, %shift_right_logical3A_1594 : vector<16xi32>
      %swap3A_1596 = arith.constant 64 : index
      %swap3A_1597 = tpu.vector_load %arg11[%swap3A_1596] {strides = array<i32>} : memref<128xi32, #tpu.memory_space<vmem>>, vector<16xi32>,
      tpu.vector_store %arg11[%swap3A_1596], %add3A_1592 {strides = array<i32>} : memref<128xi32, #tpu.memory_space<vmem>>, vector<16xi32>,
      %swap3A_1598 = arith.constant 64 : index
      %swap3A_1599 = tpu.vector_load %arg15[%swap3A_1598] {strides = array<i32>} : memref<128xi32, #tpu.memory_space<vmem>>, vector<16xi32>,
      tpu.vector_store %arg15[%swap3A_1598], %shift_right_logical3A_1595 {strides = array<i32>} : memref<128xi32, #tpu.memory_space<vmem>>, vector<16xi32>,
      %add3A_1600 = arith.constant 64 : i32
      %add3A_1601 = vector.broadcast %add3A_1600 : i32 to vector<16xi32>
      %add3A_1602 = arith.addi %add3A_1601, %iota3A : vector<16xi32>
      %get3A_1603 = arith.constant 64 : index
      %get3A_1604 = tpu.vector_load %arg27[%get3A_1603] {strides = array<i32>} : memref<128xi32, #tpu.memory_space<vmem>>, vector<16xi32>,
      tpu.vector_store_idx %arg23[%add3A_1602, %get3A_1604], %broadcast_in_dim3A_30 : memref<128x16xf32, #tpu.memory_space<vmem>>[vector<16xi32>, vector<16xi32>], vector<16xf32>,
      tpu.vector_store_idx %arg23[%add3A_1602, %and3A_1581], %broadcast_in_dim3A_28 : memref<128x16xf32, #tpu.memory_space<vmem>>[vector<16xi32>, vector<16xi32>], vector<16xf32>,
      %swap3A_1605 = arith.constant 64 : index
      %swap3A_1606 = tpu.vector_load %arg27[%swap3A_1605] {strides = array<i32>} : memref<128xi32, #tpu.memory_space<vmem>>, vector<16xi32>,
      tpu.vector_store %arg27[%swap3A_1605], %and3A_1581 {strides = array<i32>} : memref<128xi32, #tpu.memory_space<vmem>>, vector<16xi32>,
      %get3A_1607 = arith.constant 208 : index
      %get3A_1608 = tpu.vector_load %arg9[%get3A_1607] {strides = array<i32>} : memref<512xi32, #tpu.memory_space<vmem>>, vector<16xi32>,
      %shift_right_logical3A_1609 = arith.constant 14 : i32
      %shift_right_logical3A_1610 = vector.broadcast %shift_right_logical3A_1609 : i32 to vector<16xi32>
      %shift_right_logical3A_1611 = arith.shrui %get3A_1608, %shift_right_logical3A_1610 : vector<16xi32>
      %and3A_1612 = arith.constant 3 : i32
      %and3A_1613 = vector.broadcast %and3A_1612 : i32 to vector<16xi32>
      %and3A_1614 = arith.andi %shift_right_logical3A_1611, %and3A_1613 : vector<16xi32>
      %and3A_1615 = arith.constant 16383 : i32
      %and3A_1616 = vector.broadcast %and3A_1615 : i32 to vector<16xi32>
      %and3A_1617 = arith.andi %get3A_1608, %and3A_1616 : vector<16xi32>
      %mul3A_1618 = arith.constant 3 : i32
      %mul3A_1619 = arith.muli %arg0, %mul3A_1618 : i32
      %add3A_1620 = vector.broadcast %mul3A_1619 : i32 to vector<16xi32>
      %add3A_1621 = arith.addi %and3A_1614, %add3A_1620 : vector<16xi32>
      %mul3A_1622 = arith.constant 10000 : i32
      %mul3A_1623 = vector.broadcast %mul3A_1622 : i32 to vector<16xi32>
      %mul3A_1624 = arith.muli %add3A_1621, %mul3A_1623 : vector<16xi32>
      %add3A_1625 = arith.addi %and3A_1617, %mul3A_1624 : vector<16xi32>
      %shift_right_logical3A_1626 = arith.constant 16 : i32
      %shift_right_logical3A_1627 = vector.broadcast %shift_right_logical3A_1626 : i32 to vector<16xi32>
      %shift_right_logical3A_1628 = arith.shrui %get3A_1608, %shift_right_logical3A_1627 : vector<16xi32>
      %swap3A_1629 = arith.constant 80 : index
      %swap3A_1630 = tpu.vector_load %arg11[%swap3A_1629] {strides = array<i32>} : memref<128xi32, #tpu.memory_space<vmem>>, vector<16xi32>,
      tpu.vector_store %arg11[%swap3A_1629], %add3A_1625 {strides = array<i32>} : memref<128xi32, #tpu.memory_space<vmem>>, vector<16xi32>,
      %swap3A_1631 = arith.constant 80 : index
      %swap3A_1632 = tpu.vector_load %arg15[%swap3A_1631] {strides = array<i32>} : memref<128xi32, #tpu.memory_space<vmem>>, vector<16xi32>,
      tpu.vector_store %arg15[%swap3A_1631], %shift_right_logical3A_1628 {strides = array<i32>} : memref<128xi32, #tpu.memory_space<vmem>>, vector<16xi32>,
      %add3A_1633 = arith.constant 80 : i32
      %add3A_1634 = vector.broadcast %add3A_1633 : i32 to vector<16xi32>
      %add3A_1635 = arith.addi %add3A_1634, %iota3A : vector<16xi32>
      %get3A_1636 = arith.constant 80 : index
      %get3A_1637 = tpu.vector_load %arg27[%get3A_1636] {strides = array<i32>} : memref<128xi32, #tpu.memory_space<vmem>>, vector<16xi32>,
      tpu.vector_store_idx %arg23[%add3A_1635, %get3A_1637], %broadcast_in_dim3A_30 : memref<128x16xf32, #tpu.memory_space<vmem>>[vector<16xi32>, vector<16xi32>], vector<16xf32>,
      tpu.vector_store_idx %arg23[%add3A_1635, %and3A_1614], %broadcast_in_dim3A_28 : memref<128x16xf32, #tpu.memory_space<vmem>>[vector<16xi32>, vector<16xi32>], vector<16xf32>,
      %swap3A_1638 = arith.constant 80 : index
      %swap3A_1639 = tpu.vector_load %arg27[%swap3A_1638] {strides = array<i32>} : memref<128xi32, #tpu.memory_space<vmem>>, vector<16xi32>,
      tpu.vector_store %arg27[%swap3A_1638], %and3A_1614 {strides = array<i32>} : memref<128xi32, #tpu.memory_space<vmem>>, vector<16xi32>,
      %get3A_1640 = arith.constant 224 : index
      %get3A_1641 = tpu.vector_load %arg9[%get3A_1640] {strides = array<i32>} : memref<512xi32, #tpu.memory_space<vmem>>, vector<16xi32>,
      %shift_right_logical3A_1642 = arith.constant 14 : i32
      %shift_right_logical3A_1643 = vector.broadcast %shift_right_logical3A_1642 : i32 to vector<16xi32>
      %shift_right_logical3A_1644 = arith.shrui %get3A_1641, %shift_right_logical3A_1643 : vector<16xi32>
      %and3A_1645 = arith.constant 3 : i32
      %and3A_1646 = vector.broadcast %and3A_1645 : i32 to vector<16xi32>
      %and3A_1647 = arith.andi %shift_right_logical3A_1644, %and3A_1646 : vector<16xi32>
      %and3A_1648 = arith.constant 16383 : i32
      %and3A_1649 = vector.broadcast %and3A_1648 : i32 to vector<16xi32>
      %and3A_1650 = arith.andi %get3A_1641, %and3A_1649 : vector<16xi32>
      %mul3A_1651 = arith.constant 3 : i32
      %mul3A_1652 = arith.muli %arg0, %mul3A_1651 : i32
      %add3A_1653 = vector.broadcast %mul3A_1652 : i32 to vector<16xi32>
      %add3A_1654 = arith.addi %and3A_1647, %add3A_1653 : vector<16xi32>
      %mul3A_1655 = arith.constant 10000 : i32
      %mul3A_1656 = vector.broadcast %mul3A_1655 : i32 to vector<16xi32>
      %mul3A_1657 = arith.muli %add3A_1654, %mul3A_1656 : vector<16xi32>
      %add3A_1658 = arith.addi %and3A_1650, %mul3A_1657 : vector<16xi32>
      %shift_right_logical3A_1659 = arith.constant 16 : i32
      %shift_right_logical3A_1660 = vector.broadcast %shift_right_logical3A_1659 : i32 to vector<16xi32>
      %shift_right_logical3A_1661 = arith.shrui %get3A_1641, %shift_right_logical3A_1660 : vector<16xi32>
      %swap3A_1662 = arith.constant 96 : index
      %swap3A_1663 = tpu.vector_load %arg11[%swap3A_1662] {strides = array<i32>} : memref<128xi32, #tpu.memory_space<vmem>>, vector<16xi32>,
      tpu.vector_store %arg11[%swap3A_1662], %add3A_1658 {strides = array<i32>} : memref<128xi32, #tpu.memory_space<vmem>>, vector<16xi32>,
      %swap3A_1664 = arith.constant 96 : index
      %swap3A_1665 = tpu.vector_load %arg15[%swap3A_1664] {strides = array<i32>} : memref<128xi32, #tpu.memory_space<vmem>>, vector<16xi32>,
      tpu.vector_store %arg15[%swap3A_1664], %shift_right_logical3A_1661 {strides = array<i32>} : memref<128xi32, #tpu.memory_space<vmem>>, vector<16xi32>,
      %add3A_1666 = arith.constant 96 : i32
      %add3A_1667 = vector.broadcast %add3A_1666 : i32 to vector<16xi32>
      %add3A_1668 = arith.addi %add3A_1667, %iota3A : vector<16xi32>
      %get3A_1669 = arith.constant 96 : index
      %get3A_1670 = tpu.vector_load %arg27[%get3A_1669] {strides = array<i32>} : memref<128xi32, #tpu.memory_space<vmem>>, vector<16xi32>,
      tpu.vector_store_idx %arg23[%add3A_1668, %get3A_1670], %broadcast_in_dim3A_30 : memref<128x16xf32, #tpu.memory_space<vmem>>[vector<16xi32>, vector<16xi32>], vector<16xf32>,
      tpu.vector_store_idx %arg23[%add3A_1668, %and3A_1647], %broadcast_in_dim3A_28 : memref<128x16xf32, #tpu.memory_space<vmem>>[vector<16xi32>, vector<16xi32>], vector<16xf32>,
      %swap3A_1671 = arith.constant 96 : index
      %swap3A_1672 = tpu.vector_load %arg27[%swap3A_1671] {strides = array<i32>} : memref<128xi32, #tpu.memory_space<vmem>>, vector<16xi32>,
      tpu.vector_store %arg27[%swap3A_1671], %and3A_1647 {strides = array<i32>} : memref<128xi32, #tpu.memory_space<vmem>>, vector<16xi32>,
      %get3A_1673 = arith.constant 240 : index
      %get3A_1674 = tpu.vector_load %arg9[%get3A_1673] {strides = array<i32>} : memref<512xi32, #tpu.memory_space<vmem>>, vector<16xi32>,
      %shift_right_logical3A_1675 = arith.constant 14 : i32
      %shift_right_logical3A_1676 = vector.broadcast %shift_right_logical3A_1675 : i32 to vector<16xi32>
      %shift_right_logical3A_1677 = arith.shrui %get3A_1674, %shift_right_logical3A_1676 : vector<16xi32>
      %and3A_1678 = arith.constant 3 : i32
      %and3A_1679 = vector.broadcast %and3A_1678 : i32 to vector<16xi32>
      %and3A_1680 = arith.andi %shift_right_logical3A_1677, %and3A_1679 : vector<16xi32>
      %and3A_1681 = arith.constant 16383 : i32
      %and3A_1682 = vector.broadcast %and3A_1681 : i32 to vector<16xi32>
      %and3A_1683 = arith.andi %get3A_1674, %and3A_1682 : vector<16xi32>
      %mul3A_1684 = arith.constant 3 : i32
      %mul3A_1685 = arith.muli %arg0, %mul3A_1684 : i32
      %add3A_1686 = vector.broadcast %mul3A_1685 : i32 to vector<16xi32>
      %add3A_1687 = arith.addi %and3A_1680, %add3A_1686 : vector<16xi32>
      %mul3A_1688 = arith.constant 10000 : i32
      %mul3A_1689 = vector.broadcast %mul3A_1688 : i32 to vector<16xi32>
      %mul3A_1690 = arith.muli %add3A_1687, %mul3A_1689 : vector<16xi32>
      %add3A_1691 = arith.addi %and3A_1683, %mul3A_1690 : vector<16xi32>
      %shift_right_logical3A_1692 = arith.constant 16 : i32
      %shift_right_logical3A_1693 = vector.broadcast %shift_right_logical3A_1692 : i32 to vector<16xi32>
      %shift_right_logical3A_1694 = arith.shrui %get3A_1674, %shift_right_logical3A_1693 : vector<16xi32>
      %swap3A_1695 = arith.constant 112 : index
      %swap3A_1696 = tpu.vector_load %arg11[%swap3A_1695] {strides = array<i32>} : memref<128xi32, #tpu.memory_space<vmem>>, vector<16xi32>,
      tpu.vector_store %arg11[%swap3A_1695], %add3A_1691 {strides = array<i32>} : memref<128xi32, #tpu.memory_space<vmem>>, vector<16xi32>,
      %swap3A_1697 = arith.constant 112 : index
      %swap3A_1698 = tpu.vector_load %arg15[%swap3A_1697] {strides = array<i32>} : memref<128xi32, #tpu.memory_space<vmem>>, vector<16xi32>,
      tpu.vector_store %arg15[%swap3A_1697], %shift_right_logical3A_1694 {strides = array<i32>} : memref<128xi32, #tpu.memory_space<vmem>>, vector<16xi32>,
      %add3A_1699 = arith.constant 112 : i32
      %add3A_1700 = vector.broadcast %add3A_1699 : i32 to vector<16xi32>
      %add3A_1701 = arith.addi %add3A_1700, %iota3A : vector<16xi32>
      %get3A_1702 = arith.constant 112 : index
      %get3A_1703 = tpu.vector_load %arg27[%get3A_1702] {strides = array<i32>} : memref<128xi32, #tpu.memory_space<vmem>>, vector<16xi32>,
      tpu.vector_store_idx %arg23[%add3A_1701, %get3A_1703], %broadcast_in_dim3A_30 : memref<128x16xf32, #tpu.memory_space<vmem>>[vector<16xi32>, vector<16xi32>], vector<16xf32>,
      tpu.vector_store_idx %arg23[%add3A_1701, %and3A_1680], %broadcast_in_dim3A_28 : memref<128x16xf32, #tpu.memory_space<vmem>>[vector<16xi32>, vector<16xi32>], vector<16xf32>,
      %swap3A_1704 = arith.constant 112 : index
      %swap3A_1705 = tpu.vector_load %arg27[%swap3A_1704] {strides = array<i32>} : memref<128xi32, #tpu.memory_space<vmem>>, vector<16xi32>,
      tpu.vector_store %arg27[%swap3A_1704], %and3A_1680 {strides = array<i32>} : memref<128xi32, #tpu.memory_space<vmem>>, vector<16xi32>,
      %dma_start3A_1706 = arith.constant 0 : i32
      %dma_start3A_1707 = arith.constant 0 : i32
      %dma_start3A_1708 = tpu.memref_slice %arg2[%dma_start3A_1706, %dma_start3A_1707] : memref<60000x64xf32, #tpu.memory_space<hbm>> -> memref<60000x64xf32, #tpu.memory_space<hbm>>
      tpu.enqueue_indirect_dma source(%dma_start3A_1708 : memref<60000x64xf32, #tpu.memory_space<hbm>>) target(%arg19 : memref<128x64xf32, #tpu.memory_space<vmem>>) offsets(%arg11 : memref<128xi32, #tpu.memory_space<vmem>>) semaphore(%arg35 : memref<!tpu.dma_semaphore, #tpu.memory_space<semaphore_mem>>)
      %dma_wait3A_1709 = arith.constant 0 : i32
      %dma_wait3A_1710 = arith.constant 0 : i32
      %dma_wait3A_1711 = tpu.memref_slice %arg2[%dma_wait3A_1709, %dma_wait3A_1710] : memref<60000x64xf32, #tpu.memory_space<hbm>> -> memref<60000x64xf32, #tpu.memory_space<hbm>>
      tpu.wait_indirect_dma semaphore(%arg36 : memref<!tpu.dma_semaphore, #tpu.memory_space<semaphore_mem>>) src(%dma_wait3A_1711 : memref<60000x64xf32, #tpu.memory_space<hbm>>) dst(%arg20 : memref<128x64xf32, #tpu.memory_space<vmem>>)
      %dma_start3A_1712 = arith.constant 0 : i32
      %dma_start3A_1713 = arith.constant 0 : i32
      %dma_start3A_1714 = tpu.memref_slice %arg30[%dma_start3A_1712, %dma_start3A_1713] : memref<10240x64xf32, #tpu.memory_space<vmem_shared>> -> memref<10240x64xf32, #tpu.memory_space<vmem_shared>>
      tpu.enqueue_indirect_dma source(%arg20 : memref<128x64xf32, #tpu.memory_space<vmem>>) target(%dma_start3A_1714 : memref<10240x64xf32, #tpu.memory_space<vmem_shared>>) offsets(%arg16 : memref<128xi32, #tpu.memory_space<vmem>>) semaphore(%arg38 : memref<!tpu.dma_semaphore, #tpu.memory_space<semaphore_mem>>) {add = true}
      %dma_start3A_1715 = arith.constant 0 : i32
      %dma_start3A_1716 = arith.constant 0 : i32
      %dma_start3A_1717 = tpu.memref_slice %arg31[%dma_start3A_1715, %dma_start3A_1716] : memref<10240x16xf32, #tpu.memory_space<vmem_shared>> -> memref<10240x16xf32, #tpu.memory_space<vmem_shared>>
      tpu.enqueue_indirect_dma source(%arg24 : memref<128x16xf32, #tpu.memory_space<vmem>>) target(%dma_start3A_1717 : memref<10240x16xf32, #tpu.memory_space<vmem_shared>>) offsets(%arg16 : memref<128xi32, #tpu.memory_space<vmem>>) semaphore(%arg39 : memref<!tpu.dma_semaphore, #tpu.memory_space<semaphore_mem>>) {add = true}
      %dma_wait3A_1718 = arith.constant 0 : i32
      %dma_wait3A_1719 = arith.constant 0 : i32
      %dma_wait3A_1720 = tpu.memref_slice %arg30[%dma_wait3A_1718, %dma_wait3A_1719] : memref<10240x64xf32, #tpu.memory_space<vmem_shared>> -> memref<10240x64xf32, #tpu.memory_space<vmem_shared>>
      tpu.wait_indirect_dma semaphore(%arg38 : memref<!tpu.dma_semaphore, #tpu.memory_space<semaphore_mem>>) src(%arg20 : memref<128x64xf32, #tpu.memory_space<vmem>>) dst(%dma_wait3A_1720 : memref<10240x64xf32, #tpu.memory_space<vmem_shared>>)
      %dma_wait3A_1721 = arith.constant 0 : i32
      %dma_wait3A_1722 = arith.constant 0 : i32
      %dma_wait3A_1723 = tpu.memref_slice %arg31[%dma_wait3A_1721, %dma_wait3A_1722] : memref<10240x16xf32, #tpu.memory_space<vmem_shared>> -> memref<10240x16xf32, #tpu.memory_space<vmem_shared>>
      tpu.wait_indirect_dma semaphore(%arg39 : memref<!tpu.dma_semaphore, #tpu.memory_space<semaphore_mem>>) src(%arg24 : memref<128x16xf32, #tpu.memory_space<vmem>>) dst(%dma_wait3A_1723 : memref<10240x16xf32, #tpu.memory_space<vmem_shared>>)
      %get3A_1724 = arith.constant 256 : index
      %get3A_1725 = tpu.vector_load %arg9[%get3A_1724] {strides = array<i32>} : memref<512xi32, #tpu.memory_space<vmem>>, vector<16xi32>,
      %shift_right_logical3A_1726 = arith.constant 14 : i32
      %shift_right_logical3A_1727 = vector.broadcast %shift_right_logical3A_1726 : i32 to vector<16xi32>
      %shift_right_logical3A_1728 = arith.shrui %get3A_1725, %shift_right_logical3A_1727 : vector<16xi32>
      %and3A_1729 = arith.constant 3 : i32
      %and3A_1730 = vector.broadcast %and3A_1729 : i32 to vector<16xi32>
      %and3A_1731 = arith.andi %shift_right_logical3A_1728, %and3A_1730 : vector<16xi32>
      %and3A_1732 = arith.constant 16383 : i32
      %and3A_1733 = vector.broadcast %and3A_1732 : i32 to vector<16xi32>
      %and3A_1734 = arith.andi %get3A_1725, %and3A_1733 : vector<16xi32>
      %mul3A_1735 = arith.constant 3 : i32
      %mul3A_1736 = arith.muli %arg0, %mul3A_1735 : i32
      %add3A_1737 = vector.broadcast %mul3A_1736 : i32 to vector<16xi32>
      %add3A_1738 = arith.addi %and3A_1731, %add3A_1737 : vector<16xi32>
      %mul3A_1739 = arith.constant 10000 : i32
      %mul3A_1740 = vector.broadcast %mul3A_1739 : i32 to vector<16xi32>
      %mul3A_1741 = arith.muli %add3A_1738, %mul3A_1740 : vector<16xi32>
      %add3A_1742 = arith.addi %and3A_1734, %mul3A_1741 : vector<16xi32>
      %shift_right_logical3A_1743 = arith.constant 16 : i32
      %shift_right_logical3A_1744 = vector.broadcast %shift_right_logical3A_1743 : i32 to vector<16xi32>
      %shift_right_logical3A_1745 = arith.shrui %get3A_1725, %shift_right_logical3A_1744 : vector<16xi32>
      %swap3A_1746 = arith.constant 0 : index
      %swap3A_1747 = tpu.vector_load %arg12[%swap3A_1746] {strides = array<i32>} : memref<128xi32, #tpu.memory_space<vmem>>, vector<16xi32>,
      tpu.vector_store %arg12[%swap3A_1746], %add3A_1742 {strides = array<i32>} : memref<128xi32, #tpu.memory_space<vmem>>, vector<16xi32>,
      %swap3A_1748 = arith.constant 0 : index
      %swap3A_1749 = tpu.vector_load %arg16[%swap3A_1748] {strides = array<i32>} : memref<128xi32, #tpu.memory_space<vmem>>, vector<16xi32>,
      tpu.vector_store %arg16[%swap3A_1748], %shift_right_logical3A_1745 {strides = array<i32>} : memref<128xi32, #tpu.memory_space<vmem>>, vector<16xi32>,
      %add3A_1750 = arith.constant 0 : i32
      %add3A_1751 = vector.broadcast %add3A_1750 : i32 to vector<16xi32>
      %add3A_1752 = arith.addi %add3A_1751, %iota3A : vector<16xi32>
      %get3A_1753 = arith.constant 0 : index
      %get3A_1754 = tpu.vector_load %arg28[%get3A_1753] {strides = array<i32>} : memref<128xi32, #tpu.memory_space<vmem>>, vector<16xi32>,
      tpu.vector_store_idx %arg24[%add3A_1752, %get3A_1754], %broadcast_in_dim3A_30 : memref<128x16xf32, #tpu.memory_space<vmem>>[vector<16xi32>, vector<16xi32>], vector<16xf32>,
      tpu.vector_store_idx %arg24[%add3A_1752, %and3A_1731], %broadcast_in_dim3A_28 : memref<128x16xf32, #tpu.memory_space<vmem>>[vector<16xi32>, vector<16xi32>], vector<16xf32>,
      %swap3A_1755 = arith.constant 0 : index
      %swap3A_1756 = tpu.vector_load %arg28[%swap3A_1755] {strides = array<i32>} : memref<128xi32, #tpu.memory_space<vmem>>, vector<16xi32>,
      tpu.vector_store %arg28[%swap3A_1755], %and3A_1731 {strides = array<i32>} : memref<128xi32, #tpu.memory_space<vmem>>, vector<16xi32>,
      %get3A_1757 = arith.constant 272 : index
      %get3A_1758 = tpu.vector_load %arg9[%get3A_1757] {strides = array<i32>} : memref<512xi32, #tpu.memory_space<vmem>>, vector<16xi32>,
      %shift_right_logical3A_1759 = arith.constant 14 : i32
      %shift_right_logical3A_1760 = vector.broadcast %shift_right_logical3A_1759 : i32 to vector<16xi32>
      %shift_right_logical3A_1761 = arith.shrui %get3A_1758, %shift_right_logical3A_1760 : vector<16xi32>
      %and3A_1762 = arith.constant 3 : i32
      %and3A_1763 = vector.broadcast %and3A_1762 : i32 to vector<16xi32>
      %and3A_1764 = arith.andi %shift_right_logical3A_1761, %and3A_1763 : vector<16xi32>
      %and3A_1765 = arith.constant 16383 : i32
      %and3A_1766 = vector.broadcast %and3A_1765 : i32 to vector<16xi32>
      %and3A_1767 = arith.andi %get3A_1758, %and3A_1766 : vector<16xi32>
      %mul3A_1768 = arith.constant 3 : i32
      %mul3A_1769 = arith.muli %arg0, %mul3A_1768 : i32
      %add3A_1770 = vector.broadcast %mul3A_1769 : i32 to vector<16xi32>
      %add3A_1771 = arith.addi %and3A_1764, %add3A_1770 : vector<16xi32>
      %mul3A_1772 = arith.constant 10000 : i32
      %mul3A_1773 = vector.broadcast %mul3A_1772 : i32 to vector<16xi32>
      %mul3A_1774 = arith.muli %add3A_1771, %mul3A_1773 : vector<16xi32>
      %add3A_1775 = arith.addi %and3A_1767, %mul3A_1774 : vector<16xi32>
      %shift_right_logical3A_1776 = arith.constant 16 : i32
      %shift_right_logical3A_1777 = vector.broadcast %shift_right_logical3A_1776 : i32 to vector<16xi32>
      %shift_right_logical3A_1778 = arith.shrui %get3A_1758, %shift_right_logical3A_1777 : vector<16xi32>
      %swap3A_1779 = arith.constant 16 : index
      %swap3A_1780 = tpu.vector_load %arg12[%swap3A_1779] {strides = array<i32>} : memref<128xi32, #tpu.memory_space<vmem>>, vector<16xi32>,
      tpu.vector_store %arg12[%swap3A_1779], %add3A_1775 {strides = array<i32>} : memref<128xi32, #tpu.memory_space<vmem>>, vector<16xi32>,
      %swap3A_1781 = arith.constant 16 : index
      %swap3A_1782 = tpu.vector_load %arg16[%swap3A_1781] {strides = array<i32>} : memref<128xi32, #tpu.memory_space<vmem>>, vector<16xi32>,
      tpu.vector_store %arg16[%swap3A_1781], %shift_right_logical3A_1778 {strides = array<i32>} : memref<128xi32, #tpu.memory_space<vmem>>, vector<16xi32>,
      %add3A_1783 = arith.constant 16 : i32
      %add3A_1784 = vector.broadcast %add3A_1783 : i32 to vector<16xi32>
      %add3A_1785 = arith.addi %add3A_1784, %iota3A : vector<16xi32>
      %get3A_1786 = arith.constant 16 : index
      %get3A_1787 = tpu.vector_load %arg28[%get3A_1786] {strides = array<i32>} : memref<128xi32, #tpu.memory_space<vmem>>, vector<16xi32>,
      tpu.vector_store_idx %arg24[%add3A_1785, %get3A_1787], %broadcast_in_dim3A_30 : memref<128x16xf32, #tpu.memory_space<vmem>>[vector<16xi32>, vector<16xi32>], vector<16xf32>,
      tpu.vector_store_idx %arg24[%add3A_1785, %and3A_1764], %broadcast_in_dim3A_28 : memref<128x16xf32, #tpu.memory_space<vmem>>[vector<16xi32>, vector<16xi32>], vector<16xf32>,
      %swap3A_1788 = arith.constant 16 : index
      %swap3A_1789 = tpu.vector_load %arg28[%swap3A_1788] {strides = array<i32>} : memref<128xi32, #tpu.memory_space<vmem>>, vector<16xi32>,
      tpu.vector_store %arg28[%swap3A_1788], %and3A_1764 {strides = array<i32>} : memref<128xi32, #tpu.memory_space<vmem>>, vector<16xi32>,
      %get3A_1790 = arith.constant 288 : index
      %get3A_1791 = tpu.vector_load %arg9[%get3A_1790] {strides = array<i32>} : memref<512xi32, #tpu.memory_space<vmem>>, vector<16xi32>,
      %shift_right_logical3A_1792 = arith.constant 14 : i32
      %shift_right_logical3A_1793 = vector.broadcast %shift_right_logical3A_1792 : i32 to vector<16xi32>
      %shift_right_logical3A_1794 = arith.shrui %get3A_1791, %shift_right_logical3A_1793 : vector<16xi32>
      %and3A_1795 = arith.constant 3 : i32
      %and3A_1796 = vector.broadcast %and3A_1795 : i32 to vector<16xi32>
      %and3A_1797 = arith.andi %shift_right_logical3A_1794, %and3A_1796 : vector<16xi32>
      %and3A_1798 = arith.constant 16383 : i32
      %and3A_1799 = vector.broadcast %and3A_1798 : i32 to vector<16xi32>
      %and3A_1800 = arith.andi %get3A_1791, %and3A_1799 : vector<16xi32>
      %mul3A_1801 = arith.constant 3 : i32
      %mul3A_1802 = arith.muli %arg0, %mul3A_1801 : i32
      %add3A_1803 = vector.broadcast %mul3A_1802 : i32 to vector<16xi32>
      %add3A_1804 = arith.addi %and3A_1797, %add3A_1803 : vector<16xi32>
      %mul3A_1805 = arith.constant 10000 : i32
      %mul3A_1806 = vector.broadcast %mul3A_1805 : i32 to vector<16xi32>
      %mul3A_1807 = arith.muli %add3A_1804, %mul3A_1806 : vector<16xi32>
      %add3A_1808 = arith.addi %and3A_1800, %mul3A_1807 : vector<16xi32>
      %shift_right_logical3A_1809 = arith.constant 16 : i32
      %shift_right_logical3A_1810 = vector.broadcast %shift_right_logical3A_1809 : i32 to vector<16xi32>
      %shift_right_logical3A_1811 = arith.shrui %get3A_1791, %shift_right_logical3A_1810 : vector<16xi32>
      %swap3A_1812 = arith.constant 32 : index
      %swap3A_1813 = tpu.vector_load %arg12[%swap3A_1812] {strides = array<i32>} : memref<128xi32, #tpu.memory_space<vmem>>, vector<16xi32>,
      tpu.vector_store %arg12[%swap3A_1812], %add3A_1808 {strides = array<i32>} : memref<128xi32, #tpu.memory_space<vmem>>, vector<16xi32>,
      %swap3A_1814 = arith.constant 32 : index
      %swap3A_1815 = tpu.vector_load %arg16[%swap3A_1814] {strides = array<i32>} : memref<128xi32, #tpu.memory_space<vmem>>, vector<16xi32>,
      tpu.vector_store %arg16[%swap3A_1814], %shift_right_logical3A_1811 {strides = array<i32>} : memref<128xi32, #tpu.memory_space<vmem>>, vector<16xi32>,
      %add3A_1816 = arith.constant 32 : i32
      %add3A_1817 = vector.broadcast %add3A_1816 : i32 to vector<16xi32>
      %add3A_1818 = arith.addi %add3A_1817, %iota3A : vector<16xi32>
      %get3A_1819 = arith.constant 32 : index
      %get3A_1820 = tpu.vector_load %arg28[%get3A_1819] {strides = array<i32>} : memref<128xi32, #tpu.memory_space<vmem>>, vector<16xi32>,
      tpu.vector_store_idx %arg24[%add3A_1818, %get3A_1820], %broadcast_in_dim3A_30 : memref<128x16xf32, #tpu.memory_space<vmem>>[vector<16xi32>, vector<16xi32>], vector<16xf32>,
      tpu.vector_store_idx %arg24[%add3A_1818, %and3A_1797], %broadcast_in_dim3A_28 : memref<128x16xf32, #tpu.memory_space<vmem>>[vector<16xi32>, vector<16xi32>], vector<16xf32>,
      %swap3A_1821 = arith.constant 32 : index
      %swap3A_1822 = tpu.vector_load %arg28[%swap3A_1821] {strides = array<i32>} : memref<128xi32, #tpu.memory_space<vmem>>, vector<16xi32>,
      tpu.vector_store %arg28[%swap3A_1821], %and3A_1797 {strides = array<i32>} : memref<128xi32, #tpu.memory_space<vmem>>, vector<16xi32>,
      %get3A_1823 = arith.constant 304 : index
      %get3A_1824 = tpu.vector_load %arg9[%get3A_1823] {strides = array<i32>} : memref<512xi32, #tpu.memory_space<vmem>>, vector<16xi32>,
      %shift_right_logical3A_1825 = arith.constant 14 : i32
      %shift_right_logical3A_1826 = vector.broadcast %shift_right_logical3A_1825 : i32 to vector<16xi32>
      %shift_right_logical3A_1827 = arith.shrui %get3A_1824, %shift_right_logical3A_1826 : vector<16xi32>
      %and3A_1828 = arith.constant 3 : i32
      %and3A_1829 = vector.broadcast %and3A_1828 : i32 to vector<16xi32>
      %and3A_1830 = arith.andi %shift_right_logical3A_1827, %and3A_1829 : vector<16xi32>
      %and3A_1831 = arith.constant 16383 : i32
      %and3A_1832 = vector.broadcast %and3A_1831 : i32 to vector<16xi32>
      %and3A_1833 = arith.andi %get3A_1824, %and3A_1832 : vector<16xi32>
      %mul3A_1834 = arith.constant 3 : i32
      %mul3A_1835 = arith.muli %arg0, %mul3A_1834 : i32
      %add3A_1836 = vector.broadcast %mul3A_1835 : i32 to vector<16xi32>
      %add3A_1837 = arith.addi %and3A_1830, %add3A_1836 : vector<16xi32>
      %mul3A_1838 = arith.constant 10000 : i32
      %mul3A_1839 = vector.broadcast %mul3A_1838 : i32 to vector<16xi32>
      %mul3A_1840 = arith.muli %add3A_1837, %mul3A_1839 : vector<16xi32>
      %add3A_1841 = arith.addi %and3A_1833, %mul3A_1840 : vector<16xi32>
      %shift_right_logical3A_1842 = arith.constant 16 : i32
      %shift_right_logical3A_1843 = vector.broadcast %shift_right_logical3A_1842 : i32 to vector<16xi32>
      %shift_right_logical3A_1844 = arith.shrui %get3A_1824, %shift_right_logical3A_1843 : vector<16xi32>
      %swap3A_1845 = arith.constant 48 : index
      %swap3A_1846 = tpu.vector_load %arg12[%swap3A_1845] {strides = array<i32>} : memref<128xi32, #tpu.memory_space<vmem>>, vector<16xi32>,
      tpu.vector_store %arg12[%swap3A_1845], %add3A_1841 {strides = array<i32>} : memref<128xi32, #tpu.memory_space<vmem>>, vector<16xi32>,
      %swap3A_1847 = arith.constant 48 : index
      %swap3A_1848 = tpu.vector_load %arg16[%swap3A_1847] {strides = array<i32>} : memref<128xi32, #tpu.memory_space<vmem>>, vector<16xi32>,
      tpu.vector_store %arg16[%swap3A_1847], %shift_right_logical3A_1844 {strides = array<i32>} : memref<128xi32, #tpu.memory_space<vmem>>, vector<16xi32>,
      %add3A_1849 = arith.constant 48 : i32
      %add3A_1850 = vector.broadcast %add3A_1849 : i32 to vector<16xi32>
      %add3A_1851 = arith.addi %add3A_1850, %iota3A : vector<16xi32>
      %get3A_1852 = arith.constant 48 : index
      %get3A_1853 = tpu.vector_load %arg28[%get3A_1852] {strides = array<i32>} : memref<128xi32, #tpu.memory_space<vmem>>, vector<16xi32>,
      tpu.vector_store_idx %arg24[%add3A_1851, %get3A_1853], %broadcast_in_dim3A_30 : memref<128x16xf32, #tpu.memory_space<vmem>>[vector<16xi32>, vector<16xi32>], vector<16xf32>,
      tpu.vector_store_idx %arg24[%add3A_1851, %and3A_1830], %broadcast_in_dim3A_28 : memref<128x16xf32, #tpu.memory_space<vmem>>[vector<16xi32>, vector<16xi32>], vector<16xf32>,
      %swap3A_1854 = arith.constant 48 : index
      %swap3A_1855 = tpu.vector_load %arg28[%swap3A_1854] {strides = array<i32>} : memref<128xi32, #tpu.memory_space<vmem>>, vector<16xi32>,
      tpu.vector_store %arg28[%swap3A_1854], %and3A_1830 {strides = array<i32>} : memref<128xi32, #tpu.memory_space<vmem>>, vector<16xi32>,
      %get3A_1856 = arith.constant 320 : index
      %get3A_1857 = tpu.vector_load %arg9[%get3A_1856] {strides = array<i32>} : memref<512xi32, #tpu.memory_space<vmem>>, vector<16xi32>,
      %shift_right_logical3A_1858 = arith.constant 14 : i32
      %shift_right_logical3A_1859 = vector.broadcast %shift_right_logical3A_1858 : i32 to vector<16xi32>
      %shift_right_logical3A_1860 = arith.shrui %get3A_1857, %shift_right_logical3A_1859 : vector<16xi32>
      %and3A_1861 = arith.constant 3 : i32
      %and3A_1862 = vector.broadcast %and3A_1861 : i32 to vector<16xi32>
      %and3A_1863 = arith.andi %shift_right_logical3A_1860, %and3A_1862 : vector<16xi32>
      %and3A_1864 = arith.constant 16383 : i32
      %and3A_1865 = vector.broadcast %and3A_1864 : i32 to vector<16xi32>
      %and3A_1866 = arith.andi %get3A_1857, %and3A_1865 : vector<16xi32>
      %mul3A_1867 = arith.constant 3 : i32
      %mul3A_1868 = arith.muli %arg0, %mul3A_1867 : i32
      %add3A_1869 = vector.broadcast %mul3A_1868 : i32 to vector<16xi32>
      %add3A_1870 = arith.addi %and3A_1863, %add3A_1869 : vector<16xi32>
      %mul3A_1871 = arith.constant 10000 : i32
      %mul3A_1872 = vector.broadcast %mul3A_1871 : i32 to vector<16xi32>
      %mul3A_1873 = arith.muli %add3A_1870, %mul3A_1872 : vector<16xi32>
      %add3A_1874 = arith.addi %and3A_1866, %mul3A_1873 : vector<16xi32>
      %shift_right_logical3A_1875 = arith.constant 16 : i32
      %shift_right_logical3A_1876 = vector.broadcast %shift_right_logical3A_1875 : i32 to vector<16xi32>
      %shift_right_logical3A_1877 = arith.shrui %get3A_1857, %shift_right_logical3A_1876 : vector<16xi32>
      %swap3A_1878 = arith.constant 64 : index
      %swap3A_1879 = tpu.vector_load %arg12[%swap3A_1878] {strides = array<i32>} : memref<128xi32, #tpu.memory_space<vmem>>, vector<16xi32>,
      tpu.vector_store %arg12[%swap3A_1878], %add3A_1874 {strides = array<i32>} : memref<128xi32, #tpu.memory_space<vmem>>, vector<16xi32>,
      %swap3A_1880 = arith.constant 64 : index
      %swap3A_1881 = tpu.vector_load %arg16[%swap3A_1880] {strides = array<i32>} : memref<128xi32, #tpu.memory_space<vmem>>, vector<16xi32>,
      tpu.vector_store %arg16[%swap3A_1880], %shift_right_logical3A_1877 {strides = array<i32>} : memref<128xi32, #tpu.memory_space<vmem>>, vector<16xi32>,
      %add3A_1882 = arith.constant 64 : i32
      %add3A_1883 = vector.broadcast %add3A_1882 : i32 to vector<16xi32>
      %add3A_1884 = arith.addi %add3A_1883, %iota3A : vector<16xi32>
      %get3A_1885 = arith.constant 64 : index
      %get3A_1886 = tpu.vector_load %arg28[%get3A_1885] {strides = array<i32>} : memref<128xi32, #tpu.memory_space<vmem>>, vector<16xi32>,
      tpu.vector_store_idx %arg24[%add3A_1884, %get3A_1886], %broadcast_in_dim3A_30 : memref<128x16xf32, #tpu.memory_space<vmem>>[vector<16xi32>, vector<16xi32>], vector<16xf32>,
      tpu.vector_store_idx %arg24[%add3A_1884, %and3A_1863], %broadcast_in_dim3A_28 : memref<128x16xf32, #tpu.memory_space<vmem>>[vector<16xi32>, vector<16xi32>], vector<16xf32>,
      %swap3A_1887 = arith.constant 64 : index
      %swap3A_1888 = tpu.vector_load %arg28[%swap3A_1887] {strides = array<i32>} : memref<128xi32, #tpu.memory_space<vmem>>, vector<16xi32>,
      tpu.vector_store %arg28[%swap3A_1887], %and3A_1863 {strides = array<i32>} : memref<128xi32, #tpu.memory_space<vmem>>, vector<16xi32>,
      %get3A_1889 = arith.constant 336 : index
      %get3A_1890 = tpu.vector_load %arg9[%get3A_1889] {strides = array<i32>} : memref<512xi32, #tpu.memory_space<vmem>>, vector<16xi32>,
      %shift_right_logical3A_1891 = arith.constant 14 : i32
      %shift_right_logical3A_1892 = vector.broadcast %shift_right_logical3A_1891 : i32 to vector<16xi32>
      %shift_right_logical3A_1893 = arith.shrui %get3A_1890, %shift_right_logical3A_1892 : vector<16xi32>
      %and3A_1894 = arith.constant 3 : i32
      %and3A_1895 = vector.broadcast %and3A_1894 : i32 to vector<16xi32>
      %and3A_1896 = arith.andi %shift_right_logical3A_1893, %and3A_1895 : vector<16xi32>
      %and3A_1897 = arith.constant 16383 : i32
      %and3A_1898 = vector.broadcast %and3A_1897 : i32 to vector<16xi32>
      %and3A_1899 = arith.andi %get3A_1890, %and3A_1898 : vector<16xi32>
      %mul3A_1900 = arith.constant 3 : i32
      %mul3A_1901 = arith.muli %arg0, %mul3A_1900 : i32
      %add3A_1902 = vector.broadcast %mul3A_1901 : i32 to vector<16xi32>
      %add3A_1903 = arith.addi %and3A_1896, %add3A_1902 : vector<16xi32>
      %mul3A_1904 = arith.constant 10000 : i32
      %mul3A_1905 = vector.broadcast %mul3A_1904 : i32 to vector<16xi32>
      %mul3A_1906 = arith.muli %add3A_1903, %mul3A_1905 : vector<16xi32>
      %add3A_1907 = arith.addi %and3A_1899, %mul3A_1906 : vector<16xi32>
      %shift_right_logical3A_1908 = arith.constant 16 : i32
      %shift_right_logical3A_1909 = vector.broadcast %shift_right_logical3A_1908 : i32 to vector<16xi32>
      %shift_right_logical3A_1910 = arith.shrui %get3A_1890, %shift_right_logical3A_1909 : vector<16xi32>
      %swap3A_1911 = arith.constant 80 : index
      %swap3A_1912 = tpu.vector_load %arg12[%swap3A_1911] {strides = array<i32>} : memref<128xi32, #tpu.memory_space<vmem>>, vector<16xi32>,
      tpu.vector_store %arg12[%swap3A_1911], %add3A_1907 {strides = array<i32>} : memref<128xi32, #tpu.memory_space<vmem>>, vector<16xi32>,
      %swap3A_1913 = arith.constant 80 : index
      %swap3A_1914 = tpu.vector_load %arg16[%swap3A_1913] {strides = array<i32>} : memref<128xi32, #tpu.memory_space<vmem>>, vector<16xi32>,
      tpu.vector_store %arg16[%swap3A_1913], %shift_right_logical3A_1910 {strides = array<i32>} : memref<128xi32, #tpu.memory_space<vmem>>, vector<16xi32>,
      %add3A_1915 = arith.constant 80 : i32
      %add3A_1916 = vector.broadcast %add3A_1915 : i32 to vector<16xi32>
      %add3A_1917 = arith.addi %add3A_1916, %iota3A : vector<16xi32>
      %get3A_1918 = arith.constant 80 : index
      %get3A_1919 = tpu.vector_load %arg28[%get3A_1918] {strides = array<i32>} : memref<128xi32, #tpu.memory_space<vmem>>, vector<16xi32>,
      tpu.vector_store_idx %arg24[%add3A_1917, %get3A_1919], %broadcast_in_dim3A_30 : memref<128x16xf32, #tpu.memory_space<vmem>>[vector<16xi32>, vector<16xi32>], vector<16xf32>,
      tpu.vector_store_idx %arg24[%add3A_1917, %and3A_1896], %broadcast_in_dim3A_28 : memref<128x16xf32, #tpu.memory_space<vmem>>[vector<16xi32>, vector<16xi32>], vector<16xf32>,
      %swap3A_1920 = arith.constant 80 : index
      %swap3A_1921 = tpu.vector_load %arg28[%swap3A_1920] {strides = array<i32>} : memref<128xi32, #tpu.memory_space<vmem>>, vector<16xi32>,
      tpu.vector_store %arg28[%swap3A_1920], %and3A_1896 {strides = array<i32>} : memref<128xi32, #tpu.memory_space<vmem>>, vector<16xi32>,
      %get3A_1922 = arith.constant 352 : index
      %get3A_1923 = tpu.vector_load %arg9[%get3A_1922] {strides = array<i32>} : memref<512xi32, #tpu.memory_space<vmem>>, vector<16xi32>,
      %shift_right_logical3A_1924 = arith.constant 14 : i32
      %shift_right_logical3A_1925 = vector.broadcast %shift_right_logical3A_1924 : i32 to vector<16xi32>
      %shift_right_logical3A_1926 = arith.shrui %get3A_1923, %shift_right_logical3A_1925 : vector<16xi32>
      %and3A_1927 = arith.constant 3 : i32
      %and3A_1928 = vector.broadcast %and3A_1927 : i32 to vector<16xi32>
      %and3A_1929 = arith.andi %shift_right_logical3A_1926, %and3A_1928 : vector<16xi32>
      %and3A_1930 = arith.constant 16383 : i32
      %and3A_1931 = vector.broadcast %and3A_1930 : i32 to vector<16xi32>
      %and3A_1932 = arith.andi %get3A_1923, %and3A_1931 : vector<16xi32>
      %mul3A_1933 = arith.constant 3 : i32
      %mul3A_1934 = arith.muli %arg0, %mul3A_1933 : i32
      %add3A_1935 = vector.broadcast %mul3A_1934 : i32 to vector<16xi32>
      %add3A_1936 = arith.addi %and3A_1929, %add3A_1935 : vector<16xi32>
      %mul3A_1937 = arith.constant 10000 : i32
      %mul3A_1938 = vector.broadcast %mul3A_1937 : i32 to vector<16xi32>
      %mul3A_1939 = arith.muli %add3A_1936, %mul3A_1938 : vector<16xi32>
      %add3A_1940 = arith.addi %and3A_1932, %mul3A_1939 : vector<16xi32>
      %shift_right_logical3A_1941 = arith.constant 16 : i32
      %shift_right_logical3A_1942 = vector.broadcast %shift_right_logical3A_1941 : i32 to vector<16xi32>
      %shift_right_logical3A_1943 = arith.shrui %get3A_1923, %shift_right_logical3A_1942 : vector<16xi32>
      %swap3A_1944 = arith.constant 96 : index
      %swap3A_1945 = tpu.vector_load %arg12[%swap3A_1944] {strides = array<i32>} : memref<128xi32, #tpu.memory_space<vmem>>, vector<16xi32>,
      tpu.vector_store %arg12[%swap3A_1944], %add3A_1940 {strides = array<i32>} : memref<128xi32, #tpu.memory_space<vmem>>, vector<16xi32>,
      %swap3A_1946 = arith.constant 96 : index
      %swap3A_1947 = tpu.vector_load %arg16[%swap3A_1946] {strides = array<i32>} : memref<128xi32, #tpu.memory_space<vmem>>, vector<16xi32>,
      tpu.vector_store %arg16[%swap3A_1946], %shift_right_logical3A_1943 {strides = array<i32>} : memref<128xi32, #tpu.memory_space<vmem>>, vector<16xi32>,
      %add3A_1948 = arith.constant 96 : i32
      %add3A_1949 = vector.broadcast %add3A_1948 : i32 to vector<16xi32>
      %add3A_1950 = arith.addi %add3A_1949, %iota3A : vector<16xi32>
      %get3A_1951 = arith.constant 96 : index
      %get3A_1952 = tpu.vector_load %arg28[%get3A_1951] {strides = array<i32>} : memref<128xi32, #tpu.memory_space<vmem>>, vector<16xi32>,
      tpu.vector_store_idx %arg24[%add3A_1950, %get3A_1952], %broadcast_in_dim3A_30 : memref<128x16xf32, #tpu.memory_space<vmem>>[vector<16xi32>, vector<16xi32>], vector<16xf32>,
      tpu.vector_store_idx %arg24[%add3A_1950, %and3A_1929], %broadcast_in_dim3A_28 : memref<128x16xf32, #tpu.memory_space<vmem>>[vector<16xi32>, vector<16xi32>], vector<16xf32>,
      %swap3A_1953 = arith.constant 96 : index
      %swap3A_1954 = tpu.vector_load %arg28[%swap3A_1953] {strides = array<i32>} : memref<128xi32, #tpu.memory_space<vmem>>, vector<16xi32>,
      tpu.vector_store %arg28[%swap3A_1953], %and3A_1929 {strides = array<i32>} : memref<128xi32, #tpu.memory_space<vmem>>, vector<16xi32>,
      %get3A_1955 = arith.constant 368 : index
      %get3A_1956 = tpu.vector_load %arg9[%get3A_1955] {strides = array<i32>} : memref<512xi32, #tpu.memory_space<vmem>>, vector<16xi32>,
      %shift_right_logical3A_1957 = arith.constant 14 : i32
      %shift_right_logical3A_1958 = vector.broadcast %shift_right_logical3A_1957 : i32 to vector<16xi32>
      %shift_right_logical3A_1959 = arith.shrui %get3A_1956, %shift_right_logical3A_1958 : vector<16xi32>
      %and3A_1960 = arith.constant 3 : i32
      %and3A_1961 = vector.broadcast %and3A_1960 : i32 to vector<16xi32>
      %and3A_1962 = arith.andi %shift_right_logical3A_1959, %and3A_1961 : vector<16xi32>
      %and3A_1963 = arith.constant 16383 : i32
      %and3A_1964 = vector.broadcast %and3A_1963 : i32 to vector<16xi32>
      %and3A_1965 = arith.andi %get3A_1956, %and3A_1964 : vector<16xi32>
      %mul3A_1966 = arith.constant 3 : i32
      %mul3A_1967 = arith.muli %arg0, %mul3A_1966 : i32
      %add3A_1968 = vector.broadcast %mul3A_1967 : i32 to vector<16xi32>
      %add3A_1969 = arith.addi %and3A_1962, %add3A_1968 : vector<16xi32>
      %mul3A_1970 = arith.constant 10000 : i32
      %mul3A_1971 = vector.broadcast %mul3A_1970 : i32 to vector<16xi32>
      %mul3A_1972 = arith.muli %add3A_1969, %mul3A_1971 : vector<16xi32>
      %add3A_1973 = arith.addi %and3A_1965, %mul3A_1972 : vector<16xi32>
      %shift_right_logical3A_1974 = arith.constant 16 : i32
      %shift_right_logical3A_1975 = vector.broadcast %shift_right_logical3A_1974 : i32 to vector<16xi32>
      %shift_right_logical3A_1976 = arith.shrui %get3A_1956, %shift_right_logical3A_1975 : vector<16xi32>
      %swap3A_1977 = arith.constant 112 : index
      %swap3A_1978 = tpu.vector_load %arg12[%swap3A_1977] {strides = array<i32>} : memref<128xi32, #tpu.memory_space<vmem>>, vector<16xi32>,
      tpu.vector_store %arg12[%swap3A_1977], %add3A_1973 {strides = array<i32>} : memref<128xi32, #tpu.memory_space<vmem>>, vector<16xi32>,
      %swap3A_1979 = arith.constant 112 : index
      %swap3A_1980 = tpu.vector_load %arg16[%swap3A_1979] {strides = array<i32>} : memref<128xi32, #tpu.memory_space<vmem>>, vector<16xi32>,
      tpu.vector_store %arg16[%swap3A_1979], %shift_right_logical3A_1976 {strides = array<i32>} : memref<128xi32, #tpu.memory_space<vmem>>, vector<16xi32>,
      %add3A_1981 = arith.constant 112 : i32
      %add3A_1982 = vector.broadcast %add3A_1981 : i32 to vector<16xi32>
      %add3A_1983 = arith.addi %add3A_1982, %iota3A : vector<16xi32>
      %get3A_1984 = arith.constant 112 : index
      %get3A_1985 = tpu.vector_load %arg28[%get3A_1984] {strides = array<i32>} : memref<128xi32, #tpu.memory_space<vmem>>, vector<16xi32>,
      tpu.vector_store_idx %arg24[%add3A_1983, %get3A_1985], %broadcast_in_dim3A_30 : memref<128x16xf32, #tpu.memory_space<vmem>>[vector<16xi32>, vector<16xi32>], vector<16xf32>,
      tpu.vector_store_idx %arg24[%add3A_1983, %and3A_1962], %broadcast_in_dim3A_28 : memref<128x16xf32, #tpu.memory_space<vmem>>[vector<16xi32>, vector<16xi32>], vector<16xf32>,
      %swap3A_1986 = arith.constant 112 : index
      %swap3A_1987 = tpu.vector_load %arg28[%swap3A_1986] {strides = array<i32>} : memref<128xi32, #tpu.memory_space<vmem>>, vector<16xi32>,
      tpu.vector_store %arg28[%swap3A_1986], %and3A_1962 {strides = array<i32>} : memref<128xi32, #tpu.memory_space<vmem>>, vector<16xi32>,
      %dma_start3A_1988 = arith.constant 0 : i32
      %dma_start3A_1989 = arith.constant 0 : i32
      %dma_start3A_1990 = tpu.memref_slice %arg2[%dma_start3A_1988, %dma_start3A_1989] : memref<60000x64xf32, #tpu.memory_space<hbm>> -> memref<60000x64xf32, #tpu.memory_space<hbm>>
      tpu.enqueue_indirect_dma source(%dma_start3A_1990 : memref<60000x64xf32, #tpu.memory_space<hbm>>) target(%arg20 : memref<128x64xf32, #tpu.memory_space<vmem>>) offsets(%arg12 : memref<128xi32, #tpu.memory_space<vmem>>) semaphore(%arg36 : memref<!tpu.dma_semaphore, #tpu.memory_space<semaphore_mem>>)
      %dma_wait3A_1991 = arith.constant 0 : i32
      %dma_wait3A_1992 = arith.constant 0 : i32
      %dma_wait3A_1993 = tpu.memref_slice %arg2[%dma_wait3A_1991, %dma_wait3A_1992] : memref<60000x64xf32, #tpu.memory_space<hbm>> -> memref<60000x64xf32, #tpu.memory_space<hbm>>
      tpu.wait_indirect_dma semaphore(%arg37 : memref<!tpu.dma_semaphore, #tpu.memory_space<semaphore_mem>>) src(%dma_wait3A_1993 : memref<60000x64xf32, #tpu.memory_space<hbm>>) dst(%arg21 : memref<128x64xf32, #tpu.memory_space<vmem>>)
      %dma_start3A_1994 = arith.constant 0 : i32
      %dma_start3A_1995 = arith.constant 0 : i32
      %dma_start3A_1996 = tpu.memref_slice %arg30[%dma_start3A_1994, %dma_start3A_1995] : memref<10240x64xf32, #tpu.memory_space<vmem_shared>> -> memref<10240x64xf32, #tpu.memory_space<vmem_shared>>
      tpu.enqueue_indirect_dma source(%arg21 : memref<128x64xf32, #tpu.memory_space<vmem>>) target(%dma_start3A_1996 : memref<10240x64xf32, #tpu.memory_space<vmem_shared>>) offsets(%arg17 : memref<128xi32, #tpu.memory_space<vmem>>) semaphore(%arg38 : memref<!tpu.dma_semaphore, #tpu.memory_space<semaphore_mem>>) {add = true}
      %dma_start3A_1997 = arith.constant 0 : i32
      %dma_start3A_1998 = arith.constant 0 : i32
      %dma_start3A_1999 = tpu.memref_slice %arg31[%dma_start3A_1997, %dma_start3A_1998] : memref<10240x16xf32, #tpu.memory_space<vmem_shared>> -> memref<10240x16xf32, #tpu.memory_space<vmem_shared>>
      tpu.enqueue_indirect_dma source(%arg25 : memref<128x16xf32, #tpu.memory_space<vmem>>) target(%dma_start3A_1999 : memref<10240x16xf32, #tpu.memory_space<vmem_shared>>) offsets(%arg17 : memref<128xi32, #tpu.memory_space<vmem>>) semaphore(%arg39 : memref<!tpu.dma_semaphore, #tpu.memory_space<semaphore_mem>>) {add = true}
      %dma_wait3A_2000 = arith.constant 0 : i32
      %dma_wait3A_2001 = arith.constant 0 : i32
      %dma_wait3A_2002 = tpu.memref_slice %arg30[%dma_wait3A_2000, %dma_wait3A_2001] : memref<10240x64xf32, #tpu.memory_space<vmem_shared>> -> memref<10240x64xf32, #tpu.memory_space<vmem_shared>>
      tpu.wait_indirect_dma semaphore(%arg38 : memref<!tpu.dma_semaphore, #tpu.memory_space<semaphore_mem>>) src(%arg21 : memref<128x64xf32, #tpu.memory_space<vmem>>) dst(%dma_wait3A_2002 : memref<10240x64xf32, #tpu.memory_space<vmem_shared>>)
      %dma_wait3A_2003 = arith.constant 0 : i32
      %dma_wait3A_2004 = arith.constant 0 : i32
      %dma_wait3A_2005 = tpu.memref_slice %arg31[%dma_wait3A_2003, %dma_wait3A_2004] : memref<10240x16xf32, #tpu.memory_space<vmem_shared>> -> memref<10240x16xf32, #tpu.memory_space<vmem_shared>>
      tpu.wait_indirect_dma semaphore(%arg39 : memref<!tpu.dma_semaphore, #tpu.memory_space<semaphore_mem>>) src(%arg25 : memref<128x16xf32, #tpu.memory_space<vmem>>) dst(%dma_wait3A_2005 : memref<10240x16xf32, #tpu.memory_space<vmem_shared>>)
      %get3A_2006 = arith.constant 384 : index
      %get3A_2007 = tpu.vector_load %arg9[%get3A_2006] {strides = array<i32>} : memref<512xi32, #tpu.memory_space<vmem>>, vector<16xi32>,
      %shift_right_logical3A_2008 = arith.constant 14 : i32
      %shift_right_logical3A_2009 = vector.broadcast %shift_right_logical3A_2008 : i32 to vector<16xi32>
      %shift_right_logical3A_2010 = arith.shrui %get3A_2007, %shift_right_logical3A_2009 : vector<16xi32>
      %and3A_2011 = arith.constant 3 : i32
      %and3A_2012 = vector.broadcast %and3A_2011 : i32 to vector<16xi32>
      %and3A_2013 = arith.andi %shift_right_logical3A_2010, %and3A_2012 : vector<16xi32>
      %and3A_2014 = arith.constant 16383 : i32
      %and3A_2015 = vector.broadcast %and3A_2014 : i32 to vector<16xi32>
      %and3A_2016 = arith.andi %get3A_2007, %and3A_2015 : vector<16xi32>
      %mul3A_2017 = arith.constant 3 : i32
      %mul3A_2018 = arith.muli %arg0, %mul3A_2017 : i32
      %add3A_2019 = vector.broadcast %mul3A_2018 : i32 to vector<16xi32>
      %add3A_2020 = arith.addi %and3A_2013, %add3A_2019 : vector<16xi32>
      %mul3A_2021 = arith.constant 10000 : i32
      %mul3A_2022 = vector.broadcast %mul3A_2021 : i32 to vector<16xi32>
      %mul3A_2023 = arith.muli %add3A_2020, %mul3A_2022 : vector<16xi32>
      %add3A_2024 = arith.addi %and3A_2016, %mul3A_2023 : vector<16xi32>
      %shift_right_logical3A_2025 = arith.constant 16 : i32
      %shift_right_logical3A_2026 = vector.broadcast %shift_right_logical3A_2025 : i32 to vector<16xi32>
      %shift_right_logical3A_2027 = arith.shrui %get3A_2007, %shift_right_logical3A_2026 : vector<16xi32>
      %swap3A_2028 = arith.constant 0 : index
      %swap3A_2029 = tpu.vector_load %arg13[%swap3A_2028] {strides = array<i32>} : memref<128xi32, #tpu.memory_space<vmem>>, vector<16xi32>,
      tpu.vector_store %arg13[%swap3A_2028], %add3A_2024 {strides = array<i32>} : memref<128xi32, #tpu.memory_space<vmem>>, vector<16xi32>,
      %swap3A_2030 = arith.constant 0 : index
      %swap3A_2031 = tpu.vector_load %arg17[%swap3A_2030] {strides = array<i32>} : memref<128xi32, #tpu.memory_space<vmem>>, vector<16xi32>,
      tpu.vector_store %arg17[%swap3A_2030], %shift_right_logical3A_2027 {strides = array<i32>} : memref<128xi32, #tpu.memory_space<vmem>>, vector<16xi32>,
      %add3A_2032 = arith.constant 0 : i32
      %add3A_2033 = vector.broadcast %add3A_2032 : i32 to vector<16xi32>
      %add3A_2034 = arith.addi %add3A_2033, %iota3A : vector<16xi32>
      %get3A_2035 = arith.constant 0 : index
      %get3A_2036 = tpu.vector_load %arg29[%get3A_2035] {strides = array<i32>} : memref<128xi32, #tpu.memory_space<vmem>>, vector<16xi32>,
      tpu.vector_store_idx %arg25[%add3A_2034, %get3A_2036], %broadcast_in_dim3A_30 : memref<128x16xf32, #tpu.memory_space<vmem>>[vector<16xi32>, vector<16xi32>], vector<16xf32>,
      tpu.vector_store_idx %arg25[%add3A_2034, %and3A_2013], %broadcast_in_dim3A_28 : memref<128x16xf32, #tpu.memory_space<vmem>>[vector<16xi32>, vector<16xi32>], vector<16xf32>,
      %swap3A_2037 = arith.constant 0 : index
      %swap3A_2038 = tpu.vector_load %arg29[%swap3A_2037] {strides = array<i32>} : memref<128xi32, #tpu.memory_space<vmem>>, vector<16xi32>,
      tpu.vector_store %arg29[%swap3A_2037], %and3A_2013 {strides = array<i32>} : memref<128xi32, #tpu.memory_space<vmem>>, vector<16xi32>,
      %get3A_2039 = arith.constant 400 : index
      %get3A_2040 = tpu.vector_load %arg9[%get3A_2039] {strides = array<i32>} : memref<512xi32, #tpu.memory_space<vmem>>, vector<16xi32>,
      %shift_right_logical3A_2041 = arith.constant 14 : i32
      %shift_right_logical3A_2042 = vector.broadcast %shift_right_logical3A_2041 : i32 to vector<16xi32>
      %shift_right_logical3A_2043 = arith.shrui %get3A_2040, %shift_right_logical3A_2042 : vector<16xi32>
      %and3A_2044 = arith.constant 3 : i32
      %and3A_2045 = vector.broadcast %and3A_2044 : i32 to vector<16xi32>
      %and3A_2046 = arith.andi %shift_right_logical3A_2043, %and3A_2045 : vector<16xi32>
      %and3A_2047 = arith.constant 16383 : i32
      %and3A_2048 = vector.broadcast %and3A_2047 : i32 to vector<16xi32>
      %and3A_2049 = arith.andi %get3A_2040, %and3A_2048 : vector<16xi32>
      %mul3A_2050 = arith.constant 3 : i32
      %mul3A_2051 = arith.muli %arg0, %mul3A_2050 : i32
      %add3A_2052 = vector.broadcast %mul3A_2051 : i32 to vector<16xi32>
      %add3A_2053 = arith.addi %and3A_2046, %add3A_2052 : vector<16xi32>
      %mul3A_2054 = arith.constant 10000 : i32
      %mul3A_2055 = vector.broadcast %mul3A_2054 : i32 to vector<16xi32>
      %mul3A_2056 = arith.muli %add3A_2053, %mul3A_2055 : vector<16xi32>
      %add3A_2057 = arith.addi %and3A_2049, %mul3A_2056 : vector<16xi32>
      %shift_right_logical3A_2058 = arith.constant 16 : i32
      %shift_right_logical3A_2059 = vector.broadcast %shift_right_logical3A_2058 : i32 to vector<16xi32>
      %shift_right_logical3A_2060 = arith.shrui %get3A_2040, %shift_right_logical3A_2059 : vector<16xi32>
      %swap3A_2061 = arith.constant 16 : index
      %swap3A_2062 = tpu.vector_load %arg13[%swap3A_2061] {strides = array<i32>} : memref<128xi32, #tpu.memory_space<vmem>>, vector<16xi32>,
      tpu.vector_store %arg13[%swap3A_2061], %add3A_2057 {strides = array<i32>} : memref<128xi32, #tpu.memory_space<vmem>>, vector<16xi32>,
      %swap3A_2063 = arith.constant 16 : index
      %swap3A_2064 = tpu.vector_load %arg17[%swap3A_2063] {strides = array<i32>} : memref<128xi32, #tpu.memory_space<vmem>>, vector<16xi32>,
      tpu.vector_store %arg17[%swap3A_2063], %shift_right_logical3A_2060 {strides = array<i32>} : memref<128xi32, #tpu.memory_space<vmem>>, vector<16xi32>,
      %add3A_2065 = arith.constant 16 : i32
      %add3A_2066 = vector.broadcast %add3A_2065 : i32 to vector<16xi32>
      %add3A_2067 = arith.addi %add3A_2066, %iota3A : vector<16xi32>
      %get3A_2068 = arith.constant 16 : index
      %get3A_2069 = tpu.vector_load %arg29[%get3A_2068] {strides = array<i32>} : memref<128xi32, #tpu.memory_space<vmem>>, vector<16xi32>,
      tpu.vector_store_idx %arg25[%add3A_2067, %get3A_2069], %broadcast_in_dim3A_30 : memref<128x16xf32, #tpu.memory_space<vmem>>[vector<16xi32>, vector<16xi32>], vector<16xf32>,
      tpu.vector_store_idx %arg25[%add3A_2067, %and3A_2046], %broadcast_in_dim3A_28 : memref<128x16xf32, #tpu.memory_space<vmem>>[vector<16xi32>, vector<16xi32>], vector<16xf32>,
      %swap3A_2070 = arith.constant 16 : index
      %swap3A_2071 = tpu.vector_load %arg29[%swap3A_2070] {strides = array<i32>} : memref<128xi32, #tpu.memory_space<vmem>>, vector<16xi32>,
      tpu.vector_store %arg29[%swap3A_2070], %and3A_2046 {strides = array<i32>} : memref<128xi32, #tpu.memory_space<vmem>>, vector<16xi32>,
      %get3A_2072 = arith.constant 416 : index
      %get3A_2073 = tpu.vector_load %arg9[%get3A_2072] {strides = array<i32>} : memref<512xi32, #tpu.memory_space<vmem>>, vector<16xi32>,
      %shift_right_logical3A_2074 = arith.constant 14 : i32
      %shift_right_logical3A_2075 = vector.broadcast %shift_right_logical3A_2074 : i32 to vector<16xi32>
      %shift_right_logical3A_2076 = arith.shrui %get3A_2073, %shift_right_logical3A_2075 : vector<16xi32>
      %and3A_2077 = arith.constant 3 : i32
      %and3A_2078 = vector.broadcast %and3A_2077 : i32 to vector<16xi32>
      %and3A_2079 = arith.andi %shift_right_logical3A_2076, %and3A_2078 : vector<16xi32>
      %and3A_2080 = arith.constant 16383 : i32
      %and3A_2081 = vector.broadcast %and3A_2080 : i32 to vector<16xi32>
      %and3A_2082 = arith.andi %get3A_2073, %and3A_2081 : vector<16xi32>
      %mul3A_2083 = arith.constant 3 : i32
      %mul3A_2084 = arith.muli %arg0, %mul3A_2083 : i32
      %add3A_2085 = vector.broadcast %mul3A_2084 : i32 to vector<16xi32>
      %add3A_2086 = arith.addi %and3A_2079, %add3A_2085 : vector<16xi32>
      %mul3A_2087 = arith.constant 10000 : i32
      %mul3A_2088 = vector.broadcast %mul3A_2087 : i32 to vector<16xi32>
      %mul3A_2089 = arith.muli %add3A_2086, %mul3A_2088 : vector<16xi32>
      %add3A_2090 = arith.addi %and3A_2082, %mul3A_2089 : vector<16xi32>
      %shift_right_logical3A_2091 = arith.constant 16 : i32
      %shift_right_logical3A_2092 = vector.broadcast %shift_right_logical3A_2091 : i32 to vector<16xi32>
      %shift_right_logical3A_2093 = arith.shrui %get3A_2073, %shift_right_logical3A_2092 : vector<16xi32>
      %swap3A_2094 = arith.constant 32 : index
      %swap3A_2095 = tpu.vector_load %arg13[%swap3A_2094] {strides = array<i32>} : memref<128xi32, #tpu.memory_space<vmem>>, vector<16xi32>,
      tpu.vector_store %arg13[%swap3A_2094], %add3A_2090 {strides = array<i32>} : memref<128xi32, #tpu.memory_space<vmem>>, vector<16xi32>,
      %swap3A_2096 = arith.constant 32 : index
      %swap3A_2097 = tpu.vector_load %arg17[%swap3A_2096] {strides = array<i32>} : memref<128xi32, #tpu.memory_space<vmem>>, vector<16xi32>,
      tpu.vector_store %arg17[%swap3A_2096], %shift_right_logical3A_2093 {strides = array<i32>} : memref<128xi32, #tpu.memory_space<vmem>>, vector<16xi32>,
      %add3A_2098 = arith.constant 32 : i32
      %add3A_2099 = vector.broadcast %add3A_2098 : i32 to vector<16xi32>
      %add3A_2100 = arith.addi %add3A_2099, %iota3A : vector<16xi32>
      %get3A_2101 = arith.constant 32 : index
      %get3A_2102 = tpu.vector_load %arg29[%get3A_2101] {strides = array<i32>} : memref<128xi32, #tpu.memory_space<vmem>>, vector<16xi32>,
      tpu.vector_store_idx %arg25[%add3A_2100, %get3A_2102], %broadcast_in_dim3A_30 : memref<128x16xf32, #tpu.memory_space<vmem>>[vector<16xi32>, vector<16xi32>], vector<16xf32>,
      tpu.vector_store_idx %arg25[%add3A_2100, %and3A_2079], %broadcast_in_dim3A_28 : memref<128x16xf32, #tpu.memory_space<vmem>>[vector<16xi32>, vector<16xi32>], vector<16xf32>,
      %swap3A_2103 = arith.constant 32 : index
      %swap3A_2104 = tpu.vector_load %arg29[%swap3A_2103] {strides = array<i32>} : memref<128xi32, #tpu.memory_space<vmem>>, vector<16xi32>,
      tpu.vector_store %arg29[%swap3A_2103], %and3A_2079 {strides = array<i32>} : memref<128xi32, #tpu.memory_space<vmem>>, vector<16xi32>,
      %get3A_2105 = arith.constant 432 : index
      %get3A_2106 = tpu.vector_load %arg9[%get3A_2105] {strides = array<i32>} : memref<512xi32, #tpu.memory_space<vmem>>, vector<16xi32>,
      %shift_right_logical3A_2107 = arith.constant 14 : i32
      %shift_right_logical3A_2108 = vector.broadcast %shift_right_logical3A_2107 : i32 to vector<16xi32>
      %shift_right_logical3A_2109 = arith.shrui %get3A_2106, %shift_right_logical3A_2108 : vector<16xi32>
      %and3A_2110 = arith.constant 3 : i32
      %and3A_2111 = vector.broadcast %and3A_2110 : i32 to vector<16xi32>
      %and3A_2112 = arith.andi %shift_right_logical3A_2109, %and3A_2111 : vector<16xi32>
      %and3A_2113 = arith.constant 16383 : i32
      %and3A_2114 = vector.broadcast %and3A_2113 : i32 to vector<16xi32>
      %and3A_2115 = arith.andi %get3A_2106, %and3A_2114 : vector<16xi32>
      %mul3A_2116 = arith.constant 3 : i32
      %mul3A_2117 = arith.muli %arg0, %mul3A_2116 : i32
      %add3A_2118 = vector.broadcast %mul3A_2117 : i32 to vector<16xi32>
      %add3A_2119 = arith.addi %and3A_2112, %add3A_2118 : vector<16xi32>
      %mul3A_2120 = arith.constant 10000 : i32
      %mul3A_2121 = vector.broadcast %mul3A_2120 : i32 to vector<16xi32>
      %mul3A_2122 = arith.muli %add3A_2119, %mul3A_2121 : vector<16xi32>
      %add3A_2123 = arith.addi %and3A_2115, %mul3A_2122 : vector<16xi32>
      %shift_right_logical3A_2124 = arith.constant 16 : i32
      %shift_right_logical3A_2125 = vector.broadcast %shift_right_logical3A_2124 : i32 to vector<16xi32>
      %shift_right_logical3A_2126 = arith.shrui %get3A_2106, %shift_right_logical3A_2125 : vector<16xi32>
      %swap3A_2127 = arith.constant 48 : index
      %swap3A_2128 = tpu.vector_load %arg13[%swap3A_2127] {strides = array<i32>} : memref<128xi32, #tpu.memory_space<vmem>>, vector<16xi32>,
      tpu.vector_store %arg13[%swap3A_2127], %add3A_2123 {strides = array<i32>} : memref<128xi32, #tpu.memory_space<vmem>>, vector<16xi32>,
      %swap3A_2129 = arith.constant 48 : index
      %swap3A_2130 = tpu.vector_load %arg17[%swap3A_2129] {strides = array<i32>} : memref<128xi32, #tpu.memory_space<vmem>>, vector<16xi32>,
      tpu.vector_store %arg17[%swap3A_2129], %shift_right_logical3A_2126 {strides = array<i32>} : memref<128xi32, #tpu.memory_space<vmem>>, vector<16xi32>,
      %add3A_2131 = arith.constant 48 : i32
      %add3A_2132 = vector.broadcast %add3A_2131 : i32 to vector<16xi32>
      %add3A_2133 = arith.addi %add3A_2132, %iota3A : vector<16xi32>
      %get3A_2134 = arith.constant 48 : index
      %get3A_2135 = tpu.vector_load %arg29[%get3A_2134] {strides = array<i32>} : memref<128xi32, #tpu.memory_space<vmem>>, vector<16xi32>,
      tpu.vector_store_idx %arg25[%add3A_2133, %get3A_2135], %broadcast_in_dim3A_30 : memref<128x16xf32, #tpu.memory_space<vmem>>[vector<16xi32>, vector<16xi32>], vector<16xf32>,
      tpu.vector_store_idx %arg25[%add3A_2133, %and3A_2112], %broadcast_in_dim3A_28 : memref<128x16xf32, #tpu.memory_space<vmem>>[vector<16xi32>, vector<16xi32>], vector<16xf32>,
      %swap3A_2136 = arith.constant 48 : index
      %swap3A_2137 = tpu.vector_load %arg29[%swap3A_2136] {strides = array<i32>} : memref<128xi32, #tpu.memory_space<vmem>>, vector<16xi32>,
      tpu.vector_store %arg29[%swap3A_2136], %and3A_2112 {strides = array<i32>} : memref<128xi32, #tpu.memory_space<vmem>>, vector<16xi32>,
      %get3A_2138 = arith.constant 448 : index
      %get3A_2139 = tpu.vector_load %arg9[%get3A_2138] {strides = array<i32>} : memref<512xi32, #tpu.memory_space<vmem>>, vector<16xi32>,
      %shift_right_logical3A_2140 = arith.constant 14 : i32
      %shift_right_logical3A_2141 = vector.broadcast %shift_right_logical3A_2140 : i32 to vector<16xi32>
      %shift_right_logical3A_2142 = arith.shrui %get3A_2139, %shift_right_logical3A_2141 : vector<16xi32>
      %and3A_2143 = arith.constant 3 : i32
      %and3A_2144 = vector.broadcast %and3A_2143 : i32 to vector<16xi32>
      %and3A_2145 = arith.andi %shift_right_logical3A_2142, %and3A_2144 : vector<16xi32>
      %and3A_2146 = arith.constant 16383 : i32
      %and3A_2147 = vector.broadcast %and3A_2146 : i32 to vector<16xi32>
      %and3A_2148 = arith.andi %get3A_2139, %and3A_2147 : vector<16xi32>
      %mul3A_2149 = arith.constant 3 : i32
      %mul3A_2150 = arith.muli %arg0, %mul3A_2149 : i32
      %add3A_2151 = vector.broadcast %mul3A_2150 : i32 to vector<16xi32>
      %add3A_2152 = arith.addi %and3A_2145, %add3A_2151 : vector<16xi32>
      %mul3A_2153 = arith.constant 10000 : i32
      %mul3A_2154 = vector.broadcast %mul3A_2153 : i32 to vector<16xi32>
      %mul3A_2155 = arith.muli %add3A_2152, %mul3A_2154 : vector<16xi32>
      %add3A_2156 = arith.addi %and3A_2148, %mul3A_2155 : vector<16xi32>
      %shift_right_logical3A_2157 = arith.constant 16 : i32
      %shift_right_logical3A_2158 = vector.broadcast %shift_right_logical3A_2157 : i32 to vector<16xi32>
      %shift_right_logical3A_2159 = arith.shrui %get3A_2139, %shift_right_logical3A_2158 : vector<16xi32>
      %swap3A_2160 = arith.constant 64 : index
      %swap3A_2161 = tpu.vector_load %arg13[%swap3A_2160] {strides = array<i32>} : memref<128xi32, #tpu.memory_space<vmem>>, vector<16xi32>,
      tpu.vector_store %arg13[%swap3A_2160], %add3A_2156 {strides = array<i32>} : memref<128xi32, #tpu.memory_space<vmem>>, vector<16xi32>,
      %swap3A_2162 = arith.constant 64 : index
      %swap3A_2163 = tpu.vector_load %arg17[%swap3A_2162] {strides = array<i32>} : memref<128xi32, #tpu.memory_space<vmem>>, vector<16xi32>,
      tpu.vector_store %arg17[%swap3A_2162], %shift_right_logical3A_2159 {strides = array<i32>} : memref<128xi32, #tpu.memory_space<vmem>>, vector<16xi32>,
      %add3A_2164 = arith.constant 64 : i32
      %add3A_2165 = vector.broadcast %add3A_2164 : i32 to vector<16xi32>
      %add3A_2166 = arith.addi %add3A_2165, %iota3A : vector<16xi32>
      %get3A_2167 = arith.constant 64 : index
      %get3A_2168 = tpu.vector_load %arg29[%get3A_2167] {strides = array<i32>} : memref<128xi32, #tpu.memory_space<vmem>>, vector<16xi32>,
      tpu.vector_store_idx %arg25[%add3A_2166, %get3A_2168], %broadcast_in_dim3A_30 : memref<128x16xf32, #tpu.memory_space<vmem>>[vector<16xi32>, vector<16xi32>], vector<16xf32>,
      tpu.vector_store_idx %arg25[%add3A_2166, %and3A_2145], %broadcast_in_dim3A_28 : memref<128x16xf32, #tpu.memory_space<vmem>>[vector<16xi32>, vector<16xi32>], vector<16xf32>,
      %swap3A_2169 = arith.constant 64 : index
      %swap3A_2170 = tpu.vector_load %arg29[%swap3A_2169] {strides = array<i32>} : memref<128xi32, #tpu.memory_space<vmem>>, vector<16xi32>,
      tpu.vector_store %arg29[%swap3A_2169], %and3A_2145 {strides = array<i32>} : memref<128xi32, #tpu.memory_space<vmem>>, vector<16xi32>,
      %get3A_2171 = arith.constant 464 : index
      %get3A_2172 = tpu.vector_load %arg9[%get3A_2171] {strides = array<i32>} : memref<512xi32, #tpu.memory_space<vmem>>, vector<16xi32>,
      %shift_right_logical3A_2173 = arith.constant 14 : i32
      %shift_right_logical3A_2174 = vector.broadcast %shift_right_logical3A_2173 : i32 to vector<16xi32>
      %shift_right_logical3A_2175 = arith.shrui %get3A_2172, %shift_right_logical3A_2174 : vector<16xi32>
      %and3A_2176 = arith.constant 3 : i32
      %and3A_2177 = vector.broadcast %and3A_2176 : i32 to vector<16xi32>
      %and3A_2178 = arith.andi %shift_right_logical3A_2175, %and3A_2177 : vector<16xi32>
      %and3A_2179 = arith.constant 16383 : i32
      %and3A_2180 = vector.broadcast %and3A_2179 : i32 to vector<16xi32>
      %and3A_2181 = arith.andi %get3A_2172, %and3A_2180 : vector<16xi32>
      %mul3A_2182 = arith.constant 3 : i32
      %mul3A_2183 = arith.muli %arg0, %mul3A_2182 : i32
      %add3A_2184 = vector.broadcast %mul3A_2183 : i32 to vector<16xi32>
      %add3A_2185 = arith.addi %and3A_2178, %add3A_2184 : vector<16xi32>
      %mul3A_2186 = arith.constant 10000 : i32
      %mul3A_2187 = vector.broadcast %mul3A_2186 : i32 to vector<16xi32>
      %mul3A_2188 = arith.muli %add3A_2185, %mul3A_2187 : vector<16xi32>
      %add3A_2189 = arith.addi %and3A_2181, %mul3A_2188 : vector<16xi32>
      %shift_right_logical3A_2190 = arith.constant 16 : i32
      %shift_right_logical3A_2191 = vector.broadcast %shift_right_logical3A_2190 : i32 to vector<16xi32>
      %shift_right_logical3A_2192 = arith.shrui %get3A_2172, %shift_right_logical3A_2191 : vector<16xi32>
      %swap3A_2193 = arith.constant 80 : index
      %swap3A_2194 = tpu.vector_load %arg13[%swap3A_2193] {strides = array<i32>} : memref<128xi32, #tpu.memory_space<vmem>>, vector<16xi32>,
      tpu.vector_store %arg13[%swap3A_2193], %add3A_2189 {strides = array<i32>} : memref<128xi32, #tpu.memory_space<vmem>>, vector<16xi32>,
      %swap3A_2195 = arith.constant 80 : index
      %swap3A_2196 = tpu.vector_load %arg17[%swap3A_2195] {strides = array<i32>} : memref<128xi32, #tpu.memory_space<vmem>>, vector<16xi32>,
      tpu.vector_store %arg17[%swap3A_2195], %shift_right_logical3A_2192 {strides = array<i32>} : memref<128xi32, #tpu.memory_space<vmem>>, vector<16xi32>,
      %add3A_2197 = arith.constant 80 : i32
      %add3A_2198 = vector.broadcast %add3A_2197 : i32 to vector<16xi32>
      %add3A_2199 = arith.addi %add3A_2198, %iota3A : vector<16xi32>
      %get3A_2200 = arith.constant 80 : index
      %get3A_2201 = tpu.vector_load %arg29[%get3A_2200] {strides = array<i32>} : memref<128xi32, #tpu.memory_space<vmem>>, vector<16xi32>,
      tpu.vector_store_idx %arg25[%add3A_2199, %get3A_2201], %broadcast_in_dim3A_30 : memref<128x16xf32, #tpu.memory_space<vmem>>[vector<16xi32>, vector<16xi32>], vector<16xf32>,
      tpu.vector_store_idx %arg25[%add3A_2199, %and3A_2178], %broadcast_in_dim3A_28 : memref<128x16xf32, #tpu.memory_space<vmem>>[vector<16xi32>, vector<16xi32>], vector<16xf32>,
      %swap3A_2202 = arith.constant 80 : index
      %swap3A_2203 = tpu.vector_load %arg29[%swap3A_2202] {strides = array<i32>} : memref<128xi32, #tpu.memory_space<vmem>>, vector<16xi32>,
      tpu.vector_store %arg29[%swap3A_2202], %and3A_2178 {strides = array<i32>} : memref<128xi32, #tpu.memory_space<vmem>>, vector<16xi32>,
      %get3A_2204 = arith.constant 480 : index
      %get3A_2205 = tpu.vector_load %arg9[%get3A_2204] {strides = array<i32>} : memref<512xi32, #tpu.memory_space<vmem>>, vector<16xi32>,
      %shift_right_logical3A_2206 = arith.constant 14 : i32
      %shift_right_logical3A_2207 = vector.broadcast %shift_right_logical3A_2206 : i32 to vector<16xi32>
      %shift_right_logical3A_2208 = arith.shrui %get3A_2205, %shift_right_logical3A_2207 : vector<16xi32>
      %and3A_2209 = arith.constant 3 : i32
      %and3A_2210 = vector.broadcast %and3A_2209 : i32 to vector<16xi32>
      %and3A_2211 = arith.andi %shift_right_logical3A_2208, %and3A_2210 : vector<16xi32>
      %and3A_2212 = arith.constant 16383 : i32
      %and3A_2213 = vector.broadcast %and3A_2212 : i32 to vector<16xi32>
      %and3A_2214 = arith.andi %get3A_2205, %and3A_2213 : vector<16xi32>
      %mul3A_2215 = arith.constant 3 : i32
      %mul3A_2216 = arith.muli %arg0, %mul3A_2215 : i32
      %add3A_2217 = vector.broadcast %mul3A_2216 : i32 to vector<16xi32>
      %add3A_2218 = arith.addi %and3A_2211, %add3A_2217 : vector<16xi32>
      %mul3A_2219 = arith.constant 10000 : i32
      %mul3A_2220 = vector.broadcast %mul3A_2219 : i32 to vector<16xi32>
      %mul3A_2221 = arith.muli %add3A_2218, %mul3A_2220 : vector<16xi32>
      %add3A_2222 = arith.addi %and3A_2214, %mul3A_2221 : vector<16xi32>
      %shift_right_logical3A_2223 = arith.constant 16 : i32
      %shift_right_logical3A_2224 = vector.broadcast %shift_right_logical3A_2223 : i32 to vector<16xi32>
      %shift_right_logical3A_2225 = arith.shrui %get3A_2205, %shift_right_logical3A_2224 : vector<16xi32>
      %swap3A_2226 = arith.constant 96 : index
      %swap3A_2227 = tpu.vector_load %arg13[%swap3A_2226] {strides = array<i32>} : memref<128xi32, #tpu.memory_space<vmem>>, vector<16xi32>,
      tpu.vector_store %arg13[%swap3A_2226], %add3A_2222 {strides = array<i32>} : memref<128xi32, #tpu.memory_space<vmem>>, vector<16xi32>,
      %swap3A_2228 = arith.constant 96 : index
      %swap3A_2229 = tpu.vector_load %arg17[%swap3A_2228] {strides = array<i32>} : memref<128xi32, #tpu.memory_space<vmem>>, vector<16xi32>,
      tpu.vector_store %arg17[%swap3A_2228], %shift_right_logical3A_2225 {strides = array<i32>} : memref<128xi32, #tpu.memory_space<vmem>>, vector<16xi32>,
      %add3A_2230 = arith.constant 96 : i32
      %add3A_2231 = vector.broadcast %add3A_2230 : i32 to vector<16xi32>
      %add3A_2232 = arith.addi %add3A_2231, %iota3A : vector<16xi32>
      %get3A_2233 = arith.constant 96 : index
      %get3A_2234 = tpu.vector_load %arg29[%get3A_2233] {strides = array<i32>} : memref<128xi32, #tpu.memory_space<vmem>>, vector<16xi32>,
      tpu.vector_store_idx %arg25[%add3A_2232, %get3A_2234], %broadcast_in_dim3A_30 : memref<128x16xf32, #tpu.memory_space<vmem>>[vector<16xi32>, vector<16xi32>], vector<16xf32>,
      tpu.vector_store_idx %arg25[%add3A_2232, %and3A_2211], %broadcast_in_dim3A_28 : memref<128x16xf32, #tpu.memory_space<vmem>>[vector<16xi32>, vector<16xi32>], vector<16xf32>,
      %swap3A_2235 = arith.constant 96 : index
      %swap3A_2236 = tpu.vector_load %arg29[%swap3A_2235] {strides = array<i32>} : memref<128xi32, #tpu.memory_space<vmem>>, vector<16xi32>,
      tpu.vector_store %arg29[%swap3A_2235], %and3A_2211 {strides = array<i32>} : memref<128xi32, #tpu.memory_space<vmem>>, vector<16xi32>,
      %get3A_2237 = arith.constant 496 : index
      %get3A_2238 = tpu.vector_load %arg9[%get3A_2237] {strides = array<i32>} : memref<512xi32, #tpu.memory_space<vmem>>, vector<16xi32>,
      %shift_right_logical3A_2239 = arith.constant 14 : i32
      %shift_right_logical3A_2240 = vector.broadcast %shift_right_logical3A_2239 : i32 to vector<16xi32>
      %shift_right_logical3A_2241 = arith.shrui %get3A_2238, %shift_right_logical3A_2240 : vector<16xi32>
      %and3A_2242 = arith.constant 3 : i32
      %and3A_2243 = vector.broadcast %and3A_2242 : i32 to vector<16xi32>
      %and3A_2244 = arith.andi %shift_right_logical3A_2241, %and3A_2243 : vector<16xi32>
      %and3A_2245 = arith.constant 16383 : i32
      %and3A_2246 = vector.broadcast %and3A_2245 : i32 to vector<16xi32>
      %and3A_2247 = arith.andi %get3A_2238, %and3A_2246 : vector<16xi32>
      %mul3A_2248 = arith.constant 3 : i32
      %mul3A_2249 = arith.muli %arg0, %mul3A_2248 : i32
      %add3A_2250 = vector.broadcast %mul3A_2249 : i32 to vector<16xi32>
      %add3A_2251 = arith.addi %and3A_2244, %add3A_2250 : vector<16xi32>
      %mul3A_2252 = arith.constant 10000 : i32
      %mul3A_2253 = vector.broadcast %mul3A_2252 : i32 to vector<16xi32>
      %mul3A_2254 = arith.muli %add3A_2251, %mul3A_2253 : vector<16xi32>
      %add3A_2255 = arith.addi %and3A_2247, %mul3A_2254 : vector<16xi32>
      %shift_right_logical3A_2256 = arith.constant 16 : i32
      %shift_right_logical3A_2257 = vector.broadcast %shift_right_logical3A_2256 : i32 to vector<16xi32>
      %shift_right_logical3A_2258 = arith.shrui %get3A_2238, %shift_right_logical3A_2257 : vector<16xi32>
      %swap3A_2259 = arith.constant 112 : index
      %swap3A_2260 = tpu.vector_load %arg13[%swap3A_2259] {strides = array<i32>} : memref<128xi32, #tpu.memory_space<vmem>>, vector<16xi32>,
      tpu.vector_store %arg13[%swap3A_2259], %add3A_2255 {strides = array<i32>} : memref<128xi32, #tpu.memory_space<vmem>>, vector<16xi32>,
      %swap3A_2261 = arith.constant 112 : index
      %swap3A_2262 = tpu.vector_load %arg17[%swap3A_2261] {strides = array<i32>} : memref<128xi32, #tpu.memory_space<vmem>>, vector<16xi32>,
      tpu.vector_store %arg17[%swap3A_2261], %shift_right_logical3A_2258 {strides = array<i32>} : memref<128xi32, #tpu.memory_space<vmem>>, vector<16xi32>,
      %add3A_2263 = arith.constant 112 : i32
      %add3A_2264 = vector.broadcast %add3A_2263 : i32 to vector<16xi32>
      %add3A_2265 = arith.addi %add3A_2264, %iota3A : vector<16xi32>
      %get3A_2266 = arith.constant 112 : index
      %get3A_2267 = tpu.vector_load %arg29[%get3A_2266] {strides = array<i32>} : memref<128xi32, #tpu.memory_space<vmem>>, vector<16xi32>,
      tpu.vector_store_idx %arg25[%add3A_2265, %get3A_2267], %broadcast_in_dim3A_30 : memref<128x16xf32, #tpu.memory_space<vmem>>[vector<16xi32>, vector<16xi32>], vector<16xf32>,
      tpu.vector_store_idx %arg25[%add3A_2265, %and3A_2244], %broadcast_in_dim3A_28 : memref<128x16xf32, #tpu.memory_space<vmem>>[vector<16xi32>, vector<16xi32>], vector<16xf32>,
      %swap3A_2268 = arith.constant 112 : index
      %swap3A_2269 = tpu.vector_load %arg29[%swap3A_2268] {strides = array<i32>} : memref<128xi32, #tpu.memory_space<vmem>>, vector<16xi32>,
      tpu.vector_store %arg29[%swap3A_2268], %and3A_2244 {strides = array<i32>} : memref<128xi32, #tpu.memory_space<vmem>>, vector<16xi32>,
      %dma_start3A_2270 = arith.constant 0 : i32
      %dma_start3A_2271 = arith.constant 0 : i32
      %dma_start3A_2272 = tpu.memref_slice %arg2[%dma_start3A_2270, %dma_start3A_2271] : memref<60000x64xf32, #tpu.memory_space<hbm>> -> memref<60000x64xf32, #tpu.memory_space<hbm>>
      tpu.enqueue_indirect_dma source(%dma_start3A_2272 : memref<60000x64xf32, #tpu.memory_space<hbm>>) target(%arg21 : memref<128x64xf32, #tpu.memory_space<vmem>>) offsets(%arg13 : memref<128xi32, #tpu.memory_space<vmem>>) semaphore(%arg37 : memref<!tpu.dma_semaphore, #tpu.memory_space<semaphore_mem>>)
      %mul3A_2273 = arith.constant 2 : i32
      %mul3A_2274 = arith.muli %mul3A_2273, %scan3A_1124 : i32
      %add3A_2275 = arith.constant 2 : i32
      %add3A_2276 = arith.addi %mul3A_2274, %add3A_2275 : i32
      %mul3A_2277 = arith.constant 512 : i32
      %mul3A_2278 = arith.muli %add3A_2276, %mul3A_2277 : i32
      %add3A_2279 = arith.addi %mul3A_26, %mul3A_2278 : i32
      %multiple_of3A_2280 = tpu.assume_multiple %add3A_2279, 8 : i32
      %dma_wait3A_2281 = tpu.memref_slice %arg3[%multiple_of3A_2280] : memref<328704xi32, #tpu.memory_space<hbm>> -> memref<512xi32, #tpu.memory_space<hbm>>
      %dma_wait3A_2282 = tpu.memref_slice %arg3[%multiple_of3A_2280] : memref<328704xi32, #tpu.memory_space<hbm>> -> memref<512xi32, #tpu.memory_space<hbm>>
      tpu.wait_dma2 semaphore(%arg32 : memref<!tpu.dma_semaphore, #tpu.memory_space<semaphore_mem>>) src(%dma_wait3A_2282 : memref<512xi32, #tpu.memory_space<hbm>>) dst(%arg8 : memref<512xi32, #tpu.memory_space<vmem>>)
      %mul3A_2283 = arith.constant 2 : i32
      %mul3A_2284 = arith.muli %mul3A_2283, %scan3A_1124 : i32
      %add3A_2285 = arith.constant 3 : i32
      %add3A_2286 = arith.addi %mul3A_2284, %add3A_2285 : i32
      %mul3A_2287 = arith.constant 512 : i32
      %mul3A_2288 = arith.muli %add3A_2286, %mul3A_2287 : i32
      %add3A_2289 = arith.addi %mul3A_26, %mul3A_2288 : i32
      %multiple_of3A_2290 = tpu.assume_multiple %add3A_2289, 8 : i32
      %dma_start3A_2291 = tpu.memref_slice %arg3[%multiple_of3A_2290] : memref<328704xi32, #tpu.memory_space<hbm>> -> memref<512xi32, #tpu.memory_space<hbm>>
      %dma_start3A_2292 = tpu.memref_slice %arg3[%multiple_of3A_2290] : memref<328704xi32, #tpu.memory_space<hbm>> -> memref<512xi32, #tpu.memory_space<hbm>>
      tpu.enqueue_dma source(%dma_start3A_2292 : memref<512xi32, #tpu.memory_space<hbm>>) target(%arg9 : memref<512xi32, #tpu.memory_space<vmem>>) target_semaphore(%arg33 : memref<!tpu.dma_semaphore, #tpu.memory_space<semaphore_mem>>)
      %dma_wait3A_2293 = arith.constant 0 : i32
      %dma_wait3A_2294 = arith.constant 0 : i32
      %dma_wait3A_2295 = tpu.memref_slice %arg2[%dma_wait3A_2293, %dma_wait3A_2294] : memref<60000x64xf32, #tpu.memory_space<hbm>> -> memref<60000x64xf32, #tpu.memory_space<hbm>>
      tpu.wait_indirect_dma semaphore(%arg34 : memref<!tpu.dma_semaphore, #tpu.memory_space<semaphore_mem>>) src(%dma_wait3A_2295 : memref<60000x64xf32, #tpu.memory_space<hbm>>) dst(%arg18 : memref<128x64xf32, #tpu.memory_space<vmem>>)
      %dma_start3A_2296 = arith.constant 0 : i32
      %dma_start3A_2297 = arith.constant 0 : i32
      %dma_start3A_2298 = tpu.memref_slice %arg30[%dma_start3A_2296, %dma_start3A_2297] : memref<10240x64xf32, #tpu.memory_space<vmem_shared>> -> memref<10240x64xf32, #tpu.memory_space<vmem_shared>>
      tpu.enqueue_indirect_dma source(%arg18 : memref<128x64xf32, #tpu.memory_space<vmem>>) target(%dma_start3A_2298 : memref<10240x64xf32, #tpu.memory_space<vmem_shared>>) offsets(%arg14 : memref<128xi32, #tpu.memory_space<vmem>>) semaphore(%arg38 : memref<!tpu.dma_semaphore, #tpu.memory_space<semaphore_mem>>) {add = true}
      %dma_start3A_2299 = arith.constant 0 : i32
      %dma_start3A_2300 = arith.constant 0 : i32
      %dma_start3A_2301 = tpu.memref_slice %arg31[%dma_start3A_2299, %dma_start3A_2300] : memref<10240x16xf32, #tpu.memory_space<vmem_shared>> -> memref<10240x16xf32, #tpu.memory_space<vmem_shared>>
      tpu.enqueue_indirect_dma source(%arg22 : memref<128x16xf32, #tpu.memory_space<vmem>>) target(%dma_start3A_2301 : memref<10240x16xf32, #tpu.memory_space<vmem_shared>>) offsets(%arg14 : memref<128xi32, #tpu.memory_space<vmem>>) semaphore(%arg39 : memref<!tpu.dma_semaphore, #tpu.memory_space<semaphore_mem>>) {add = true}
      %dma_wait3A_2302 = arith.constant 0 : i32
      %dma_wait3A_2303 = arith.constant 0 : i32
      %dma_wait3A_2304 = tpu.memref_slice %arg30[%dma_wait3A_2302, %dma_wait3A_2303] : memref<10240x64xf32, #tpu.memory_space<vmem_shared>> -> memref<10240x64xf32, #tpu.memory_space<vmem_shared>>
      tpu.wait_indirect_dma semaphore(%arg38 : memref<!tpu.dma_semaphore, #tpu.memory_space<semaphore_mem>>) src(%arg18 : memref<128x64xf32, #tpu.memory_space<vmem>>) dst(%dma_wait3A_2304 : memref<10240x64xf32, #tpu.memory_space<vmem_shared>>)
      %dma_wait3A_2305 = arith.constant 0 : i32
      %dma_wait3A_2306 = arith.constant 0 : i32
      %dma_wait3A_2307 = tpu.memref_slice %arg31[%dma_wait3A_2305, %dma_wait3A_2306] : memref<10240x16xf32, #tpu.memory_space<vmem_shared>> -> memref<10240x16xf32, #tpu.memory_space<vmem_shared>>
      tpu.wait_indirect_dma semaphore(%arg39 : memref<!tpu.dma_semaphore, #tpu.memory_space<semaphore_mem>>) src(%arg22 : memref<128x16xf32, #tpu.memory_space<vmem>>) dst(%dma_wait3A_2307 : memref<10240x16xf32, #tpu.memory_space<vmem_shared>>)
      %get3A_2308 = arith.constant 0 : index
      %get3A_2309 = tpu.vector_load %arg8[%get3A_2308] {strides = array<i32>} : memref<512xi32, #tpu.memory_space<vmem>>, vector<16xi32>,
      %shift_right_logical3A_2310 = arith.constant 14 : i32
      %shift_right_logical3A_2311 = vector.broadcast %shift_right_logical3A_2310 : i32 to vector<16xi32>
      %shift_right_logical3A_2312 = arith.shrui %get3A_2309, %shift_right_logical3A_2311 : vector<16xi32>
      %and3A_2313 = arith.constant 3 : i32
      %and3A_2314 = vector.broadcast %and3A_2313 : i32 to vector<16xi32>
      %and3A_2315 = arith.andi %shift_right_logical3A_2312, %and3A_2314 : vector<16xi32>
      %and3A_2316 = arith.constant 16383 : i32
      %and3A_2317 = vector.broadcast %and3A_2316 : i32 to vector<16xi32>
      %and3A_2318 = arith.andi %get3A_2309, %and3A_2317 : vector<16xi32>
      %mul3A_2319 = arith.constant 3 : i32
      %mul3A_2320 = arith.muli %arg0, %mul3A_2319 : i32
      %add3A_2321 = vector.broadcast %mul3A_2320 : i32 to vector<16xi32>
      %add3A_2322 = arith.addi %and3A_2315, %add3A_2321 : vector<16xi32>
      %mul3A_2323 = arith.constant 10000 : i32
      %mul3A_2324 = vector.broadcast %mul3A_2323 : i32 to vector<16xi32>
      %mul3A_2325 = arith.muli %add3A_2322, %mul3A_2324 : vector<16xi32>
      %add3A_2326 = arith.addi %and3A_2318, %mul3A_2325 : vector<16xi32>
      %shift_right_logical3A_2327 = arith.constant 16 : i32
      %shift_right_logical3A_2328 = vector.broadcast %shift_right_logical3A_2327 : i32 to vector<16xi32>
      %shift_right_logical3A_2329 = arith.shrui %get3A_2309, %shift_right_logical3A_2328 : vector<16xi32>
      %swap3A_2330 = arith.constant 0 : index
      %swap3A_2331 = tpu.vector_load %arg10[%swap3A_2330] {strides = array<i32>} : memref<128xi32, #tpu.memory_space<vmem>>, vector<16xi32>,
      tpu.vector_store %arg10[%swap3A_2330], %add3A_2326 {strides = array<i32>} : memref<128xi32, #tpu.memory_space<vmem>>, vector<16xi32>,
      %swap3A_2332 = arith.constant 0 : index
      %swap3A_2333 = tpu.vector_load %arg14[%swap3A_2332] {strides = array<i32>} : memref<128xi32, #tpu.memory_space<vmem>>, vector<16xi32>,
      tpu.vector_store %arg14[%swap3A_2332], %shift_right_logical3A_2329 {strides = array<i32>} : memref<128xi32, #tpu.memory_space<vmem>>, vector<16xi32>,
      %add3A_2334 = arith.constant 0 : i32
      %add3A_2335 = vector.broadcast %add3A_2334 : i32 to vector<16xi32>
      %add3A_2336 = arith.addi %add3A_2335, %iota3A : vector<16xi32>
      %get3A_2337 = arith.constant 0 : index
      %get3A_2338 = tpu.vector_load %arg26[%get3A_2337] {strides = array<i32>} : memref<128xi32, #tpu.memory_space<vmem>>, vector<16xi32>,
      tpu.vector_store_idx %arg22[%add3A_2336, %get3A_2338], %broadcast_in_dim3A_30 : memref<128x16xf32, #tpu.memory_space<vmem>>[vector<16xi32>, vector<16xi32>], vector<16xf32>,
      tpu.vector_store_idx %arg22[%add3A_2336, %and3A_2315], %broadcast_in_dim3A_28 : memref<128x16xf32, #tpu.memory_space<vmem>>[vector<16xi32>, vector<16xi32>], vector<16xf32>,
      %swap3A_2339 = arith.constant 0 : index
      %swap3A_2340 = tpu.vector_load %arg26[%swap3A_2339] {strides = array<i32>} : memref<128xi32, #tpu.memory_space<vmem>>, vector<16xi32>,
      tpu.vector_store %arg26[%swap3A_2339], %and3A_2315 {strides = array<i32>} : memref<128xi32, #tpu.memory_space<vmem>>, vector<16xi32>,
      %get3A_2341 = arith.constant 16 : index
      %get3A_2342 = tpu.vector_load %arg8[%get3A_2341] {strides = array<i32>} : memref<512xi32, #tpu.memory_space<vmem>>, vector<16xi32>,
      %shift_right_logical3A_2343 = arith.constant 14 : i32
      %shift_right_logical3A_2344 = vector.broadcast %shift_right_logical3A_2343 : i32 to vector<16xi32>
      %shift_right_logical3A_2345 = arith.shrui %get3A_2342, %shift_right_logical3A_2344 : vector<16xi32>
      %and3A_2346 = arith.constant 3 : i32
      %and3A_2347 = vector.broadcast %and3A_2346 : i32 to vector<16xi32>
      %and3A_2348 = arith.andi %shift_right_logical3A_2345, %and3A_2347 : vector<16xi32>
      %and3A_2349 = arith.constant 16383 : i32
      %and3A_2350 = vector.broadcast %and3A_2349 : i32 to vector<16xi32>
      %and3A_2351 = arith.andi %get3A_2342, %and3A_2350 : vector<16xi32>
      %mul3A_2352 = arith.constant 3 : i32
      %mul3A_2353 = arith.muli %arg0, %mul3A_2352 : i32
      %add3A_2354 = vector.broadcast %mul3A_2353 : i32 to vector<16xi32>
      %add3A_2355 = arith.addi %and3A_2348, %add3A_2354 : vector<16xi32>
      %mul3A_2356 = arith.constant 10000 : i32
      %mul3A_2357 = vector.broadcast %mul3A_2356 : i32 to vector<16xi32>
      %mul3A_2358 = arith.muli %add3A_2355, %mul3A_2357 : vector<16xi32>
      %add3A_2359 = arith.addi %and3A_2351, %mul3A_2358 : vector<16xi32>
      %shift_right_logical3A_2360 = arith.constant 16 : i32
      %shift_right_logical3A_2361 = vector.broadcast %shift_right_logical3A_2360 : i32 to vector<16xi32>
      %shift_right_logical3A_2362 = arith.shrui %get3A_2342, %shift_right_logical3A_2361 : vector<16xi32>
      %swap3A_2363 = arith.constant 16 : index
      %swap3A_2364 = tpu.vector_load %arg10[%swap3A_2363] {strides = array<i32>} : memref<128xi32, #tpu.memory_space<vmem>>, vector<16xi32>,
      tpu.vector_store %arg10[%swap3A_2363], %add3A_2359 {strides = array<i32>} : memref<128xi32, #tpu.memory_space<vmem>>, vector<16xi32>,
      %swap3A_2365 = arith.constant 16 : index
      %swap3A_2366 = tpu.vector_load %arg14[%swap3A_2365] {strides = array<i32>} : memref<128xi32, #tpu.memory_space<vmem>>, vector<16xi32>,
      tpu.vector_store %arg14[%swap3A_2365], %shift_right_logical3A_2362 {strides = array<i32>} : memref<128xi32, #tpu.memory_space<vmem>>, vector<16xi32>,
      %add3A_2367 = arith.constant 16 : i32
      %add3A_2368 = vector.broadcast %add3A_2367 : i32 to vector<16xi32>
      %add3A_2369 = arith.addi %add3A_2368, %iota3A : vector<16xi32>
      %get3A_2370 = arith.constant 16 : index
      %get3A_2371 = tpu.vector_load %arg26[%get3A_2370] {strides = array<i32>} : memref<128xi32, #tpu.memory_space<vmem>>, vector<16xi32>,
      tpu.vector_store_idx %arg22[%add3A_2369, %get3A_2371], %broadcast_in_dim3A_30 : memref<128x16xf32, #tpu.memory_space<vmem>>[vector<16xi32>, vector<16xi32>], vector<16xf32>,
      tpu.vector_store_idx %arg22[%add3A_2369, %and3A_2348], %broadcast_in_dim3A_28 : memref<128x16xf32, #tpu.memory_space<vmem>>[vector<16xi32>, vector<16xi32>], vector<16xf32>,
      %swap3A_2372 = arith.constant 16 : index
      %swap3A_2373 = tpu.vector_load %arg26[%swap3A_2372] {strides = array<i32>} : memref<128xi32, #tpu.memory_space<vmem>>, vector<16xi32>,
      tpu.vector_store %arg26[%swap3A_2372], %and3A_2348 {strides = array<i32>} : memref<128xi32, #tpu.memory_space<vmem>>, vector<16xi32>,
      %get3A_2374 = arith.constant 32 : index
      %get3A_2375 = tpu.vector_load %arg8[%get3A_2374] {strides = array<i32>} : memref<512xi32, #tpu.memory_space<vmem>>, vector<16xi32>,
      %shift_right_logical3A_2376 = arith.constant 14 : i32
      %shift_right_logical3A_2377 = vector.broadcast %shift_right_logical3A_2376 : i32 to vector<16xi32>
      %shift_right_logical3A_2378 = arith.shrui %get3A_2375, %shift_right_logical3A_2377 : vector<16xi32>
      %and3A_2379 = arith.constant 3 : i32
      %and3A_2380 = vector.broadcast %and3A_2379 : i32 to vector<16xi32>
      %and3A_2381 = arith.andi %shift_right_logical3A_2378, %and3A_2380 : vector<16xi32>
      %and3A_2382 = arith.constant 16383 : i32
      %and3A_2383 = vector.broadcast %and3A_2382 : i32 to vector<16xi32>
      %and3A_2384 = arith.andi %get3A_2375, %and3A_2383 : vector<16xi32>
      %mul3A_2385 = arith.constant 3 : i32
      %mul3A_2386 = arith.muli %arg0, %mul3A_2385 : i32
      %add3A_2387 = vector.broadcast %mul3A_2386 : i32 to vector<16xi32>
      %add3A_2388 = arith.addi %and3A_2381, %add3A_2387 : vector<16xi32>
      %mul3A_2389 = arith.constant 10000 : i32
      %mul3A_2390 = vector.broadcast %mul3A_2389 : i32 to vector<16xi32>
      %mul3A_2391 = arith.muli %add3A_2388, %mul3A_2390 : vector<16xi32>
      %add3A_2392 = arith.addi %and3A_2384, %mul3A_2391 : vector<16xi32>
      %shift_right_logical3A_2393 = arith.constant 16 : i32
      %shift_right_logical3A_2394 = vector.broadcast %shift_right_logical3A_2393 : i32 to vector<16xi32>
      %shift_right_logical3A_2395 = arith.shrui %get3A_2375, %shift_right_logical3A_2394 : vector<16xi32>
      %swap3A_2396 = arith.constant 32 : index
      %swap3A_2397 = tpu.vector_load %arg10[%swap3A_2396] {strides = array<i32>} : memref<128xi32, #tpu.memory_space<vmem>>, vector<16xi32>,
      tpu.vector_store %arg10[%swap3A_2396], %add3A_2392 {strides = array<i32>} : memref<128xi32, #tpu.memory_space<vmem>>, vector<16xi32>,
      %swap3A_2398 = arith.constant 32 : index
      %swap3A_2399 = tpu.vector_load %arg14[%swap3A_2398] {strides = array<i32>} : memref<128xi32, #tpu.memory_space<vmem>>, vector<16xi32>,
      tpu.vector_store %arg14[%swap3A_2398], %shift_right_logical3A_2395 {strides = array<i32>} : memref<128xi32, #tpu.memory_space<vmem>>, vector<16xi32>,
      %add3A_2400 = arith.constant 32 : i32
      %add3A_2401 = vector.broadcast %add3A_2400 : i32 to vector<16xi32>
      %add3A_2402 = arith.addi %add3A_2401, %iota3A : vector<16xi32>
      %get3A_2403 = arith.constant 32 : index
      %get3A_2404 = tpu.vector_load %arg26[%get3A_2403] {strides = array<i32>} : memref<128xi32, #tpu.memory_space<vmem>>, vector<16xi32>,
      tpu.vector_store_idx %arg22[%add3A_2402, %get3A_2404], %broadcast_in_dim3A_30 : memref<128x16xf32, #tpu.memory_space<vmem>>[vector<16xi32>, vector<16xi32>], vector<16xf32>,
      tpu.vector_store_idx %arg22[%add3A_2402, %and3A_2381], %broadcast_in_dim3A_28 : memref<128x16xf32, #tpu.memory_space<vmem>>[vector<16xi32>, vector<16xi32>], vector<16xf32>,
      %swap3A_2405 = arith.constant 32 : index
      %swap3A_2406 = tpu.vector_load %arg26[%swap3A_2405] {strides = array<i32>} : memref<128xi32, #tpu.memory_space<vmem>>, vector<16xi32>,
      tpu.vector_store %arg26[%swap3A_2405], %and3A_2381 {strides = array<i32>} : memref<128xi32, #tpu.memory_space<vmem>>, vector<16xi32>,
      %get3A_2407 = arith.constant 48 : index
      %get3A_2408 = tpu.vector_load %arg8[%get3A_2407] {strides = array<i32>} : memref<512xi32, #tpu.memory_space<vmem>>, vector<16xi32>,
      %shift_right_logical3A_2409 = arith.constant 14 : i32
      %shift_right_logical3A_2410 = vector.broadcast %shift_right_logical3A_2409 : i32 to vector<16xi32>
      %shift_right_logical3A_2411 = arith.shrui %get3A_2408, %shift_right_logical3A_2410 : vector<16xi32>
      %and3A_2412 = arith.constant 3 : i32
      %and3A_2413 = vector.broadcast %and3A_2412 : i32 to vector<16xi32>
      %and3A_2414 = arith.andi %shift_right_logical3A_2411, %and3A_2413 : vector<16xi32>
      %and3A_2415 = arith.constant 16383 : i32
      %and3A_2416 = vector.broadcast %and3A_2415 : i32 to vector<16xi32>
      %and3A_2417 = arith.andi %get3A_2408, %and3A_2416 : vector<16xi32>
      %mul3A_2418 = arith.constant 3 : i32
      %mul3A_2419 = arith.muli %arg0, %mul3A_2418 : i32
      %add3A_2420 = vector.broadcast %mul3A_2419 : i32 to vector<16xi32>
      %add3A_2421 = arith.addi %and3A_2414, %add3A_2420 : vector<16xi32>
      %mul3A_2422 = arith.constant 10000 : i32
      %mul3A_2423 = vector.broadcast %mul3A_2422 : i32 to vector<16xi32>
      %mul3A_2424 = arith.muli %add3A_2421, %mul3A_2423 : vector<16xi32>
      %add3A_2425 = arith.addi %and3A_2417, %mul3A_2424 : vector<16xi32>
      %shift_right_logical3A_2426 = arith.constant 16 : i32
      %shift_right_logical3A_2427 = vector.broadcast %shift_right_logical3A_2426 : i32 to vector<16xi32>
      %shift_right_logical3A_2428 = arith.shrui %get3A_2408, %shift_right_logical3A_2427 : vector<16xi32>
      %swap3A_2429 = arith.constant 48 : index
      %swap3A_2430 = tpu.vector_load %arg10[%swap3A_2429] {strides = array<i32>} : memref<128xi32, #tpu.memory_space<vmem>>, vector<16xi32>,
      tpu.vector_store %arg10[%swap3A_2429], %add3A_2425 {strides = array<i32>} : memref<128xi32, #tpu.memory_space<vmem>>, vector<16xi32>,
      %swap3A_2431 = arith.constant 48 : index
      %swap3A_2432 = tpu.vector_load %arg14[%swap3A_2431] {strides = array<i32>} : memref<128xi32, #tpu.memory_space<vmem>>, vector<16xi32>,
      tpu.vector_store %arg14[%swap3A_2431], %shift_right_logical3A_2428 {strides = array<i32>} : memref<128xi32, #tpu.memory_space<vmem>>, vector<16xi32>,
      %add3A_2433 = arith.constant 48 : i32
      %add3A_2434 = vector.broadcast %add3A_2433 : i32 to vector<16xi32>
      %add3A_2435 = arith.addi %add3A_2434, %iota3A : vector<16xi32>
      %get3A_2436 = arith.constant 48 : index
      %get3A_2437 = tpu.vector_load %arg26[%get3A_2436] {strides = array<i32>} : memref<128xi32, #tpu.memory_space<vmem>>, vector<16xi32>,
      tpu.vector_store_idx %arg22[%add3A_2435, %get3A_2437], %broadcast_in_dim3A_30 : memref<128x16xf32, #tpu.memory_space<vmem>>[vector<16xi32>, vector<16xi32>], vector<16xf32>,
      tpu.vector_store_idx %arg22[%add3A_2435, %and3A_2414], %broadcast_in_dim3A_28 : memref<128x16xf32, #tpu.memory_space<vmem>>[vector<16xi32>, vector<16xi32>], vector<16xf32>,
      %swap3A_2438 = arith.constant 48 : index
      %swap3A_2439 = tpu.vector_load %arg26[%swap3A_2438] {strides = array<i32>} : memref<128xi32, #tpu.memory_space<vmem>>, vector<16xi32>,
      tpu.vector_store %arg26[%swap3A_2438], %and3A_2414 {strides = array<i32>} : memref<128xi32, #tpu.memory_space<vmem>>, vector<16xi32>,
      %get3A_2440 = arith.constant 64 : index
      %get3A_2441 = tpu.vector_load %arg8[%get3A_2440] {strides = array<i32>} : memref<512xi32, #tpu.memory_space<vmem>>, vector<16xi32>,
      %shift_right_logical3A_2442 = arith.constant 14 : i32
      %shift_right_logical3A_2443 = vector.broadcast %shift_right_logical3A_2442 : i32 to vector<16xi32>
      %shift_right_logical3A_2444 = arith.shrui %get3A_2441, %shift_right_logical3A_2443 : vector<16xi32>
      %and3A_2445 = arith.constant 3 : i32
      %and3A_2446 = vector.broadcast %and3A_2445 : i32 to vector<16xi32>
      %and3A_2447 = arith.andi %shift_right_logical3A_2444, %and3A_2446 : vector<16xi32>
      %and3A_2448 = arith.constant 16383 : i32
      %and3A_2449 = vector.broadcast %and3A_2448 : i32 to vector<16xi32>
      %and3A_2450 = arith.andi %get3A_2441, %and3A_2449 : vector<16xi32>
      %mul3A_2451 = arith.constant 3 : i32
      %mul3A_2452 = arith.muli %arg0, %mul3A_2451 : i32
      %add3A_2453 = vector.broadcast %mul3A_2452 : i32 to vector<16xi32>
      %add3A_2454 = arith.addi %and3A_2447, %add3A_2453 : vector<16xi32>
      %mul3A_2455 = arith.constant 10000 : i32
      %mul3A_2456 = vector.broadcast %mul3A_2455 : i32 to vector<16xi32>
      %mul3A_2457 = arith.muli %add3A_2454, %mul3A_2456 : vector<16xi32>
      %add3A_2458 = arith.addi %and3A_2450, %mul3A_2457 : vector<16xi32>
      %shift_right_logical3A_2459 = arith.constant 16 : i32
      %shift_right_logical3A_2460 = vector.broadcast %shift_right_logical3A_2459 : i32 to vector<16xi32>
      %shift_right_logical3A_2461 = arith.shrui %get3A_2441, %shift_right_logical3A_2460 : vector<16xi32>
      %swap3A_2462 = arith.constant 64 : index
      %swap3A_2463 = tpu.vector_load %arg10[%swap3A_2462] {strides = array<i32>} : memref<128xi32, #tpu.memory_space<vmem>>, vector<16xi32>,
      tpu.vector_store %arg10[%swap3A_2462], %add3A_2458 {strides = array<i32>} : memref<128xi32, #tpu.memory_space<vmem>>, vector<16xi32>,
      %swap3A_2464 = arith.constant 64 : index
      %swap3A_2465 = tpu.vector_load %arg14[%swap3A_2464] {strides = array<i32>} : memref<128xi32, #tpu.memory_space<vmem>>, vector<16xi32>,
      tpu.vector_store %arg14[%swap3A_2464], %shift_right_logical3A_2461 {strides = array<i32>} : memref<128xi32, #tpu.memory_space<vmem>>, vector<16xi32>,
      %add3A_2466 = arith.constant 64 : i32
      %add3A_2467 = vector.broadcast %add3A_2466 : i32 to vector<16xi32>
      %add3A_2468 = arith.addi %add3A_2467, %iota3A : vector<16xi32>
      %get3A_2469 = arith.constant 64 : index
      %get3A_2470 = tpu.vector_load %arg26[%get3A_2469] {strides = array<i32>} : memref<128xi32, #tpu.memory_space<vmem>>, vector<16xi32>,
      tpu.vector_store_idx %arg22[%add3A_2468, %get3A_2470], %broadcast_in_dim3A_30 : memref<128x16xf32, #tpu.memory_space<vmem>>[vector<16xi32>, vector<16xi32>], vector<16xf32>,
      tpu.vector_store_idx %arg22[%add3A_2468, %and3A_2447], %broadcast_in_dim3A_28 : memref<128x16xf32, #tpu.memory_space<vmem>>[vector<16xi32>, vector<16xi32>], vector<16xf32>,
      %swap3A_2471 = arith.constant 64 : index
      %swap3A_2472 = tpu.vector_load %arg26[%swap3A_2471] {strides = array<i32>} : memref<128xi32, #tpu.memory_space<vmem>>, vector<16xi32>,
      tpu.vector_store %arg26[%swap3A_2471], %and3A_2447 {strides = array<i32>} : memref<128xi32, #tpu.memory_space<vmem>>, vector<16xi32>,
      %get3A_2473 = arith.constant 80 : index
      %get3A_2474 = tpu.vector_load %arg8[%get3A_2473] {strides = array<i32>} : memref<512xi32, #tpu.memory_space<vmem>>, vector<16xi32>,
      %shift_right_logical3A_2475 = arith.constant 14 : i32
      %shift_right_logical3A_2476 = vector.broadcast %shift_right_logical3A_2475 : i32 to vector<16xi32>
      %shift_right_logical3A_2477 = arith.shrui %get3A_2474, %shift_right_logical3A_2476 : vector<16xi32>
      %and3A_2478 = arith.constant 3 : i32
      %and3A_2479 = vector.broadcast %and3A_2478 : i32 to vector<16xi32>
      %and3A_2480 = arith.andi %shift_right_logical3A_2477, %and3A_2479 : vector<16xi32>
      %and3A_2481 = arith.constant 16383 : i32
      %and3A_2482 = vector.broadcast %and3A_2481 : i32 to vector<16xi32>
      %and3A_2483 = arith.andi %get3A_2474, %and3A_2482 : vector<16xi32>
      %mul3A_2484 = arith.constant 3 : i32
      %mul3A_2485 = arith.muli %arg0, %mul3A_2484 : i32
      %add3A_2486 = vector.broadcast %mul3A_2485 : i32 to vector<16xi32>
      %add3A_2487 = arith.addi %and3A_2480, %add3A_2486 : vector<16xi32>
      %mul3A_2488 = arith.constant 10000 : i32
      %mul3A_2489 = vector.broadcast %mul3A_2488 : i32 to vector<16xi32>
      %mul3A_2490 = arith.muli %add3A_2487, %mul3A_2489 : vector<16xi32>
      %add3A_2491 = arith.addi %and3A_2483, %mul3A_2490 : vector<16xi32>
      %shift_right_logical3A_2492 = arith.constant 16 : i32
      %shift_right_logical3A_2493 = vector.broadcast %shift_right_logical3A_2492 : i32 to vector<16xi32>
      %shift_right_logical3A_2494 = arith.shrui %get3A_2474, %shift_right_logical3A_2493 : vector<16xi32>
      %swap3A_2495 = arith.constant 80 : index
      %swap3A_2496 = tpu.vector_load %arg10[%swap3A_2495] {strides = array<i32>} : memref<128xi32, #tpu.memory_space<vmem>>, vector<16xi32>,
      tpu.vector_store %arg10[%swap3A_2495], %add3A_2491 {strides = array<i32>} : memref<128xi32, #tpu.memory_space<vmem>>, vector<16xi32>,
      %swap3A_2497 = arith.constant 80 : index
      %swap3A_2498 = tpu.vector_load %arg14[%swap3A_2497] {strides = array<i32>} : memref<128xi32, #tpu.memory_space<vmem>>, vector<16xi32>,
      tpu.vector_store %arg14[%swap3A_2497], %shift_right_logical3A_2494 {strides = array<i32>} : memref<128xi32, #tpu.memory_space<vmem>>, vector<16xi32>,
      %add3A_2499 = arith.constant 80 : i32
      %add3A_2500 = vector.broadcast %add3A_2499 : i32 to vector<16xi32>
      %add3A_2501 = arith.addi %add3A_2500, %iota3A : vector<16xi32>
      %get3A_2502 = arith.constant 80 : index
      %get3A_2503 = tpu.vector_load %arg26[%get3A_2502] {strides = array<i32>} : memref<128xi32, #tpu.memory_space<vmem>>, vector<16xi32>,
      tpu.vector_store_idx %arg22[%add3A_2501, %get3A_2503], %broadcast_in_dim3A_30 : memref<128x16xf32, #tpu.memory_space<vmem>>[vector<16xi32>, vector<16xi32>], vector<16xf32>,
      tpu.vector_store_idx %arg22[%add3A_2501, %and3A_2480], %broadcast_in_dim3A_28 : memref<128x16xf32, #tpu.memory_space<vmem>>[vector<16xi32>, vector<16xi32>], vector<16xf32>,
      %swap3A_2504 = arith.constant 80 : index
      %swap3A_2505 = tpu.vector_load %arg26[%swap3A_2504] {strides = array<i32>} : memref<128xi32, #tpu.memory_space<vmem>>, vector<16xi32>,
      tpu.vector_store %arg26[%swap3A_2504], %and3A_2480 {strides = array<i32>} : memref<128xi32, #tpu.memory_space<vmem>>, vector<16xi32>,
      %get3A_2506 = arith.constant 96 : index
      %get3A_2507 = tpu.vector_load %arg8[%get3A_2506] {strides = array<i32>} : memref<512xi32, #tpu.memory_space<vmem>>, vector<16xi32>,
      %shift_right_logical3A_2508 = arith.constant 14 : i32
      %shift_right_logical3A_2509 = vector.broadcast %shift_right_logical3A_2508 : i32 to vector<16xi32>
      %shift_right_logical3A_2510 = arith.shrui %get3A_2507, %shift_right_logical3A_2509 : vector<16xi32>
      %and3A_2511 = arith.constant 3 : i32
      %and3A_2512 = vector.broadcast %and3A_2511 : i32 to vector<16xi32>
      %and3A_2513 = arith.andi %shift_right_logical3A_2510, %and3A_2512 : vector<16xi32>
      %and3A_2514 = arith.constant 16383 : i32
      %and3A_2515 = vector.broadcast %and3A_2514 : i32 to vector<16xi32>
      %and3A_2516 = arith.andi %get3A_2507, %and3A_2515 : vector<16xi32>
      %mul3A_2517 = arith.constant 3 : i32
      %mul3A_2518 = arith.muli %arg0, %mul3A_2517 : i32
      %add3A_2519 = vector.broadcast %mul3A_2518 : i32 to vector<16xi32>
      %add3A_2520 = arith.addi %and3A_2513, %add3A_2519 : vector<16xi32>
      %mul3A_2521 = arith.constant 10000 : i32
      %mul3A_2522 = vector.broadcast %mul3A_2521 : i32 to vector<16xi32>
      %mul3A_2523 = arith.muli %add3A_2520, %mul3A_2522 : vector<16xi32>
      %add3A_2524 = arith.addi %and3A_2516, %mul3A_2523 : vector<16xi32>
      %shift_right_logical3A_2525 = arith.constant 16 : i32
      %shift_right_logical3A_2526 = vector.broadcast %shift_right_logical3A_2525 : i32 to vector<16xi32>
      %shift_right_logical3A_2527 = arith.shrui %get3A_2507, %shift_right_logical3A_2526 : vector<16xi32>
      %swap3A_2528 = arith.constant 96 : index
      %swap3A_2529 = tpu.vector_load %arg10[%swap3A_2528] {strides = array<i32>} : memref<128xi32, #tpu.memory_space<vmem>>, vector<16xi32>,
      tpu.vector_store %arg10[%swap3A_2528], %add3A_2524 {strides = array<i32>} : memref<128xi32, #tpu.memory_space<vmem>>, vector<16xi32>,
      %swap3A_2530 = arith.constant 96 : index
      %swap3A_2531 = tpu.vector_load %arg14[%swap3A_2530] {strides = array<i32>} : memref<128xi32, #tpu.memory_space<vmem>>, vector<16xi32>,
      tpu.vector_store %arg14[%swap3A_2530], %shift_right_logical3A_2527 {strides = array<i32>} : memref<128xi32, #tpu.memory_space<vmem>>, vector<16xi32>,
      %add3A_2532 = arith.constant 96 : i32
      %add3A_2533 = vector.broadcast %add3A_2532 : i32 to vector<16xi32>
      %add3A_2534 = arith.addi %add3A_2533, %iota3A : vector<16xi32>
      %get3A_2535 = arith.constant 96 : index
      %get3A_2536 = tpu.vector_load %arg26[%get3A_2535] {strides = array<i32>} : memref<128xi32, #tpu.memory_space<vmem>>, vector<16xi32>,
      tpu.vector_store_idx %arg22[%add3A_2534, %get3A_2536], %broadcast_in_dim3A_30 : memref<128x16xf32, #tpu.memory_space<vmem>>[vector<16xi32>, vector<16xi32>], vector<16xf32>,
      tpu.vector_store_idx %arg22[%add3A_2534, %and3A_2513], %broadcast_in_dim3A_28 : memref<128x16xf32, #tpu.memory_space<vmem>>[vector<16xi32>, vector<16xi32>], vector<16xf32>,
      %swap3A_2537 = arith.constant 96 : index
      %swap3A_2538 = tpu.vector_load %arg26[%swap3A_2537] {strides = array<i32>} : memref<128xi32, #tpu.memory_space<vmem>>, vector<16xi32>,
      tpu.vector_store %arg26[%swap3A_2537], %and3A_2513 {strides = array<i32>} : memref<128xi32, #tpu.memory_space<vmem>>, vector<16xi32>,
      %get3A_2539 = arith.constant 112 : index
      %get3A_2540 = tpu.vector_load %arg8[%get3A_2539] {strides = array<i32>} : memref<512xi32, #tpu.memory_space<vmem>>, vector<16xi32>,
      %shift_right_logical3A_2541 = arith.constant 14 : i32
      %shift_right_logical3A_2542 = vector.broadcast %shift_right_logical3A_2541 : i32 to vector<16xi32>
      %shift_right_logical3A_2543 = arith.shrui %get3A_2540, %shift_right_logical3A_2542 : vector<16xi32>
      %and3A_2544 = arith.constant 3 : i32
      %and3A_2545 = vector.broadcast %and3A_2544 : i32 to vector<16xi32>
      %and3A_2546 = arith.andi %shift_right_logical3A_2543, %and3A_2545 : vector<16xi32>
      %and3A_2547 = arith.constant 16383 : i32
      %and3A_2548 = vector.broadcast %and3A_2547 : i32 to vector<16xi32>
      %and3A_2549 = arith.andi %get3A_2540, %and3A_2548 : vector<16xi32>
      %mul3A_2550 = arith.constant 3 : i32
      %mul3A_2551 = arith.muli %arg0, %mul3A_2550 : i32
      %add3A_2552 = vector.broadcast %mul3A_2551 : i32 to vector<16xi32>
      %add3A_2553 = arith.addi %and3A_2546, %add3A_2552 : vector<16xi32>
      %mul3A_2554 = arith.constant 10000 : i32
      %mul3A_2555 = vector.broadcast %mul3A_2554 : i32 to vector<16xi32>
      %mul3A_2556 = arith.muli %add3A_2553, %mul3A_2555 : vector<16xi32>
      %add3A_2557 = arith.addi %and3A_2549, %mul3A_2556 : vector<16xi32>
      %shift_right_logical3A_2558 = arith.constant 16 : i32
      %shift_right_logical3A_2559 = vector.broadcast %shift_right_logical3A_2558 : i32 to vector<16xi32>
      %shift_right_logical3A_2560 = arith.shrui %get3A_2540, %shift_right_logical3A_2559 : vector<16xi32>
      %swap3A_2561 = arith.constant 112 : index
      %swap3A_2562 = tpu.vector_load %arg10[%swap3A_2561] {strides = array<i32>} : memref<128xi32, #tpu.memory_space<vmem>>, vector<16xi32>,
      tpu.vector_store %arg10[%swap3A_2561], %add3A_2557 {strides = array<i32>} : memref<128xi32, #tpu.memory_space<vmem>>, vector<16xi32>,
      %swap3A_2563 = arith.constant 112 : index
      %swap3A_2564 = tpu.vector_load %arg14[%swap3A_2563] {strides = array<i32>} : memref<128xi32, #tpu.memory_space<vmem>>, vector<16xi32>,
      tpu.vector_store %arg14[%swap3A_2563], %shift_right_logical3A_2560 {strides = array<i32>} : memref<128xi32, #tpu.memory_space<vmem>>, vector<16xi32>,
      %add3A_2565 = arith.constant 112 : i32
      %add3A_2566 = vector.broadcast %add3A_2565 : i32 to vector<16xi32>
      %add3A_2567 = arith.addi %add3A_2566, %iota3A : vector<16xi32>
      %get3A_2568 = arith.constant 112 : index
      %get3A_2569 = tpu.vector_load %arg26[%get3A_2568] {strides = array<i32>} : memref<128xi32, #tpu.memory_space<vmem>>, vector<16xi32>,
      tpu.vector_store_idx %arg22[%add3A_2567, %get3A_2569], %broadcast_in_dim3A_30 : memref<128x16xf32, #tpu.memory_space<vmem>>[vector<16xi32>, vector<16xi32>], vector<16xf32>,
      tpu.vector_store_idx %arg22[%add3A_2567, %and3A_2546], %broadcast_in_dim3A_28 : memref<128x16xf32, #tpu.memory_space<vmem>>[vector<16xi32>, vector<16xi32>], vector<16xf32>,
      %swap3A_2570 = arith.constant 112 : index
      %swap3A_2571 = tpu.vector_load %arg26[%swap3A_2570] {strides = array<i32>} : memref<128xi32, #tpu.memory_space<vmem>>, vector<16xi32>,
      tpu.vector_store %arg26[%swap3A_2570], %and3A_2546 {strides = array<i32>} : memref<128xi32, #tpu.memory_space<vmem>>, vector<16xi32>,
      %dma_start3A_2572 = arith.constant 0 : i32
      %dma_start3A_2573 = arith.constant 0 : i32
      %dma_start3A_2574 = tpu.memref_slice %arg2[%dma_start3A_2572, %dma_start3A_2573] : memref<60000x64xf32, #tpu.memory_space<hbm>> -> memref<60000x64xf32, #tpu.memory_space<hbm>>
      tpu.enqueue_indirect_dma source(%dma_start3A_2574 : memref<60000x64xf32, #tpu.memory_space<hbm>>) target(%arg18 : memref<128x64xf32, #tpu.memory_space<vmem>>) offsets(%arg10 : memref<128xi32, #tpu.memory_space<vmem>>) semaphore(%arg34 : memref<!tpu.dma_semaphore, #tpu.memory_space<semaphore_mem>>)
      %dma_wait3A_2575 = arith.constant 0 : i32
      %dma_wait3A_2576 = arith.constant 0 : i32
      %dma_wait3A_2577 = tpu.memref_slice %arg2[%dma_wait3A_2575, %dma_wait3A_2576] : memref<60000x64xf32, #tpu.memory_space<hbm>> -> memref<60000x64xf32, #tpu.memory_space<hbm>>
      tpu.wait_indirect_dma semaphore(%arg35 : memref<!tpu.dma_semaphore, #tpu.memory_space<semaphore_mem>>) src(%dma_wait3A_2577 : memref<60000x64xf32, #tpu.memory_space<hbm>>) dst(%arg19 : memref<128x64xf32, #tpu.memory_space<vmem>>)
      %dma_start3A_2578 = arith.constant 0 : i32
      %dma_start3A_2579 = arith.constant 0 : i32
      %dma_start3A_2580 = tpu.memref_slice %arg30[%dma_start3A_2578, %dma_start3A_2579] : memref<10240x64xf32, #tpu.memory_space<vmem_shared>> -> memref<10240x64xf32, #tpu.memory_space<vmem_shared>>
      tpu.enqueue_indirect_dma source(%arg19 : memref<128x64xf32, #tpu.memory_space<vmem>>) target(%dma_start3A_2580 : memref<10240x64xf32, #tpu.memory_space<vmem_shared>>) offsets(%arg15 : memref<128xi32, #tpu.memory_space<vmem>>) semaphore(%arg38 : memref<!tpu.dma_semaphore, #tpu.memory_space<semaphore_mem>>) {add = true}
      %dma_start3A_2581 = arith.constant 0 : i32
      %dma_start3A_2582 = arith.constant 0 : i32
      %dma_start3A_2583 = tpu.memref_slice %arg31[%dma_start3A_2581, %dma_start3A_2582] : memref<10240x16xf32, #tpu.memory_space<vmem_shared>> -> memref<10240x16xf32, #tpu.memory_space<vmem_shared>>
      tpu.enqueue_indirect_dma source(%arg23 : memref<128x16xf32, #tpu.memory_space<vmem>>) target(%dma_start3A_2583 : memref<10240x16xf32, #tpu.memory_space<vmem_shared>>) offsets(%arg15 : memref<128xi32, #tpu.memory_space<vmem>>) semaphore(%arg39 : memref<!tpu.dma_semaphore, #tpu.memory_space<semaphore_mem>>) {add = true}
      %dma_wait3A_2584 = arith.constant 0 : i32
      %dma_wait3A_2585 = arith.constant 0 : i32
      %dma_wait3A_2586 = tpu.memref_slice %arg30[%dma_wait3A_2584, %dma_wait3A_2585] : memref<10240x64xf32, #tpu.memory_space<vmem_shared>> -> memref<10240x64xf32, #tpu.memory_space<vmem_shared>>
      tpu.wait_indirect_dma semaphore(%arg38 : memref<!tpu.dma_semaphore, #tpu.memory_space<semaphore_mem>>) src(%arg19 : memref<128x64xf32, #tpu.memory_space<vmem>>) dst(%dma_wait3A_2586 : memref<10240x64xf32, #tpu.memory_space<vmem_shared>>)
      %dma_wait3A_2587 = arith.constant 0 : i32
      %dma_wait3A_2588 = arith.constant 0 : i32
      %dma_wait3A_2589 = tpu.memref_slice %arg31[%dma_wait3A_2587, %dma_wait3A_2588] : memref<10240x16xf32, #tpu.memory_space<vmem_shared>> -> memref<10240x16xf32, #tpu.memory_space<vmem_shared>>
      tpu.wait_indirect_dma semaphore(%arg39 : memref<!tpu.dma_semaphore, #tpu.memory_space<semaphore_mem>>) src(%arg23 : memref<128x16xf32, #tpu.memory_space<vmem>>) dst(%dma_wait3A_2589 : memref<10240x16xf32, #tpu.memory_space<vmem_shared>>)
      %get3A_2590 = arith.constant 128 : index
      %get3A_2591 = tpu.vector_load %arg8[%get3A_2590] {strides = array<i32>} : memref<512xi32, #tpu.memory_space<vmem>>, vector<16xi32>,
      %shift_right_logical3A_2592 = arith.constant 14 : i32
      %shift_right_logical3A_2593 = vector.broadcast %shift_right_logical3A_2592 : i32 to vector<16xi32>
      %shift_right_logical3A_2594 = arith.shrui %get3A_2591, %shift_right_logical3A_2593 : vector<16xi32>
      %and3A_2595 = arith.constant 3 : i32
      %and3A_2596 = vector.broadcast %and3A_2595 : i32 to vector<16xi32>
      %and3A_2597 = arith.andi %shift_right_logical3A_2594, %and3A_2596 : vector<16xi32>
      %and3A_2598 = arith.constant 16383 : i32
      %and3A_2599 = vector.broadcast %and3A_2598 : i32 to vector<16xi32>
      %and3A_2600 = arith.andi %get3A_2591, %and3A_2599 : vector<16xi32>
      %mul3A_2601 = arith.constant 3 : i32
      %mul3A_2602 = arith.muli %arg0, %mul3A_2601 : i32
      %add3A_2603 = vector.broadcast %mul3A_2602 : i32 to vector<16xi32>
      %add3A_2604 = arith.addi %and3A_2597, %add3A_2603 : vector<16xi32>
      %mul3A_2605 = arith.constant 10000 : i32
      %mul3A_2606 = vector.broadcast %mul3A_2605 : i32 to vector<16xi32>
      %mul3A_2607 = arith.muli %add3A_2604, %mul3A_2606 : vector<16xi32>
      %add3A_2608 = arith.addi %and3A_2600, %mul3A_2607 : vector<16xi32>
      %shift_right_logical3A_2609 = arith.constant 16 : i32
      %shift_right_logical3A_2610 = vector.broadcast %shift_right_logical3A_2609 : i32 to vector<16xi32>
      %shift_right_logical3A_2611 = arith.shrui %get3A_2591, %shift_right_logical3A_2610 : vector<16xi32>
      %swap3A_2612 = arith.constant 0 : index
      %swap3A_2613 = tpu.vector_load %arg11[%swap3A_2612] {strides = array<i32>} : memref<128xi32, #tpu.memory_space<vmem>>, vector<16xi32>,
      tpu.vector_store %arg11[%swap3A_2612], %add3A_2608 {strides = array<i32>} : memref<128xi32, #tpu.memory_space<vmem>>, vector<16xi32>,
      %swap3A_2614 = arith.constant 0 : index
      %swap3A_2615 = tpu.vector_load %arg15[%swap3A_2614] {strides = array<i32>} : memref<128xi32, #tpu.memory_space<vmem>>, vector<16xi32>,
      tpu.vector_store %arg15[%swap3A_2614], %shift_right_logical3A_2611 {strides = array<i32>} : memref<128xi32, #tpu.memory_space<vmem>>, vector<16xi32>,
      %add3A_2616 = arith.constant 0 : i32
      %add3A_2617 = vector.broadcast %add3A_2616 : i32 to vector<16xi32>
      %add3A_2618 = arith.addi %add3A_2617, %iota3A : vector<16xi32>
      %get3A_2619 = arith.constant 0 : index
      %get3A_2620 = tpu.vector_load %arg27[%get3A_2619] {strides = array<i32>} : memref<128xi32, #tpu.memory_space<vmem>>, vector<16xi32>,
      tpu.vector_store_idx %arg23[%add3A_2618, %get3A_2620], %broadcast_in_dim3A_30 : memref<128x16xf32, #tpu.memory_space<vmem>>[vector<16xi32>, vector<16xi32>], vector<16xf32>,
      tpu.vector_store_idx %arg23[%add3A_2618, %and3A_2597], %broadcast_in_dim3A_28 : memref<128x16xf32, #tpu.memory_space<vmem>>[vector<16xi32>, vector<16xi32>], vector<16xf32>,
      %swap3A_2621 = arith.constant 0 : index
      %swap3A_2622 = tpu.vector_load %arg27[%swap3A_2621] {strides = array<i32>} : memref<128xi32, #tpu.memory_space<vmem>>, vector<16xi32>,
      tpu.vector_store %arg27[%swap3A_2621], %and3A_2597 {strides = array<i32>} : memref<128xi32, #tpu.memory_space<vmem>>, vector<16xi32>,
      %get3A_2623 = arith.constant 144 : index
      %get3A_2624 = tpu.vector_load %arg8[%get3A_2623] {strides = array<i32>} : memref<512xi32, #tpu.memory_space<vmem>>, vector<16xi32>,
      %shift_right_logical3A_2625 = arith.constant 14 : i32
      %shift_right_logical3A_2626 = vector.broadcast %shift_right_logical3A_2625 : i32 to vector<16xi32>
      %shift_right_logical3A_2627 = arith.shrui %get3A_2624, %shift_right_logical3A_2626 : vector<16xi32>
      %and3A_2628 = arith.constant 3 : i32
      %and3A_2629 = vector.broadcast %and3A_2628 : i32 to vector<16xi32>
      %and3A_2630 = arith.andi %shift_right_logical3A_2627, %and3A_2629 : vector<16xi32>
      %and3A_2631 = arith.constant 16383 : i32
      %and3A_2632 = vector.broadcast %and3A_2631 : i32 to vector<16xi32>
      %and3A_2633 = arith.andi %get3A_2624, %and3A_2632 : vector<16xi32>
      %mul3A_2634 = arith.constant 3 : i32
      %mul3A_2635 = arith.muli %arg0, %mul3A_2634 : i32
      %add3A_2636 = vector.broadcast %mul3A_2635 : i32 to vector<16xi32>
      %add3A_2637 = arith.addi %and3A_2630, %add3A_2636 : vector<16xi32>
      %mul3A_2638 = arith.constant 10000 : i32
      %mul3A_2639 = vector.broadcast %mul3A_2638 : i32 to vector<16xi32>
      %mul3A_2640 = arith.muli %add3A_2637, %mul3A_2639 : vector<16xi32>
      %add3A_2641 = arith.addi %and3A_2633, %mul3A_2640 : vector<16xi32>
      %shift_right_logical3A_2642 = arith.constant 16 : i32
      %shift_right_logical3A_2643 = vector.broadcast %shift_right_logical3A_2642 : i32 to vector<16xi32>
      %shift_right_logical3A_2644 = arith.shrui %get3A_2624, %shift_right_logical3A_2643 : vector<16xi32>
      %swap3A_2645 = arith.constant 16 : index
      %swap3A_2646 = tpu.vector_load %arg11[%swap3A_2645] {strides = array<i32>} : memref<128xi32, #tpu.memory_space<vmem>>, vector<16xi32>,
      tpu.vector_store %arg11[%swap3A_2645], %add3A_2641 {strides = array<i32>} : memref<128xi32, #tpu.memory_space<vmem>>, vector<16xi32>,
      %swap3A_2647 = arith.constant 16 : index
      %swap3A_2648 = tpu.vector_load %arg15[%swap3A_2647] {strides = array<i32>} : memref<128xi32, #tpu.memory_space<vmem>>, vector<16xi32>,
      tpu.vector_store %arg15[%swap3A_2647], %shift_right_logical3A_2644 {strides = array<i32>} : memref<128xi32, #tpu.memory_space<vmem>>, vector<16xi32>,
      %add3A_2649 = arith.constant 16 : i32
      %add3A_2650 = vector.broadcast %add3A_2649 : i32 to vector<16xi32>
      %add3A_2651 = arith.addi %add3A_2650, %iota3A : vector<16xi32>
      %get3A_2652 = arith.constant 16 : index
      %get3A_2653 = tpu.vector_load %arg27[%get3A_2652] {strides = array<i32>} : memref<128xi32, #tpu.memory_space<vmem>>, vector<16xi32>,
      tpu.vector_store_idx %arg23[%add3A_2651, %get3A_2653], %broadcast_in_dim3A_30 : memref<128x16xf32, #tpu.memory_space<vmem>>[vector<16xi32>, vector<16xi32>], vector<16xf32>,
      tpu.vector_store_idx %arg23[%add3A_2651, %and3A_2630], %broadcast_in_dim3A_28 : memref<128x16xf32, #tpu.memory_space<vmem>>[vector<16xi32>, vector<16xi32>], vector<16xf32>,
      %swap3A_2654 = arith.constant 16 : index
      %swap3A_2655 = tpu.vector_load %arg27[%swap3A_2654] {strides = array<i32>} : memref<128xi32, #tpu.memory_space<vmem>>, vector<16xi32>,
      tpu.vector_store %arg27[%swap3A_2654], %and3A_2630 {strides = array<i32>} : memref<128xi32, #tpu.memory_space<vmem>>, vector<16xi32>,
      %get3A_2656 = arith.constant 160 : index
      %get3A_2657 = tpu.vector_load %arg8[%get3A_2656] {strides = array<i32>} : memref<512xi32, #tpu.memory_space<vmem>>, vector<16xi32>,
      %shift_right_logical3A_2658 = arith.constant 14 : i32
      %shift_right_logical3A_2659 = vector.broadcast %shift_right_logical3A_2658 : i32 to vector<16xi32>
      %shift_right_logical3A_2660 = arith.shrui %get3A_2657, %shift_right_logical3A_2659 : vector<16xi32>
      %and3A_2661 = arith.constant 3 : i32
      %and3A_2662 = vector.broadcast %and3A_2661 : i32 to vector<16xi32>
      %and3A_2663 = arith.andi %shift_right_logical3A_2660, %and3A_2662 : vector<16xi32>
      %and3A_2664 = arith.constant 16383 : i32
      %and3A_2665 = vector.broadcast %and3A_2664 : i32 to vector<16xi32>
      %and3A_2666 = arith.andi %get3A_2657, %and3A_2665 : vector<16xi32>
      %mul3A_2667 = arith.constant 3 : i32
      %mul3A_2668 = arith.muli %arg0, %mul3A_2667 : i32
      %add3A_2669 = vector.broadcast %mul3A_2668 : i32 to vector<16xi32>
      %add3A_2670 = arith.addi %and3A_2663, %add3A_2669 : vector<16xi32>
      %mul3A_2671 = arith.constant 10000 : i32
      %mul3A_2672 = vector.broadcast %mul3A_2671 : i32 to vector<16xi32>
      %mul3A_2673 = arith.muli %add3A_2670, %mul3A_2672 : vector<16xi32>
      %add3A_2674 = arith.addi %and3A_2666, %mul3A_2673 : vector<16xi32>
      %shift_right_logical3A_2675 = arith.constant 16 : i32
      %shift_right_logical3A_2676 = vector.broadcast %shift_right_logical3A_2675 : i32 to vector<16xi32>
      %shift_right_logical3A_2677 = arith.shrui %get3A_2657, %shift_right_logical3A_2676 : vector<16xi32>
      %swap3A_2678 = arith.constant 32 : index
      %swap3A_2679 = tpu.vector_load %arg11[%swap3A_2678] {strides = array<i32>} : memref<128xi32, #tpu.memory_space<vmem>>, vector<16xi32>,
      tpu.vector_store %arg11[%swap3A_2678], %add3A_2674 {strides = array<i32>} : memref<128xi32, #tpu.memory_space<vmem>>, vector<16xi32>,
      %swap3A_2680 = arith.constant 32 : index
      %swap3A_2681 = tpu.vector_load %arg15[%swap3A_2680] {strides = array<i32>} : memref<128xi32, #tpu.memory_space<vmem>>, vector<16xi32>,
      tpu.vector_store %arg15[%swap3A_2680], %shift_right_logical3A_2677 {strides = array<i32>} : memref<128xi32, #tpu.memory_space<vmem>>, vector<16xi32>,
      %add3A_2682 = arith.constant 32 : i32
      %add3A_2683 = vector.broadcast %add3A_2682 : i32 to vector<16xi32>
      %add3A_2684 = arith.addi %add3A_2683, %iota3A : vector<16xi32>
      %get3A_2685 = arith.constant 32 : index
      %get3A_2686 = tpu.vector_load %arg27[%get3A_2685] {strides = array<i32>} : memref<128xi32, #tpu.memory_space<vmem>>, vector<16xi32>,
      tpu.vector_store_idx %arg23[%add3A_2684, %get3A_2686], %broadcast_in_dim3A_30 : memref<128x16xf32, #tpu.memory_space<vmem>>[vector<16xi32>, vector<16xi32>], vector<16xf32>,
      tpu.vector_store_idx %arg23[%add3A_2684, %and3A_2663], %broadcast_in_dim3A_28 : memref<128x16xf32, #tpu.memory_space<vmem>>[vector<16xi32>, vector<16xi32>], vector<16xf32>,
      %swap3A_2687 = arith.constant 32 : index
      %swap3A_2688 = tpu.vector_load %arg27[%swap3A_2687] {strides = array<i32>} : memref<128xi32, #tpu.memory_space<vmem>>, vector<16xi32>,
      tpu.vector_store %arg27[%swap3A_2687], %and3A_2663 {strides = array<i32>} : memref<128xi32, #tpu.memory_space<vmem>>, vector<16xi32>,
      %get3A_2689 = arith.constant 176 : index
      %get3A_2690 = tpu.vector_load %arg8[%get3A_2689] {strides = array<i32>} : memref<512xi32, #tpu.memory_space<vmem>>, vector<16xi32>,
      %shift_right_logical3A_2691 = arith.constant 14 : i32
      %shift_right_logical3A_2692 = vector.broadcast %shift_right_logical3A_2691 : i32 to vector<16xi32>
      %shift_right_logical3A_2693 = arith.shrui %get3A_2690, %shift_right_logical3A_2692 : vector<16xi32>
      %and3A_2694 = arith.constant 3 : i32
      %and3A_2695 = vector.broadcast %and3A_2694 : i32 to vector<16xi32>
      %and3A_2696 = arith.andi %shift_right_logical3A_2693, %and3A_2695 : vector<16xi32>
      %and3A_2697 = arith.constant 16383 : i32
      %and3A_2698 = vector.broadcast %and3A_2697 : i32 to vector<16xi32>
      %and3A_2699 = arith.andi %get3A_2690, %and3A_2698 : vector<16xi32>
      %mul3A_2700 = arith.constant 3 : i32
      %mul3A_2701 = arith.muli %arg0, %mul3A_2700 : i32
      %add3A_2702 = vector.broadcast %mul3A_2701 : i32 to vector<16xi32>
      %add3A_2703 = arith.addi %and3A_2696, %add3A_2702 : vector<16xi32>
      %mul3A_2704 = arith.constant 10000 : i32
      %mul3A_2705 = vector.broadcast %mul3A_2704 : i32 to vector<16xi32>
      %mul3A_2706 = arith.muli %add3A_2703, %mul3A_2705 : vector<16xi32>
      %add3A_2707 = arith.addi %and3A_2699, %mul3A_2706 : vector<16xi32>
      %shift_right_logical3A_2708 = arith.constant 16 : i32
      %shift_right_logical3A_2709 = vector.broadcast %shift_right_logical3A_2708 : i32 to vector<16xi32>
      %shift_right_logical3A_2710 = arith.shrui %get3A_2690, %shift_right_logical3A_2709 : vector<16xi32>
      %swap3A_2711 = arith.constant 48 : index
      %swap3A_2712 = tpu.vector_load %arg11[%swap3A_2711] {strides = array<i32>} : memref<128xi32, #tpu.memory_space<vmem>>, vector<16xi32>,
      tpu.vector_store %arg11[%swap3A_2711], %add3A_2707 {strides = array<i32>} : memref<128xi32, #tpu.memory_space<vmem>>, vector<16xi32>,
      %swap3A_2713 = arith.constant 48 : index
      %swap3A_2714 = tpu.vector_load %arg15[%swap3A_2713] {strides = array<i32>} : memref<128xi32, #tpu.memory_space<vmem>>, vector<16xi32>,
      tpu.vector_store %arg15[%swap3A_2713], %shift_right_logical3A_2710 {strides = array<i32>} : memref<128xi32, #tpu.memory_space<vmem>>, vector<16xi32>,
      %add3A_2715 = arith.constant 48 : i32
      %add3A_2716 = vector.broadcast %add3A_2715 : i32 to vector<16xi32>
      %add3A_2717 = arith.addi %add3A_2716, %iota3A : vector<16xi32>
      %get3A_2718 = arith.constant 48 : index
      %get3A_2719 = tpu.vector_load %arg27[%get3A_2718] {strides = array<i32>} : memref<128xi32, #tpu.memory_space<vmem>>, vector<16xi32>,
      tpu.vector_store_idx %arg23[%add3A_2717, %get3A_2719], %broadcast_in_dim3A_30 : memref<128x16xf32, #tpu.memory_space<vmem>>[vector<16xi32>, vector<16xi32>], vector<16xf32>,
      tpu.vector_store_idx %arg23[%add3A_2717, %and3A_2696], %broadcast_in_dim3A_28 : memref<128x16xf32, #tpu.memory_space<vmem>>[vector<16xi32>, vector<16xi32>], vector<16xf32>,
      %swap3A_2720 = arith.constant 48 : index
      %swap3A_2721 = tpu.vector_load %arg27[%swap3A_2720] {strides = array<i32>} : memref<128xi32, #tpu.memory_space<vmem>>, vector<16xi32>,
      tpu.vector_store %arg27[%swap3A_2720], %and3A_2696 {strides = array<i32>} : memref<128xi32, #tpu.memory_space<vmem>>, vector<16xi32>,
      %get3A_2722 = arith.constant 192 : index
      %get3A_2723 = tpu.vector_load %arg8[%get3A_2722] {strides = array<i32>} : memref<512xi32, #tpu.memory_space<vmem>>, vector<16xi32>,
      %shift_right_logical3A_2724 = arith.constant 14 : i32
      %shift_right_logical3A_2725 = vector.broadcast %shift_right_logical3A_2724 : i32 to vector<16xi32>
      %shift_right_logical3A_2726 = arith.shrui %get3A_2723, %shift_right_logical3A_2725 : vector<16xi32>
      %and3A_2727 = arith.constant 3 : i32
      %and3A_2728 = vector.broadcast %and3A_2727 : i32 to vector<16xi32>
      %and3A_2729 = arith.andi %shift_right_logical3A_2726, %and3A_2728 : vector<16xi32>
      %and3A_2730 = arith.constant 16383 : i32
      %and3A_2731 = vector.broadcast %and3A_2730 : i32 to vector<16xi32>
      %and3A_2732 = arith.andi %get3A_2723, %and3A_2731 : vector<16xi32>
      %mul3A_2733 = arith.constant 3 : i32
      %mul3A_2734 = arith.muli %arg0, %mul3A_2733 : i32
      %add3A_2735 = vector.broadcast %mul3A_2734 : i32 to vector<16xi32>
      %add3A_2736 = arith.addi %and3A_2729, %add3A_2735 : vector<16xi32>
      %mul3A_2737 = arith.constant 10000 : i32
      %mul3A_2738 = vector.broadcast %mul3A_2737 : i32 to vector<16xi32>
      %mul3A_2739 = arith.muli %add3A_2736, %mul3A_2738 : vector<16xi32>
      %add3A_2740 = arith.addi %and3A_2732, %mul3A_2739 : vector<16xi32>
      %shift_right_logical3A_2741 = arith.constant 16 : i32
      %shift_right_logical3A_2742 = vector.broadcast %shift_right_logical3A_2741 : i32 to vector<16xi32>
      %shift_right_logical3A_2743 = arith.shrui %get3A_2723, %shift_right_logical3A_2742 : vector<16xi32>
      %swap3A_2744 = arith.constant 64 : index
      %swap3A_2745 = tpu.vector_load %arg11[%swap3A_2744] {strides = array<i32>} : memref<128xi32, #tpu.memory_space<vmem>>, vector<16xi32>,
      tpu.vector_store %arg11[%swap3A_2744], %add3A_2740 {strides = array<i32>} : memref<128xi32, #tpu.memory_space<vmem>>, vector<16xi32>,
      %swap3A_2746 = arith.constant 64 : index
      %swap3A_2747 = tpu.vector_load %arg15[%swap3A_2746] {strides = array<i32>} : memref<128xi32, #tpu.memory_space<vmem>>, vector<16xi32>,
      tpu.vector_store %arg15[%swap3A_2746], %shift_right_logical3A_2743 {strides = array<i32>} : memref<128xi32, #tpu.memory_space<vmem>>, vector<16xi32>,
      %add3A_2748 = arith.constant 64 : i32
      %add3A_2749 = vector.broadcast %add3A_2748 : i32 to vector<16xi32>
      %add3A_2750 = arith.addi %add3A_2749, %iota3A : vector<16xi32>
      %get3A_2751 = arith.constant 64 : index
      %get3A_2752 = tpu.vector_load %arg27[%get3A_2751] {strides = array<i32>} : memref<128xi32, #tpu.memory_space<vmem>>, vector<16xi32>,
      tpu.vector_store_idx %arg23[%add3A_2750, %get3A_2752], %broadcast_in_dim3A_30 : memref<128x16xf32, #tpu.memory_space<vmem>>[vector<16xi32>, vector<16xi32>], vector<16xf32>,
      tpu.vector_store_idx %arg23[%add3A_2750, %and3A_2729], %broadcast_in_dim3A_28 : memref<128x16xf32, #tpu.memory_space<vmem>>[vector<16xi32>, vector<16xi32>], vector<16xf32>,
      %swap3A_2753 = arith.constant 64 : index
      %swap3A_2754 = tpu.vector_load %arg27[%swap3A_2753] {strides = array<i32>} : memref<128xi32, #tpu.memory_space<vmem>>, vector<16xi32>,
      tpu.vector_store %arg27[%swap3A_2753], %and3A_2729 {strides = array<i32>} : memref<128xi32, #tpu.memory_space<vmem>>, vector<16xi32>,
      %get3A_2755 = arith.constant 208 : index
      %get3A_2756 = tpu.vector_load %arg8[%get3A_2755] {strides = array<i32>} : memref<512xi32, #tpu.memory_space<vmem>>, vector<16xi32>,
      %shift_right_logical3A_2757 = arith.constant 14 : i32
      %shift_right_logical3A_2758 = vector.broadcast %shift_right_logical3A_2757 : i32 to vector<16xi32>
      %shift_right_logical3A_2759 = arith.shrui %get3A_2756, %shift_right_logical3A_2758 : vector<16xi32>
      %and3A_2760 = arith.constant 3 : i32
      %and3A_2761 = vector.broadcast %and3A_2760 : i32 to vector<16xi32>
      %and3A_2762 = arith.andi %shift_right_logical3A_2759, %and3A_2761 : vector<16xi32>
      %and3A_2763 = arith.constant 16383 : i32
      %and3A_2764 = vector.broadcast %and3A_2763 : i32 to vector<16xi32>
      %and3A_2765 = arith.andi %get3A_2756, %and3A_2764 : vector<16xi32>
      %mul3A_2766 = arith.constant 3 : i32
      %mul3A_2767 = arith.muli %arg0, %mul3A_2766 : i32
      %add3A_2768 = vector.broadcast %mul3A_2767 : i32 to vector<16xi32>
      %add3A_2769 = arith.addi %and3A_2762, %add3A_2768 : vector<16xi32>
      %mul3A_2770 = arith.constant 10000 : i32
      %mul3A_2771 = vector.broadcast %mul3A_2770 : i32 to vector<16xi32>
      %mul3A_2772 = arith.muli %add3A_2769, %mul3A_2771 : vector<16xi32>
      %add3A_2773 = arith.addi %and3A_2765, %mul3A_2772 : vector<16xi32>
      %shift_right_logical3A_2774 = arith.constant 16 : i32
      %shift_right_logical3A_2775 = vector.broadcast %shift_right_logical3A_2774 : i32 to vector<16xi32>
      %shift_right_logical3A_2776 = arith.shrui %get3A_2756, %shift_right_logical3A_2775 : vector<16xi32>
      %swap3A_2777 = arith.constant 80 : index
      %swap3A_2778 = tpu.vector_load %arg11[%swap3A_2777] {strides = array<i32>} : memref<128xi32, #tpu.memory_space<vmem>>, vector<16xi32>,
      tpu.vector_store %arg11[%swap3A_2777], %add3A_2773 {strides = array<i32>} : memref<128xi32, #tpu.memory_space<vmem>>, vector<16xi32>,
      %swap3A_2779 = arith.constant 80 : index
      %swap3A_2780 = tpu.vector_load %arg15[%swap3A_2779] {strides = array<i32>} : memref<128xi32, #tpu.memory_space<vmem>>, vector<16xi32>,
      tpu.vector_store %arg15[%swap3A_2779], %shift_right_logical3A_2776 {strides = array<i32>} : memref<128xi32, #tpu.memory_space<vmem>>, vector<16xi32>,
      %add3A_2781 = arith.constant 80 : i32
      %add3A_2782 = vector.broadcast %add3A_2781 : i32 to vector<16xi32>
      %add3A_2783 = arith.addi %add3A_2782, %iota3A : vector<16xi32>
      %get3A_2784 = arith.constant 80 : index
      %get3A_2785 = tpu.vector_load %arg27[%get3A_2784] {strides = array<i32>} : memref<128xi32, #tpu.memory_space<vmem>>, vector<16xi32>,
      tpu.vector_store_idx %arg23[%add3A_2783, %get3A_2785], %broadcast_in_dim3A_30 : memref<128x16xf32, #tpu.memory_space<vmem>>[vector<16xi32>, vector<16xi32>], vector<16xf32>,
      tpu.vector_store_idx %arg23[%add3A_2783, %and3A_2762], %broadcast_in_dim3A_28 : memref<128x16xf32, #tpu.memory_space<vmem>>[vector<16xi32>, vector<16xi32>], vector<16xf32>,
      %swap3A_2786 = arith.constant 80 : index
      %swap3A_2787 = tpu.vector_load %arg27[%swap3A_2786] {strides = array<i32>} : memref<128xi32, #tpu.memory_space<vmem>>, vector<16xi32>,
      tpu.vector_store %arg27[%swap3A_2786], %and3A_2762 {strides = array<i32>} : memref<128xi32, #tpu.memory_space<vmem>>, vector<16xi32>,
      %get3A_2788 = arith.constant 224 : index
      %get3A_2789 = tpu.vector_load %arg8[%get3A_2788] {strides = array<i32>} : memref<512xi32, #tpu.memory_space<vmem>>, vector<16xi32>,
      %shift_right_logical3A_2790 = arith.constant 14 : i32
      %shift_right_logical3A_2791 = vector.broadcast %shift_right_logical3A_2790 : i32 to vector<16xi32>
      %shift_right_logical3A_2792 = arith.shrui %get3A_2789, %shift_right_logical3A_2791 : vector<16xi32>
      %and3A_2793 = arith.constant 3 : i32
      %and3A_2794 = vector.broadcast %and3A_2793 : i32 to vector<16xi32>
      %and3A_2795 = arith.andi %shift_right_logical3A_2792, %and3A_2794 : vector<16xi32>
      %and3A_2796 = arith.constant 16383 : i32
      %and3A_2797 = vector.broadcast %and3A_2796 : i32 to vector<16xi32>
      %and3A_2798 = arith.andi %get3A_2789, %and3A_2797 : vector<16xi32>
      %mul3A_2799 = arith.constant 3 : i32
      %mul3A_2800 = arith.muli %arg0, %mul3A_2799 : i32
      %add3A_2801 = vector.broadcast %mul3A_2800 : i32 to vector<16xi32>
      %add3A_2802 = arith.addi %and3A_2795, %add3A_2801 : vector<16xi32>
      %mul3A_2803 = arith.constant 10000 : i32
      %mul3A_2804 = vector.broadcast %mul3A_2803 : i32 to vector<16xi32>
      %mul3A_2805 = arith.muli %add3A_2802, %mul3A_2804 : vector<16xi32>
      %add3A_2806 = arith.addi %and3A_2798, %mul3A_2805 : vector<16xi32>
      %shift_right_logical3A_2807 = arith.constant 16 : i32
      %shift_right_logical3A_2808 = vector.broadcast %shift_right_logical3A_2807 : i32 to vector<16xi32>
      %shift_right_logical3A_2809 = arith.shrui %get3A_2789, %shift_right_logical3A_2808 : vector<16xi32>
      %swap3A_2810 = arith.constant 96 : index
      %swap3A_2811 = tpu.vector_load %arg11[%swap3A_2810] {strides = array<i32>} : memref<128xi32, #tpu.memory_space<vmem>>, vector<16xi32>,
      tpu.vector_store %arg11[%swap3A_2810], %add3A_2806 {strides = array<i32>} : memref<128xi32, #tpu.memory_space<vmem>>, vector<16xi32>,
      %swap3A_2812 = arith.constant 96 : index
      %swap3A_2813 = tpu.vector_load %arg15[%swap3A_2812] {strides = array<i32>} : memref<128xi32, #tpu.memory_space<vmem>>, vector<16xi32>,
      tpu.vector_store %arg15[%swap3A_2812], %shift_right_logical3A_2809 {strides = array<i32>} : memref<128xi32, #tpu.memory_space<vmem>>, vector<16xi32>,
      %add3A_2814 = arith.constant 96 : i32
      %add3A_2815 = vector.broadcast %add3A_2814 : i32 to vector<16xi32>
      %add3A_2816 = arith.addi %add3A_2815, %iota3A : vector<16xi32>
      %get3A_2817 = arith.constant 96 : index
      %get3A_2818 = tpu.vector_load %arg27[%get3A_2817] {strides = array<i32>} : memref<128xi32, #tpu.memory_space<vmem>>, vector<16xi32>,
      tpu.vector_store_idx %arg23[%add3A_2816, %get3A_2818], %broadcast_in_dim3A_30 : memref<128x16xf32, #tpu.memory_space<vmem>>[vector<16xi32>, vector<16xi32>], vector<16xf32>,
      tpu.vector_store_idx %arg23[%add3A_2816, %and3A_2795], %broadcast_in_dim3A_28 : memref<128x16xf32, #tpu.memory_space<vmem>>[vector<16xi32>, vector<16xi32>], vector<16xf32>,
      %swap3A_2819 = arith.constant 96 : index
      %swap3A_2820 = tpu.vector_load %arg27[%swap3A_2819] {strides = array<i32>} : memref<128xi32, #tpu.memory_space<vmem>>, vector<16xi32>,
      tpu.vector_store %arg27[%swap3A_2819], %and3A_2795 {strides = array<i32>} : memref<128xi32, #tpu.memory_space<vmem>>, vector<16xi32>,
      %get3A_2821 = arith.constant 240 : index
      %get3A_2822 = tpu.vector_load %arg8[%get3A_2821] {strides = array<i32>} : memref<512xi32, #tpu.memory_space<vmem>>, vector<16xi32>,
      %shift_right_logical3A_2823 = arith.constant 14 : i32
      %shift_right_logical3A_2824 = vector.broadcast %shift_right_logical3A_2823 : i32 to vector<16xi32>
      %shift_right_logical3A_2825 = arith.shrui %get3A_2822, %shift_right_logical3A_2824 : vector<16xi32>
      %and3A_2826 = arith.constant 3 : i32
      %and3A_2827 = vector.broadcast %and3A_2826 : i32 to vector<16xi32>
      %and3A_2828 = arith.andi %shift_right_logical3A_2825, %and3A_2827 : vector<16xi32>
      %and3A_2829 = arith.constant 16383 : i32
      %and3A_2830 = vector.broadcast %and3A_2829 : i32 to vector<16xi32>
      %and3A_2831 = arith.andi %get3A_2822, %and3A_2830 : vector<16xi32>
      %mul3A_2832 = arith.constant 3 : i32
      %mul3A_2833 = arith.muli %arg0, %mul3A_2832 : i32
      %add3A_2834 = vector.broadcast %mul3A_2833 : i32 to vector<16xi32>
      %add3A_2835 = arith.addi %and3A_2828, %add3A_2834 : vector<16xi32>
      %mul3A_2836 = arith.constant 10000 : i32
      %mul3A_2837 = vector.broadcast %mul3A_2836 : i32 to vector<16xi32>
      %mul3A_2838 = arith.muli %add3A_2835, %mul3A_2837 : vector<16xi32>
      %add3A_2839 = arith.addi %and3A_2831, %mul3A_2838 : vector<16xi32>
      %shift_right_logical3A_2840 = arith.constant 16 : i32
      %shift_right_logical3A_2841 = vector.broadcast %shift_right_logical3A_2840 : i32 to vector<16xi32>
      %shift_right_logical3A_2842 = arith.shrui %get3A_2822, %shift_right_logical3A_2841 : vector<16xi32>
      %swap3A_2843 = arith.constant 112 : index
      %swap3A_2844 = tpu.vector_load %arg11[%swap3A_2843] {strides = array<i32>} : memref<128xi32, #tpu.memory_space<vmem>>, vector<16xi32>,
      tpu.vector_store %arg11[%swap3A_2843], %add3A_2839 {strides = array<i32>} : memref<128xi32, #tpu.memory_space<vmem>>, vector<16xi32>,
      %swap3A_2845 = arith.constant 112 : index
      %swap3A_2846 = tpu.vector_load %arg15[%swap3A_2845] {strides = array<i32>} : memref<128xi32, #tpu.memory_space<vmem>>, vector<16xi32>,
      tpu.vector_store %arg15[%swap3A_2845], %shift_right_logical3A_2842 {strides = array<i32>} : memref<128xi32, #tpu.memory_space<vmem>>, vector<16xi32>,
      %add3A_2847 = arith.constant 112 : i32
      %add3A_2848 = vector.broadcast %add3A_2847 : i32 to vector<16xi32>
      %add3A_2849 = arith.addi %add3A_2848, %iota3A : vector<16xi32>
      %get3A_2850 = arith.constant 112 : index
      %get3A_2851 = tpu.vector_load %arg27[%get3A_2850] {strides = array<i32>} : memref<128xi32, #tpu.memory_space<vmem>>, vector<16xi32>,
      tpu.vector_store_idx %arg23[%add3A_2849, %get3A_2851], %broadcast_in_dim3A_30 : memref<128x16xf32, #tpu.memory_space<vmem>>[vector<16xi32>, vector<16xi32>], vector<16xf32>,
      tpu.vector_store_idx %arg23[%add3A_2849, %and3A_2828], %broadcast_in_dim3A_28 : memref<128x16xf32, #tpu.memory_space<vmem>>[vector<16xi32>, vector<16xi32>], vector<16xf32>,
      %swap3A_2852 = arith.constant 112 : index
      %swap3A_2853 = tpu.vector_load %arg27[%swap3A_2852] {strides = array<i32>} : memref<128xi32, #tpu.memory_space<vmem>>, vector<16xi32>,
      tpu.vector_store %arg27[%swap3A_2852], %and3A_2828 {strides = array<i32>} : memref<128xi32, #tpu.memory_space<vmem>>, vector<16xi32>,
      %dma_start3A_2854 = arith.constant 0 : i32
      %dma_start3A_2855 = arith.constant 0 : i32
      %dma_start3A_2856 = tpu.memref_slice %arg2[%dma_start3A_2854, %dma_start3A_2855] : memref<60000x64xf32, #tpu.memory_space<hbm>> -> memref<60000x64xf32, #tpu.memory_space<hbm>>
      tpu.enqueue_indirect_dma source(%dma_start3A_2856 : memref<60000x64xf32, #tpu.memory_space<hbm>>) target(%arg19 : memref<128x64xf32, #tpu.memory_space<vmem>>) offsets(%arg11 : memref<128xi32, #tpu.memory_space<vmem>>) semaphore(%arg35 : memref<!tpu.dma_semaphore, #tpu.memory_space<semaphore_mem>>)
      %dma_wait3A_2857 = arith.constant 0 : i32
      %dma_wait3A_2858 = arith.constant 0 : i32
      %dma_wait3A_2859 = tpu.memref_slice %arg2[%dma_wait3A_2857, %dma_wait3A_2858] : memref<60000x64xf32, #tpu.memory_space<hbm>> -> memref<60000x64xf32, #tpu.memory_space<hbm>>
      tpu.wait_indirect_dma semaphore(%arg36 : memref<!tpu.dma_semaphore, #tpu.memory_space<semaphore_mem>>) src(%dma_wait3A_2859 : memref<60000x64xf32, #tpu.memory_space<hbm>>) dst(%arg20 : memref<128x64xf32, #tpu.memory_space<vmem>>)
      %dma_start3A_2860 = arith.constant 0 : i32
      %dma_start3A_2861 = arith.constant 0 : i32
      %dma_start3A_2862 = tpu.memref_slice %arg30[%dma_start3A_2860, %dma_start3A_2861] : memref<10240x64xf32, #tpu.memory_space<vmem_shared>> -> memref<10240x64xf32, #tpu.memory_space<vmem_shared>>
      tpu.enqueue_indirect_dma source(%arg20 : memref<128x64xf32, #tpu.memory_space<vmem>>) target(%dma_start3A_2862 : memref<10240x64xf32, #tpu.memory_space<vmem_shared>>) offsets(%arg16 : memref<128xi32, #tpu.memory_space<vmem>>) semaphore(%arg38 : memref<!tpu.dma_semaphore, #tpu.memory_space<semaphore_mem>>) {add = true}
      %dma_start3A_2863 = arith.constant 0 : i32
      %dma_start3A_2864 = arith.constant 0 : i32
      %dma_start3A_2865 = tpu.memref_slice %arg31[%dma_start3A_2863, %dma_start3A_2864] : memref<10240x16xf32, #tpu.memory_space<vmem_shared>> -> memref<10240x16xf32, #tpu.memory_space<vmem_shared>>
      tpu.enqueue_indirect_dma source(%arg24 : memref<128x16xf32, #tpu.memory_space<vmem>>) target(%dma_start3A_2865 : memref<10240x16xf32, #tpu.memory_space<vmem_shared>>) offsets(%arg16 : memref<128xi32, #tpu.memory_space<vmem>>) semaphore(%arg39 : memref<!tpu.dma_semaphore, #tpu.memory_space<semaphore_mem>>) {add = true}
      %dma_wait3A_2866 = arith.constant 0 : i32
      %dma_wait3A_2867 = arith.constant 0 : i32
      %dma_wait3A_2868 = tpu.memref_slice %arg30[%dma_wait3A_2866, %dma_wait3A_2867] : memref<10240x64xf32, #tpu.memory_space<vmem_shared>> -> memref<10240x64xf32, #tpu.memory_space<vmem_shared>>
      tpu.wait_indirect_dma semaphore(%arg38 : memref<!tpu.dma_semaphore, #tpu.memory_space<semaphore_mem>>) src(%arg20 : memref<128x64xf32, #tpu.memory_space<vmem>>) dst(%dma_wait3A_2868 : memref<10240x64xf32, #tpu.memory_space<vmem_shared>>)
      %dma_wait3A_2869 = arith.constant 0 : i32
      %dma_wait3A_2870 = arith.constant 0 : i32
      %dma_wait3A_2871 = tpu.memref_slice %arg31[%dma_wait3A_2869, %dma_wait3A_2870] : memref<10240x16xf32, #tpu.memory_space<vmem_shared>> -> memref<10240x16xf32, #tpu.memory_space<vmem_shared>>
      tpu.wait_indirect_dma semaphore(%arg39 : memref<!tpu.dma_semaphore, #tpu.memory_space<semaphore_mem>>) src(%arg24 : memref<128x16xf32, #tpu.memory_space<vmem>>) dst(%dma_wait3A_2871 : memref<10240x16xf32, #tpu.memory_space<vmem_shared>>)
      %get3A_2872 = arith.constant 256 : index
      %get3A_2873 = tpu.vector_load %arg8[%get3A_2872] {strides = array<i32>} : memref<512xi32, #tpu.memory_space<vmem>>, vector<16xi32>,
      %shift_right_logical3A_2874 = arith.constant 14 : i32
      %shift_right_logical3A_2875 = vector.broadcast %shift_right_logical3A_2874 : i32 to vector<16xi32>
      %shift_right_logical3A_2876 = arith.shrui %get3A_2873, %shift_right_logical3A_2875 : vector<16xi32>
      %and3A_2877 = arith.constant 3 : i32
      %and3A_2878 = vector.broadcast %and3A_2877 : i32 to vector<16xi32>
      %and3A_2879 = arith.andi %shift_right_logical3A_2876, %and3A_2878 : vector<16xi32>
      %and3A_2880 = arith.constant 16383 : i32
      %and3A_2881 = vector.broadcast %and3A_2880 : i32 to vector<16xi32>
      %and3A_2882 = arith.andi %get3A_2873, %and3A_2881 : vector<16xi32>
      %mul3A_2883 = arith.constant 3 : i32
      %mul3A_2884 = arith.muli %arg0, %mul3A_2883 : i32
      %add3A_2885 = vector.broadcast %mul3A_2884 : i32 to vector<16xi32>
      %add3A_2886 = arith.addi %and3A_2879, %add3A_2885 : vector<16xi32>
      %mul3A_2887 = arith.constant 10000 : i32
      %mul3A_2888 = vector.broadcast %mul3A_2887 : i32 to vector<16xi32>
      %mul3A_2889 = arith.muli %add3A_2886, %mul3A_2888 : vector<16xi32>
      %add3A_2890 = arith.addi %and3A_2882, %mul3A_2889 : vector<16xi32>
      %shift_right_logical3A_2891 = arith.constant 16 : i32
      %shift_right_logical3A_2892 = vector.broadcast %shift_right_logical3A_2891 : i32 to vector<16xi32>
      %shift_right_logical3A_2893 = arith.shrui %get3A_2873, %shift_right_logical3A_2892 : vector<16xi32>
      %swap3A_2894 = arith.constant 0 : index
      %swap3A_2895 = tpu.vector_load %arg12[%swap3A_2894] {strides = array<i32>} : memref<128xi32, #tpu.memory_space<vmem>>, vector<16xi32>,
      tpu.vector_store %arg12[%swap3A_2894], %add3A_2890 {strides = array<i32>} : memref<128xi32, #tpu.memory_space<vmem>>, vector<16xi32>,
      %swap3A_2896 = arith.constant 0 : index
      %swap3A_2897 = tpu.vector_load %arg16[%swap3A_2896] {strides = array<i32>} : memref<128xi32, #tpu.memory_space<vmem>>, vector<16xi32>,
      tpu.vector_store %arg16[%swap3A_2896], %shift_right_logical3A_2893 {strides = array<i32>} : memref<128xi32, #tpu.memory_space<vmem>>, vector<16xi32>,
      %add3A_2898 = arith.constant 0 : i32
      %add3A_2899 = vector.broadcast %add3A_2898 : i32 to vector<16xi32>
      %add3A_2900 = arith.addi %add3A_2899, %iota3A : vector<16xi32>
      %get3A_2901 = arith.constant 0 : index
      %get3A_2902 = tpu.vector_load %arg28[%get3A_2901] {strides = array<i32>} : memref<128xi32, #tpu.memory_space<vmem>>, vector<16xi32>,
      tpu.vector_store_idx %arg24[%add3A_2900, %get3A_2902], %broadcast_in_dim3A_30 : memref<128x16xf32, #tpu.memory_space<vmem>>[vector<16xi32>, vector<16xi32>], vector<16xf32>,
      tpu.vector_store_idx %arg24[%add3A_2900, %and3A_2879], %broadcast_in_dim3A_28 : memref<128x16xf32, #tpu.memory_space<vmem>>[vector<16xi32>, vector<16xi32>], vector<16xf32>,
      %swap3A_2903 = arith.constant 0 : index
      %swap3A_2904 = tpu.vector_load %arg28[%swap3A_2903] {strides = array<i32>} : memref<128xi32, #tpu.memory_space<vmem>>, vector<16xi32>,
      tpu.vector_store %arg28[%swap3A_2903], %and3A_2879 {strides = array<i32>} : memref<128xi32, #tpu.memory_space<vmem>>, vector<16xi32>,
      %get3A_2905 = arith.constant 272 : index
      %get3A_2906 = tpu.vector_load %arg8[%get3A_2905] {strides = array<i32>} : memref<512xi32, #tpu.memory_space<vmem>>, vector<16xi32>,
      %shift_right_logical3A_2907 = arith.constant 14 : i32
      %shift_right_logical3A_2908 = vector.broadcast %shift_right_logical3A_2907 : i32 to vector<16xi32>
      %shift_right_logical3A_2909 = arith.shrui %get3A_2906, %shift_right_logical3A_2908 : vector<16xi32>
      %and3A_2910 = arith.constant 3 : i32
      %and3A_2911 = vector.broadcast %and3A_2910 : i32 to vector<16xi32>
      %and3A_2912 = arith.andi %shift_right_logical3A_2909, %and3A_2911 : vector<16xi32>
      %and3A_2913 = arith.constant 16383 : i32
      %and3A_2914 = vector.broadcast %and3A_2913 : i32 to vector<16xi32>
      %and3A_2915 = arith.andi %get3A_2906, %and3A_2914 : vector<16xi32>
      %mul3A_2916 = arith.constant 3 : i32
      %mul3A_2917 = arith.muli %arg0, %mul3A_2916 : i32
      %add3A_2918 = vector.broadcast %mul3A_2917 : i32 to vector<16xi32>
      %add3A_2919 = arith.addi %and3A_2912, %add3A_2918 : vector<16xi32>
      %mul3A_2920 = arith.constant 10000 : i32
      %mul3A_2921 = vector.broadcast %mul3A_2920 : i32 to vector<16xi32>
      %mul3A_2922 = arith.muli %add3A_2919, %mul3A_2921 : vector<16xi32>
      %add3A_2923 = arith.addi %and3A_2915, %mul3A_2922 : vector<16xi32>
      %shift_right_logical3A_2924 = arith.constant 16 : i32
      %shift_right_logical3A_2925 = vector.broadcast %shift_right_logical3A_2924 : i32 to vector<16xi32>
      %shift_right_logical3A_2926 = arith.shrui %get3A_2906, %shift_right_logical3A_2925 : vector<16xi32>
      %swap3A_2927 = arith.constant 16 : index
      %swap3A_2928 = tpu.vector_load %arg12[%swap3A_2927] {strides = array<i32>} : memref<128xi32, #tpu.memory_space<vmem>>, vector<16xi32>,
      tpu.vector_store %arg12[%swap3A_2927], %add3A_2923 {strides = array<i32>} : memref<128xi32, #tpu.memory_space<vmem>>, vector<16xi32>,
      %swap3A_2929 = arith.constant 16 : index
      %swap3A_2930 = tpu.vector_load %arg16[%swap3A_2929] {strides = array<i32>} : memref<128xi32, #tpu.memory_space<vmem>>, vector<16xi32>,
      tpu.vector_store %arg16[%swap3A_2929], %shift_right_logical3A_2926 {strides = array<i32>} : memref<128xi32, #tpu.memory_space<vmem>>, vector<16xi32>,
      %add3A_2931 = arith.constant 16 : i32
      %add3A_2932 = vector.broadcast %add3A_2931 : i32 to vector<16xi32>
      %add3A_2933 = arith.addi %add3A_2932, %iota3A : vector<16xi32>
      %get3A_2934 = arith.constant 16 : index
      %get3A_2935 = tpu.vector_load %arg28[%get3A_2934] {strides = array<i32>} : memref<128xi32, #tpu.memory_space<vmem>>, vector<16xi32>,
      tpu.vector_store_idx %arg24[%add3A_2933, %get3A_2935], %broadcast_in_dim3A_30 : memref<128x16xf32, #tpu.memory_space<vmem>>[vector<16xi32>, vector<16xi32>], vector<16xf32>,
      tpu.vector_store_idx %arg24[%add3A_2933, %and3A_2912], %broadcast_in_dim3A_28 : memref<128x16xf32, #tpu.memory_space<vmem>>[vector<16xi32>, vector<16xi32>], vector<16xf32>,
      %swap3A_2936 = arith.constant 16 : index
      %swap3A_2937 = tpu.vector_load %arg28[%swap3A_2936] {strides = array<i32>} : memref<128xi32, #tpu.memory_space<vmem>>, vector<16xi32>,
      tpu.vector_store %arg28[%swap3A_2936], %and3A_2912 {strides = array<i32>} : memref<128xi32, #tpu.memory_space<vmem>>, vector<16xi32>,
      %get3A_2938 = arith.constant 288 : index
      %get3A_2939 = tpu.vector_load %arg8[%get3A_2938] {strides = array<i32>} : memref<512xi32, #tpu.memory_space<vmem>>, vector<16xi32>,
      %shift_right_logical3A_2940 = arith.constant 14 : i32
      %shift_right_logical3A_2941 = vector.broadcast %shift_right_logical3A_2940 : i32 to vector<16xi32>
      %shift_right_logical3A_2942 = arith.shrui %get3A_2939, %shift_right_logical3A_2941 : vector<16xi32>
      %and3A_2943 = arith.constant 3 : i32
      %and3A_2944 = vector.broadcast %and3A_2943 : i32 to vector<16xi32>
      %and3A_2945 = arith.andi %shift_right_logical3A_2942, %and3A_2944 : vector<16xi32>
      %and3A_2946 = arith.constant 16383 : i32
      %and3A_2947 = vector.broadcast %and3A_2946 : i32 to vector<16xi32>
      %and3A_2948 = arith.andi %get3A_2939, %and3A_2947 : vector<16xi32>
      %mul3A_2949 = arith.constant 3 : i32
      %mul3A_2950 = arith.muli %arg0, %mul3A_2949 : i32
      %add3A_2951 = vector.broadcast %mul3A_2950 : i32 to vector<16xi32>
      %add3A_2952 = arith.addi %and3A_2945, %add3A_2951 : vector<16xi32>
      %mul3A_2953 = arith.constant 10000 : i32
      %mul3A_2954 = vector.broadcast %mul3A_2953 : i32 to vector<16xi32>
      %mul3A_2955 = arith.muli %add3A_2952, %mul3A_2954 : vector<16xi32>
      %add3A_2956 = arith.addi %and3A_2948, %mul3A_2955 : vector<16xi32>
      %shift_right_logical3A_2957 = arith.constant 16 : i32
      %shift_right_logical3A_2958 = vector.broadcast %shift_right_logical3A_2957 : i32 to vector<16xi32>
      %shift_right_logical3A_2959 = arith.shrui %get3A_2939, %shift_right_logical3A_2958 : vector<16xi32>
      %swap3A_2960 = arith.constant 32 : index
      %swap3A_2961 = tpu.vector_load %arg12[%swap3A_2960] {strides = array<i32>} : memref<128xi32, #tpu.memory_space<vmem>>, vector<16xi32>,
      tpu.vector_store %arg12[%swap3A_2960], %add3A_2956 {strides = array<i32>} : memref<128xi32, #tpu.memory_space<vmem>>, vector<16xi32>,
      %swap3A_2962 = arith.constant 32 : index
      %swap3A_2963 = tpu.vector_load %arg16[%swap3A_2962] {strides = array<i32>} : memref<128xi32, #tpu.memory_space<vmem>>, vector<16xi32>,
      tpu.vector_store %arg16[%swap3A_2962], %shift_right_logical3A_2959 {strides = array<i32>} : memref<128xi32, #tpu.memory_space<vmem>>, vector<16xi32>,
      %add3A_2964 = arith.constant 32 : i32
      %add3A_2965 = vector.broadcast %add3A_2964 : i32 to vector<16xi32>
      %add3A_2966 = arith.addi %add3A_2965, %iota3A : vector<16xi32>
      %get3A_2967 = arith.constant 32 : index
      %get3A_2968 = tpu.vector_load %arg28[%get3A_2967] {strides = array<i32>} : memref<128xi32, #tpu.memory_space<vmem>>, vector<16xi32>,
      tpu.vector_store_idx %arg24[%add3A_2966, %get3A_2968], %broadcast_in_dim3A_30 : memref<128x16xf32, #tpu.memory_space<vmem>>[vector<16xi32>, vector<16xi32>], vector<16xf32>,
      tpu.vector_store_idx %arg24[%add3A_2966, %and3A_2945], %broadcast_in_dim3A_28 : memref<128x16xf32, #tpu.memory_space<vmem>>[vector<16xi32>, vector<16xi32>], vector<16xf32>,
      %swap3A_2969 = arith.constant 32 : index
      %swap3A_2970 = tpu.vector_load %arg28[%swap3A_2969] {strides = array<i32>} : memref<128xi32, #tpu.memory_space<vmem>>, vector<16xi32>,
      tpu.vector_store %arg28[%swap3A_2969], %and3A_2945 {strides = array<i32>} : memref<128xi32, #tpu.memory_space<vmem>>, vector<16xi32>,
      %get3A_2971 = arith.constant 304 : index
      %get3A_2972 = tpu.vector_load %arg8[%get3A_2971] {strides = array<i32>} : memref<512xi32, #tpu.memory_space<vmem>>, vector<16xi32>,
      %shift_right_logical3A_2973 = arith.constant 14 : i32
      %shift_right_logical3A_2974 = vector.broadcast %shift_right_logical3A_2973 : i32 to vector<16xi32>
      %shift_right_logical3A_2975 = arith.shrui %get3A_2972, %shift_right_logical3A_2974 : vector<16xi32>
      %and3A_2976 = arith.constant 3 : i32
      %and3A_2977 = vector.broadcast %and3A_2976 : i32 to vector<16xi32>
      %and3A_2978 = arith.andi %shift_right_logical3A_2975, %and3A_2977 : vector<16xi32>
      %and3A_2979 = arith.constant 16383 : i32
      %and3A_2980 = vector.broadcast %and3A_2979 : i32 to vector<16xi32>
      %and3A_2981 = arith.andi %get3A_2972, %and3A_2980 : vector<16xi32>
      %mul3A_2982 = arith.constant 3 : i32
      %mul3A_2983 = arith.muli %arg0, %mul3A_2982 : i32
      %add3A_2984 = vector.broadcast %mul3A_2983 : i32 to vector<16xi32>
      %add3A_2985 = arith.addi %and3A_2978, %add3A_2984 : vector<16xi32>
      %mul3A_2986 = arith.constant 10000 : i32
      %mul3A_2987 = vector.broadcast %mul3A_2986 : i32 to vector<16xi32>
      %mul3A_2988 = arith.muli %add3A_2985, %mul3A_2987 : vector<16xi32>
      %add3A_2989 = arith.addi %and3A_2981, %mul3A_2988 : vector<16xi32>
      %shift_right_logical3A_2990 = arith.constant 16 : i32
      %shift_right_logical3A_2991 = vector.broadcast %shift_right_logical3A_2990 : i32 to vector<16xi32>
      %shift_right_logical3A_2992 = arith.shrui %get3A_2972, %shift_right_logical3A_2991 : vector<16xi32>
      %swap3A_2993 = arith.constant 48 : index
      %swap3A_2994 = tpu.vector_load %arg12[%swap3A_2993] {strides = array<i32>} : memref<128xi32, #tpu.memory_space<vmem>>, vector<16xi32>,
      tpu.vector_store %arg12[%swap3A_2993], %add3A_2989 {strides = array<i32>} : memref<128xi32, #tpu.memory_space<vmem>>, vector<16xi32>,
      %swap3A_2995 = arith.constant 48 : index
      %swap3A_2996 = tpu.vector_load %arg16[%swap3A_2995] {strides = array<i32>} : memref<128xi32, #tpu.memory_space<vmem>>, vector<16xi32>,
      tpu.vector_store %arg16[%swap3A_2995], %shift_right_logical3A_2992 {strides = array<i32>} : memref<128xi32, #tpu.memory_space<vmem>>, vector<16xi32>,
      %add3A_2997 = arith.constant 48 : i32
      %add3A_2998 = vector.broadcast %add3A_2997 : i32 to vector<16xi32>
      %add3A_2999 = arith.addi %add3A_2998, %iota3A : vector<16xi32>
      %get3A_3000 = arith.constant 48 : index
      %get3A_3001 = tpu.vector_load %arg28[%get3A_3000] {strides = array<i32>} : memref<128xi32, #tpu.memory_space<vmem>>, vector<16xi32>,
      tpu.vector_store_idx %arg24[%add3A_2999, %get3A_3001], %broadcast_in_dim3A_30 : memref<128x16xf32, #tpu.memory_space<vmem>>[vector<16xi32>, vector<16xi32>], vector<16xf32>,
      tpu.vector_store_idx %arg24[%add3A_2999, %and3A_2978], %broadcast_in_dim3A_28 : memref<128x16xf32, #tpu.memory_space<vmem>>[vector<16xi32>, vector<16xi32>], vector<16xf32>,
      %swap3A_3002 = arith.constant 48 : index
      %swap3A_3003 = tpu.vector_load %arg28[%swap3A_3002] {strides = array<i32>} : memref<128xi32, #tpu.memory_space<vmem>>, vector<16xi32>,
      tpu.vector_store %arg28[%swap3A_3002], %and3A_2978 {strides = array<i32>} : memref<128xi32, #tpu.memory_space<vmem>>, vector<16xi32>,
      %get3A_3004 = arith.constant 320 : index
      %get3A_3005 = tpu.vector_load %arg8[%get3A_3004] {strides = array<i32>} : memref<512xi32, #tpu.memory_space<vmem>>, vector<16xi32>,
      %shift_right_logical3A_3006 = arith.constant 14 : i32
      %shift_right_logical3A_3007 = vector.broadcast %shift_right_logical3A_3006 : i32 to vector<16xi32>
      %shift_right_logical3A_3008 = arith.shrui %get3A_3005, %shift_right_logical3A_3007 : vector<16xi32>
      %and3A_3009 = arith.constant 3 : i32
      %and3A_3010 = vector.broadcast %and3A_3009 : i32 to vector<16xi32>
      %and3A_3011 = arith.andi %shift_right_logical3A_3008, %and3A_3010 : vector<16xi32>
      %and3A_3012 = arith.constant 16383 : i32
      %and3A_3013 = vector.broadcast %and3A_3012 : i32 to vector<16xi32>
      %and3A_3014 = arith.andi %get3A_3005, %and3A_3013 : vector<16xi32>
      %mul3A_3015 = arith.constant 3 : i32
      %mul3A_3016 = arith.muli %arg0, %mul3A_3015 : i32
      %add3A_3017 = vector.broadcast %mul3A_3016 : i32 to vector<16xi32>
      %add3A_3018 = arith.addi %and3A_3011, %add3A_3017 : vector<16xi32>
      %mul3A_3019 = arith.constant 10000 : i32
      %mul3A_3020 = vector.broadcast %mul3A_3019 : i32 to vector<16xi32>
      %mul3A_3021 = arith.muli %add3A_3018, %mul3A_3020 : vector<16xi32>
      %add3A_3022 = arith.addi %and3A_3014, %mul3A_3021 : vector<16xi32>
      %shift_right_logical3A_3023 = arith.constant 16 : i32
      %shift_right_logical3A_3024 = vector.broadcast %shift_right_logical3A_3023 : i32 to vector<16xi32>
      %shift_right_logical3A_3025 = arith.shrui %get3A_3005, %shift_right_logical3A_3024 : vector<16xi32>
      %swap3A_3026 = arith.constant 64 : index
      %swap3A_3027 = tpu.vector_load %arg12[%swap3A_3026] {strides = array<i32>} : memref<128xi32, #tpu.memory_space<vmem>>, vector<16xi32>,
      tpu.vector_store %arg12[%swap3A_3026], %add3A_3022 {strides = array<i32>} : memref<128xi32, #tpu.memory_space<vmem>>, vector<16xi32>,
      %swap3A_3028 = arith.constant 64 : index
      %swap3A_3029 = tpu.vector_load %arg16[%swap3A_3028] {strides = array<i32>} : memref<128xi32, #tpu.memory_space<vmem>>, vector<16xi32>,
      tpu.vector_store %arg16[%swap3A_3028], %shift_right_logical3A_3025 {strides = array<i32>} : memref<128xi32, #tpu.memory_space<vmem>>, vector<16xi32>,
      %add3A_3030 = arith.constant 64 : i32
      %add3A_3031 = vector.broadcast %add3A_3030 : i32 to vector<16xi32>
      %add3A_3032 = arith.addi %add3A_3031, %iota3A : vector<16xi32>
      %get3A_3033 = arith.constant 64 : index
      %get3A_3034 = tpu.vector_load %arg28[%get3A_3033] {strides = array<i32>} : memref<128xi32, #tpu.memory_space<vmem>>, vector<16xi32>,
      tpu.vector_store_idx %arg24[%add3A_3032, %get3A_3034], %broadcast_in_dim3A_30 : memref<128x16xf32, #tpu.memory_space<vmem>>[vector<16xi32>, vector<16xi32>], vector<16xf32>,
      tpu.vector_store_idx %arg24[%add3A_3032, %and3A_3011], %broadcast_in_dim3A_28 : memref<128x16xf32, #tpu.memory_space<vmem>>[vector<16xi32>, vector<16xi32>], vector<16xf32>,
      %swap3A_3035 = arith.constant 64 : index
      %swap3A_3036 = tpu.vector_load %arg28[%swap3A_3035] {strides = array<i32>} : memref<128xi32, #tpu.memory_space<vmem>>, vector<16xi32>,
      tpu.vector_store %arg28[%swap3A_3035], %and3A_3011 {strides = array<i32>} : memref<128xi32, #tpu.memory_space<vmem>>, vector<16xi32>,
      %get3A_3037 = arith.constant 336 : index
      %get3A_3038 = tpu.vector_load %arg8[%get3A_3037] {strides = array<i32>} : memref<512xi32, #tpu.memory_space<vmem>>, vector<16xi32>,
      %shift_right_logical3A_3039 = arith.constant 14 : i32
      %shift_right_logical3A_3040 = vector.broadcast %shift_right_logical3A_3039 : i32 to vector<16xi32>
      %shift_right_logical3A_3041 = arith.shrui %get3A_3038, %shift_right_logical3A_3040 : vector<16xi32>
      %and3A_3042 = arith.constant 3 : i32
      %and3A_3043 = vector.broadcast %and3A_3042 : i32 to vector<16xi32>
      %and3A_3044 = arith.andi %shift_right_logical3A_3041, %and3A_3043 : vector<16xi32>
      %and3A_3045 = arith.constant 16383 : i32
      %and3A_3046 = vector.broadcast %and3A_3045 : i32 to vector<16xi32>
      %and3A_3047 = arith.andi %get3A_3038, %and3A_3046 : vector<16xi32>
      %mul3A_3048 = arith.constant 3 : i32
      %mul3A_3049 = arith.muli %arg0, %mul3A_3048 : i32
      %add3A_3050 = vector.broadcast %mul3A_3049 : i32 to vector<16xi32>
      %add3A_3051 = arith.addi %and3A_3044, %add3A_3050 : vector<16xi32>
      %mul3A_3052 = arith.constant 10000 : i32
      %mul3A_3053 = vector.broadcast %mul3A_3052 : i32 to vector<16xi32>
      %mul3A_3054 = arith.muli %add3A_3051, %mul3A_3053 : vector<16xi32>
      %add3A_3055 = arith.addi %and3A_3047, %mul3A_3054 : vector<16xi32>
      %shift_right_logical3A_3056 = arith.constant 16 : i32
      %shift_right_logical3A_3057 = vector.broadcast %shift_right_logical3A_3056 : i32 to vector<16xi32>
      %shift_right_logical3A_3058 = arith.shrui %get3A_3038, %shift_right_logical3A_3057 : vector<16xi32>
      %swap3A_3059 = arith.constant 80 : index
      %swap3A_3060 = tpu.vector_load %arg12[%swap3A_3059] {strides = array<i32>} : memref<128xi32, #tpu.memory_space<vmem>>, vector<16xi32>,
      tpu.vector_store %arg12[%swap3A_3059], %add3A_3055 {strides = array<i32>} : memref<128xi32, #tpu.memory_space<vmem>>, vector<16xi32>,
      %swap3A_3061 = arith.constant 80 : index
      %swap3A_3062 = tpu.vector_load %arg16[%swap3A_3061] {strides = array<i32>} : memref<128xi32, #tpu.memory_space<vmem>>, vector<16xi32>,
      tpu.vector_store %arg16[%swap3A_3061], %shift_right_logical3A_3058 {strides = array<i32>} : memref<128xi32, #tpu.memory_space<vmem>>, vector<16xi32>,
      %add3A_3063 = arith.constant 80 : i32
      %add3A_3064 = vector.broadcast %add3A_3063 : i32 to vector<16xi32>
      %add3A_3065 = arith.addi %add3A_3064, %iota3A : vector<16xi32>
      %get3A_3066 = arith.constant 80 : index
      %get3A_3067 = tpu.vector_load %arg28[%get3A_3066] {strides = array<i32>} : memref<128xi32, #tpu.memory_space<vmem>>, vector<16xi32>,
      tpu.vector_store_idx %arg24[%add3A_3065, %get3A_3067], %broadcast_in_dim3A_30 : memref<128x16xf32, #tpu.memory_space<vmem>>[vector<16xi32>, vector<16xi32>], vector<16xf32>,
      tpu.vector_store_idx %arg24[%add3A_3065, %and3A_3044], %broadcast_in_dim3A_28 : memref<128x16xf32, #tpu.memory_space<vmem>>[vector<16xi32>, vector<16xi32>], vector<16xf32>,
      %swap3A_3068 = arith.constant 80 : index
      %swap3A_3069 = tpu.vector_load %arg28[%swap3A_3068] {strides = array<i32>} : memref<128xi32, #tpu.memory_space<vmem>>, vector<16xi32>,
      tpu.vector_store %arg28[%swap3A_3068], %and3A_3044 {strides = array<i32>} : memref<128xi32, #tpu.memory_space<vmem>>, vector<16xi32>,
      %get3A_3070 = arith.constant 352 : index
      %get3A_3071 = tpu.vector_load %arg8[%get3A_3070] {strides = array<i32>} : memref<512xi32, #tpu.memory_space<vmem>>, vector<16xi32>,
      %shift_right_logical3A_3072 = arith.constant 14 : i32
      %shift_right_logical3A_3073 = vector.broadcast %shift_right_logical3A_3072 : i32 to vector<16xi32>
      %shift_right_logical3A_3074 = arith.shrui %get3A_3071, %shift_right_logical3A_3073 : vector<16xi32>
      %and3A_3075 = arith.constant 3 : i32
      %and3A_3076 = vector.broadcast %and3A_3075 : i32 to vector<16xi32>
      %and3A_3077 = arith.andi %shift_right_logical3A_3074, %and3A_3076 : vector<16xi32>
      %and3A_3078 = arith.constant 16383 : i32
      %and3A_3079 = vector.broadcast %and3A_3078 : i32 to vector<16xi32>
      %and3A_3080 = arith.andi %get3A_3071, %and3A_3079 : vector<16xi32>
      %mul3A_3081 = arith.constant 3 : i32
      %mul3A_3082 = arith.muli %arg0, %mul3A_3081 : i32
      %add3A_3083 = vector.broadcast %mul3A_3082 : i32 to vector<16xi32>
      %add3A_3084 = arith.addi %and3A_3077, %add3A_3083 : vector<16xi32>
      %mul3A_3085 = arith.constant 10000 : i32
      %mul3A_3086 = vector.broadcast %mul3A_3085 : i32 to vector<16xi32>
      %mul3A_3087 = arith.muli %add3A_3084, %mul3A_3086 : vector<16xi32>
      %add3A_3088 = arith.addi %and3A_3080, %mul3A_3087 : vector<16xi32>
      %shift_right_logical3A_3089 = arith.constant 16 : i32
      %shift_right_logical3A_3090 = vector.broadcast %shift_right_logical3A_3089 : i32 to vector<16xi32>
      %shift_right_logical3A_3091 = arith.shrui %get3A_3071, %shift_right_logical3A_3090 : vector<16xi32>
      %swap3A_3092 = arith.constant 96 : index
      %swap3A_3093 = tpu.vector_load %arg12[%swap3A_3092] {strides = array<i32>} : memref<128xi32, #tpu.memory_space<vmem>>, vector<16xi32>,
      tpu.vector_store %arg12[%swap3A_3092], %add3A_3088 {strides = array<i32>} : memref<128xi32, #tpu.memory_space<vmem>>, vector<16xi32>,
      %swap3A_3094 = arith.constant 96 : index
      %swap3A_3095 = tpu.vector_load %arg16[%swap3A_3094] {strides = array<i32>} : memref<128xi32, #tpu.memory_space<vmem>>, vector<16xi32>,
      tpu.vector_store %arg16[%swap3A_3094], %shift_right_logical3A_3091 {strides = array<i32>} : memref<128xi32, #tpu.memory_space<vmem>>, vector<16xi32>,
      %add3A_3096 = arith.constant 96 : i32
      %add3A_3097 = vector.broadcast %add3A_3096 : i32 to vector<16xi32>
      %add3A_3098 = arith.addi %add3A_3097, %iota3A : vector<16xi32>
      %get3A_3099 = arith.constant 96 : index
      %get3A_3100 = tpu.vector_load %arg28[%get3A_3099] {strides = array<i32>} : memref<128xi32, #tpu.memory_space<vmem>>, vector<16xi32>,
      tpu.vector_store_idx %arg24[%add3A_3098, %get3A_3100], %broadcast_in_dim3A_30 : memref<128x16xf32, #tpu.memory_space<vmem>>[vector<16xi32>, vector<16xi32>], vector<16xf32>,
      tpu.vector_store_idx %arg24[%add3A_3098, %and3A_3077], %broadcast_in_dim3A_28 : memref<128x16xf32, #tpu.memory_space<vmem>>[vector<16xi32>, vector<16xi32>], vector<16xf32>,
      %swap3A_3101 = arith.constant 96 : index
      %swap3A_3102 = tpu.vector_load %arg28[%swap3A_3101] {strides = array<i32>} : memref<128xi32, #tpu.memory_space<vmem>>, vector<16xi32>,
      tpu.vector_store %arg28[%swap3A_3101], %and3A_3077 {strides = array<i32>} : memref<128xi32, #tpu.memory_space<vmem>>, vector<16xi32>,
      %get3A_3103 = arith.constant 368 : index
      %get3A_3104 = tpu.vector_load %arg8[%get3A_3103] {strides = array<i32>} : memref<512xi32, #tpu.memory_space<vmem>>, vector<16xi32>,
      %shift_right_logical3A_3105 = arith.constant 14 : i32
      %shift_right_logical3A_3106 = vector.broadcast %shift_right_logical3A_3105 : i32 to vector<16xi32>
      %shift_right_logical3A_3107 = arith.shrui %get3A_3104, %shift_right_logical3A_3106 : vector<16xi32>
      %and3A_3108 = arith.constant 3 : i32
      %and3A_3109 = vector.broadcast %and3A_3108 : i32 to vector<16xi32>
      %and3A_3110 = arith.andi %shift_right_logical3A_3107, %and3A_3109 : vector<16xi32>
      %and3A_3111 = arith.constant 16383 : i32
      %and3A_3112 = vector.broadcast %and3A_3111 : i32 to vector<16xi32>
      %and3A_3113 = arith.andi %get3A_3104, %and3A_3112 : vector<16xi32>
      %mul3A_3114 = arith.constant 3 : i32
      %mul3A_3115 = arith.muli %arg0, %mul3A_3114 : i32
      %add3A_3116 = vector.broadcast %mul3A_3115 : i32 to vector<16xi32>
      %add3A_3117 = arith.addi %and3A_3110, %add3A_3116 : vector<16xi32>
      %mul3A_3118 = arith.constant 10000 : i32
      %mul3A_3119 = vector.broadcast %mul3A_3118 : i32 to vector<16xi32>
      %mul3A_3120 = arith.muli %add3A_3117, %mul3A_3119 : vector<16xi32>
      %add3A_3121 = arith.addi %and3A_3113, %mul3A_3120 : vector<16xi32>
      %shift_right_logical3A_3122 = arith.constant 16 : i32
      %shift_right_logical3A_3123 = vector.broadcast %shift_right_logical3A_3122 : i32 to vector<16xi32>
      %shift_right_logical3A_3124 = arith.shrui %get3A_3104, %shift_right_logical3A_3123 : vector<16xi32>
      %swap3A_3125 = arith.constant 112 : index
      %swap3A_3126 = tpu.vector_load %arg12[%swap3A_3125] {strides = array<i32>} : memref<128xi32, #tpu.memory_space<vmem>>, vector<16xi32>,
      tpu.vector_store %arg12[%swap3A_3125], %add3A_3121 {strides = array<i32>} : memref<128xi32, #tpu.memory_space<vmem>>, vector<16xi32>,
      %swap3A_3127 = arith.constant 112 : index
      %swap3A_3128 = tpu.vector_load %arg16[%swap3A_3127] {strides = array<i32>} : memref<128xi32, #tpu.memory_space<vmem>>, vector<16xi32>,
      tpu.vector_store %arg16[%swap3A_3127], %shift_right_logical3A_3124 {strides = array<i32>} : memref<128xi32, #tpu.memory_space<vmem>>, vector<16xi32>,
      %add3A_3129 = arith.constant 112 : i32
      %add3A_3130 = vector.broadcast %add3A_3129 : i32 to vector<16xi32>
      %add3A_3131 = arith.addi %add3A_3130, %iota3A : vector<16xi32>
      %get3A_3132 = arith.constant 112 : index
      %get3A_3133 = tpu.vector_load %arg28[%get3A_3132] {strides = array<i32>} : memref<128xi32, #tpu.memory_space<vmem>>, vector<16xi32>,
      tpu.vector_store_idx %arg24[%add3A_3131, %get3A_3133], %broadcast_in_dim3A_30 : memref<128x16xf32, #tpu.memory_space<vmem>>[vector<16xi32>, vector<16xi32>], vector<16xf32>,
      tpu.vector_store_idx %arg24[%add3A_3131, %and3A_3110], %broadcast_in_dim3A_28 : memref<128x16xf32, #tpu.memory_space<vmem>>[vector<16xi32>, vector<16xi32>], vector<16xf32>,
      %swap3A_3134 = arith.constant 112 : index
      %swap3A_3135 = tpu.vector_load %arg28[%swap3A_3134] {strides = array<i32>} : memref<128xi32, #tpu.memory_space<vmem>>, vector<16xi32>,
      tpu.vector_store %arg28[%swap3A_3134], %and3A_3110 {strides = array<i32>} : memref<128xi32, #tpu.memory_space<vmem>>, vector<16xi32>,
      %dma_start3A_3136 = arith.constant 0 : i32
      %dma_start3A_3137 = arith.constant 0 : i32
      %dma_start3A_3138 = tpu.memref_slice %arg2[%dma_start3A_3136, %dma_start3A_3137] : memref<60000x64xf32, #tpu.memory_space<hbm>> -> memref<60000x64xf32, #tpu.memory_space<hbm>>
      tpu.enqueue_indirect_dma source(%dma_start3A_3138 : memref<60000x64xf32, #tpu.memory_space<hbm>>) target(%arg20 : memref<128x64xf32, #tpu.memory_space<vmem>>) offsets(%arg12 : memref<128xi32, #tpu.memory_space<vmem>>) semaphore(%arg36 : memref<!tpu.dma_semaphore, #tpu.memory_space<semaphore_mem>>)
      %dma_wait3A_3139 = arith.constant 0 : i32
      %dma_wait3A_3140 = arith.constant 0 : i32
      %dma_wait3A_3141 = tpu.memref_slice %arg2[%dma_wait3A_3139, %dma_wait3A_3140] : memref<60000x64xf32, #tpu.memory_space<hbm>> -> memref<60000x64xf32, #tpu.memory_space<hbm>>
      tpu.wait_indirect_dma semaphore(%arg37 : memref<!tpu.dma_semaphore, #tpu.memory_space<semaphore_mem>>) src(%dma_wait3A_3141 : memref<60000x64xf32, #tpu.memory_space<hbm>>) dst(%arg21 : memref<128x64xf32, #tpu.memory_space<vmem>>)
      %dma_start3A_3142 = arith.constant 0 : i32
      %dma_start3A_3143 = arith.constant 0 : i32
      %dma_start3A_3144 = tpu.memref_slice %arg30[%dma_start3A_3142, %dma_start3A_3143] : memref<10240x64xf32, #tpu.memory_space<vmem_shared>> -> memref<10240x64xf32, #tpu.memory_space<vmem_shared>>
      tpu.enqueue_indirect_dma source(%arg21 : memref<128x64xf32, #tpu.memory_space<vmem>>) target(%dma_start3A_3144 : memref<10240x64xf32, #tpu.memory_space<vmem_shared>>) offsets(%arg17 : memref<128xi32, #tpu.memory_space<vmem>>) semaphore(%arg38 : memref<!tpu.dma_semaphore, #tpu.memory_space<semaphore_mem>>) {add = true}
      %dma_start3A_3145 = arith.constant 0 : i32
      %dma_start3A_3146 = arith.constant 0 : i32
      %dma_start3A_3147 = tpu.memref_slice %arg31[%dma_start3A_3145, %dma_start3A_3146] : memref<10240x16xf32, #tpu.memory_space<vmem_shared>> -> memref<10240x16xf32, #tpu.memory_space<vmem_shared>>
      tpu.enqueue_indirect_dma source(%arg25 : memref<128x16xf32, #tpu.memory_space<vmem>>) target(%dma_start3A_3147 : memref<10240x16xf32, #tpu.memory_space<vmem_shared>>) offsets(%arg17 : memref<128xi32, #tpu.memory_space<vmem>>) semaphore(%arg39 : memref<!tpu.dma_semaphore, #tpu.memory_space<semaphore_mem>>) {add = true}
      %dma_wait3A_3148 = arith.constant 0 : i32
      %dma_wait3A_3149 = arith.constant 0 : i32
      %dma_wait3A_3150 = tpu.memref_slice %arg30[%dma_wait3A_3148, %dma_wait3A_3149] : memref<10240x64xf32, #tpu.memory_space<vmem_shared>> -> memref<10240x64xf32, #tpu.memory_space<vmem_shared>>
      tpu.wait_indirect_dma semaphore(%arg38 : memref<!tpu.dma_semaphore, #tpu.memory_space<semaphore_mem>>) src(%arg21 : memref<128x64xf32, #tpu.memory_space<vmem>>) dst(%dma_wait3A_3150 : memref<10240x64xf32, #tpu.memory_space<vmem_shared>>)
      %dma_wait3A_3151 = arith.constant 0 : i32
      %dma_wait3A_3152 = arith.constant 0 : i32
      %dma_wait3A_3153 = tpu.memref_slice %arg31[%dma_wait3A_3151, %dma_wait3A_3152] : memref<10240x16xf32, #tpu.memory_space<vmem_shared>> -> memref<10240x16xf32, #tpu.memory_space<vmem_shared>>
      tpu.wait_indirect_dma semaphore(%arg39 : memref<!tpu.dma_semaphore, #tpu.memory_space<semaphore_mem>>) src(%arg25 : memref<128x16xf32, #tpu.memory_space<vmem>>) dst(%dma_wait3A_3153 : memref<10240x16xf32, #tpu.memory_space<vmem_shared>>)
      %get3A_3154 = arith.constant 384 : index
      %get3A_3155 = tpu.vector_load %arg8[%get3A_3154] {strides = array<i32>} : memref<512xi32, #tpu.memory_space<vmem>>, vector<16xi32>,
      %shift_right_logical3A_3156 = arith.constant 14 : i32
      %shift_right_logical3A_3157 = vector.broadcast %shift_right_logical3A_3156 : i32 to vector<16xi32>
      %shift_right_logical3A_3158 = arith.shrui %get3A_3155, %shift_right_logical3A_3157 : vector<16xi32>
      %and3A_3159 = arith.constant 3 : i32
      %and3A_3160 = vector.broadcast %and3A_3159 : i32 to vector<16xi32>
      %and3A_3161 = arith.andi %shift_right_logical3A_3158, %and3A_3160 : vector<16xi32>
      %and3A_3162 = arith.constant 16383 : i32
      %and3A_3163 = vector.broadcast %and3A_3162 : i32 to vector<16xi32>
      %and3A_3164 = arith.andi %get3A_3155, %and3A_3163 : vector<16xi32>
      %mul3A_3165 = arith.constant 3 : i32
      %mul3A_3166 = arith.muli %arg0, %mul3A_3165 : i32
      %add3A_3167 = vector.broadcast %mul3A_3166 : i32 to vector<16xi32>
      %add3A_3168 = arith.addi %and3A_3161, %add3A_3167 : vector<16xi32>
      %mul3A_3169 = arith.constant 10000 : i32
      %mul3A_3170 = vector.broadcast %mul3A_3169 : i32 to vector<16xi32>
      %mul3A_3171 = arith.muli %add3A_3168, %mul3A_3170 : vector<16xi32>
      %add3A_3172 = arith.addi %and3A_3164, %mul3A_3171 : vector<16xi32>
      %shift_right_logical3A_3173 = arith.constant 16 : i32
      %shift_right_logical3A_3174 = vector.broadcast %shift_right_logical3A_3173 : i32 to vector<16xi32>
      %shift_right_logical3A_3175 = arith.shrui %get3A_3155, %shift_right_logical3A_3174 : vector<16xi32>
      %swap3A_3176 = arith.constant 0 : index
      %swap3A_3177 = tpu.vector_load %arg13[%swap3A_3176] {strides = array<i32>} : memref<128xi32, #tpu.memory_space<vmem>>, vector<16xi32>,
      tpu.vector_store %arg13[%swap3A_3176], %add3A_3172 {strides = array<i32>} : memref<128xi32, #tpu.memory_space<vmem>>, vector<16xi32>,
      %swap3A_3178 = arith.constant 0 : index
      %swap3A_3179 = tpu.vector_load %arg17[%swap3A_3178] {strides = array<i32>} : memref<128xi32, #tpu.memory_space<vmem>>, vector<16xi32>,
      tpu.vector_store %arg17[%swap3A_3178], %shift_right_logical3A_3175 {strides = array<i32>} : memref<128xi32, #tpu.memory_space<vmem>>, vector<16xi32>,
      %add3A_3180 = arith.constant 0 : i32
      %add3A_3181 = vector.broadcast %add3A_3180 : i32 to vector<16xi32>
      %add3A_3182 = arith.addi %add3A_3181, %iota3A : vector<16xi32>
      %get3A_3183 = arith.constant 0 : index
      %get3A_3184 = tpu.vector_load %arg29[%get3A_3183] {strides = array<i32>} : memref<128xi32, #tpu.memory_space<vmem>>, vector<16xi32>,
      tpu.vector_store_idx %arg25[%add3A_3182, %get3A_3184], %broadcast_in_dim3A_30 : memref<128x16xf32, #tpu.memory_space<vmem>>[vector<16xi32>, vector<16xi32>], vector<16xf32>,
      tpu.vector_store_idx %arg25[%add3A_3182, %and3A_3161], %broadcast_in_dim3A_28 : memref<128x16xf32, #tpu.memory_space<vmem>>[vector<16xi32>, vector<16xi32>], vector<16xf32>,
      %swap3A_3185 = arith.constant 0 : index
      %swap3A_3186 = tpu.vector_load %arg29[%swap3A_3185] {strides = array<i32>} : memref<128xi32, #tpu.memory_space<vmem>>, vector<16xi32>,
      tpu.vector_store %arg29[%swap3A_3185], %and3A_3161 {strides = array<i32>} : memref<128xi32, #tpu.memory_space<vmem>>, vector<16xi32>,
      %get3A_3187 = arith.constant 400 : index
      %get3A_3188 = tpu.vector_load %arg8[%get3A_3187] {strides = array<i32>} : memref<512xi32, #tpu.memory_space<vmem>>, vector<16xi32>,
      %shift_right_logical3A_3189 = arith.constant 14 : i32
      %shift_right_logical3A_3190 = vector.broadcast %shift_right_logical3A_3189 : i32 to vector<16xi32>
      %shift_right_logical3A_3191 = arith.shrui %get3A_3188, %shift_right_logical3A_3190 : vector<16xi32>
      %and3A_3192 = arith.constant 3 : i32
      %and3A_3193 = vector.broadcast %and3A_3192 : i32 to vector<16xi32>
      %and3A_3194 = arith.andi %shift_right_logical3A_3191, %and3A_3193 : vector<16xi32>
      %and3A_3195 = arith.constant 16383 : i32
      %and3A_3196 = vector.broadcast %and3A_3195 : i32 to vector<16xi32>
      %and3A_3197 = arith.andi %get3A_3188, %and3A_3196 : vector<16xi32>
      %mul3A_3198 = arith.constant 3 : i32
      %mul3A_3199 = arith.muli %arg0, %mul3A_3198 : i32
      %add3A_3200 = vector.broadcast %mul3A_3199 : i32 to vector<16xi32>
      %add3A_3201 = arith.addi %and3A_3194, %add3A_3200 : vector<16xi32>
      %mul3A_3202 = arith.constant 10000 : i32
      %mul3A_3203 = vector.broadcast %mul3A_3202 : i32 to vector<16xi32>
      %mul3A_3204 = arith.muli %add3A_3201, %mul3A_3203 : vector<16xi32>
      %add3A_3205 = arith.addi %and3A_3197, %mul3A_3204 : vector<16xi32>
      %shift_right_logical3A_3206 = arith.constant 16 : i32
      %shift_right_logical3A_3207 = vector.broadcast %shift_right_logical3A_3206 : i32 to vector<16xi32>
      %shift_right_logical3A_3208 = arith.shrui %get3A_3188, %shift_right_logical3A_3207 : vector<16xi32>
      %swap3A_3209 = arith.constant 16 : index
      %swap3A_3210 = tpu.vector_load %arg13[%swap3A_3209] {strides = array<i32>} : memref<128xi32, #tpu.memory_space<vmem>>, vector<16xi32>,
      tpu.vector_store %arg13[%swap3A_3209], %add3A_3205 {strides = array<i32>} : memref<128xi32, #tpu.memory_space<vmem>>, vector<16xi32>,
      %swap3A_3211 = arith.constant 16 : index
      %swap3A_3212 = tpu.vector_load %arg17[%swap3A_3211] {strides = array<i32>} : memref<128xi32, #tpu.memory_space<vmem>>, vector<16xi32>,
      tpu.vector_store %arg17[%swap3A_3211], %shift_right_logical3A_3208 {strides = array<i32>} : memref<128xi32, #tpu.memory_space<vmem>>, vector<16xi32>,
      %add3A_3213 = arith.constant 16 : i32
      %add3A_3214 = vector.broadcast %add3A_3213 : i32 to vector<16xi32>
      %add3A_3215 = arith.addi %add3A_3214, %iota3A : vector<16xi32>
      %get3A_3216 = arith.constant 16 : index
      %get3A_3217 = tpu.vector_load %arg29[%get3A_3216] {strides = array<i32>} : memref<128xi32, #tpu.memory_space<vmem>>, vector<16xi32>,
      tpu.vector_store_idx %arg25[%add3A_3215, %get3A_3217], %broadcast_in_dim3A_30 : memref<128x16xf32, #tpu.memory_space<vmem>>[vector<16xi32>, vector<16xi32>], vector<16xf32>,
      tpu.vector_store_idx %arg25[%add3A_3215, %and3A_3194], %broadcast_in_dim3A_28 : memref<128x16xf32, #tpu.memory_space<vmem>>[vector<16xi32>, vector<16xi32>], vector<16xf32>,
      %swap3A_3218 = arith.constant 16 : index
      %swap3A_3219 = tpu.vector_load %arg29[%swap3A_3218] {strides = array<i32>} : memref<128xi32, #tpu.memory_space<vmem>>, vector<16xi32>,
      tpu.vector_store %arg29[%swap3A_3218], %and3A_3194 {strides = array<i32>} : memref<128xi32, #tpu.memory_space<vmem>>, vector<16xi32>,
      %get3A_3220 = arith.constant 416 : index
      %get3A_3221 = tpu.vector_load %arg8[%get3A_3220] {strides = array<i32>} : memref<512xi32, #tpu.memory_space<vmem>>, vector<16xi32>,
      %shift_right_logical3A_3222 = arith.constant 14 : i32
      %shift_right_logical3A_3223 = vector.broadcast %shift_right_logical3A_3222 : i32 to vector<16xi32>
      %shift_right_logical3A_3224 = arith.shrui %get3A_3221, %shift_right_logical3A_3223 : vector<16xi32>
      %and3A_3225 = arith.constant 3 : i32
      %and3A_3226 = vector.broadcast %and3A_3225 : i32 to vector<16xi32>
      %and3A_3227 = arith.andi %shift_right_logical3A_3224, %and3A_3226 : vector<16xi32>
      %and3A_3228 = arith.constant 16383 : i32
      %and3A_3229 = vector.broadcast %and3A_3228 : i32 to vector<16xi32>
      %and3A_3230 = arith.andi %get3A_3221, %and3A_3229 : vector<16xi32>
      %mul3A_3231 = arith.constant 3 : i32
      %mul3A_3232 = arith.muli %arg0, %mul3A_3231 : i32
      %add3A_3233 = vector.broadcast %mul3A_3232 : i32 to vector<16xi32>
      %add3A_3234 = arith.addi %and3A_3227, %add3A_3233 : vector<16xi32>
      %mul3A_3235 = arith.constant 10000 : i32
      %mul3A_3236 = vector.broadcast %mul3A_3235 : i32 to vector<16xi32>
      %mul3A_3237 = arith.muli %add3A_3234, %mul3A_3236 : vector<16xi32>
      %add3A_3238 = arith.addi %and3A_3230, %mul3A_3237 : vector<16xi32>
      %shift_right_logical3A_3239 = arith.constant 16 : i32
      %shift_right_logical3A_3240 = vector.broadcast %shift_right_logical3A_3239 : i32 to vector<16xi32>
      %shift_right_logical3A_3241 = arith.shrui %get3A_3221, %shift_right_logical3A_3240 : vector<16xi32>
      %swap3A_3242 = arith.constant 32 : index
      %swap3A_3243 = tpu.vector_load %arg13[%swap3A_3242] {strides = array<i32>} : memref<128xi32, #tpu.memory_space<vmem>>, vector<16xi32>,
      tpu.vector_store %arg13[%swap3A_3242], %add3A_3238 {strides = array<i32>} : memref<128xi32, #tpu.memory_space<vmem>>, vector<16xi32>,
      %swap3A_3244 = arith.constant 32 : index
      %swap3A_3245 = tpu.vector_load %arg17[%swap3A_3244] {strides = array<i32>} : memref<128xi32, #tpu.memory_space<vmem>>, vector<16xi32>,
      tpu.vector_store %arg17[%swap3A_3244], %shift_right_logical3A_3241 {strides = array<i32>} : memref<128xi32, #tpu.memory_space<vmem>>, vector<16xi32>,
      %add3A_3246 = arith.constant 32 : i32
      %add3A_3247 = vector.broadcast %add3A_3246 : i32 to vector<16xi32>
      %add3A_3248 = arith.addi %add3A_3247, %iota3A : vector<16xi32>
      %get3A_3249 = arith.constant 32 : index
      %get3A_3250 = tpu.vector_load %arg29[%get3A_3249] {strides = array<i32>} : memref<128xi32, #tpu.memory_space<vmem>>, vector<16xi32>,
      tpu.vector_store_idx %arg25[%add3A_3248, %get3A_3250], %broadcast_in_dim3A_30 : memref<128x16xf32, #tpu.memory_space<vmem>>[vector<16xi32>, vector<16xi32>], vector<16xf32>,
      tpu.vector_store_idx %arg25[%add3A_3248, %and3A_3227], %broadcast_in_dim3A_28 : memref<128x16xf32, #tpu.memory_space<vmem>>[vector<16xi32>, vector<16xi32>], vector<16xf32>,
      %swap3A_3251 = arith.constant 32 : index
      %swap3A_3252 = tpu.vector_load %arg29[%swap3A_3251] {strides = array<i32>} : memref<128xi32, #tpu.memory_space<vmem>>, vector<16xi32>,
      tpu.vector_store %arg29[%swap3A_3251], %and3A_3227 {strides = array<i32>} : memref<128xi32, #tpu.memory_space<vmem>>, vector<16xi32>,
      %get3A_3253 = arith.constant 432 : index
      %get3A_3254 = tpu.vector_load %arg8[%get3A_3253] {strides = array<i32>} : memref<512xi32, #tpu.memory_space<vmem>>, vector<16xi32>,
      %shift_right_logical3A_3255 = arith.constant 14 : i32
      %shift_right_logical3A_3256 = vector.broadcast %shift_right_logical3A_3255 : i32 to vector<16xi32>
      %shift_right_logical3A_3257 = arith.shrui %get3A_3254, %shift_right_logical3A_3256 : vector<16xi32>
      %and3A_3258 = arith.constant 3 : i32
      %and3A_3259 = vector.broadcast %and3A_3258 : i32 to vector<16xi32>
      %and3A_3260 = arith.andi %shift_right_logical3A_3257, %and3A_3259 : vector<16xi32>
      %and3A_3261 = arith.constant 16383 : i32
      %and3A_3262 = vector.broadcast %and3A_3261 : i32 to vector<16xi32>
      %and3A_3263 = arith.andi %get3A_3254, %and3A_3262 : vector<16xi32>
      %mul3A_3264 = arith.constant 3 : i32
      %mul3A_3265 = arith.muli %arg0, %mul3A_3264 : i32
      %add3A_3266 = vector.broadcast %mul3A_3265 : i32 to vector<16xi32>
      %add3A_3267 = arith.addi %and3A_3260, %add3A_3266 : vector<16xi32>
      %mul3A_3268 = arith.constant 10000 : i32
      %mul3A_3269 = vector.broadcast %mul3A_3268 : i32 to vector<16xi32>
      %mul3A_3270 = arith.muli %add3A_3267, %mul3A_3269 : vector<16xi32>
      %add3A_3271 = arith.addi %and3A_3263, %mul3A_3270 : vector<16xi32>
      %shift_right_logical3A_3272 = arith.constant 16 : i32
      %shift_right_logical3A_3273 = vector.broadcast %shift_right_logical3A_3272 : i32 to vector<16xi32>
      %shift_right_logical3A_3274 = arith.shrui %get3A_3254, %shift_right_logical3A_3273 : vector<16xi32>
      %swap3A_3275 = arith.constant 48 : index
      %swap3A_3276 = tpu.vector_load %arg13[%swap3A_3275] {strides = array<i32>} : memref<128xi32, #tpu.memory_space<vmem>>, vector<16xi32>,
      tpu.vector_store %arg13[%swap3A_3275], %add3A_3271 {strides = array<i32>} : memref<128xi32, #tpu.memory_space<vmem>>, vector<16xi32>,
      %swap3A_3277 = arith.constant 48 : index
      %swap3A_3278 = tpu.vector_load %arg17[%swap3A_3277] {strides = array<i32>} : memref<128xi32, #tpu.memory_space<vmem>>, vector<16xi32>,
      tpu.vector_store %arg17[%swap3A_3277], %shift_right_logical3A_3274 {strides = array<i32>} : memref<128xi32, #tpu.memory_space<vmem>>, vector<16xi32>,
      %add3A_3279 = arith.constant 48 : i32
      %add3A_3280 = vector.broadcast %add3A_3279 : i32 to vector<16xi32>
      %add3A_3281 = arith.addi %add3A_3280, %iota3A : vector<16xi32>
      %get3A_3282 = arith.constant 48 : index
      %get3A_3283 = tpu.vector_load %arg29[%get3A_3282] {strides = array<i32>} : memref<128xi32, #tpu.memory_space<vmem>>, vector<16xi32>,
      tpu.vector_store_idx %arg25[%add3A_3281, %get3A_3283], %broadcast_in_dim3A_30 : memref<128x16xf32, #tpu.memory_space<vmem>>[vector<16xi32>, vector<16xi32>], vector<16xf32>,
      tpu.vector_store_idx %arg25[%add3A_3281, %and3A_3260], %broadcast_in_dim3A_28 : memref<128x16xf32, #tpu.memory_space<vmem>>[vector<16xi32>, vector<16xi32>], vector<16xf32>,
      %swap3A_3284 = arith.constant 48 : index
      %swap3A_3285 = tpu.vector_load %arg29[%swap3A_3284] {strides = array<i32>} : memref<128xi32, #tpu.memory_space<vmem>>, vector<16xi32>,
      tpu.vector_store %arg29[%swap3A_3284], %and3A_3260 {strides = array<i32>} : memref<128xi32, #tpu.memory_space<vmem>>, vector<16xi32>,
      %get3A_3286 = arith.constant 448 : index
      %get3A_3287 = tpu.vector_load %arg8[%get3A_3286] {strides = array<i32>} : memref<512xi32, #tpu.memory_space<vmem>>, vector<16xi32>,
      %shift_right_logical3A_3288 = arith.constant 14 : i32
      %shift_right_logical3A_3289 = vector.broadcast %shift_right_logical3A_3288 : i32 to vector<16xi32>
      %shift_right_logical3A_3290 = arith.shrui %get3A_3287, %shift_right_logical3A_3289 : vector<16xi32>
      %and3A_3291 = arith.constant 3 : i32
      %and3A_3292 = vector.broadcast %and3A_3291 : i32 to vector<16xi32>
      %and3A_3293 = arith.andi %shift_right_logical3A_3290, %and3A_3292 : vector<16xi32>
      %and3A_3294 = arith.constant 16383 : i32
      %and3A_3295 = vector.broadcast %and3A_3294 : i32 to vector<16xi32>
      %and3A_3296 = arith.andi %get3A_3287, %and3A_3295 : vector<16xi32>
      %mul3A_3297 = arith.constant 3 : i32
      %mul3A_3298 = arith.muli %arg0, %mul3A_3297 : i32
      %add3A_3299 = vector.broadcast %mul3A_3298 : i32 to vector<16xi32>
      %add3A_3300 = arith.addi %and3A_3293, %add3A_3299 : vector<16xi32>
      %mul3A_3301 = arith.constant 10000 : i32
      %mul3A_3302 = vector.broadcast %mul3A_3301 : i32 to vector<16xi32>
      %mul3A_3303 = arith.muli %add3A_3300, %mul3A_3302 : vector<16xi32>
      %add3A_3304 = arith.addi %and3A_3296, %mul3A_3303 : vector<16xi32>
      %shift_right_logical3A_3305 = arith.constant 16 : i32
      %shift_right_logical3A_3306 = vector.broadcast %shift_right_logical3A_3305 : i32 to vector<16xi32>
      %shift_right_logical3A_3307 = arith.shrui %get3A_3287, %shift_right_logical3A_3306 : vector<16xi32>
      %swap3A_3308 = arith.constant 64 : index
      %swap3A_3309 = tpu.vector_load %arg13[%swap3A_3308] {strides = array<i32>} : memref<128xi32, #tpu.memory_space<vmem>>, vector<16xi32>,
      tpu.vector_store %arg13[%swap3A_3308], %add3A_3304 {strides = array<i32>} : memref<128xi32, #tpu.memory_space<vmem>>, vector<16xi32>,
      %swap3A_3310 = arith.constant 64 : index
      %swap3A_3311 = tpu.vector_load %arg17[%swap3A_3310] {strides = array<i32>} : memref<128xi32, #tpu.memory_space<vmem>>, vector<16xi32>,
      tpu.vector_store %arg17[%swap3A_3310], %shift_right_logical3A_3307 {strides = array<i32>} : memref<128xi32, #tpu.memory_space<vmem>>, vector<16xi32>,
      %add3A_3312 = arith.constant 64 : i32
      %add3A_3313 = vector.broadcast %add3A_3312 : i32 to vector<16xi32>
      %add3A_3314 = arith.addi %add3A_3313, %iota3A : vector<16xi32>
      %get3A_3315 = arith.constant 64 : index
      %get3A_3316 = tpu.vector_load %arg29[%get3A_3315] {strides = array<i32>} : memref<128xi32, #tpu.memory_space<vmem>>, vector<16xi32>,
      tpu.vector_store_idx %arg25[%add3A_3314, %get3A_3316], %broadcast_in_dim3A_30 : memref<128x16xf32, #tpu.memory_space<vmem>>[vector<16xi32>, vector<16xi32>], vector<16xf32>,
      tpu.vector_store_idx %arg25[%add3A_3314, %and3A_3293], %broadcast_in_dim3A_28 : memref<128x16xf32, #tpu.memory_space<vmem>>[vector<16xi32>, vector<16xi32>], vector<16xf32>,
      %swap3A_3317 = arith.constant 64 : index
      %swap3A_3318 = tpu.vector_load %arg29[%swap3A_3317] {strides = array<i32>} : memref<128xi32, #tpu.memory_space<vmem>>, vector<16xi32>,
      tpu.vector_store %arg29[%swap3A_3317], %and3A_3293 {strides = array<i32>} : memref<128xi32, #tpu.memory_space<vmem>>, vector<16xi32>,
      %get3A_3319 = arith.constant 464 : index
      %get3A_3320 = tpu.vector_load %arg8[%get3A_3319] {strides = array<i32>} : memref<512xi32, #tpu.memory_space<vmem>>, vector<16xi32>,
      %shift_right_logical3A_3321 = arith.constant 14 : i32
      %shift_right_logical3A_3322 = vector.broadcast %shift_right_logical3A_3321 : i32 to vector<16xi32>
      %shift_right_logical3A_3323 = arith.shrui %get3A_3320, %shift_right_logical3A_3322 : vector<16xi32>
      %and3A_3324 = arith.constant 3 : i32
      %and3A_3325 = vector.broadcast %and3A_3324 : i32 to vector<16xi32>
      %and3A_3326 = arith.andi %shift_right_logical3A_3323, %and3A_3325 : vector<16xi32>
      %and3A_3327 = arith.constant 16383 : i32
      %and3A_3328 = vector.broadcast %and3A_3327 : i32 to vector<16xi32>
      %and3A_3329 = arith.andi %get3A_3320, %and3A_3328 : vector<16xi32>
      %mul3A_3330 = arith.constant 3 : i32
      %mul3A_3331 = arith.muli %arg0, %mul3A_3330 : i32
      %add3A_3332 = vector.broadcast %mul3A_3331 : i32 to vector<16xi32>
      %add3A_3333 = arith.addi %and3A_3326, %add3A_3332 : vector<16xi32>
      %mul3A_3334 = arith.constant 10000 : i32
      %mul3A_3335 = vector.broadcast %mul3A_3334 : i32 to vector<16xi32>
      %mul3A_3336 = arith.muli %add3A_3333, %mul3A_3335 : vector<16xi32>
      %add3A_3337 = arith.addi %and3A_3329, %mul3A_3336 : vector<16xi32>
      %shift_right_logical3A_3338 = arith.constant 16 : i32
      %shift_right_logical3A_3339 = vector.broadcast %shift_right_logical3A_3338 : i32 to vector<16xi32>
      %shift_right_logical3A_3340 = arith.shrui %get3A_3320, %shift_right_logical3A_3339 : vector<16xi32>
      %swap3A_3341 = arith.constant 80 : index
      %swap3A_3342 = tpu.vector_load %arg13[%swap3A_3341] {strides = array<i32>} : memref<128xi32, #tpu.memory_space<vmem>>, vector<16xi32>,
      tpu.vector_store %arg13[%swap3A_3341], %add3A_3337 {strides = array<i32>} : memref<128xi32, #tpu.memory_space<vmem>>, vector<16xi32>,
      %swap3A_3343 = arith.constant 80 : index
      %swap3A_3344 = tpu.vector_load %arg17[%swap3A_3343] {strides = array<i32>} : memref<128xi32, #tpu.memory_space<vmem>>, vector<16xi32>,
      tpu.vector_store %arg17[%swap3A_3343], %shift_right_logical3A_3340 {strides = array<i32>} : memref<128xi32, #tpu.memory_space<vmem>>, vector<16xi32>,
      %add3A_3345 = arith.constant 80 : i32
      %add3A_3346 = vector.broadcast %add3A_3345 : i32 to vector<16xi32>
      %add3A_3347 = arith.addi %add3A_3346, %iota3A : vector<16xi32>
      %get3A_3348 = arith.constant 80 : index
      %get3A_3349 = tpu.vector_load %arg29[%get3A_3348] {strides = array<i32>} : memref<128xi32, #tpu.memory_space<vmem>>, vector<16xi32>,
      tpu.vector_store_idx %arg25[%add3A_3347, %get3A_3349], %broadcast_in_dim3A_30 : memref<128x16xf32, #tpu.memory_space<vmem>>[vector<16xi32>, vector<16xi32>], vector<16xf32>,
      tpu.vector_store_idx %arg25[%add3A_3347, %and3A_3326], %broadcast_in_dim3A_28 : memref<128x16xf32, #tpu.memory_space<vmem>>[vector<16xi32>, vector<16xi32>], vector<16xf32>,
      %swap3A_3350 = arith.constant 80 : index
      %swap3A_3351 = tpu.vector_load %arg29[%swap3A_3350] {strides = array<i32>} : memref<128xi32, #tpu.memory_space<vmem>>, vector<16xi32>,
      tpu.vector_store %arg29[%swap3A_3350], %and3A_3326 {strides = array<i32>} : memref<128xi32, #tpu.memory_space<vmem>>, vector<16xi32>,
      %get3A_3352 = arith.constant 480 : index
      %get3A_3353 = tpu.vector_load %arg8[%get3A_3352] {strides = array<i32>} : memref<512xi32, #tpu.memory_space<vmem>>, vector<16xi32>,
      %shift_right_logical3A_3354 = arith.constant 14 : i32
      %shift_right_logical3A_3355 = vector.broadcast %shift_right_logical3A_3354 : i32 to vector<16xi32>
      %shift_right_logical3A_3356 = arith.shrui %get3A_3353, %shift_right_logical3A_3355 : vector<16xi32>
      %and3A_3357 = arith.constant 3 : i32
      %and3A_3358 = vector.broadcast %and3A_3357 : i32 to vector<16xi32>
      %and3A_3359 = arith.andi %shift_right_logical3A_3356, %and3A_3358 : vector<16xi32>
      %and3A_3360 = arith.constant 16383 : i32
      %and3A_3361 = vector.broadcast %and3A_3360 : i32 to vector<16xi32>
      %and3A_3362 = arith.andi %get3A_3353, %and3A_3361 : vector<16xi32>
      %mul3A_3363 = arith.constant 3 : i32
      %mul3A_3364 = arith.muli %arg0, %mul3A_3363 : i32
      %add3A_3365 = vector.broadcast %mul3A_3364 : i32 to vector<16xi32>
      %add3A_3366 = arith.addi %and3A_3359, %add3A_3365 : vector<16xi32>
      %mul3A_3367 = arith.constant 10000 : i32
      %mul3A_3368 = vector.broadcast %mul3A_3367 : i32 to vector<16xi32>
      %mul3A_3369 = arith.muli %add3A_3366, %mul3A_3368 : vector<16xi32>
      %add3A_3370 = arith.addi %and3A_3362, %mul3A_3369 : vector<16xi32>
      %shift_right_logical3A_3371 = arith.constant 16 : i32
      %shift_right_logical3A_3372 = vector.broadcast %shift_right_logical3A_3371 : i32 to vector<16xi32>
      %shift_right_logical3A_3373 = arith.shrui %get3A_3353, %shift_right_logical3A_3372 : vector<16xi32>
      %swap3A_3374 = arith.constant 96 : index
      %swap3A_3375 = tpu.vector_load %arg13[%swap3A_3374] {strides = array<i32>} : memref<128xi32, #tpu.memory_space<vmem>>, vector<16xi32>,
      tpu.vector_store %arg13[%swap3A_3374], %add3A_3370 {strides = array<i32>} : memref<128xi32, #tpu.memory_space<vmem>>, vector<16xi32>,
      %swap3A_3376 = arith.constant 96 : index
      %swap3A_3377 = tpu.vector_load %arg17[%swap3A_3376] {strides = array<i32>} : memref<128xi32, #tpu.memory_space<vmem>>, vector<16xi32>,
      tpu.vector_store %arg17[%swap3A_3376], %shift_right_logical3A_3373 {strides = array<i32>} : memref<128xi32, #tpu.memory_space<vmem>>, vector<16xi32>,
      %add3A_3378 = arith.constant 96 : i32
      %add3A_3379 = vector.broadcast %add3A_3378 : i32 to vector<16xi32>
      %add3A_3380 = arith.addi %add3A_3379, %iota3A : vector<16xi32>
      %get3A_3381 = arith.constant 96 : index
      %get3A_3382 = tpu.vector_load %arg29[%get3A_3381] {strides = array<i32>} : memref<128xi32, #tpu.memory_space<vmem>>, vector<16xi32>,
      tpu.vector_store_idx %arg25[%add3A_3380, %get3A_3382], %broadcast_in_dim3A_30 : memref<128x16xf32, #tpu.memory_space<vmem>>[vector<16xi32>, vector<16xi32>], vector<16xf32>,
      tpu.vector_store_idx %arg25[%add3A_3380, %and3A_3359], %broadcast_in_dim3A_28 : memref<128x16xf32, #tpu.memory_space<vmem>>[vector<16xi32>, vector<16xi32>], vector<16xf32>,
      %swap3A_3383 = arith.constant 96 : index
      %swap3A_3384 = tpu.vector_load %arg29[%swap3A_3383] {strides = array<i32>} : memref<128xi32, #tpu.memory_space<vmem>>, vector<16xi32>,
      tpu.vector_store %arg29[%swap3A_3383], %and3A_3359 {strides = array<i32>} : memref<128xi32, #tpu.memory_space<vmem>>, vector<16xi32>,
      %get3A_3385 = arith.constant 496 : index
      %get3A_3386 = tpu.vector_load %arg8[%get3A_3385] {strides = array<i32>} : memref<512xi32, #tpu.memory_space<vmem>>, vector<16xi32>,
      %shift_right_logical3A_3387 = arith.constant 14 : i32
      %shift_right_logical3A_3388 = vector.broadcast %shift_right_logical3A_3387 : i32 to vector<16xi32>
      %shift_right_logical3A_3389 = arith.shrui %get3A_3386, %shift_right_logical3A_3388 : vector<16xi32>
      %and3A_3390 = arith.constant 3 : i32
      %and3A_3391 = vector.broadcast %and3A_3390 : i32 to vector<16xi32>
      %and3A_3392 = arith.andi %shift_right_logical3A_3389, %and3A_3391 : vector<16xi32>
      %and3A_3393 = arith.constant 16383 : i32
      %and3A_3394 = vector.broadcast %and3A_3393 : i32 to vector<16xi32>
      %and3A_3395 = arith.andi %get3A_3386, %and3A_3394 : vector<16xi32>
      %mul3A_3396 = arith.constant 3 : i32
      %mul3A_3397 = arith.muli %arg0, %mul3A_3396 : i32
      %add3A_3398 = vector.broadcast %mul3A_3397 : i32 to vector<16xi32>
      %add3A_3399 = arith.addi %and3A_3392, %add3A_3398 : vector<16xi32>
      %mul3A_3400 = arith.constant 10000 : i32
      %mul3A_3401 = vector.broadcast %mul3A_3400 : i32 to vector<16xi32>
      %mul3A_3402 = arith.muli %add3A_3399, %mul3A_3401 : vector<16xi32>
      %add3A_3403 = arith.addi %and3A_3395, %mul3A_3402 : vector<16xi32>
      %shift_right_logical3A_3404 = arith.constant 16 : i32
      %shift_right_logical3A_3405 = vector.broadcast %shift_right_logical3A_3404 : i32 to vector<16xi32>
      %shift_right_logical3A_3406 = arith.shrui %get3A_3386, %shift_right_logical3A_3405 : vector<16xi32>
      %swap3A_3407 = arith.constant 112 : index
      %swap3A_3408 = tpu.vector_load %arg13[%swap3A_3407] {strides = array<i32>} : memref<128xi32, #tpu.memory_space<vmem>>, vector<16xi32>,
      tpu.vector_store %arg13[%swap3A_3407], %add3A_3403 {strides = array<i32>} : memref<128xi32, #tpu.memory_space<vmem>>, vector<16xi32>,
      %swap3A_3409 = arith.constant 112 : index
      %swap3A_3410 = tpu.vector_load %arg17[%swap3A_3409] {strides = array<i32>} : memref<128xi32, #tpu.memory_space<vmem>>, vector<16xi32>,
      tpu.vector_store %arg17[%swap3A_3409], %shift_right_logical3A_3406 {strides = array<i32>} : memref<128xi32, #tpu.memory_space<vmem>>, vector<16xi32>,
      %add3A_3411 = arith.constant 112 : i32
      %add3A_3412 = vector.broadcast %add3A_3411 : i32 to vector<16xi32>
      %add3A_3413 = arith.addi %add3A_3412, %iota3A : vector<16xi32>
      %get3A_3414 = arith.constant 112 : index
      %get3A_3415 = tpu.vector_load %arg29[%get3A_3414] {strides = array<i32>} : memref<128xi32, #tpu.memory_space<vmem>>, vector<16xi32>,
      tpu.vector_store_idx %arg25[%add3A_3413, %get3A_3415], %broadcast_in_dim3A_30 : memref<128x16xf32, #tpu.memory_space<vmem>>[vector<16xi32>, vector<16xi32>], vector<16xf32>,
      tpu.vector_store_idx %arg25[%add3A_3413, %and3A_3392], %broadcast_in_dim3A_28 : memref<128x16xf32, #tpu.memory_space<vmem>>[vector<16xi32>, vector<16xi32>], vector<16xf32>,
      %swap3A_3416 = arith.constant 112 : index
      %swap3A_3417 = tpu.vector_load %arg29[%swap3A_3416] {strides = array<i32>} : memref<128xi32, #tpu.memory_space<vmem>>, vector<16xi32>,
      tpu.vector_store %arg29[%swap3A_3416], %and3A_3392 {strides = array<i32>} : memref<128xi32, #tpu.memory_space<vmem>>, vector<16xi32>,
      %dma_start3A_3418 = arith.constant 0 : i32
      %dma_start3A_3419 = arith.constant 0 : i32
      %dma_start3A_3420 = tpu.memref_slice %arg2[%dma_start3A_3418, %dma_start3A_3419] : memref<60000x64xf32, #tpu.memory_space<hbm>> -> memref<60000x64xf32, #tpu.memory_space<hbm>>
      tpu.enqueue_indirect_dma source(%dma_start3A_3420 : memref<60000x64xf32, #tpu.memory_space<hbm>>) target(%arg21 : memref<128x64xf32, #tpu.memory_space<vmem>>) offsets(%arg13 : memref<128xi32, #tpu.memory_space<vmem>>) semaphore(%arg37 : memref<!tpu.dma_semaphore, #tpu.memory_space<semaphore_mem>>)
    }
    %scan3A_1106 = arith.constant 20 : i32
    %dma_wait3A = arith.constant 0 : i32
    %dma_wait3A_1107 = arith.constant 0 : i32
    %dma_wait3A_1108 = tpu.memref_slice %arg2[%dma_wait3A, %dma_wait3A_1107] : memref<60000x64xf32, #tpu.memory_space<hbm>> -> memref<60000x64xf32, #tpu.memory_space<hbm>>
    tpu.wait_indirect_dma semaphore(%arg34 : memref<!tpu.dma_semaphore, #tpu.memory_space<semaphore_mem>>) src(%dma_wait3A_1108 : memref<60000x64xf32, #tpu.memory_space<hbm>>) dst(%arg18 : memref<128x64xf32, #tpu.memory_space<vmem>>)
    %dma_wait3A_1109 = arith.constant 0 : i32
    %dma_wait3A_1110 = arith.constant 0 : i32
    %dma_wait3A_1111 = tpu.memref_slice %arg2[%dma_wait3A_1109, %dma_wait3A_1110] : memref<60000x64xf32, #tpu.memory_space<hbm>> -> memref<60000x64xf32, #tpu.memory_space<hbm>>
    tpu.wait_indirect_dma semaphore(%arg35 : memref<!tpu.dma_semaphore, #tpu.memory_space<semaphore_mem>>) src(%dma_wait3A_1111 : memref<60000x64xf32, #tpu.memory_space<hbm>>) dst(%arg19 : memref<128x64xf32, #tpu.memory_space<vmem>>)
    %dma_wait3A_1112 = arith.constant 0 : i32
    %dma_wait3A_1113 = arith.constant 0 : i32
    %dma_wait3A_1114 = tpu.memref_slice %arg2[%dma_wait3A_1112, %dma_wait3A_1113] : memref<60000x64xf32, #tpu.memory_space<hbm>> -> memref<60000x64xf32, #tpu.memory_space<hbm>>
    tpu.wait_indirect_dma semaphore(%arg36 : memref<!tpu.dma_semaphore, #tpu.memory_space<semaphore_mem>>) src(%dma_wait3A_1114 : memref<60000x64xf32, #tpu.memory_space<hbm>>) dst(%arg20 : memref<128x64xf32, #tpu.memory_space<vmem>>)
    %dma_wait3A_1115 = arith.constant 0 : i32
    %dma_wait3A_1116 = arith.constant 0 : i32
    %dma_wait3A_1117 = tpu.memref_slice %arg2[%dma_wait3A_1115, %dma_wait3A_1116] : memref<60000x64xf32, #tpu.memory_space<hbm>> -> memref<60000x64xf32, #tpu.memory_space<hbm>>
    tpu.wait_indirect_dma semaphore(%arg37 : memref<!tpu.dma_semaphore, #tpu.memory_space<semaphore_mem>>) src(%dma_wait3A_1117 : memref<60000x64xf32, #tpu.memory_space<hbm>>) dst(%arg21 : memref<128x64xf32, #tpu.memory_space<vmem>>)
    %add3A_1118 = arith.constant 20992 : i32
    %add3A_1119 = arith.addi %mul3A_26, %add3A_1118 : i32
    %multiple_of3A_1120 = tpu.assume_multiple %add3A_1119, 8 : i32
    %dma_wait3A_1121 = tpu.memref_slice %arg3[%multiple_of3A_1120] : memref<328704xi32, #tpu.memory_space<hbm>> -> memref<512xi32, #tpu.memory_space<hbm>>
    %dma_wait3A_1122 = tpu.memref_slice %arg3[%multiple_of3A_1120] : memref<328704xi32, #tpu.memory_space<hbm>> -> memref<512xi32, #tpu.memory_space<hbm>>
    tpu.wait_dma2 semaphore(%arg33 : memref<!tpu.dma_semaphore, #tpu.memory_space<semaphore_mem>>) src(%dma_wait3A_1122 : memref<512xi32, #tpu.memory_space<hbm>>) dst(%arg9 : memref<512xi32, #tpu.memory_space<vmem>>)
    %barrier3A_1123 = arith.constant 0 : index
    tpu.barrier barrier_id(%barrier3A_1123)
    "tpu.region"() ({
      %run_scoped3A = tpu.sem_alloc : memref<!tpu.dma_semaphore, #tpu.memory_space<semaphore_mem>>
      %dma_start3A_1124 = arith.constant 0 : i32
      %dma_start3A_1125 = tpu.memref_slice %arg6[%arg0, %multiple_of3A, %dma_start3A_1124] : memref<2x10240x64xf32, #tpu.memory_space<hbm>> -> memref<1x640x64xf32, #tpu.memory_space<hbm>>
      %dma_start3A_1126 = tpu.memref_squeeze %dma_start3A_1125 : memref<1x640x64xf32, #tpu.memory_space<hbm>> -> memref<640x64xf32, #tpu.memory_space<hbm>>
      %dma_start3A_1127 = arith.constant 0 : i32
      %dma_start3A_1128 = tpu.memref_slice %arg30[%multiple_of3A, %dma_start3A_1127] : memref<10240x64xf32, #tpu.memory_space<vmem_shared>> -> memref<640x64xf32, #tpu.memory_space<vmem_shared>>
      tpu.enqueue_dma source(%dma_start3A_1128 : memref<640x64xf32, #tpu.memory_space<vmem_shared>>) target(%dma_start3A_1126 : memref<640x64xf32, #tpu.memory_space<hbm>>) target_semaphore(%run_scoped3A : memref<!tpu.dma_semaphore, #tpu.memory_space<semaphore_mem>>)
      %dma_wait3A_1129 = arith.constant 0 : i32
      %dma_wait3A_1130 = tpu.memref_slice %arg6[%arg0, %multiple_of3A, %dma_wait3A_1129] : memref<2x10240x64xf32, #tpu.memory_space<hbm>> -> memref<1x640x64xf32, #tpu.memory_space<hbm>>
      %dma_wait3A_1131 = tpu.memref_squeeze %dma_wait3A_1130 : memref<1x640x64xf32, #tpu.memory_space<hbm>> -> memref<640x64xf32, #tpu.memory_space<hbm>>
      %dma_wait3A_1132 = arith.constant 0 : i32
      %dma_wait3A_1133 = tpu.memref_slice %arg30[%multiple_of3A, %dma_wait3A_1132] : memref<10240x64xf32, #tpu.memory_space<vmem_shared>> -> memref<640x64xf32, #tpu.memory_space<vmem_shared>>
      tpu.wait_dma2 semaphore(%run_scoped3A : memref<!tpu.dma_semaphore, #tpu.memory_space<semaphore_mem>>) src(%dma_wait3A_1133 : memref<640x64xf32, #tpu.memory_space<vmem_shared>>) dst(%dma_wait3A_1131 : memref<640x64xf32, #tpu.memory_space<hbm>>)
      tpu.yield
    }) : () -> ()
    "tpu.region"() ({
      %run_scoped3A = tpu.sem_alloc : memref<!tpu.dma_semaphore, #tpu.memory_space<semaphore_mem>>
      %dma_start3A_1124 = arith.constant 0 : i32
      %dma_start3A_1125 = tpu.memref_slice %arg7[%arg0, %multiple_of3A, %dma_start3A_1124] : memref<2x10240x16xf32, #tpu.memory_space<hbm>> -> memref<1x640x16xf32, #tpu.memory_space<hbm>>
      %dma_start3A_1126 = tpu.memref_squeeze %dma_start3A_1125 : memref<1x640x16xf32, #tpu.memory_space<hbm>> -> memref<640x16xf32, #tpu.memory_space<hbm>>
      %dma_start3A_1127 = arith.constant 0 : i32
      %dma_start3A_1128 = tpu.memref_slice %arg31[%multiple_of3A, %dma_start3A_1127] : memref<10240x16xf32, #tpu.memory_space<vmem_shared>> -> memref<640x16xf32, #tpu.memory_space<vmem_shared>>
      tpu.enqueue_dma source(%dma_start3A_1128 : memref<640x16xf32, #tpu.memory_space<vmem_shared>>) target(%dma_start3A_1126 : memref<640x16xf32, #tpu.memory_space<hbm>>) target_semaphore(%run_scoped3A : memref<!tpu.dma_semaphore, #tpu.memory_space<semaphore_mem>>)
      %dma_wait3A_1129 = arith.constant 0 : i32
      %dma_wait3A_1130 = tpu.memref_slice %arg7[%arg0, %multiple_of3A, %dma_wait3A_1129] : memref<2x10240x16xf32, #tpu.memory_space<hbm>> -> memref<1x640x16xf32, #tpu.memory_space<hbm>>
      %dma_wait3A_1131 = tpu.memref_squeeze %dma_wait3A_1130 : memref<1x640x16xf32, #tpu.memory_space<hbm>> -> memref<640x16xf32, #tpu.memory_space<hbm>>
      %dma_wait3A_1132 = arith.constant 0 : i32
      %dma_wait3A_1133 = tpu.memref_slice %arg31[%multiple_of3A, %dma_wait3A_1132] : memref<10240x16xf32, #tpu.memory_space<vmem_shared>> -> memref<640x16xf32, #tpu.memory_space<vmem_shared>>
      tpu.wait_dma2 semaphore(%run_scoped3A : memref<!tpu.dma_semaphore, #tpu.memory_space<semaphore_mem>>) src(%dma_wait3A_1133 : memref<640x16xf32, #tpu.memory_space<vmem_shared>>) dst(%dma_wait3A_1131 : memref<640x16xf32, #tpu.memory_space<hbm>>)
      tpu.yield
    }) : () -> ()
    return
  }
}

module attributes {stable_mosaic.version = 14 : i64} {
  func.func @_prologue_body(%arg0: i32, %arg1: memref<400x128xf32, #tpu.memory_space<vmem>>, %arg2: memref<3x128x128xf32, #tpu.memory_space<vmem>>, %arg3: memref<2x3x400x64xf32, #tpu.memory_space<vmem>>) attributes {dimension_semantics = [#tpu.dimension_semantics<arbitrary>], iteration_bounds = array<i64: 25>, scalar_prefetch = 0 : i64, scratch_operands = 0 : i64, tpu.core_type = #tpu.core_type<tc>, window_params = [{transform_indices = @transform_0, window_bounds = array<i64: 400, 128>}, {pipeline_mode = #tpu.pipeline_mode<synchronous>, transform_indices = @transform_1, window_bounds = array<i64: 3, 128, 128>}, {transform_indices = @transform_2, window_bounds = array<i64: 2, 3, 400, 64>}]} {
    %get3A = arith.constant 0 : index
    %get3A_0 = arith.constant 0 : index
    %get3A_1 = vector.load %arg1[%get3A, %get3A_0] : memref<400x128xf32, #tpu.memory_space<vmem>>, vector<400x128xf32>
    %get3A_2 = arith.constant 0 : index
    %get3A_3 = arith.constant 0 : index
    %get3A_4 = arith.constant 0 : index
    %get3A_5 = vector.load %arg2[%get3A_2, %get3A_3, %get3A_4] : memref<3x128x128xf32, #tpu.memory_space<vmem>>, vector<1x128x128xf32>
    %get3A_6 = vector.shape_cast %get3A_5 : vector<1x128x128xf32> to vector<128x128xf32>
    %dot_general3A = arith.constant dense<0.000000e+00> : vector<400x128xf32>
    %dot_general3A_7 = tpu.matmul %get3A_1, %get3A_6, %dot_general3A {dimension_numbers = #tpu.dot_dimension_numbers<[1], [0], [0], [1], [0, 0, 1, 1], [], []>, transpose_lhs_hint = false} : vector<400x128xf32>, vector<128x128xf32>, vector<400x128xf32> -> vector<400x128xf32>
    %slice3A = vector.extract_strided_slice %dot_general3A_7 {offsets = [0, 0], sizes = [400, 64], strides = [1, 1]} : vector<400x128xf32> to vector<400x64xf32>
    %get3A_8 = arith.constant 1 : index
    %get3A_9 = arith.constant 0 : index
    %get3A_10 = arith.constant 0 : index
    %get3A_11 = vector.load %arg2[%get3A_8, %get3A_9, %get3A_10] : memref<3x128x128xf32, #tpu.memory_space<vmem>>, vector<1x128x128xf32>
    %get3A_12 = vector.shape_cast %get3A_11 : vector<1x128x128xf32> to vector<128x128xf32>
    %dot_general3A_13 = arith.constant dense<0.000000e+00> : vector<400x128xf32>
    %dot_general3A_14 = tpu.matmul %get3A_1, %get3A_12, %dot_general3A_13 {dimension_numbers = #tpu.dot_dimension_numbers<[1], [0], [0], [1], [0, 0, 1, 1], [], []>, transpose_lhs_hint = false} : vector<400x128xf32>, vector<128x128xf32>, vector<400x128xf32> -> vector<400x128xf32>
    %slice3A_15 = vector.extract_strided_slice %dot_general3A_14 {offsets = [0, 0], sizes = [400, 64], strides = [1, 1]} : vector<400x128xf32> to vector<400x64xf32>
    %get3A_16 = arith.constant 2 : index
    %get3A_17 = arith.constant 0 : index
    %get3A_18 = arith.constant 0 : index
    %get3A_19 = vector.load %arg2[%get3A_16, %get3A_17, %get3A_18] : memref<3x128x128xf32, #tpu.memory_space<vmem>>, vector<1x128x128xf32>
    %get3A_20 = vector.shape_cast %get3A_19 : vector<1x128x128xf32> to vector<128x128xf32>
    %dot_general3A_21 = arith.constant dense<0.000000e+00> : vector<400x128xf32>
    %dot_general3A_22 = tpu.matmul %get3A_1, %get3A_20, %dot_general3A_21 {dimension_numbers = #tpu.dot_dimension_numbers<[1], [0], [0], [1], [0, 0, 1, 1], [], []>, transpose_lhs_hint = false} : vector<400x128xf32>, vector<128x128xf32>, vector<400x128xf32> -> vector<400x128xf32>
    %slice3A_23 = vector.extract_strided_slice %dot_general3A_22 {offsets = [0, 0], sizes = [400, 64], strides = [1, 1]} : vector<400x128xf32> to vector<400x64xf32>
    %stack3A = vector.shape_cast %slice3A : vector<400x64xf32> to vector<1x400x64xf32>
    %stack3A_24 = vector.shape_cast %slice3A_15 : vector<400x64xf32> to vector<1x400x64xf32>
    %stack3A_25 = vector.shape_cast %slice3A_23 : vector<400x64xf32> to vector<1x400x64xf32>
    %stack3A_26 = tpu.concatenate %stack3A, %stack3A_24, %stack3A_25 in 0 : vector<1x400x64xf32>, vector<1x400x64xf32>, vector<1x400x64xf32> -> vector<3x400x64xf32>
    %get3A_27 = arith.constant 0 : index
    %get3A_28 = arith.constant 0 : index
    %get3A_29 = arith.constant 0 : index
    %get3A_30 = vector.load %arg2[%get3A_27, %get3A_28, %get3A_29] : memref<3x128x128xf32, #tpu.memory_space<vmem>>, vector<1x128x128xf32>
    %get3A_31 = vector.shape_cast %get3A_30 : vector<1x128x128xf32> to vector<128x128xf32>
    %dot_general3A_32 = arith.constant dense<0.000000e+00> : vector<400x128xf32>
    %dot_general3A_33 = tpu.matmul %get3A_1, %get3A_31, %dot_general3A_32 {dimension_numbers = #tpu.dot_dimension_numbers<[1], [0], [0], [1], [0, 0, 1, 1], [], []>, transpose_lhs_hint = false} : vector<400x128xf32>, vector<128x128xf32>, vector<400x128xf32> -> vector<400x128xf32>
    %slice3A_34 = vector.extract_strided_slice %dot_general3A_33 {offsets = [0, 64], sizes = [400, 64], strides = [1, 1]} : vector<400x128xf32> to vector<400x64xf32>
    %get3A_35 = arith.constant 1 : index
    %get3A_36 = arith.constant 0 : index
    %get3A_37 = arith.constant 0 : index
    %get3A_38 = vector.load %arg2[%get3A_35, %get3A_36, %get3A_37] : memref<3x128x128xf32, #tpu.memory_space<vmem>>, vector<1x128x128xf32>
    %get3A_39 = vector.shape_cast %get3A_38 : vector<1x128x128xf32> to vector<128x128xf32>
    %dot_general3A_40 = arith.constant dense<0.000000e+00> : vector<400x128xf32>
    %dot_general3A_41 = tpu.matmul %get3A_1, %get3A_39, %dot_general3A_40 {dimension_numbers = #tpu.dot_dimension_numbers<[1], [0], [0], [1], [0, 0, 1, 1], [], []>, transpose_lhs_hint = false} : vector<400x128xf32>, vector<128x128xf32>, vector<400x128xf32> -> vector<400x128xf32>
    %slice3A_42 = vector.extract_strided_slice %dot_general3A_41 {offsets = [0, 64], sizes = [400, 64], strides = [1, 1]} : vector<400x128xf32> to vector<400x64xf32>
    %get3A_43 = arith.constant 2 : index
    %get3A_44 = arith.constant 0 : index
    %get3A_45 = arith.constant 0 : index
    %get3A_46 = vector.load %arg2[%get3A_43, %get3A_44, %get3A_45] : memref<3x128x128xf32, #tpu.memory_space<vmem>>, vector<1x128x128xf32>
    %get3A_47 = vector.shape_cast %get3A_46 : vector<1x128x128xf32> to vector<128x128xf32>
    %dot_general3A_48 = arith.constant dense<0.000000e+00> : vector<400x128xf32>
    %dot_general3A_49 = tpu.matmul %get3A_1, %get3A_47, %dot_general3A_48 {dimension_numbers = #tpu.dot_dimension_numbers<[1], [0], [0], [1], [0, 0, 1, 1], [], []>, transpose_lhs_hint = false} : vector<400x128xf32>, vector<128x128xf32>, vector<400x128xf32> -> vector<400x128xf32>
    %slice3A_50 = vector.extract_strided_slice %dot_general3A_49 {offsets = [0, 64], sizes = [400, 64], strides = [1, 1]} : vector<400x128xf32> to vector<400x64xf32>
    %stack3A_51 = vector.shape_cast %slice3A_34 : vector<400x64xf32> to vector<1x400x64xf32>
    %stack3A_52 = vector.shape_cast %slice3A_42 : vector<400x64xf32> to vector<1x400x64xf32>
    %stack3A_53 = vector.shape_cast %slice3A_50 : vector<400x64xf32> to vector<1x400x64xf32>
    %stack3A_54 = tpu.concatenate %stack3A_51, %stack3A_52, %stack3A_53 in 0 : vector<1x400x64xf32>, vector<1x400x64xf32>, vector<1x400x64xf32> -> vector<3x400x64xf32>
    %stack3A_55 = vector.shape_cast %stack3A_26 : vector<3x400x64xf32> to vector<1x3x400x64xf32>
    %stack3A_56 = vector.shape_cast %stack3A_54 : vector<3x400x64xf32> to vector<1x3x400x64xf32>
    %stack3A_57 = tpu.concatenate %stack3A_55, %stack3A_56 in 0 : vector<1x3x400x64xf32>, vector<1x3x400x64xf32> -> vector<2x3x400x64xf32>
    %swap3A = arith.constant 0 : index
    %swap3A_58 = arith.constant 0 : index
    %swap3A_59 = arith.constant 0 : index
    %swap3A_60 = arith.constant 0 : index
    %swap3A_61 = vector.load %arg3[%swap3A, %swap3A_58, %swap3A_59, %swap3A_60] : memref<2x3x400x64xf32, #tpu.memory_space<vmem>>, vector<2x3x400x64xf32>
    tpu.vector_store %arg3[%swap3A, %swap3A_58, %swap3A_59, %swap3A_60], %stack3A_57 {strides = array<i32>} : memref<2x3x400x64xf32, #tpu.memory_space<vmem>>, vector<2x3x400x64xf32>,
    return
  }
  func.func @transform_0(%arg0: i32) -> (i32, i32) {
    %c0_i32 = arith.constant 0 : i32
    %c0_i32_0 = arith.constant 0 : i32
    return %arg0, %c0_i32 : i32, i32
  }
  func.func @transform_1(%arg0: i32) -> (i32, i32, i32) {
    %c0_i32 = arith.constant 0 : i32
    %c0_i32_0 = arith.constant 0 : i32
    %c0_i32_1 = arith.constant 0 : i32
    %c0_i32_2 = arith.constant 0 : i32
    return %c0_i32, %c0_i32_0, %c0_i32_1 : i32, i32, i32
  }
  func.func @transform_2(%arg0: i32) -> (i32, i32, i32, i32) {
    %c0_i32 = arith.constant 0 : i32
    %c0_i32_0 = arith.constant 0 : i32
    %c0_i32_1 = arith.constant 0 : i32
    %c0_i32_2 = arith.constant 0 : i32
    return %c0_i32, %c0_i32_0, %arg0, %c0_i32_1 : i32, i32, i32, i32
  }
}

module attributes {stable_mosaic.version = 14 : i64} {
  func.func @_epilogue_body(%arg0: i32, %arg1: memref<400x128xf32, #tpu.memory_space<vmem>>, %arg2: memref<2x400x64xf32, #tpu.memory_space<vmem>>, %arg3: memref<1x400x16xf32, #tpu.memory_space<vmem>>, %arg4: memref<3x128x128xf32, #tpu.memory_space<vmem>>, %arg5: memref<3x1x128xf32, #tpu.memory_space<vmem>>, %arg6: memref<256x128xf32, #tpu.memory_space<vmem>>, %arg7: memref<1x128xf32, #tpu.memory_space<vmem>>, %arg8: memref<1x128xf32, #tpu.memory_space<vmem>>, %arg9: memref<1x128xf32, #tpu.memory_space<vmem>>, %arg10: memref<400x128xf32, #tpu.memory_space<vmem>>) attributes {dimension_semantics = [#tpu.dimension_semantics<arbitrary>], iteration_bounds = array<i64: 25>, scalar_prefetch = 0 : i64, scratch_operands = 0 : i64, tpu.core_type = #tpu.core_type<tc>, window_params = [{transform_indices = @transform_0, window_bounds = array<i64: 400, 128>}, {transform_indices = @transform_1, window_bounds = array<i64: 2, 400, 64>}, {transform_indices = @transform_2, window_bounds = array<i64: 1, 400, 16>}, {pipeline_mode = #tpu.pipeline_mode<synchronous>, transform_indices = @transform_3, window_bounds = array<i64: 3, 128, 128>}, {pipeline_mode = #tpu.pipeline_mode<synchronous>, transform_indices = @transform_4, window_bounds = array<i64: 3, 1, 128>}, {pipeline_mode = #tpu.pipeline_mode<synchronous>, transform_indices = @transform_5, window_bounds = array<i64: 256, 128>}, {pipeline_mode = #tpu.pipeline_mode<synchronous>, transform_indices = @transform_6, window_bounds = array<i64: 1, 128>}, {pipeline_mode = #tpu.pipeline_mode<synchronous>, transform_indices = @transform_7, window_bounds = array<i64: 1, 128>}, {pipeline_mode = #tpu.pipeline_mode<synchronous>, transform_indices = @transform_8, window_bounds = array<i64: 1, 128>}, {transform_indices = @transform_9, window_bounds = array<i64: 400, 128>}]} {
    %get3A = arith.constant 0 : index
    %get3A_0 = arith.constant 0 : index
    %get3A_1 = vector.load %arg1[%get3A, %get3A_0] : memref<400x128xf32, #tpu.memory_space<vmem>>, vector<400x128xf32>
    %get3A_2 = arith.constant 0 : index
    %get3A_3 = arith.constant 0 : index
    %get3A_4 = arith.constant 0 : index
    %get3A_5 = vector.load %arg2[%get3A_2, %get3A_3, %get3A_4] : memref<2x400x64xf32, #tpu.memory_space<vmem>>, vector<2x400x64xf32>
    %slice3A = vector.extract_strided_slice %get3A_5 {offsets = [0, 0, 0], sizes = [1, 400, 64], strides = [1, 1, 1]} : vector<2x400x64xf32> to vector<1x400x64xf32>
    %squeeze3A = vector.shape_cast %slice3A : vector<1x400x64xf32> to vector<400x64xf32>
    %slice3A_6 = vector.extract_strided_slice %get3A_5 {offsets = [1, 0, 0], sizes = [1, 400, 64], strides = [1, 1, 1]} : vector<2x400x64xf32> to vector<1x400x64xf32>
    %squeeze3A_7 = vector.shape_cast %slice3A_6 : vector<1x400x64xf32> to vector<400x64xf32>
    %concatenate3A = tpu.concatenate %squeeze3A, %squeeze3A_7 in 1 : vector<400x64xf32>, vector<400x64xf32> -> vector<400x128xf32>
    %broadcast_in_dim3A = arith.constant 0.000000e+00 : f32
    %broadcast_in_dim3A_8 = vector.broadcast %broadcast_in_dim3A : f32 to vector<400x1xf32>
    %get3A_9 = arith.constant 0 : index
    %get3A_10 = arith.constant 0 : index
    %get3A_11 = arith.constant 0 : index
    %get3A_12 = vector.load %arg3[%get3A_9, %get3A_10, %get3A_11] : memref<1x400x16xf32, #tpu.memory_space<vmem>>, vector<1x400x1xf32>
    %get3A_13 = vector.shape_cast %get3A_12 : vector<1x400x1xf32> to vector<400x1xf32>
    %get3A_14 = arith.constant 0 : index
    %get3A_15 = arith.constant 0 : index
    %get3A_16 = arith.constant 0 : index
    %get3A_17 = vector.load %arg4[%get3A_14, %get3A_15, %get3A_16] : memref<3x128x128xf32, #tpu.memory_space<vmem>>, vector<1x128x128xf32>
    %get3A_18 = vector.shape_cast %get3A_17 : vector<1x128x128xf32> to vector<128x128xf32>
    %dot_general3A = arith.constant dense<0.000000e+00> : vector<400x128xf32>
    %dot_general3A_19 = tpu.matmul %get3A_1, %get3A_18, %dot_general3A {dimension_numbers = #tpu.dot_dimension_numbers<[1], [0], [0], [1], [0, 0, 1, 1], [], []>, transpose_lhs_hint = false} : vector<400x128xf32>, vector<128x128xf32>, vector<400x128xf32> -> vector<400x128xf32>
    %get3A_20 = arith.constant 0 : index
    %get3A_21 = arith.constant 0 : index
    %get3A_22 = arith.constant 0 : index
    %get3A_23 = vector.load %arg5[%get3A_20, %get3A_21, %get3A_22] : memref<3x1x128xf32, #tpu.memory_space<vmem>>, vector<1x1x128xf32>
    %get3A_24 = vector.shape_cast %get3A_23 : vector<1x1x128xf32> to vector<1x128xf32>
    %add3A = vector.broadcast %get3A_24 : vector<1x128xf32> to vector<400x128xf32>
    %add3A_25 = arith.addf %dot_general3A_19, %add3A : vector<400x128xf32>
    %mul3A = vector.broadcast %get3A_13 : vector<400x1xf32> to vector<400x128xf32>
    %mul3A_26 = arith.mulf %mul3A, %add3A_25 : vector<400x128xf32>
    %add3A_27 = arith.addf %concatenate3A, %mul3A_26 : vector<400x128xf32>
    %add3A_28 = arith.addf %broadcast_in_dim3A_8, %get3A_13 : vector<400x1xf32>
    %get3A_29 = arith.constant 0 : index
    %get3A_30 = arith.constant 0 : index
    %get3A_31 = arith.constant 1 : index
    %get3A_32 = vector.load %arg3[%get3A_29, %get3A_30, %get3A_31] : memref<1x400x16xf32, #tpu.memory_space<vmem>>, vector<1x400x1xf32>
    %get3A_33 = vector.shape_cast %get3A_32 : vector<1x400x1xf32> to vector<400x1xf32>
    %get3A_34 = arith.constant 1 : index
    %get3A_35 = arith.constant 0 : index
    %get3A_36 = arith.constant 0 : index
    %get3A_37 = vector.load %arg4[%get3A_34, %get3A_35, %get3A_36] : memref<3x128x128xf32, #tpu.memory_space<vmem>>, vector<1x128x128xf32>
    %get3A_38 = vector.shape_cast %get3A_37 : vector<1x128x128xf32> to vector<128x128xf32>
    %dot_general3A_39 = arith.constant dense<0.000000e+00> : vector<400x128xf32>
    %dot_general3A_40 = tpu.matmul %get3A_1, %get3A_38, %dot_general3A_39 {dimension_numbers = #tpu.dot_dimension_numbers<[1], [0], [0], [1], [0, 0, 1, 1], [], []>, transpose_lhs_hint = false} : vector<400x128xf32>, vector<128x128xf32>, vector<400x128xf32> -> vector<400x128xf32>
    %get3A_41 = arith.constant 1 : index
    %get3A_42 = arith.constant 0 : index
    %get3A_43 = arith.constant 0 : index
    %get3A_44 = vector.load %arg5[%get3A_41, %get3A_42, %get3A_43] : memref<3x1x128xf32, #tpu.memory_space<vmem>>, vector<1x1x128xf32>
    %get3A_45 = vector.shape_cast %get3A_44 : vector<1x1x128xf32> to vector<1x128xf32>
    %add3A_46 = vector.broadcast %get3A_45 : vector<1x128xf32> to vector<400x128xf32>
    %add3A_47 = arith.addf %dot_general3A_40, %add3A_46 : vector<400x128xf32>
    %mul3A_48 = vector.broadcast %get3A_33 : vector<400x1xf32> to vector<400x128xf32>
    %mul3A_49 = arith.mulf %mul3A_48, %add3A_47 : vector<400x128xf32>
    %add3A_50 = arith.addf %add3A_27, %mul3A_49 : vector<400x128xf32>
    %add3A_51 = arith.addf %add3A_28, %get3A_33 : vector<400x1xf32>
    %get3A_52 = arith.constant 0 : index
    %get3A_53 = arith.constant 0 : index
    %get3A_54 = arith.constant 2 : index
    %get3A_55 = vector.load %arg3[%get3A_52, %get3A_53, %get3A_54] : memref<1x400x16xf32, #tpu.memory_space<vmem>>, vector<1x400x1xf32>
    %get3A_56 = vector.shape_cast %get3A_55 : vector<1x400x1xf32> to vector<400x1xf32>
    %get3A_57 = arith.constant 2 : index
    %get3A_58 = arith.constant 0 : index
    %get3A_59 = arith.constant 0 : index
    %get3A_60 = vector.load %arg4[%get3A_57, %get3A_58, %get3A_59] : memref<3x128x128xf32, #tpu.memory_space<vmem>>, vector<1x128x128xf32>
    %get3A_61 = vector.shape_cast %get3A_60 : vector<1x128x128xf32> to vector<128x128xf32>
    %dot_general3A_62 = arith.constant dense<0.000000e+00> : vector<400x128xf32>
    %dot_general3A_63 = tpu.matmul %get3A_1, %get3A_61, %dot_general3A_62 {dimension_numbers = #tpu.dot_dimension_numbers<[1], [0], [0], [1], [0, 0, 1, 1], [], []>, transpose_lhs_hint = false} : vector<400x128xf32>, vector<128x128xf32>, vector<400x128xf32> -> vector<400x128xf32>
    %get3A_64 = arith.constant 2 : index
    %get3A_65 = arith.constant 0 : index
    %get3A_66 = arith.constant 0 : index
    %get3A_67 = vector.load %arg5[%get3A_64, %get3A_65, %get3A_66] : memref<3x1x128xf32, #tpu.memory_space<vmem>>, vector<1x1x128xf32>
    %get3A_68 = vector.shape_cast %get3A_67 : vector<1x1x128xf32> to vector<1x128xf32>
    %add3A_69 = vector.broadcast %get3A_68 : vector<1x128xf32> to vector<400x128xf32>
    %add3A_70 = arith.addf %dot_general3A_63, %add3A_69 : vector<400x128xf32>
    %mul3A_71 = vector.broadcast %get3A_56 : vector<400x1xf32> to vector<400x128xf32>
    %mul3A_72 = arith.mulf %mul3A_71, %add3A_70 : vector<400x128xf32>
    %add3A_73 = arith.addf %add3A_50, %mul3A_72 : vector<400x128xf32>
    %add3A_74 = arith.addf %add3A_51, %get3A_56 : vector<400x1xf32>
    %max3A = arith.constant 1.000000e+00 : f32
    %max3A_75 = vector.broadcast %max3A : f32 to vector<400x1xf32>
    %max3A_76 = arith.maximumf %add3A_74, %max3A_75 : vector<400x1xf32>
    %div3A = vector.broadcast %max3A_76 : vector<400x1xf32> to vector<400x128xf32>
    %div3A_77 = arith.divf %add3A_73, %div3A : vector<400x128xf32>
    %get3A_78 = arith.constant 0 : index
    %get3A_79 = arith.constant 0 : index
    %get3A_80 = vector.load %arg6[%get3A_78, %get3A_79] : memref<256x128xf32, #tpu.memory_space<vmem>>, vector<128x128xf32>
    %dot_general3A_81 = arith.constant dense<0.000000e+00> : vector<400x128xf32>
    %dot_general3A_82 = tpu.matmul %get3A_1, %get3A_80, %dot_general3A_81 {dimension_numbers = #tpu.dot_dimension_numbers<[1], [0], [0], [1], [0, 0, 1, 1], [], []>, transpose_lhs_hint = false} : vector<400x128xf32>, vector<128x128xf32>, vector<400x128xf32> -> vector<400x128xf32>
    %get3A_83 = arith.constant 128 : index
    %get3A_84 = arith.constant 0 : index
    %get3A_85 = vector.load %arg6[%get3A_83, %get3A_84] : memref<256x128xf32, #tpu.memory_space<vmem>>, vector<128x128xf32>
    %dot_general3A_86 = arith.constant dense<0.000000e+00> : vector<400x128xf32>
    %dot_general3A_87 = tpu.matmul %div3A_77, %get3A_85, %dot_general3A_86 {dimension_numbers = #tpu.dot_dimension_numbers<[1], [0], [0], [1], [0, 0, 1, 1], [], []>, transpose_lhs_hint = false} : vector<400x128xf32>, vector<128x128xf32>, vector<400x128xf32> -> vector<400x128xf32>
    %add3A_88 = arith.addf %dot_general3A_82, %dot_general3A_87 : vector<400x128xf32>
    %get3A_89 = arith.constant 0 : index
    %get3A_90 = arith.constant 0 : index
    %get3A_91 = vector.load %arg7[%get3A_89, %get3A_90] : memref<1x128xf32, #tpu.memory_space<vmem>>, vector<1x128xf32>
    %add3A_92 = vector.broadcast %get3A_91 : vector<1x128xf32> to vector<400x128xf32>
    %add3A_93 = arith.addf %add3A_88, %add3A_92 : vector<400x128xf32>
    %reduce_sum3A = arith.constant dense<0.000000e+00> : vector<400xf32>
    %reduce_sum3A_94 = vector.multi_reduction <add>, %add3A_93, %reduce_sum3A [1] : vector<400x128xf32> to vector<400xf32>
    %broadcast_in_dim3A_95 = vector.shape_cast %reduce_sum3A_94 : vector<400xf32> to vector<400x1xf32>
    %div3A_96 = arith.constant 1.280000e+02 : f32
    %div3A_97 = vector.broadcast %div3A_96 : f32 to vector<400x1xf32>
    %div3A_98 = arith.divf %broadcast_in_dim3A_95, %div3A_97 : vector<400x1xf32>
    %sub3A = vector.broadcast %div3A_98 : vector<400x1xf32> to vector<400x128xf32>
    %sub3A_99 = arith.subf %add3A_93, %sub3A : vector<400x128xf32>
    %mul3A_100 = arith.mulf %sub3A_99, %sub3A_99 : vector<400x128xf32>
    %reduce_sum3A_101 = arith.constant dense<0.000000e+00> : vector<400xf32>
    %reduce_sum3A_102 = vector.multi_reduction <add>, %mul3A_100, %reduce_sum3A_101 [1] : vector<400x128xf32> to vector<400xf32>
    %broadcast_in_dim3A_103 = vector.shape_cast %reduce_sum3A_102 : vector<400xf32> to vector<400x1xf32>
    %div3A_104 = arith.constant 1.280000e+02 : f32
    %div3A_105 = vector.broadcast %div3A_104 : f32 to vector<400x1xf32>
    %div3A_106 = arith.divf %broadcast_in_dim3A_103, %div3A_105 : vector<400x1xf32>
    %add3A_107 = arith.constant 9.99999974E-6 : f32
    %add3A_108 = vector.broadcast %add3A_107 : f32 to vector<400x1xf32>
    %add3A_109 = arith.addf %div3A_106, %add3A_108 : vector<400x1xf32>
    %rsqrt3A = math.rsqrt %add3A_109 : vector<400x1xf32>
    %mul3A_110 = vector.broadcast %rsqrt3A : vector<400x1xf32> to vector<400x128xf32>
    %mul3A_111 = arith.mulf %sub3A_99, %mul3A_110 : vector<400x128xf32>
    %get3A_112 = arith.constant 0 : index
    %get3A_113 = arith.constant 0 : index
    %get3A_114 = vector.load %arg8[%get3A_112, %get3A_113] : memref<1x128xf32, #tpu.memory_space<vmem>>, vector<1x128xf32>
    %mul3A_115 = vector.broadcast %get3A_114 : vector<1x128xf32> to vector<400x128xf32>
    %mul3A_116 = arith.mulf %mul3A_111, %mul3A_115 : vector<400x128xf32>
    %get3A_117 = arith.constant 0 : index
    %get3A_118 = arith.constant 0 : index
    %get3A_119 = vector.load %arg9[%get3A_117, %get3A_118] : memref<1x128xf32, #tpu.memory_space<vmem>>, vector<1x128xf32>
    %add3A_120 = vector.broadcast %get3A_119 : vector<1x128xf32> to vector<400x128xf32>
    %add3A_121 = arith.addf %mul3A_116, %add3A_120 : vector<400x128xf32>
    %mul3A_122 = arith.constant 5.000000e-01 : f32
    %mul3A_123 = vector.broadcast %mul3A_122 : f32 to vector<400x128xf32>
    %mul3A_124 = arith.mulf %mul3A_123, %add3A_121 : vector<400x128xf32>
    %mul3A_125 = arith.constant 0.707106769 : f32
    %mul3A_126 = vector.broadcast %mul3A_125 : f32 to vector<400x128xf32>
    %mul3A_127 = arith.mulf %add3A_121, %mul3A_126 : vector<400x128xf32>
    %erf3A = math.erf %mul3A_127 : vector<400x128xf32>
    %add3A_128 = arith.constant 1.000000e+00 : f32
    %add3A_129 = vector.broadcast %add3A_128 : f32 to vector<400x128xf32>
    %add3A_130 = arith.addf %add3A_129, %erf3A : vector<400x128xf32>
    %mul3A_131 = arith.mulf %mul3A_124, %add3A_130 : vector<400x128xf32>
    %add3A_132 = arith.addf %get3A_1, %mul3A_131 : vector<400x128xf32>
    %swap3A = arith.constant 0 : index
    %swap3A_133 = arith.constant 0 : index
    %swap3A_134 = vector.load %arg10[%swap3A, %swap3A_133] : memref<400x128xf32, #tpu.memory_space<vmem>>, vector<400x128xf32>
    tpu.vector_store %arg10[%swap3A, %swap3A_133], %add3A_132 {strides = array<i32>} : memref<400x128xf32, #tpu.memory_space<vmem>>, vector<400x128xf32>,
    return
  }
  func.func @transform_0(%arg0: i32) -> (i32, i32) {
    %c0_i32 = arith.constant 0 : i32
    %c0_i32_0 = arith.constant 0 : i32
    return %arg0, %c0_i32 : i32, i32
  }
  func.func @transform_1(%arg0: i32) -> (i32, i32, i32) {
    %c0_i32 = arith.constant 0 : i32
    %c0_i32_0 = arith.constant 0 : i32
    %c0_i32_1 = arith.constant 0 : i32
    return %c0_i32, %arg0, %c0_i32_0 : i32, i32, i32
  }
  func.func @transform_2(%arg0: i32) -> (i32, i32, i32) {
    %c0_i32 = arith.constant 0 : i32
    %c0_i32_0 = arith.constant 0 : i32
    %c0_i32_1 = arith.constant 0 : i32
    return %c0_i32, %arg0, %c0_i32_0 : i32, i32, i32
  }
  func.func @transform_3(%arg0: i32) -> (i32, i32, i32) {
    %c0_i32 = arith.constant 0 : i32
    %c0_i32_0 = arith.constant 0 : i32
    %c0_i32_1 = arith.constant 0 : i32
    %c0_i32_2 = arith.constant 0 : i32
    return %c0_i32, %c0_i32_0, %c0_i32_1 : i32, i32, i32
  }
  func.func @transform_4(%arg0: i32) -> (i32, i32, i32) {
    %c0_i32 = arith.constant 0 : i32
    %c0_i32_0 = arith.constant 0 : i32
    %c0_i32_1 = arith.constant 0 : i32
    %c0_i32_2 = arith.constant 0 : i32
    return %c0_i32, %c0_i32_0, %c0_i32_1 : i32, i32, i32
  }
  func.func @transform_5(%arg0: i32) -> (i32, i32) {
    %c0_i32 = arith.constant 0 : i32
    %c0_i32_0 = arith.constant 0 : i32
    %c0_i32_1 = arith.constant 0 : i32
    return %c0_i32, %c0_i32_0 : i32, i32
  }
  func.func @transform_6(%arg0: i32) -> (i32, i32) {
    %c0_i32 = arith.constant 0 : i32
    %c0_i32_0 = arith.constant 0 : i32
    %c0_i32_1 = arith.constant 0 : i32
    return %c0_i32, %c0_i32_0 : i32, i32
  }
  func.func @transform_7(%arg0: i32) -> (i32, i32) {
    %c0_i32 = arith.constant 0 : i32
    %c0_i32_0 = arith.constant 0 : i32
    %c0_i32_1 = arith.constant 0 : i32
    return %c0_i32, %c0_i32_0 : i32, i32
  }
  func.func @transform_8(%arg0: i32) -> (i32, i32) {
    %c0_i32 = arith.constant 0 : i32
    %c0_i32_0 = arith.constant 0 : i32
    %c0_i32_1 = arith.constant 0 : i32
    return %c0_i32, %c0_i32_0 : i32, i32
  }
  func.func @transform_9(%arg0: i32) -> (i32, i32) {
    %c0_i32 = arith.constant 0 : i32
    %c0_i32_0 = arith.constant 0 : i32
    return %arg0, %c0_i32 : i32, i32
  }
}

</mosaic_0001>

<sc_bundles>
// kernel: kernel.5.cloned.1.call-start
scs
__scs_entry_jumppad:
0x0: {  	(pc) =	sbr.rel $0x88, $3  }
0x1: {  	(tag) =	ssettag $0x0;
	lr =	simm.s32 $0x1  }
0x2: {  	[smem:$0x3F94] =	sst lr;
	_ =	strace $0xD0000000  }
0x3: {  	_ = 	snop  }
0x4: {  	_ = 	snop  }
0x5: {  	_ = 	snop  }
0x6: {  	_ = 	snop  }
0x7: {  	_ = 	snop  }
__scs_overlays_trampoline_lowered:
0x8: {  	[smem:$0x3FA3] =	sst s0  }
0x9: {  	[smem:$0x3FA4] =	sst s1  }
0xa: {  	[smem:$0x3FA5] =	sst s2  }
0xb: {  	[smem:$0x3FA6] =	sst s3  }
0xc: {  	[smem:$0x3FA7] =	sst s4  }
0xd: {  	[smem:$0x3FA8] =	sst s5  }
0xe: {  	[smem:$0x3FA9] =	sst s6  }
0xf: {  	[smem:$0x3FAA] =	sst s7  }
0x10: {  	[smem:$0x3FAB] =	sst s8  }
0x11: {  	[smem:$0x3FAC] =	sst s9;
	s0 =	simm.s32 @!p0 $0x0  }
0x12: {  	s1 =	sld [smem:$0x3F92];
	s0 =	simm.s32 @p0 $0x1  }
0x13: {  	[smem:$0x3FAD] =	sst s0;
	s0 =	simm.s32 @!p1 $0x0  }
0x14: {  	s2 =	sld [smem:$0x3F91];
	s0 =	simm.s32 @p1 $0x1  }
0x15: {  	[smem:$0x3FAE] =	sst s0;
	s0 =	simm.s32 @!p2 $0x0  }
0x16: {  	s3 =	sld [smem:$0x3FDB];
	s0 =	simm.s32 @p2 $0x1  }
0x17: {  	s4 =	simm.s32 $0x1BF5;
	[smem:$0x3FB0] =	sst s0  }
0x18: {  	s0 =	sld [smem:$0x3F93];
	_ =	swait.ge [sflag:s4], $0x0  }
0x19: {  	s7 =	sld [smem:$0x3F94]  }
0x1a: {  	s8 =	sadd.s32 $0xFFFFE003, lr  }
0x1b: {  	s9 =	sadd.s32 $0xFFFFFEF7, lr;
	s5 =	simm.s32 $0xFFFFFFFF;
	p2 =	slt.u32 s8, $0xFFFFF086  }
0x1c: {  	p1 =	slt.u32 s9, $0xF7A;
	s5 =	simm.s32 @!p2 $0x0  }
0x1d: {  	s5 =	simm.s32 @p1 $0x1;
	p0 =	seq.s32 s7, s2  }
0x1e: {  	s7 =	smul.u32 @!p0 $0xF7A, s2;
	p2 =	seq.s32 @!p0 s5, $0x0  }
0x1f: {  	s9 =	smul.u32 $0xF7A, s1;
	s8 =	simm.s32 @!p0 $0x1BF5;
	p2 =	por !p2, p0  }
0x20: {  	[sflag:s8] =	ssyncset.s32 @!p0 $0xFFFFF086;
	s6 =	sadd.s32 @!p0 s3, s7;
	s7 =	simm.s32 @!p0 $0x108  }
0x21: {  	s3 =	sadd.s32 s3, s9;
	s6 =	sadd.s32 @!p0 $0x88, s6;
	s7 =	simm.s32 @p2 $0x1082  }
0x22: {  	[simem:s7], [sflag:s8] =	dma.local @!p0 [hbm:s6], $0xF7A  }
0x23: {  	s9 =	sor.u32 $0xD0000000, s2;
	s6 =	simm.s32 $0x108;
	_ =	swait.ge @!p0 [sflag:s8], $0x0  }
0x24: {  	s3 =	sadd.s32 $0x88, s3;
	s6 =	simm.s32 @!p1 $0x1082;
	[sflag:s4] =	ssyncset.s32 $0xFFFFF086  }
0x25: {  	[simem:s6], [sflag:s4] =	dma.local [hbm:s3], $0xF7A  }
0x26: {  	[smem:$0x3F94] =	sst s1;
	(tag) =	ssettag s2;
	_ =	strace s9  }
0x27: {  	s1 =	sld [smem:$0x3FA4]  }
0x28: {  	s2 =	sld [smem:$0x3FA5]  }
0x29: {  	s4 =	sld [smem:$0x3FA7]  }
0x2a: {  	p0 =	seq.s32 s5, $0x0;
	s5 =	sld [smem:$0x3FA8]  }
0x2b: {  	s6 =	sld [smem:$0x3FA9]  }
0x2c: {  	s7 =	sld [smem:$0x3FAA]  }
0x2d: {  	s3 =	simm.s32 $0x108;
	s8 =	sld [smem:$0x3FAB]  }
0x2e: {  	s3 =	simm.s32 @!p0 $0x1082;
	s9 =	sld [smem:$0x3FAC]  }
0x2f: {  	lr =	sadd.s32 s0, s3;
	s0 =	sld [smem:$0x3FA3]  }
0x30: {  	s3 =	sld [smem:$0x3FA6]  }
0x31: {  	[smem:$0x3FAF] =	sst s10  }
0x32: {  	s10 =	sld [smem:$0x3FAD];
	_ =	sdelay $0x3  }
0x33: {  	p0 =	seq.s32 s10, $0x1;
	s10 =	sld [smem:$0x3FAF];
	_ =	sdelay $0x3  }
0x34: {  	[smem:$0x3FAF] =	sst s10  }
0x35: {  	s10 =	sld [smem:$0x3FAE];
	_ =	sdelay $0x3  }
0x36: {  	p1 =	seq.s32 s10, $0x1;
	s10 =	sld [smem:$0x3FAF];
	_ =	sdelay $0x3  }
0x37: {  	[smem:$0x3FAF] =	sst s10  }
0x38: {  	s10 =	sld [smem:$0x3FB0]  }
0x39: {  	_ = 	snop;
	(pc) =	sbr.ind lr, $3  }
0x3a: {  	_ = 	snop  }
0x3b: {  	_ = 	snop  }
0x3c: {  	p2 =	seq.s32 s10, $0x1;
	s10 =	sld [smem:$0x3FAF]  }
0x3d: {  	_ =	shalt  }
0x3e: {  	_ =	shalt  }
0x3f: {  	_ =	shalt  }
0x40: {  	_ =	shalt  }
0x41: {  	_ =	shalt  }
0x42: {  	_ =	shalt  }
0x43: {  	_ =	shalt  }
0x44: {  	_ =	shalt  }
0x45: {  	_ =	shalt  }
0x46: {  	_ =	shalt  }
0x47: {  	_ =	shalt  }
0x48: {  	_ =	shalt  }
0x49: {  	_ =	shalt  }
0x4a: {  	_ =	shalt  }
0x4b: {  	_ =	shalt  }
0x4c: {  	_ =	shalt  }
0x4d: {  	_ =	shalt  }
0x4e: {  	_ =	shalt  }
0x4f: {  	_ =	shalt  }
0x50: {  	_ =	shalt  }
0x51: {  	_ =	shalt  }
0x52: {  	_ =	shalt  }
0x53: {  	_ =	shalt  }
0x54: {  	_ =	shalt  }
0x55: {  	_ =	shalt  }
0x56: {  	_ =	shalt  }
0x57: {  	_ =	shalt  }
0x58: {  	_ =	shalt  }
0x59: {  	_ =	shalt  }
0x5a: {  	_ =	shalt  }
0x5b: {  	_ =	shalt  }
0x5c: {  	_ =	shalt  }
0x5d: {  	_ =	shalt  }
0x5e: {  	_ =	shalt  }
0x5f: {  	_ =	shalt  }
0x60: {  	_ =	shalt  }
0x61: {  	_ =	shalt  }
0x62: {  	_ =	shalt  }
0x63: {  	_ =	shalt  }
0x64: {  	_ =	shalt  }
0x65: {  	_ =	shalt  }
0x66: {  	_ =	shalt  }
0x67: {  	_ =	shalt  }
0x68: {  	_ =	shalt  }
0x69: {  	_ =	shalt  }
0x6a: {  	_ =	shalt  }
0x6b: {  	_ =	shalt  }
0x6c: {  	_ =	shalt  }
0x6d: {  	_ =	shalt  }
0x6e: {  	_ =	shalt  }
0x6f: {  	_ =	shalt  }
0x70: {  	_ =	shalt  }
0x71: {  	_ =	shalt  }
0x72: {  	_ =	shalt  }
0x73: {  	_ =	shalt  }
0x74: {  	_ =	shalt  }
0x75: {  	_ =	shalt  }
0x76: {  	_ =	shalt  }
0x77: {  	_ =	shalt  }
0x78: {  	_ =	shalt  }
0x79: {  	_ =	shalt  }
0x7a: {  	_ =	shalt  }
0x7b: {  	_ =	shalt  }
0x7c: {  	_ =	shalt  }
0x7d: {  	_ =	shalt  }
0x7e: {  	_ =	shalt  }
0x7f: {  	_ =	shalt  }
0x80: {  	_ =	shalt  }
0x81: {  	_ =	shalt  }
0x82: {  	_ =	shalt  }
0x83: {  	_ =	shalt  }
0x84: {  	_ =	shalt  }
0x85: {  	_ =	shalt  }
0x86: {  	_ =	shalt  }
0x87: {  	_ =	shalt  }
.Lfunc_end0:
.L_simem_size_0:
called_computation_lowered:
.L_overlay_start_0:
0x88: {  	s2 =	sld [smem:$0x3FD9]  }
0x89: {  	s3 =	sld [smem:$0x3FFE];
	_ =	sdelay $0x1  }
0x8a: {  	s1 =	srdreg.scid  }
0x8b: {  	s0 =	sand.u32 $0x1, s1  }
0x8c: {  	s17 =	sshll.u32 s0, $0xA;
	s2 =	sadd.s32 s3, s2  }
0x8d: {  	s2 =	sadd.s32 s2, s17  }
0x8e: {  	[smem:$0x3FBB] =	sst s2  }
0x8f: {  	_ = 	snop  }
0x90: {  	s2 =	sld [smem:$0x3FD0];
	(tm) =	ssettm $0x1  }
0x91: {  	s18 =	sld [smem:$0x3FFB];
	_ =	sdelay $0x3  }
0x92: {  	_ =	strace s18  }
0x93: {  	s3 =	sld [smem:$0x3FFC];
	_ =	sdelay $0x3  }
0x94: {  	_ =	strace s3  }
0x95: {  	s3 =	sld [smem:$0x3FFD];
	_ =	sdelay $0x3  }
0x96: {  	_ =	strace s3  }
0x97: {  	_ =	strace $0x8FFFFFFF  }
0x98: {  	s19 =	sld [smem:$0x3FDB];
	_ =	sdelay $0x1  }
0x99: {  	s4 =	simm.s32 $_scs_section_size  }
0x9a: {  	s5 =	simm.s32 $_size__tile_overlayer_lowered;
	s6 =	simm.s32 $_tile_overlayer_lowered  }
0x9b: {  	s22 =	simm.s32 $0x1BFF;
	s21 =	sshll.u32 s6, $0x1;
	s3 =	sadd.s32 s4, s19  }
0x9c: {  	s7 =	simm.s32 $0x0;
	s20 =	sshll.u32 s5, $0x1;
	s5 =	sadd.s32 s21, s3  }
0x9d: {  	[timem:s7], [sflag:s22] =	dma.local [hbm:s5], s20  }
0x9e: {  	_ =	swait.ge [sflag:s22], s20  }
0x9f: {  	s4 =	ssub.s32 $0x0, s20;
	[sflag:s22] =	ssyncset.done $0x0  }
0xa0: {  	[sflag:s22] =	ssyncadd.s32 s4;
	_ =	sdelay $0x1  }
0xa1: {  	s23 =	simm.s32 $0x1B8B  }
0xa2: {  	_ =	swait.ge [sflag:s23], $0x1  }
0xa3: {  	[sflag:s23] =	ssyncset.done $0x0  }
0xa4: {  	s25 =	simm.s32 $0x1B8E;
	s24 =	sld [smem:$0x3FFE];
	[sflag:s23] =	ssyncadd.s32 $0xFFFFFFFF  }
0xa5: {  	s26 =	simm.s32 $execute0_lowered;
	[smem:$0x3FD2] =	sst s25  }
0xa6: {  	s5 =	sshll.u32 s26, $0x1;
	_ =	strace $0x80000046;
	[dreg:$0x1] =	wrdreg $0xFFFFFFFF  }
0xa7: {  	s28 =	simm.s32 $_size_execute0_lowered;
	s3 =	sadd.s32 s3, s5;
	[dreg:$0x0] =	wrdreg $0x0  }
0xa8: {  	s5 =	sshll.u32 s28, $0x1;
	[dreg:$0x2] =	wrdreg s3  }
0xa9: {  	[dreg:$0x3] =	wrdreg s5  }
0xaa: {  	[dreg:$0x4] =	wrdreg $0xC0  }
0xab: {  	_ =	task [dreg:s7], $0x5FFFF  }
0xac: {  	[dreg:$0x1] =	wrdreg $0xFFFFFFFF  }
0xad: {  	[dreg:$0x0] =	wrdreg $0x60  }
0xae: {  	[dreg:$0x2] =	wrdreg s24  }
0xaf: {  	[dreg:$0x3] =	wrdreg s2  }
0xb0: {  	[dreg:$0x4] =	wrdreg $0xAA000  }
0xb1: {  	[dreg:$0x5] =	wrdreg $0x14A000  }
0xb2: {  	[dreg:$0x6] =	wrdreg $0x9  }
0xb3: {  	_ =	task.clear_ibuf [dreg:s7], $0x7FFFF;
	_ =	strace $0x90000046  }
0xb4: {  	s29 =	simm.s32 $0x9;
	_ =	strace $0x80000048  }
0xb5: {  	_ =	swait.ge [sflag:s29], $0x1  }
0xb6: {  	[sflag:s29] =	ssyncadd.s32 $0xFFFFFFFF  }
0xb7: {  	_ =	strace $0x90000048  }
0xb8: {  	_ =	sfence  }
0xb9: {  	s30 =	sld [smem:$0x0];
	_ =	sdelay $0x2  }
0xba: {  	s31 =	sshll.u32 s1, $0xD;
	s1 =	sshrl.u32 s1, $0x2  }
0xbb: {  	s3 =	sand.u32 $0x4000, s31;
	s1 =	sadd.s32 s1, s30  }
0xbc: {  	s0 =	sor.u32 s3, s0;
	s1 =	sshll.u32 s1, $0x11  }
0xbd: {  	s0 =	sor.u32 s1, s0  }
0xbe: {  	s0 =	sadd.s32 $0x8F2B, s0  }
0xbf: {  	[sflag:s0] =	ssyncadd.remote.s32 $0x1  }
0xc0: {  	_ =	sfence.sel $0xFFFF  }
0xc1: {  	[dreg:$0x0] =	wrdreg $0xFFFFFFFF;
	(pc) =	sbr.abs _section_cstart, $3  }
0xc2: {  	[dreg:$0x1] =	wrdreg $0xFFFFFFFF  }
0xc3: {  	_ =	task.clear_ibuf [dreg:s7], $0x2FFFF;
	_ =	strace $0x9FFFFFFF  }
0xc4: {  	(tm) =	ssettm $0x7FFFFFFF  }
0xc5: {  	_ =	shalt  }
tec
execute0_lowered:
.L_overlay_start_1:
0x0: {  	(tag) =	ssettag $0x1  }
0x1: {  	s0 =	rddreg [dreg:$0x0]  }
0x2: {  	s1 =	rddreg [dreg:$0x1];
	s3 =	srdreg.scid  }
0x3: {  	s4 =	stileid.u32;
	s2 =	rddreg [dreg:$0x2];
	s5 =	simm.s32 $0x0  }
0x4: {  	s18 =	simm.s32 $0x8800;
	s19 =	simm.s32 $0x9000;
	s29 =	simm.s32 $0x4800  }
0x5: {  	s31 =	simm.s32 $0x6800;
	s14 =	simm.s32 $0x680;
	s15 =	simm.s32 $0x700  }
0x6: {  	s17 =	simm.s32 $0x6;
	s30 =	simm.s32 $0x0;
	s7 =	smul.u32 $0xA000, s4  }
0x7: {  	s6 =	sand.u32 $0x1, s3;
	s3 =	rddreg [dreg:$0x3];
	s9 =	smul.u32 $0x2800, s4  }
0x8: {  	[smem:$0x7FF] =	sst s5;
	s5 =	sadd.s32 $0xEC400, s0;
	s13 =	smul.u32 $0x5000, s4  }
0x9: {  	s11 =	sadd.s32 $0x1E00, s0;
	s20 =	sadd.s32 $0x3200, s0;
	s24 =	smul.u32 $0xA00, s4  }
0xa: {  	s12 =	sshll.u32 s4, $0x6;
	s4 =	simm.s32 $0x0;
	s8 =	smul.u32 $0xA0000, s6  }
0xb: {  	s10 =	smul.u32 $0x28000, s6;
	_ =	strace $0x80000047;
	[dreg:$0x6] =	wrdreg s11  }
0xc: {  	[dreg:$0x7] =	wrdreg s20;
	s21 =	ssub.s32 $0x2, s6;
	s16 =	sor.u32 $0x1C09, s12  }
0xd: {  	s25 =	sadd.s32 $0x27800, s3;
	s6 =	smul.u32 $0x3, s6;
	s20 =	simm.s32 $0x9800  }
0xe: {  	s12 =	simm.s32 $0x8;
	s22 =	sshrl.u32 s21, $0x1;
	[dreg:$0x9] =	wrdreg s25  }
0xf: {  	s23 =	sshrl.u32 s13, $0x3;
	s13 =	simm.s32 $0x4;
	[dreg:$0x8] =	wrdreg s16  }
0x10: {  	s8 =	sadd.s32 s7, s8;
	s10 =	sadd.s32 s9, s10;
	s7 =	sadd.s32 s7, s2  }
0x11: {  	s9 =	sadd.s32 s9, s3;
	s11 =	sadd.s32 s1, s23;
	s1 =	sadd.s32 s24, s1  }
0x12: {  	s24 =	simm.s32 $0x800;
	v1 =	vmov s6;
	s6 =	simm.s32 $0x3;
	s8 =	sshrl.u32 s8, $0x3  }
0x13: {  	s10 =	sshrl.u32 s10, $0x3;
	[dreg:$0xa] =	wrdreg s11;
	s11 =	sadd.s32 $0x40, s11  }
0x14: {  	[dreg:$0x5] =	wrdreg s1;
	s23 =	sshrl.u32 s7, $0x3;
	s28 =	sshrl.u32 s9, $0x3  }
0x15: {  	s9 =	simm.s32 $0x2;
	s7 =	simm.s32 $0x600;
	[dreg:$0xb] =	wrdreg s11  }
0x16: {  	v0 =	vlaneseq.u32;
	s8 =	sadd.s32 s8, s0;
	s0 =	sadd.s32 s10, s0;
	[dreg:$0xf] =	wrdreg s23  }
0x17: {  	v0 =	vmul.u32 $0x10, v0;
	s10 =	ssub.s32 s21, s22;
	[dreg:$0x10] =	wrdreg s28;
	s8 =	sadd.s32 $0xD800, s8  }
0x18: {  	v2 =	vimm.s32 $0x0;
	s21 =	simm.s32 $0xA000;
	s0 =	sadd.s32 $0x3800, s0;
	[dreg:$0xc] =	wrdreg s8  }
0x19: {  	v3 =	vimm.f32 $0.0e+00;
	v4 =	vimm.f32 $1.000000000e+00;
	v5 =	vor.u32 $0x100, v0;
	s22 =	simm.s32 $0x80;
	s26 =	smax.u32 s10, $0x1;
	[dreg:$0xd] =	wrdreg s0  }
0x1a: {  	v6 =	vor.u32 $0x200, v0;
	v7 =	vor.u32 $0x300, v0;
	v8 =	vor.u32 $0x400, v0;
	s11 =	simm.s32 $0x7;
	s10 =	simm.s32 $0x5;
	[dreg:$0xe] =	wrdreg s26  }
0x1b: {  	v9 =	vor.u32 $0x500, v0;
	v10 =	vor.u32 $0x600, v0;
	v11 =	vor.u32 $0x700, v0;
	s26 =	simm.s32 $0x2800;
	s8 =	simm.s32 $0x780;
	s0 =	simm.s32 $0x1  }
.LBB2_1:
0x1c: {  	[dreg:$0x11] =	wrdreg s30  }
0x1d: {  	s25 =	simm.s32 $0x9;
	s1 =	rddreg [dreg:$0x6]  }
0x1e: {  	[spmem:s23], [sflag:s16] =	dma.local [hbm:s1], $0x1400  }
0x1f: {  	_ =	swait.ge [sflag:s25], $0x1400  }
0x20: {  	[sflag:s25] =	ssyncset.done $0x0  }
0x21: {  	s23 =	rddreg [dreg:$0x7];
	[sflag:s25] =	ssyncadd.s32 $0xFFFFEC00  }
0x22: {  	[spmem:s28], [sflag:s16] =	dma.local [hbm:s23], $0x500  }
0x23: {  	_ =	swait.ge [sflag:s25], $0x500  }
0x24: {  	[sflag:s25] =	ssyncset.done $0x0  }
0x25: {  	[sflag:s25] =	ssyncadd.s32 $0xFFFFFB00  }
0x26: {  	[bflag:$0x0] =	sbarrier.arrive $0xFFFF  }
0x27: {  	s28 =	rddreg [dreg:$0x9]  }
0x28: {  	[tilespmem:s18], [sflag:$0x9] =	stream.linear.gather [spmem:s28], $0x800, $0x38;
	[tilespmem:$0x17200] =	vst v63  }
0x29: {  	_ =	swait.ge [sflag:s25], $0x800  }
0x2a: {  	[sflag:s25] =	ssyncset.done $0x0  }
0x2b: {  	[sflag:s25] =	ssyncadd.s32 $0xFFFFF800  }
0x2c: {  	[tilespmem:$0xA800] =	vst v2  }
0x2d: {  	[tilespmem:$0xA810] =	vst v2  }
0x2e: {  	[tilespmem:$0xA820] =	vst v2  }
0x2f: {  	[tilespmem:$0xA830] =	vst v2  }
0x30: {  	[tilespmem:$0xA840] =	vst v2  }
0x31: {  	[tilespmem:$0xA850] =	vst v2  }
0x32: {  	[tilespmem:$0xA860] =	vst v2  }
0x33: {  	[tilespmem:$0xA870] =	vst v2  }
0x34: {  	[tilespmem:s19], [sflag:$0x9] =	stream.linear.gather [spmem:s28], $0x800, $0x38;
	[tilespmem:$0x17200] =	vst v63  }
0x35: {  	_ =	swait.ge [sflag:s25], $0x800  }
0x36: {  	[sflag:s25] =	ssyncset.done $0x0  }
0x37: {  	[sflag:s25] =	ssyncadd.s32 $0xFFFFF800  }
0x38: {  	[tilespmem:$0xA880] =	vst v2  }
0x39: {  	[tilespmem:$0xA890] =	vst v2  }
0x3a: {  	[tilespmem:$0xA8A0] =	vst v2  }
0x3b: {  	[tilespmem:$0xA8B0] =	vst v2  }
0x3c: {  	[tilespmem:$0xA8C0] =	vst v2  }
0x3d: {  	[tilespmem:$0xA8D0] =	vst v2  }
0x3e: {  	[tilespmem:$0xA8E0] =	vst v2  }
0x3f: {  	[tilespmem:$0xA8F0] =	vst v2  }
0x40: {  	[tilespmem:s20], [sflag:$0x9] =	stream.linear.gather [spmem:s28], $0x800, $0x38;
	[tilespmem:$0x17200] =	vst v63  }
0x41: {  	_ =	swait.ge [sflag:s25], $0x800  }
0x42: {  	[sflag:s25] =	ssyncset.done $0x0  }
0x43: {  	[sflag:s25] =	ssyncadd.s32 $0xFFFFF800  }
0x44: {  	[tilespmem:$0xA900] =	vst v2  }
0x45: {  	[tilespmem:$0xA910] =	vst v2  }
0x46: {  	[tilespmem:$0xA920] =	vst v2  }
0x47: {  	[tilespmem:$0xA930] =	vst v2  }
0x48: {  	[tilespmem:$0xA940] =	vst v2  }
0x49: {  	[tilespmem:$0xA950] =	vst v2  }
0x4a: {  	[tilespmem:$0xA960] =	vst v2  }
0x4b: {  	[tilespmem:$0xA970] =	vst v2  }
0x4c: {  	[tilespmem:s21], [sflag:$0x9] =	stream.linear.gather [spmem:s28], $0x800, $0x38;
	[tilespmem:$0x17200] =	vst v63  }
0x4d: {  	_ =	swait.ge [sflag:s25], $0x800  }
0x4e: {  	[sflag:s25] =	ssyncset.done $0x0  }
0x4f: {  	[sflag:s25] =	ssyncadd.s32 $0xFFFFF800  }
0x50: {  	[tilespmem:$0xA980] =	vst v2  }
0x51: {  	[tilespmem:$0xA990] =	vst v2  }
0x52: {  	[tilespmem:$0xA9A0] =	vst v2  }
0x53: {  	[tilespmem:$0xA9B0] =	vst v2  }
0x54: {  	[tilespmem:$0xA9C0] =	vst v2  }
0x55: {  	[tilespmem:$0xA9D0] =	vst v2  }
0x56: {  	[tilespmem:$0xA9E0] =	vst v2  }
0x57: {  	s30 =	rddreg [dreg:$0xa];
	[tilespmem:$0xA9F0] =	vst v2  }
0x58: {  	[tilespmem:s4], [sflag:$0x9] =	stream.linear.gather [hbm4b:s30+s4], $0x200, $0x38;
	[tilespmem:$0x17200] =	vst v63  }
0x59: {  	_ =	swait.ge [sflag:s25], $0x200  }
0x5a: {  	[sflag:s25] =	ssyncset.done $0x0  }
0x5b: {  	[sflag:s25] =	ssyncadd.s32 $0xFFFFFE00  }
0x5c: {  	v12 =	vld [tilespmem:$0x0];
	_ =	sdelay $0x1  }
0x5d: {  	v13 =	vld [tilespmem:$0xA800];
	_ =	sdelay $0x2  }
0x5e: {  	v14 =	vshrl.u32 v12, $0xE  }
0x5f: {  	v14 =	vand.u32 $0x3, v14  }
0x60: {  	v13 =	vadd.s32 v0, v13;
	v15 =	vadd.s32 v1, v14  }
0x61: {  	v17 =	vor.u32 v0, v14;
	v15 =	vmul.u32 $0x2710, v15  }
0x62: {  	v16 =	vand.u32 $0x3FFF, v12;
	v12 =	vshrl.u32 v12, $0x10  }
0x63: {  	[tilespmem:$0x600] =	vst v12;
	v15 =	vadd.s32 v16, v15  }
0x64: {  	[tilespmem:$0x400] =	vst v15  }
0x65: {  	[tilespmem:v13+s18+$0x0] =	vst.idx.msk $0xffff, v3  }
0x66: {  	[tilespmem:v17+s18+$0x0] =	vst.idx.msk $0xffff, v4  }
0x67: {  	v60 =	vld [tilespmem:$0x10];
	_ =	sdelay $0x1  }
0x68: {  	v13 =	vld [tilespmem:$0xA810];
	_ =	sdelay $0x2  }
0x69: {  	v61 =	vshrl.u32 v60, $0xE  }
0x6a: {  	v15 =	vand.u32 $0x3, v61  }
0x6b: {  	v13 =	vadd.s32 v5, v13;
	v62 =	vadd.s32 v1, v15  }
0x6c: {  	v18 =	vor.u32 v5, v15;
	v16 =	vmul.u32 $0x2710, v62  }
0x6d: {  	[tilespmem:$0xA800] =	vst v14;
	v63 =	vand.u32 $0x3FFF, v60;
	v12 =	vshrl.u32 v60, $0x10  }
0x6e: {  	[tilespmem:$0x610] =	vst v12;
	v21 =	vadd.s32 v63, v16  }
0x6f: {  	[tilespmem:$0x410] =	vst v21  }
0x70: {  	[tilespmem:v13+s18+$0x0] =	vst.idx.msk $0xffff, v3  }
0x71: {  	[tilespmem:v18+s18+$0x0] =	vst.idx.msk $0xffff, v4  }
0x72: {  	v22 =	vld [tilespmem:$0x20];
	_ =	sdelay $0x1  }
0x73: {  	v13 =	vld [tilespmem:$0xA820];
	_ =	sdelay $0x2  }
0x74: {  	v23 =	vshrl.u32 v22, $0xE  }
0x75: {  	v14 =	vand.u32 $0x3, v23  }
0x76: {  	v13 =	vadd.s32 v6, v13;
	v24 =	vadd.s32 v1, v14  }
0x77: {  	v26 =	vor.u32 v6, v14;
	v16 =	vmul.u32 $0x2710, v24  }
0x78: {  	[tilespmem:$0xA810] =	vst v15;
	v25 =	vand.u32 $0x3FFF, v22;
	v12 =	vshrl.u32 v22, $0x10  }
0x79: {  	[tilespmem:$0x620] =	vst v12;
	v27 =	vadd.s32 v25, v16  }
0x7a: {  	[tilespmem:$0x420] =	vst v27  }
0x7b: {  	[tilespmem:v13+s18+$0x0] =	vst.idx.msk $0xffff, v3  }
0x7c: {  	[tilespmem:v26+s18+$0x0] =	vst.idx.msk $0xffff, v4  }
0x7d: {  	v28 =	vld [tilespmem:$0x30];
	_ =	sdelay $0x1  }
0x7e: {  	v13 =	vld [tilespmem:$0xA830];
	_ =	sdelay $0x2  }
0x7f: {  	v29 =	vshrl.u32 v28, $0xE  }
0x80: {  	v15 =	vand.u32 $0x3, v29  }
0x81: {  	v13 =	vadd.s32 v7, v13;
	v30 =	vadd.s32 v1, v15  }
0x82: {  	v32 =	vor.u32 v7, v15;
	v16 =	vmul.u32 $0x2710, v30  }
0x83: {  	[tilespmem:$0xA820] =	vst v14;
	v31 =	vand.u32 $0x3FFF, v28;
	v12 =	vshrl.u32 v28, $0x10  }
0x84: {  	[tilespmem:$0x630] =	vst v12;
	v33 =	vadd.s32 v31, v16  }
0x85: {  	[tilespmem:$0x430] =	vst v33  }
0x86: {  	[tilespmem:v13+s18+$0x0] =	vst.idx.msk $0xffff, v3  }
0x87: {  	[tilespmem:v32+s18+$0x0] =	vst.idx.msk $0xffff, v4  }
0x88: {  	v34 =	vld [tilespmem:$0x40];
	_ =	sdelay $0x1  }
0x89: {  	v13 =	vld [tilespmem:$0xA840];
	_ =	sdelay $0x2  }
0x8a: {  	v35 =	vshrl.u32 v34, $0xE  }
0x8b: {  	v14 =	vand.u32 $0x3, v35  }
0x8c: {  	v13 =	vadd.s32 v8, v13;
	v36 =	vadd.s32 v1, v14  }
0x8d: {  	v38 =	vor.u32 v8, v14;
	v16 =	vmul.u32 $0x2710, v36  }
0x8e: {  	[tilespmem:$0xA830] =	vst v15;
	v37 =	vand.u32 $0x3FFF, v34;
	v12 =	vshrl.u32 v34, $0x10  }
0x8f: {  	[tilespmem:$0x640] =	vst v12;
	v39 =	vadd.s32 v37, v16  }
0x90: {  	[tilespmem:$0x440] =	vst v39  }
0x91: {  	[tilespmem:v13+s18+$0x0] =	vst.idx.msk $0xffff, v3  }
0x92: {  	[tilespmem:v38+s18+$0x0] =	vst.idx.msk $0xffff, v4  }
0x93: {  	v40 =	vld [tilespmem:$0x50];
	_ =	sdelay $0x1  }
0x94: {  	v13 =	vld [tilespmem:$0xA850];
	_ =	sdelay $0x2  }
0x95: {  	v41 =	vshrl.u32 v40, $0xE  }
0x96: {  	v15 =	vand.u32 $0x3, v41  }
0x97: {  	v13 =	vadd.s32 v9, v13;
	v42 =	vadd.s32 v1, v15  }
0x98: {  	v44 =	vor.u32 v9, v15;
	v16 =	vmul.u32 $0x2710, v42  }
0x99: {  	[tilespmem:$0xA840] =	vst v14;
	v43 =	vand.u32 $0x3FFF, v40;
	v12 =	vshrl.u32 v40, $0x10  }
0x9a: {  	[tilespmem:$0x650] =	vst v12;
	v45 =	vadd.s32 v43, v16  }
0x9b: {  	[tilespmem:$0x450] =	vst v45  }
0x9c: {  	[tilespmem:v13+s18+$0x0] =	vst.idx.msk $0xffff, v3  }
0x9d: {  	[tilespmem:v44+s18+$0x0] =	vst.idx.msk $0xffff, v4  }
0x9e: {  	v46 =	vld [tilespmem:$0x60];
	_ =	sdelay $0x1  }
0x9f: {  	v13 =	vld [tilespmem:$0xA860];
	_ =	sdelay $0x2  }
0xa0: {  	v47 =	vshrl.u32 v46, $0xE  }
0xa1: {  	v14 =	vand.u32 $0x3, v47  }
0xa2: {  	v13 =	vadd.s32 v10, v13;
	v48 =	vadd.s32 v1, v14  }
0xa3: {  	v50 =	vor.u32 v10, v14;
	v16 =	vmul.u32 $0x2710, v48  }
0xa4: {  	[tilespmem:$0xA850] =	vst v15;
	v49 =	vand.u32 $0x3FFF, v46;
	v12 =	vshrl.u32 v46, $0x10  }
0xa5: {  	[tilespmem:$0x660] =	vst v12;
	v51 =	vadd.s32 v49, v16  }
0xa6: {  	[tilespmem:$0x460] =	vst v51  }
0xa7: {  	[tilespmem:v13+s18+$0x0] =	vst.idx.msk $0xffff, v3  }
0xa8: {  	[tilespmem:v50+s18+$0x0] =	vst.idx.msk $0xffff, v4  }
0xa9: {  	v52 =	vld [tilespmem:$0x70];
	_ =	sdelay $0x1  }
0xaa: {  	v13 =	vld [tilespmem:$0xA870];
	_ =	sdelay $0x2  }
0xab: {  	v53 =	vshrl.u32 v52, $0xE  }
0xac: {  	v15 =	vand.u32 $0x3, v53  }
0xad: {  	v13 =	vadd.s32 v11, v13;
	v54 =	vadd.s32 v1, v15  }
0xae: {  	v56 =	vor.u32 v11, v15;
	v16 =	vmul.u32 $0x2710, v54  }
0xaf: {  	[tilespmem:$0xA860] =	vst v14;
	v55 =	vand.u32 $0x3FFF, v52;
	v12 =	vshrl.u32 v52, $0x10  }
0xb0: {  	[tilespmem:$0x670] =	vst v12;
	v57 =	vadd.s32 v55, v16  }
0xb1: {  	[tilespmem:$0x470] =	vst v57  }
0xb2: {  	[tilespmem:v13+s18+$0x0] =	vst.idx.msk $0xffff, v3  }
0xb3: {  	[tilespmem:v56+s18+$0x0] =	vst.idx.msk $0xffff, v4  }
0xb4: {  	s16 =	simm.s32 $0x400;
	[tilespmem:$0xA870] =	vst v15  }
0xb5: {  	[tilespmem:s24], [sflag:$0x3] =	stream.indirect.gather [hbm4b:s5+s22], $0x40, s16, s22, $0xb8;
	[tilespmem:$0x17200] =	vst v63  }
0xb6: {  	v58 =	vld [tilespmem:$0x80];
	_ =	sdelay $0x1  }
0xb7: {  	v13 =	vld [tilespmem:$0xA880];
	_ =	sdelay $0x2  }
0xb8: {  	v59 =	vshrl.u32 v58, $0xE  }
0xb9: {  	v14 =	vand.u32 $0x3, v59  }
0xba: {  	v13 =	vadd.s32 v0, v13;
	v60 =	vadd.s32 v1, v14  }
0xbb: {  	v62 =	vor.u32 v0, v14;
	v15 =	vmul.u32 $0x2710, v60  }
0xbc: {  	v61 =	vand.u32 $0x3FFF, v58;
	v12 =	vshrl.u32 v58, $0x10  }
0xbd: {  	[tilespmem:$0x680] =	vst v12;
	v15 =	vadd.s32 v61, v15  }
0xbe: {  	[tilespmem:$0x480] =	vst v15  }
0xbf: {  	[tilespmem:v13+s19+$0x0] =	vst.idx.msk $0xffff, v3  }
0xc0: {  	[tilespmem:v62+s19+$0x0] =	vst.idx.msk $0xffff, v4  }
0xc1: {  	v63 =	vld [tilespmem:$0x90];
	_ =	sdelay $0x1  }
0xc2: {  	v13 =	vld [tilespmem:$0xA890];
	_ =	sdelay $0x2  }
0xc3: {  	v19 =	vshrl.u32 v63, $0xE  }
0xc4: {  	v15 =	vand.u32 $0x3, v19  }
0xc5: {  	v13 =	vadd.s32 v5, v13;
	v20 =	vadd.s32 v1, v15  }
0xc6: {  	v22 =	vor.u32 v5, v15;
	v16 =	vmul.u32 $0x2710, v20  }
0xc7: {  	[tilespmem:$0xA880] =	vst v14;
	v21 =	vand.u32 $0x3FFF, v63;
	v12 =	vshrl.u32 v63, $0x10  }
0xc8: {  	[tilespmem:$0x690] =	vst v12;
	v23 =	vadd.s32 v21, v16  }
0xc9: {  	[tilespmem:$0x490] =	vst v23  }
0xca: {  	[tilespmem:v13+s19+$0x0] =	vst.idx.msk $0xffff, v3  }
0xcb: {  	[tilespmem:v22+s19+$0x0] =	vst.idx.msk $0xffff, v4  }
0xcc: {  	v24 =	vld [tilespmem:$0xA0];
	_ =	sdelay $0x1  }
0xcd: {  	v13 =	vld [tilespmem:$0xA8A0];
	_ =	sdelay $0x2  }
0xce: {  	v25 =	vshrl.u32 v24, $0xE  }
0xcf: {  	v14 =	vand.u32 $0x3, v25  }
0xd0: {  	v13 =	vadd.s32 v6, v13;
	v26 =	vadd.s32 v1, v14  }
0xd1: {  	v28 =	vor.u32 v6, v14;
	v16 =	vmul.u32 $0x2710, v26  }
0xd2: {  	[tilespmem:$0xA890] =	vst v15;
	v27 =	vand.u32 $0x3FFF, v24;
	v12 =	vshrl.u32 v24, $0x10  }
0xd3: {  	[tilespmem:$0x6A0] =	vst v12;
	v29 =	vadd.s32 v27, v16  }
0xd4: {  	[tilespmem:$0x4A0] =	vst v29  }
0xd5: {  	[tilespmem:v13+s19+$0x0] =	vst.idx.msk $0xffff, v3  }
0xd6: {  	[tilespmem:v28+s19+$0x0] =	vst.idx.msk $0xffff, v4  }
0xd7: {  	v30 =	vld [tilespmem:$0xB0];
	_ =	sdelay $0x1  }
0xd8: {  	v13 =	vld [tilespmem:$0xA8B0];
	_ =	sdelay $0x2  }
0xd9: {  	v31 =	vshrl.u32 v30, $0xE  }
0xda: {  	v15 =	vand.u32 $0x3, v31  }
0xdb: {  	v13 =	vadd.s32 v7, v13;
	v32 =	vadd.s32 v1, v15  }
0xdc: {  	v34 =	vor.u32 v7, v15;
	v16 =	vmul.u32 $0x2710, v32  }
0xdd: {  	[tilespmem:$0xA8A0] =	vst v14;
	v33 =	vand.u32 $0x3FFF, v30;
	v12 =	vshrl.u32 v30, $0x10  }
0xde: {  	[tilespmem:$0x6B0] =	vst v12;
	v35 =	vadd.s32 v33, v16  }
0xdf: {  	[tilespmem:$0x4B0] =	vst v35  }
0xe0: {  	[tilespmem:v13+s19+$0x0] =	vst.idx.msk $0xffff, v3  }
0xe1: {  	[tilespmem:v34+s19+$0x0] =	vst.idx.msk $0xffff, v4  }
0xe2: {  	v36 =	vld [tilespmem:$0xC0];
	_ =	sdelay $0x1  }
0xe3: {  	v13 =	vld [tilespmem:$0xA8C0];
	_ =	sdelay $0x2  }
0xe4: {  	v37 =	vshrl.u32 v36, $0xE  }
0xe5: {  	v14 =	vand.u32 $0x3, v37  }
0xe6: {  	v13 =	vadd.s32 v8, v13;
	v38 =	vadd.s32 v1, v14  }
0xe7: {  	v40 =	vor.u32 v8, v14;
	v16 =	vmul.u32 $0x2710, v38  }
0xe8: {  	[tilespmem:$0xA8B0] =	vst v15;
	v39 =	vand.u32 $0x3FFF, v36;
	v12 =	vshrl.u32 v36, $0x10  }
0xe9: {  	[tilespmem:$0x6C0] =	vst v12;
	v41 =	vadd.s32 v39, v16  }
0xea: {  	[tilespmem:$0x4C0] =	vst v41  }
0xeb: {  	[tilespmem:v13+s19+$0x0] =	vst.idx.msk $0xffff, v3  }
0xec: {  	[tilespmem:v40+s19+$0x0] =	vst.idx.msk $0xffff, v4  }
0xed: {  	v42 =	vld [tilespmem:$0xD0];
	_ =	sdelay $0x1  }
0xee: {  	v13 =	vld [tilespmem:$0xA8D0];
	_ =	sdelay $0x2  }
0xef: {  	v43 =	vshrl.u32 v42, $0xE  }
0xf0: {  	v15 =	vand.u32 $0x3, v43  }
0xf1: {  	v13 =	vadd.s32 v9, v13;
	v44 =	vadd.s32 v1, v15  }
0xf2: {  	v46 =	vor.u32 v9, v15;
	v16 =	vmul.u32 $0x2710, v44  }
0xf3: {  	[tilespmem:$0xA8C0] =	vst v14;
	v45 =	vand.u32 $0x3FFF, v42;
	v12 =	vshrl.u32 v42, $0x10  }
0xf4: {  	[tilespmem:$0x6D0] =	vst v12;
	v47 =	vadd.s32 v45, v16  }
0xf5: {  	[tilespmem:$0x4D0] =	vst v47  }
0xf6: {  	[tilespmem:v13+s19+$0x0] =	vst.idx.msk $0xffff, v3  }
0xf7: {  	[tilespmem:v46+s19+$0x0] =	vst.idx.msk $0xffff, v4  }
0xf8: {  	v48 =	vld [tilespmem:$0xE0];
	_ =	sdelay $0x1  }
0xf9: {  	v13 =	vld [tilespmem:$0xA8E0];
	_ =	sdelay $0x2  }
0xfa: {  	v49 =	vshrl.u32 v48, $0xE  }
0xfb: {  	v14 =	vand.u32 $0x3, v49  }
0xfc: {  	v13 =	vadd.s32 v10, v13;
	v50 =	vadd.s32 v1, v14  }
0xfd: {  	v52 =	vor.u32 v10, v14;
	v16 =	vmul.u32 $0x2710, v50  }
0xfe: {  	[tilespmem:$0xA8D0] =	vst v15;
	v51 =	vand.u32 $0x3FFF, v48;
	v12 =	vshrl.u32 v48, $0x10  }
0xff: {  	[tilespmem:$0x6E0] =	vst v12;
	v53 =	vadd.s32 v51, v16  }
0x100: {  	[tilespmem:$0x4E0] =	vst v53  }
0x101: {  	[tilespmem:v13+s19+$0x0] =	vst.idx.msk $0xffff, v3  }
0x102: {  	[tilespmem:v52+s19+$0x0] =	vst.idx.msk $0xffff, v4  }
0x103: {  	v54 =	vld [tilespmem:$0xF0];
	_ =	sdelay $0x1  }
0x104: {  	v13 =	vld [tilespmem:$0xA8F0];
	_ =	sdelay $0x2  }
0x105: {  	v55 =	vshrl.u32 v54, $0xE  }
0x106: {  	v15 =	vand.u32 $0x3, v55  }
0x107: {  	v13 =	vadd.s32 v11, v13;
	v56 =	vadd.s32 v1, v15  }
0x108: {  	v58 =	vor.u32 v11, v15;
	v16 =	vmul.u32 $0x2710, v56  }
0x109: {  	[tilespmem:$0xA8E0] =	vst v14;
	v57 =	vand.u32 $0x3FFF, v54;
	v12 =	vshrl.u32 v54, $0x10  }
0x10a: {  	[tilespmem:$0x6F0] =	vst v12;
	v59 =	vadd.s32 v57, v16  }
0x10b: {  	[tilespmem:$0x4F0] =	vst v59  }
0x10c: {  	[tilespmem:v13+s19+$0x0] =	vst.idx.msk $0xffff, v3  }
0x10d: {  	[tilespmem:v58+s19+$0x0] =	vst.idx.msk $0xffff, v4  }
0x10e: {  	s23 =	simm.s32 $0x480;
	[tilespmem:$0xA8F0] =	vst v15  }
0x10f: {  	[tilespmem:s26], [sflag:$0x4] =	stream.indirect.gather [hbm4b:s5+s22], $0x40, s23, s22, $0xb8;
	[tilespmem:$0x17200] =	vst v63  }
0x110: {  	v60 =	vld [tilespmem:$0x100];
	_ =	sdelay $0x1  }
0x111: {  	v13 =	vld [tilespmem:$0xA900];
	_ =	sdelay $0x2  }
0x112: {  	v61 =	vshrl.u32 v60, $0xE  }
0x113: {  	v14 =	vand.u32 $0x3, v61  }
0x114: {  	v13 =	vadd.s32 v0, v13;
	v62 =	vadd.s32 v1, v14  }
0x115: {  	v20 =	vor.u32 v0, v14;
	v15 =	vmul.u32 $0x2710, v62  }
0x116: {  	v63 =	vand.u32 $0x3FFF, v60;
	v12 =	vshrl.u32 v60, $0x10  }
0x117: {  	[tilespmem:$0x700] =	vst v12;
	v15 =	vadd.s32 v63, v15  }
0x118: {  	[tilespmem:$0x500] =	vst v15  }
0x119: {  	[tilespmem:v13+s20+$0x0] =	vst.idx.msk $0xffff, v3  }
0x11a: {  	[tilespmem:v20+s20+$0x0] =	vst.idx.msk $0xffff, v4  }
0x11b: {  	v21 =	vld [tilespmem:$0x110];
	_ =	sdelay $0x1  }
0x11c: {  	v13 =	vld [tilespmem:$0xA910];
	_ =	sdelay $0x2  }
0x11d: {  	v22 =	vshrl.u32 v21, $0xE  }
0x11e: {  	v15 =	vand.u32 $0x3, v22  }
0x11f: {  	v13 =	vadd.s32 v5, v13;
	v23 =	vadd.s32 v1, v15  }
0x120: {  	v25 =	vor.u32 v5, v15;
	v16 =	vmul.u32 $0x2710, v23  }
0x121: {  	[tilespmem:$0xA900] =	vst v14;
	v24 =	vand.u32 $0x3FFF, v21;
	v12 =	vshrl.u32 v21, $0x10  }
0x122: {  	[tilespmem:$0x710] =	vst v12;
	v26 =	vadd.s32 v24, v16  }
0x123: {  	[tilespmem:$0x510] =	vst v26  }
0x124: {  	[tilespmem:v13+s20+$0x0] =	vst.idx.msk $0xffff, v3  }
0x125: {  	[tilespmem:v25+s20+$0x0] =	vst.idx.msk $0xffff, v4  }
0x126: {  	v27 =	vld [tilespmem:$0x120];
	_ =	sdelay $0x1  }
0x127: {  	v13 =	vld [tilespmem:$0xA920];
	_ =	sdelay $0x2  }
0x128: {  	v28 =	vshrl.u32 v27, $0xE  }
0x129: {  	v14 =	vand.u32 $0x3, v28  }
0x12a: {  	v13 =	vadd.s32 v6, v13;
	v29 =	vadd.s32 v1, v14  }
0x12b: {  	v31 =	vor.u32 v6, v14;
	v16 =	vmul.u32 $0x2710, v29  }
0x12c: {  	[tilespmem:$0xA910] =	vst v15;
	v30 =	vand.u32 $0x3FFF, v27;
	v12 =	vshrl.u32 v27, $0x10  }
0x12d: {  	[tilespmem:$0x720] =	vst v12;
	v32 =	vadd.s32 v30, v16  }
0x12e: {  	[tilespmem:$0x520] =	vst v32  }
0x12f: {  	[tilespmem:v13+s20+$0x0] =	vst.idx.msk $0xffff, v3  }
0x130: {  	[tilespmem:v31+s20+$0x0] =	vst.idx.msk $0xffff, v4  }
0x131: {  	v33 =	vld [tilespmem:$0x130];
	_ =	sdelay $0x1  }
0x132: {  	v13 =	vld [tilespmem:$0xA930];
	_ =	sdelay $0x2  }
0x133: {  	v34 =	vshrl.u32 v33, $0xE  }
0x134: {  	v15 =	vand.u32 $0x3, v34  }
0x135: {  	v13 =	vadd.s32 v7, v13;
	v35 =	vadd.s32 v1, v15  }
0x136: {  	v37 =	vor.u32 v7, v15;
	v16 =	vmul.u32 $0x2710, v35  }
0x137: {  	[tilespmem:$0xA920] =	vst v14;
	v36 =	vand.u32 $0x3FFF, v33;
	v12 =	vshrl.u32 v33, $0x10  }
0x138: {  	[tilespmem:$0x730] =	vst v12;
	v38 =	vadd.s32 v36, v16  }
0x139: {  	[tilespmem:$0x530] =	vst v38  }
0x13a: {  	[tilespmem:v13+s20+$0x0] =	vst.idx.msk $0xffff, v3  }
0x13b: {  	[tilespmem:v37+s20+$0x0] =	vst.idx.msk $0xffff, v4  }
0x13c: {  	v39 =	vld [tilespmem:$0x140];
	_ =	sdelay $0x1  }
0x13d: {  	v13 =	vld [tilespmem:$0xA940];
	_ =	sdelay $0x2  }
0x13e: {  	v40 =	vshrl.u32 v39, $0xE  }
0x13f: {  	v14 =	vand.u32 $0x3, v40  }
0x140: {  	v13 =	vadd.s32 v8, v13;
	v41 =	vadd.s32 v1, v14  }
0x141: {  	v43 =	vor.u32 v8, v14;
	v16 =	vmul.u32 $0x2710, v41  }
0x142: {  	[tilespmem:$0xA930] =	vst v15;
	v42 =	vand.u32 $0x3FFF, v39;
	v12 =	vshrl.u32 v39, $0x10  }
0x143: {  	[tilespmem:$0x740] =	vst v12;
	v44 =	vadd.s32 v42, v16  }
0x144: {  	[tilespmem:$0x540] =	vst v44  }
0x145: {  	[tilespmem:v13+s20+$0x0] =	vst.idx.msk $0xffff, v3  }
0x146: {  	[tilespmem:v43+s20+$0x0] =	vst.idx.msk $0xffff, v4  }
0x147: {  	v45 =	vld [tilespmem:$0x150];
	_ =	sdelay $0x1  }
0x148: {  	v13 =	vld [tilespmem:$0xA950];
	_ =	sdelay $0x2  }
0x149: {  	v46 =	vshrl.u32 v45, $0xE  }
0x14a: {  	v15 =	vand.u32 $0x3, v46  }
0x14b: {  	v13 =	vadd.s32 v9, v13;
	v47 =	vadd.s32 v1, v15  }
0x14c: {  	v49 =	vor.u32 v9, v15;
	v16 =	vmul.u32 $0x2710, v47  }
0x14d: {  	[tilespmem:$0xA940] =	vst v14;
	v48 =	vand.u32 $0x3FFF, v45;
	v12 =	vshrl.u32 v45, $0x10  }
0x14e: {  	[tilespmem:$0x750] =	vst v12;
	v50 =	vadd.s32 v48, v16  }
0x14f: {  	[tilespmem:$0x550] =	vst v50  }
0x150: {  	[tilespmem:v13+s20+$0x0] =	vst.idx.msk $0xffff, v3  }
0x151: {  	[tilespmem:v49+s20+$0x0] =	vst.idx.msk $0xffff, v4  }
0x152: {  	v51 =	vld [tilespmem:$0x160];
	_ =	sdelay $0x1  }
0x153: {  	v13 =	vld [tilespmem:$0xA960];
	_ =	sdelay $0x2  }
0x154: {  	v52 =	vshrl.u32 v51, $0xE  }
0x155: {  	v14 =	vand.u32 $0x3, v52  }
0x156: {  	v13 =	vadd.s32 v10, v13;
	v53 =	vadd.s32 v1, v14  }
0x157: {  	v55 =	vor.u32 v10, v14;
	v16 =	vmul.u32 $0x2710, v53  }
0x158: {  	[tilespmem:$0xA950] =	vst v15;
	v54 =	vand.u32 $0x3FFF, v51;
	v12 =	vshrl.u32 v51, $0x10  }
0x159: {  	[tilespmem:$0x760] =	vst v12;
	v56 =	vadd.s32 v54, v16  }
0x15a: {  	[tilespmem:$0x560] =	vst v56  }
0x15b: {  	[tilespmem:v13+s20+$0x0] =	vst.idx.msk $0xffff, v3  }
0x15c: {  	[tilespmem:v55+s20+$0x0] =	vst.idx.msk $0xffff, v4  }
0x15d: {  	v57 =	vld [tilespmem:$0x170];
	_ =	sdelay $0x1  }
0x15e: {  	v13 =	vld [tilespmem:$0xA970];
	_ =	sdelay $0x2  }
0x15f: {  	v58 =	vshrl.u32 v57, $0xE  }
0x160: {  	v15 =	vand.u32 $0x3, v58  }
0x161: {  	v13 =	vadd.s32 v11, v13;
	v59 =	vadd.s32 v1, v15  }
0x162: {  	v61 =	vor.u32 v11, v15;
	v16 =	vmul.u32 $0x2710, v59  }
0x163: {  	[tilespmem:$0xA960] =	vst v14;
	v60 =	vand.u32 $0x3FFF, v57;
	v12 =	vshrl.u32 v57, $0x10  }
0x164: {  	[tilespmem:$0x770] =	vst v12;
	v62 =	vadd.s32 v60, v16  }
0x165: {  	[tilespmem:$0x570] =	vst v62  }
0x166: {  	[tilespmem:v13+s20+$0x0] =	vst.idx.msk $0xffff, v3  }
0x167: {  	[tilespmem:v61+s20+$0x0] =	vst.idx.msk $0xffff, v4  }
0x168: {  	s25 =	simm.s32 $0x500;
	[tilespmem:$0xA970] =	vst v15  }
0x169: {  	[tilespmem:s29], [sflag:$0x5] =	stream.indirect.gather [hbm4b:s5+s22], $0x40, s25, s22, $0xb8;
	[tilespmem:$0x17200] =	vst v63  }
0x16a: {  	v63 =	vld [tilespmem:$0x180];
	_ =	sdelay $0x1  }
0x16b: {  	v13 =	vld [tilespmem:$0xA980];
	_ =	sdelay $0x2  }
0x16c: {  	v18 =	vshrl.u32 v63, $0xE  }
0x16d: {  	v14 =	vand.u32 $0x3, v18  }
0x16e: {  	v13 =	vadd.s32 v0, v13;
	v19 =	vadd.s32 v1, v14  }
0x16f: {  	v21 =	vor.u32 v0, v14;
	v15 =	vmul.u32 $0x2710, v19  }
0x170: {  	v20 =	vand.u32 $0x3FFF, v63;
	v12 =	vshrl.u32 v63, $0x10  }
0x171: {  	[tilespmem:$0x780] =	vst v12;
	v15 =	vadd.s32 v20, v15  }
0x172: {  	[tilespmem:$0x580] =	vst v15  }
0x173: {  	[tilespmem:v13+s21+$0x0] =	vst.idx.msk $0xffff, v3  }
0x174: {  	[tilespmem:v21+s21+$0x0] =	vst.idx.msk $0xffff, v4  }
0x175: {  	v22 =	vld [tilespmem:$0x190];
	_ =	sdelay $0x1  }
0x176: {  	v13 =	vld [tilespmem:$0xA990];
	_ =	sdelay $0x2  }
0x177: {  	v23 =	vshrl.u32 v22, $0xE  }
0x178: {  	v15 =	vand.u32 $0x3, v23  }
0x179: {  	v13 =	vadd.s32 v5, v13;
	v24 =	vadd.s32 v1, v15  }
0x17a: {  	v26 =	vor.u32 v5, v15;
	v16 =	vmul.u32 $0x2710, v24  }
0x17b: {  	[tilespmem:$0xA980] =	vst v14;
	v25 =	vand.u32 $0x3FFF, v22;
	v12 =	vshrl.u32 v22, $0x10  }
0x17c: {  	[tilespmem:$0x790] =	vst v12;
	v27 =	vadd.s32 v25, v16  }
0x17d: {  	[tilespmem:$0x590] =	vst v27  }
0x17e: {  	[tilespmem:v13+s21+$0x0] =	vst.idx.msk $0xffff, v3  }
0x17f: {  	[tilespmem:v26+s21+$0x0] =	vst.idx.msk $0xffff, v4  }
0x180: {  	v28 =	vld [tilespmem:$0x1A0];
	_ =	sdelay $0x1  }
0x181: {  	v13 =	vld [tilespmem:$0xA9A0];
	_ =	sdelay $0x2  }
0x182: {  	v29 =	vshrl.u32 v28, $0xE  }
0x183: {  	v14 =	vand.u32 $0x3, v29  }
0x184: {  	v13 =	vadd.s32 v6, v13;
	v30 =	vadd.s32 v1, v14  }
0x185: {  	v32 =	vor.u32 v6, v14;
	v16 =	vmul.u32 $0x2710, v30  }
0x186: {  	[tilespmem:$0xA990] =	vst v15;
	v31 =	vand.u32 $0x3FFF, v28;
	v12 =	vshrl.u32 v28, $0x10  }
0x187: {  	[tilespmem:$0x7A0] =	vst v12;
	v33 =	vadd.s32 v31, v16  }
0x188: {  	[tilespmem:$0x5A0] =	vst v33  }
0x189: {  	[tilespmem:v13+s21+$0x0] =	vst.idx.msk $0xffff, v3  }
0x18a: {  	[tilespmem:v32+s21+$0x0] =	vst.idx.msk $0xffff, v4  }
0x18b: {  	v34 =	vld [tilespmem:$0x1B0];
	_ =	sdelay $0x1  }
0x18c: {  	v13 =	vld [tilespmem:$0xA9B0];
	_ =	sdelay $0x2  }
0x18d: {  	v35 =	vshrl.u32 v34, $0xE  }
0x18e: {  	v15 =	vand.u32 $0x3, v35  }
0x18f: {  	v13 =	vadd.s32 v7, v13;
	v36 =	vadd.s32 v1, v15  }
0x190: {  	v38 =	vor.u32 v7, v15;
	v16 =	vmul.u32 $0x2710, v36  }
0x191: {  	[tilespmem:$0xA9A0] =	vst v14;
	v37 =	vand.u32 $0x3FFF, v34;
	v12 =	vshrl.u32 v34, $0x10  }
0x192: {  	[tilespmem:$0x7B0] =	vst v12;
	v39 =	vadd.s32 v37, v16  }
0x193: {  	[tilespmem:$0x5B0] =	vst v39  }
0x194: {  	[tilespmem:v13+s21+$0x0] =	vst.idx.msk $0xffff, v3  }
0x195: {  	[tilespmem:v38+s21+$0x0] =	vst.idx.msk $0xffff, v4  }
0x196: {  	v40 =	vld [tilespmem:$0x1C0];
	_ =	sdelay $0x1  }
0x197: {  	v13 =	vld [tilespmem:$0xA9C0];
	_ =	sdelay $0x2  }
0x198: {  	v41 =	vshrl.u32 v40, $0xE  }
0x199: {  	v14 =	vand.u32 $0x3, v41  }
0x19a: {  	v13 =	vadd.s32 v8, v13;
	v42 =	vadd.s32 v1, v14  }
0x19b: {  	v44 =	vor.u32 v8, v14;
	v16 =	vmul.u32 $0x2710, v42  }
0x19c: {  	[tilespmem:$0xA9B0] =	vst v15;
	v43 =	vand.u32 $0x3FFF, v40;
	v12 =	vshrl.u32 v40, $0x10  }
0x19d: {  	[tilespmem:$0x7C0] =	vst v12;
	v45 =	vadd.s32 v43, v16  }
0x19e: {  	[tilespmem:$0x5C0] =	vst v45  }
0x19f: {  	[tilespmem:v13+s21+$0x0] =	vst.idx.msk $0xffff, v3  }
0x1a0: {  	[tilespmem:v44+s21+$0x0] =	vst.idx.msk $0xffff, v4  }
0x1a1: {  	v46 =	vld [tilespmem:$0x1D0];
	_ =	sdelay $0x1  }
0x1a2: {  	v13 =	vld [tilespmem:$0xA9D0];
	_ =	sdelay $0x2  }
0x1a3: {  	v47 =	vshrl.u32 v46, $0xE  }
0x1a4: {  	v15 =	vand.u32 $0x3, v47  }
0x1a5: {  	v13 =	vadd.s32 v9, v13;
	v48 =	vadd.s32 v1, v15  }
0x1a6: {  	v50 =	vor.u32 v9, v15;
	v16 =	vmul.u32 $0x2710, v48  }
0x1a7: {  	[tilespmem:$0xA9C0] =	vst v14;
	v49 =	vand.u32 $0x3FFF, v46;
	v12 =	vshrl.u32 v46, $0x10  }
0x1a8: {  	[tilespmem:$0x7D0] =	vst v12;
	v51 =	vadd.s32 v49, v16  }
0x1a9: {  	[tilespmem:$0x5D0] =	vst v51  }
0x1aa: {  	[tilespmem:v13+s21+$0x0] =	vst.idx.msk $0xffff, v3  }
0x1ab: {  	[tilespmem:v50+s21+$0x0] =	vst.idx.msk $0xffff, v4  }
0x1ac: {  	v52 =	vld [tilespmem:$0x1E0];
	_ =	sdelay $0x1  }
0x1ad: {  	v13 =	vld [tilespmem:$0xA9E0];
	_ =	sdelay $0x2  }
0x1ae: {  	v53 =	vshrl.u32 v52, $0xE  }
0x1af: {  	v14 =	vand.u32 $0x3, v53  }
0x1b0: {  	v13 =	vadd.s32 v10, v13;
	v54 =	vadd.s32 v1, v14  }
0x1b1: {  	v56 =	vor.u32 v10, v14;
	v16 =	vmul.u32 $0x2710, v54  }
0x1b2: {  	[tilespmem:$0xA9D0] =	vst v15;
	v55 =	vand.u32 $0x3FFF, v52;
	v12 =	vshrl.u32 v52, $0x10  }
0x1b3: {  	[tilespmem:$0x7E0] =	vst v12;
	v57 =	vadd.s32 v55, v16  }
0x1b4: {  	[tilespmem:$0x5E0] =	vst v57  }
0x1b5: {  	[tilespmem:v13+s21+$0x0] =	vst.idx.msk $0xffff, v3  }
0x1b6: {  	[tilespmem:v56+s21+$0x0] =	vst.idx.msk $0xffff, v4  }
0x1b7: {  	v58 =	vld [tilespmem:$0x1F0];
	_ =	sdelay $0x1  }
0x1b8: {  	v13 =	vld [tilespmem:$0xA9F0];
	_ =	sdelay $0x2  }
0x1b9: {  	v59 =	vshrl.u32 v58, $0xE  }
0x1ba: {  	v15 =	vand.u32 $0x3, v59  }
0x1bb: {  	v13 =	vadd.s32 v11, v13;
	v60 =	vadd.s32 v1, v15  }
0x1bc: {  	v62 =	vor.u32 v11, v15;
	v16 =	vmul.u32 $0x2710, v60  }
0x1bd: {  	[tilespmem:$0xA9E0] =	vst v14;
	v61 =	vand.u32 $0x3FFF, v58;
	v12 =	vshrl.u32 v58, $0x10  }
0x1be: {  	[tilespmem:$0x7F0] =	vst v12;
	v63 =	vadd.s32 v61, v16  }
0x1bf: {  	[tilespmem:$0x5F0] =	vst v63  }
0x1c0: {  	[tilespmem:v13+s21+$0x0] =	vst.idx.msk $0xffff, v3  }
0x1c1: {  	[tilespmem:v62+s21+$0x0] =	vst.idx.msk $0xffff, v4  }
0x1c2: {  	s25 =	simm.s32 $0x580;
	[tilespmem:$0xA9F0] =	vst v15  }
0x1c3: {  	[tilespmem:s31], [sflag:$0x6] =	stream.indirect.gather [hbm4b:s5+s22], $0x40, s25, s22, $0xb8;
	[tilespmem:$0x17200] =	vst v63  }
0x1c4: {  	s30 =	simm.s32 $0x200;
	s28 =	rddreg [dreg:$0xb];
	s16 =	simm.s32 $0xFFFFF600  }
0x1c5: {  	[tilespmem:s30], [sflag:$0x2] =	stream.linear.gather [hbm4b:s28+s4], $0x200, $0x38;
	[tilespmem:$0x17200] =	vst v63  }
.LBB2_2:
0x1c6: {  	_ =	swait.ge [sflag:s9], $0x200  }
0x1c7: {  	s1 =	rddreg [dreg:$0x5]  }
0x1c8: {  	[sflag:s9] =	ssyncset.done $0x0;
	s1 =	sadd.s32 s16, s1  }
0x1c9: {  	s23 =	simm.s32 $0x0;
	[sflag:s9] =	ssyncadd.s32 $0xFFFFFE00;
	s4 =	sadd.s32 $0xA80, s1  }
0x1ca: {  	[tilespmem:s23], [sflag:$0x1] =	stream.linear.gather [hbm4b:s4+s23], $0x200, $0x38;
	[tilespmem:$0x17200] =	vst v63  }
0x1cb: {  	_ =	swait.ge [sflag:s6], $0x2000  }
0x1cc: {  	[sflag:s6] =	ssyncset.done $0x0  }
0x1cd: {  	[sflag:s6] =	ssyncadd.s32 $0xFFFFE000  }
0x1ce: {  	[spmem:s2] =	stream.indirect.scatter.add.f32 [tilespmem:s24], [sflag:$0x7], $0x40, s7, s22, $0xb8;
	[tilespmem:$0x17200] =	vst v63  }
0x1cf: {  	_ = 	snop  }
0x1d0: {  	[spmem:s3] =	stream.indirect.scatter.add.f32 [tilespmem:s18], [sflag:$0x8], $0x10, s7, s22, $0xb8;
	[tilespmem:$0x17200] =	vst v63  }
0x1d1: {  	_ =	swait.ge [sflag:s11], $0x2000  }
0x1d2: {  	[sflag:s11] =	ssyncset.done $0x0  }
0x1d3: {  	[sflag:s11] =	ssyncadd.s32 $0xFFFFE000  }
0x1d4: {  	_ =	swait.ge [sflag:s12], $0x800  }
0x1d5: {  	[sflag:s12] =	ssyncset.done $0x0  }
0x1d6: {  	[sflag:s12] =	ssyncadd.s32 $0xFFFFF800  }
0x1d7: {  	v12 =	vld [tilespmem:$0x200];
	_ =	sdelay $0x1  }
0x1d8: {  	v13 =	vld [tilespmem:$0xA800];
	_ =	sdelay $0x2  }
0x1d9: {  	v14 =	vshrl.u32 v12, $0xE  }
0x1da: {  	v14 =	vand.u32 $0x3, v14  }
0x1db: {  	v13 =	vadd.s32 v0, v13;
	v15 =	vadd.s32 v1, v14  }
0x1dc: {  	v17 =	vor.u32 v0, v14;
	v15 =	vmul.u32 $0x2710, v15  }
0x1dd: {  	v16 =	vand.u32 $0x3FFF, v12;
	v12 =	vshrl.u32 v12, $0x10  }
0x1de: {  	[tilespmem:$0x600] =	vst v12;
	v15 =	vadd.s32 v16, v15  }
0x1df: {  	[tilespmem:$0x400] =	vst v15  }
0x1e0: {  	[tilespmem:v13+s18+$0x0] =	vst.idx.msk $0xffff, v3  }
0x1e1: {  	[tilespmem:v17+s18+$0x0] =	vst.idx.msk $0xffff, v4  }
0x1e2: {  	v40 =	vld [tilespmem:$0x210];
	_ =	sdelay $0x1  }
0x1e3: {  	v13 =	vld [tilespmem:$0xA810];
	_ =	sdelay $0x2  }
0x1e4: {  	v41 =	vshrl.u32 v40, $0xE  }
0x1e5: {  	v15 =	vand.u32 $0x3, v41  }
0x1e6: {  	v13 =	vadd.s32 v5, v13;
	v42 =	vadd.s32 v1, v15  }
0x1e7: {  	v18 =	vor.u32 v5, v15;
	v16 =	vmul.u32 $0x2710, v42  }
0x1e8: {  	[tilespmem:$0xA800] =	vst v14;
	v43 =	vand.u32 $0x3FFF, v40;
	v12 =	vshrl.u32 v40, $0x10  }
0x1e9: {  	[tilespmem:$0x610] =	vst v12;
	v44 =	vadd.s32 v43, v16  }
0x1ea: {  	[tilespmem:$0x410] =	vst v44  }
0x1eb: {  	[tilespmem:v13+s18+$0x0] =	vst.idx.msk $0xffff, v3  }
0x1ec: {  	[tilespmem:v18+s18+$0x0] =	vst.idx.msk $0xffff, v4  }
0x1ed: {  	v45 =	vld [tilespmem:$0x220];
	_ =	sdelay $0x4  }
0x1ee: {  	v46 =	vshrl.u32 v45, $0xE  }
0x1ef: {  	v13 =	vand.u32 $0x3, v46  }
0x1f0: {  	v47 =	vadd.s32 v1, v13  }
0x1f1: {  	v14 =	vmul.u32 $0x2710, v47  }
0x1f2: {  	v48 =	vand.u32 $0x3FFF, v45  }
0x1f3: {  	[tilespmem:$0xA810] =	vst v15;
	v14 =	vadd.s32 v48, v14  }
0x1f4: {  	[tilespmem:$0x420] =	vst v14  }
0x1f5: {  	v14 =	vld [tilespmem:$0xA820];
	_ =	sdelay $0x4  }
0x1f6: {  	v14 =	vadd.s32 v6, v14  }
0x1f7: {  	v49 =	vor.u32 v6, v13;
	_ =	sdelay $0x1  }
0x1f8: {  	v12 =	vshrl.u32 v45, $0x10  }
0x1f9: {  	[tilespmem:$0x620] =	vst v12  }
0x1fa: {  	[tilespmem:v14+s18+$0x0] =	vst.idx.msk $0xffff, v3  }
0x1fb: {  	[tilespmem:v49+s18+$0x0] =	vst.idx.msk $0xffff, v4  }
0x1fc: {  	v50 =	vld [tilespmem:$0x230];
	_ =	sdelay $0x1  }
0x1fd: {  	v14 =	vld [tilespmem:$0xA830];
	_ =	sdelay $0x2  }
0x1fe: {  	v51 =	vshrl.u32 v50, $0xE  }
0x1ff: {  	v15 =	vand.u32 $0x3, v51  }
0x200: {  	v14 =	vadd.s32 v7, v14;
	v52 =	vadd.s32 v1, v15  }
0x201: {  	v54 =	vor.u32 v7, v15;
	v16 =	vmul.u32 $0x2710, v52  }
0x202: {  	[tilespmem:$0xA820] =	vst v13;
	v53 =	vand.u32 $0x3FFF, v50;
	v12 =	vshrl.u32 v50, $0x10  }
0x203: {  	[tilespmem:$0x630] =	vst v12;
	v55 =	vadd.s32 v53, v16  }
0x204: {  	[tilespmem:$0x430] =	vst v55  }
0x205: {  	[tilespmem:v14+s18+$0x0] =	vst.idx.msk $0xffff, v3  }
0x206: {  	[tilespmem:v54+s18+$0x0] =	vst.idx.msk $0xffff, v4  }
0x207: {  	v56 =	vld [tilespmem:$0x240];
	_ =	sdelay $0x1  }
0x208: {  	v57 =	vld [tilespmem:$0xA840];
	_ =	sdelay $0x2  }
0x209: {  	v58 =	vshrl.u32 v56, $0xE  }
0x20a: {  	v14 =	vand.u32 $0x3, v58  }
0x20b: {  	v13 =	vadd.s32 v8, v57;
	v59 =	vadd.s32 v1, v14  }
0x20c: {  	v61 =	vor.u32 v8, v14;
	v16 =	vmul.u32 $0x2710, v59  }
0x20d: {  	[tilespmem:$0xA830] =	vst v15;
	v60 =	vand.u32 $0x3FFF, v56;
	v12 =	vshrl.u32 v56, $0x10  }
0x20e: {  	[tilespmem:$0x640] =	vst v12;
	v62 =	vadd.s32 v60, v16  }
0x20f: {  	[tilespmem:$0x440] =	vst v62  }
0x210: {  	[tilespmem:v13+s18+$0x0] =	vst.idx.msk $0xffff, v3  }
0x211: {  	[tilespmem:v61+s18+$0x0] =	vst.idx.msk $0xffff, v4  }
0x212: {  	v63 =	vld [tilespmem:$0x250];
	_ =	sdelay $0x1  }
0x213: {  	v13 =	vld [tilespmem:$0xA850];
	_ =	sdelay $0x2  }
0x214: {  	v19 =	vshrl.u32 v63, $0xE  }
0x215: {  	v15 =	vand.u32 $0x3, v19  }
0x216: {  	v13 =	vadd.s32 v9, v13;
	v20 =	vadd.s32 v1, v15  }
0x217: {  	v22 =	vor.u32 v9, v15;
	v16 =	vmul.u32 $0x2710, v20  }
0x218: {  	[tilespmem:$0xA840] =	vst v14;
	v21 =	vand.u32 $0x3FFF, v63;
	v12 =	vshrl.u32 v63, $0x10  }
0x219: {  	[tilespmem:$0x650] =	vst v12;
	v23 =	vadd.s32 v21, v16  }
0x21a: {  	[tilespmem:$0x450] =	vst v23  }
0x21b: {  	[tilespmem:v13+s18+$0x0] =	vst.idx.msk $0xffff, v3  }
0x21c: {  	[tilespmem:v22+s18+$0x0] =	vst.idx.msk $0xffff, v4  }
0x21d: {  	v24 =	vld [tilespmem:$0x260];
	_ =	sdelay $0x1  }
0x21e: {  	v13 =	vld [tilespmem:$0xA860];
	_ =	sdelay $0x2  }
0x21f: {  	v25 =	vshrl.u32 v24, $0xE  }
0x220: {  	v14 =	vand.u32 $0x3, v25  }
0x221: {  	v13 =	vadd.s32 v10, v13;
	v26 =	vadd.s32 v1, v14  }
0x222: {  	v28 =	vor.u32 v10, v14;
	v16 =	vmul.u32 $0x2710, v26  }
0x223: {  	[tilespmem:$0xA850] =	vst v15;
	v27 =	vand.u32 $0x3FFF, v24;
	v12 =	vshrl.u32 v24, $0x10  }
0x224: {  	[tilespmem:$0x660] =	vst v12;
	v29 =	vadd.s32 v27, v16  }
0x225: {  	[tilespmem:$0x460] =	vst v29  }
0x226: {  	[tilespmem:v13+s18+$0x0] =	vst.idx.msk $0xffff, v3  }
0x227: {  	[tilespmem:v28+s18+$0x0] =	vst.idx.msk $0xffff, v4  }
0x228: {  	v30 =	vld [tilespmem:$0x270];
	_ =	sdelay $0x1  }
0x229: {  	v13 =	vld [tilespmem:$0xA870];
	_ =	sdelay $0x2  }
0x22a: {  	v31 =	vshrl.u32 v30, $0xE  }
0x22b: {  	v15 =	vand.u32 $0x3, v31  }
0x22c: {  	v13 =	vadd.s32 v11, v13;
	v32 =	vadd.s32 v1, v15  }
0x22d: {  	v34 =	vor.u32 v11, v15;
	v16 =	vmul.u32 $0x2710, v32  }
0x22e: {  	[tilespmem:$0xA860] =	vst v14;
	v33 =	vand.u32 $0x3FFF, v30;
	v12 =	vshrl.u32 v30, $0x10  }
0x22f: {  	[tilespmem:$0x670] =	vst v12;
	v35 =	vadd.s32 v33, v16  }
0x230: {  	[tilespmem:$0x470] =	vst v35  }
0x231: {  	[tilespmem:v13+s18+$0x0] =	vst.idx.msk $0xffff, v3  }
0x232: {  	[tilespmem:v34+s18+$0x0] =	vst.idx.msk $0xffff, v4  }
0x233: {  	s23 =	simm.s32 $0x400;
	[tilespmem:$0xA870] =	vst v15  }
0x234: {  	[tilespmem:s24], [sflag:$0x3] =	stream.indirect.gather [hbm4b:s5+s22], $0x40, s23, s22, $0xb8;
	[tilespmem:$0x17200] =	vst v63  }
0x235: {  	_ =	swait.ge [sflag:s13], $0x2000  }
0x236: {  	[sflag:s13] =	ssyncset.done $0x0  }
0x237: {  	[sflag:s13] =	ssyncadd.s32 $0xFFFFE000  }
0x238: {  	[spmem:s2] =	stream.indirect.scatter.add.f32 [tilespmem:s26], [sflag:$0x7], $0x40, s14, s22, $0xb8;
	[tilespmem:$0x17200] =	vst v63  }
0x239: {  	_ = 	snop  }
0x23a: {  	[spmem:s3] =	stream.indirect.scatter.add.f32 [tilespmem:s19], [sflag:$0x8], $0x10, s14, s22, $0xb8;
	[tilespmem:$0x17200] =	vst v63  }
0x23b: {  	_ =	swait.ge [sflag:s11], $0x2000  }
0x23c: {  	[sflag:s11] =	ssyncset.done $0x0  }
0x23d: {  	[sflag:s11] =	ssyncadd.s32 $0xFFFFE000  }
0x23e: {  	_ =	swait.ge [sflag:s12], $0x800  }
0x23f: {  	[sflag:s12] =	ssyncset.done $0x0  }
0x240: {  	[sflag:s12] =	ssyncadd.s32 $0xFFFFF800  }
0x241: {  	v36 =	vld [tilespmem:$0x280];
	_ =	sdelay $0x1  }
0x242: {  	v37 =	vld [tilespmem:$0xA880];
	_ =	sdelay $0x2  }
0x243: {  	v38 =	vshrl.u32 v36, $0xE  }
0x244: {  	v14 =	vand.u32 $0x3, v38  }
0x245: {  	v13 =	vadd.s32 v0, v37;
	v39 =	vadd.s32 v1, v14  }
0x246: {  	v41 =	vor.u32 v0, v14;
	v15 =	vmul.u32 $0x2710, v39  }
0x247: {  	v40 =	vand.u32 $0x3FFF, v36;
	v12 =	vshrl.u32 v36, $0x10  }
0x248: {  	[tilespmem:$0x680] =	vst v12;
	v15 =	vadd.s32 v40, v15  }
0x249: {  	[tilespmem:$0x480] =	vst v15  }
0x24a: {  	[tilespmem:v13+s19+$0x0] =	vst.idx.msk $0xffff, v3  }
0x24b: {  	[tilespmem:v41+s19+$0x0] =	vst.idx.msk $0xffff, v4  }
0x24c: {  	v42 =	vld [tilespmem:$0x290];
	_ =	sdelay $0x1  }
0x24d: {  	v13 =	vld [tilespmem:$0xA890];
	_ =	sdelay $0x2  }
0x24e: {  	v43 =	vshrl.u32 v42, $0xE  }
0x24f: {  	v15 =	vand.u32 $0x3, v43  }
0x250: {  	v13 =	vadd.s32 v5, v13;
	v44 =	vadd.s32 v1, v15  }
0x251: {  	v46 =	vor.u32 v5, v15;
	v16 =	vmul.u32 $0x2710, v44  }
0x252: {  	[tilespmem:$0xA880] =	vst v14;
	v45 =	vand.u32 $0x3FFF, v42;
	v12 =	vshrl.u32 v42, $0x10  }
0x253: {  	[tilespmem:$0x690] =	vst v12;
	v47 =	vadd.s32 v45, v16  }
0x254: {  	[tilespmem:$0x490] =	vst v47  }
0x255: {  	[tilespmem:v13+s19+$0x0] =	vst.idx.msk $0xffff, v3  }
0x256: {  	[tilespmem:v46+s19+$0x0] =	vst.idx.msk $0xffff, v4  }
0x257: {  	v48 =	vld [tilespmem:$0x2A0];
	_ =	sdelay $0x1  }
0x258: {  	v13 =	vld [tilespmem:$0xA8A0];
	_ =	sdelay $0x2  }
0x259: {  	v49 =	vshrl.u32 v48, $0xE  }
0x25a: {  	v14 =	vand.u32 $0x3, v49  }
0x25b: {  	v13 =	vadd.s32 v6, v13;
	v50 =	vadd.s32 v1, v14  }
0x25c: {  	v52 =	vor.u32 v6, v14;
	v16 =	vmul.u32 $0x2710, v50  }
0x25d: {  	[tilespmem:$0xA890] =	vst v15;
	v51 =	vand.u32 $0x3FFF, v48;
	v12 =	vshrl.u32 v48, $0x10  }
0x25e: {  	[tilespmem:$0x6A0] =	vst v12;
	v53 =	vadd.s32 v51, v16  }
0x25f: {  	[tilespmem:$0x4A0] =	vst v53  }
0x260: {  	[tilespmem:v13+s19+$0x0] =	vst.idx.msk $0xffff, v3  }
0x261: {  	[tilespmem:v52+s19+$0x0] =	vst.idx.msk $0xffff, v4  }
0x262: {  	v54 =	vld [tilespmem:$0x2B0];
	_ =	sdelay $0x1  }
0x263: {  	v13 =	vld [tilespmem:$0xA8B0];
	_ =	sdelay $0x2  }
0x264: {  	v55 =	vshrl.u32 v54, $0xE  }
0x265: {  	v15 =	vand.u32 $0x3, v55  }
0x266: {  	v13 =	vadd.s32 v7, v13;
	v56 =	vadd.s32 v1, v15  }
0x267: {  	v58 =	vor.u32 v7, v15;
	v16 =	vmul.u32 $0x2710, v56  }
0x268: {  	[tilespmem:$0xA8A0] =	vst v14;
	v57 =	vand.u32 $0x3FFF, v54;
	v12 =	vshrl.u32 v54, $0x10  }
0x269: {  	[tilespmem:$0x6B0] =	vst v12;
	v59 =	vadd.s32 v57, v16  }
0x26a: {  	[tilespmem:$0x4B0] =	vst v59  }
0x26b: {  	[tilespmem:v13+s19+$0x0] =	vst.idx.msk $0xffff, v3  }
0x26c: {  	[tilespmem:v58+s19+$0x0] =	vst.idx.msk $0xffff, v4  }
0x26d: {  	v60 =	vld [tilespmem:$0x2C0];
	_ =	sdelay $0x1  }
0x26e: {  	v13 =	vld [tilespmem:$0xA8C0];
	_ =	sdelay $0x2  }
0x26f: {  	v61 =	vshrl.u32 v60, $0xE  }
0x270: {  	v14 =	vand.u32 $0x3, v61  }
0x271: {  	v13 =	vadd.s32 v8, v13;
	v62 =	vadd.s32 v1, v14  }
0x272: {  	v21 =	vor.u32 v8, v14;
	v16 =	vmul.u32 $0x2710, v62  }
0x273: {  	[tilespmem:$0xA8B0] =	vst v15;
	v63 =	vand.u32 $0x3FFF, v60;
	v12 =	vshrl.u32 v60, $0x10  }
0x274: {  	[tilespmem:$0x6C0] =	vst v12;
	v22 =	vadd.s32 v63, v16  }
0x275: {  	[tilespmem:$0x4C0] =	vst v22  }
0x276: {  	[tilespmem:v13+s19+$0x0] =	vst.idx.msk $0xffff, v3  }
0x277: {  	[tilespmem:v21+s19+$0x0] =	vst.idx.msk $0xffff, v4  }
0x278: {  	v23 =	vld [tilespmem:$0x2D0];
	_ =	sdelay $0x1  }
0x279: {  	v13 =	vld [tilespmem:$0xA8D0];
	_ =	sdelay $0x2  }
0x27a: {  	v24 =	vshrl.u32 v23, $0xE  }
0x27b: {  	v15 =	vand.u32 $0x3, v24  }
0x27c: {  	v13 =	vadd.s32 v9, v13;
	v25 =	vadd.s32 v1, v15  }
0x27d: {  	v27 =	vor.u32 v9, v15;
	v16 =	vmul.u32 $0x2710, v25  }
0x27e: {  	[tilespmem:$0xA8C0] =	vst v14;
	v26 =	vand.u32 $0x3FFF, v23;
	v12 =	vshrl.u32 v23, $0x10  }
0x27f: {  	[tilespmem:$0x6D0] =	vst v12;
	v28 =	vadd.s32 v26, v16  }
0x280: {  	[tilespmem:$0x4D0] =	vst v28  }
0x281: {  	[tilespmem:v13+s19+$0x0] =	vst.idx.msk $0xffff, v3  }
0x282: {  	[tilespmem:v27+s19+$0x0] =	vst.idx.msk $0xffff, v4  }
0x283: {  	v29 =	vld [tilespmem:$0x2E0];
	_ =	sdelay $0x1  }
0x284: {  	v13 =	vld [tilespmem:$0xA8E0];
	_ =	sdelay $0x2  }
0x285: {  	v30 =	vshrl.u32 v29, $0xE  }
0x286: {  	v14 =	vand.u32 $0x3, v30  }
0x287: {  	v13 =	vadd.s32 v10, v13;
	v31 =	vadd.s32 v1, v14  }
0x288: {  	v33 =	vor.u32 v10, v14;
	v16 =	vmul.u32 $0x2710, v31  }
0x289: {  	[tilespmem:$0xA8D0] =	vst v15;
	v32 =	vand.u32 $0x3FFF, v29;
	v12 =	vshrl.u32 v29, $0x10  }
0x28a: {  	[tilespmem:$0x6E0] =	vst v12;
	v34 =	vadd.s32 v32, v16  }
0x28b: {  	[tilespmem:$0x4E0] =	vst v34  }
0x28c: {  	[tilespmem:v13+s19+$0x0] =	vst.idx.msk $0xffff, v3  }
0x28d: {  	[tilespmem:v33+s19+$0x0] =	vst.idx.msk $0xffff, v4  }
0x28e: {  	v35 =	vld [tilespmem:$0x2F0];
	_ =	sdelay $0x1  }
0x28f: {  	v13 =	vld [tilespmem:$0xA8F0];
	_ =	sdelay $0x2  }
0x290: {  	v36 =	vshrl.u32 v35, $0xE  }
0x291: {  	v15 =	vand.u32 $0x3, v36  }
0x292: {  	v13 =	vadd.s32 v11, v13;
	v37 =	vadd.s32 v1, v15  }
0x293: {  	v39 =	vor.u32 v11, v15;
	v16 =	vmul.u32 $0x2710, v37  }
0x294: {  	[tilespmem:$0xA8E0] =	vst v14;
	v38 =	vand.u32 $0x3FFF, v35;
	v12 =	vshrl.u32 v35, $0x10  }
0x295: {  	[tilespmem:$0x6F0] =	vst v12;
	v40 =	vadd.s32 v38, v16  }
0x296: {  	[tilespmem:$0x4F0] =	vst v40  }
0x297: {  	[tilespmem:v13+s19+$0x0] =	vst.idx.msk $0xffff, v3  }
0x298: {  	[tilespmem:v39+s19+$0x0] =	vst.idx.msk $0xffff, v4  }
0x299: {  	s30 =	simm.s32 $0x480;
	[tilespmem:$0xA8F0] =	vst v15  }
0x29a: {  	[tilespmem:s26], [sflag:$0x4] =	stream.indirect.gather [hbm4b:s5+s22], $0x40, s30, s22, $0xb8;
	[tilespmem:$0x17200] =	vst v63  }
0x29b: {  	_ =	swait.ge [sflag:s10], $0x2000  }
0x29c: {  	[sflag:s10] =	ssyncset.done $0x0  }
0x29d: {  	[sflag:s10] =	ssyncadd.s32 $0xFFFFE000  }
0x29e: {  	[spmem:s2] =	stream.indirect.scatter.add.f32 [tilespmem:s29], [sflag:$0x7], $0x40, s15, s22, $0xb8;
	[tilespmem:$0x17200] =	vst v63  }
0x29f: {  	_ = 	snop  }
0x2a0: {  	[spmem:s3] =	stream.indirect.scatter.add.f32 [tilespmem:s20], [sflag:$0x8], $0x10, s15, s22, $0xb8;
	[tilespmem:$0x17200] =	vst v63  }
0x2a1: {  	_ =	swait.ge [sflag:s11], $0x2000  }
0x2a2: {  	[sflag:s11] =	ssyncset.done $0x0  }
0x2a3: {  	[sflag:s11] =	ssyncadd.s32 $0xFFFFE000  }
0x2a4: {  	_ =	swait.ge [sflag:s12], $0x800  }
0x2a5: {  	[sflag:s12] =	ssyncset.done $0x0  }
0x2a6: {  	[sflag:s12] =	ssyncadd.s32 $0xFFFFF800  }
0x2a7: {  	v41 =	vld [tilespmem:$0x300];
	_ =	sdelay $0x1  }
0x2a8: {  	v42 =	vld [tilespmem:$0xA900];
	_ =	sdelay $0x2  }
0x2a9: {  	v43 =	vshrl.u32 v41, $0xE  }
0x2aa: {  	v14 =	vand.u32 $0x3, v43  }
0x2ab: {  	v13 =	vadd.s32 v0, v42;
	v44 =	vadd.s32 v1, v14  }
0x2ac: {  	v46 =	vor.u32 v0, v14;
	v15 =	vmul.u32 $0x2710, v44  }
0x2ad: {  	v45 =	vand.u32 $0x3FFF, v41;
	v12 =	vshrl.u32 v41, $0x10  }
0x2ae: {  	[tilespmem:$0x700] =	vst v12;
	v15 =	vadd.s32 v45, v15  }
0x2af: {  	[tilespmem:$0x500] =	vst v15  }
0x2b0: {  	[tilespmem:v13+s20+$0x0] =	vst.idx.msk $0xffff, v3  }
0x2b1: {  	[tilespmem:v46+s20+$0x0] =	vst.idx.msk $0xffff, v4  }
0x2b2: {  	v47 =	vld [tilespmem:$0x310];
	_ =	sdelay $0x1  }
0x2b3: {  	v13 =	vld [tilespmem:$0xA910];
	_ =	sdelay $0x2  }
0x2b4: {  	v48 =	vshrl.u32 v47, $0xE  }
0x2b5: {  	v15 =	vand.u32 $0x3, v48  }
0x2b6: {  	v13 =	vadd.s32 v5, v13;
	v49 =	vadd.s32 v1, v15  }
0x2b7: {  	v51 =	vor.u32 v5, v15;
	v16 =	vmul.u32 $0x2710, v49  }
0x2b8: {  	[tilespmem:$0xA900] =	vst v14;
	v50 =	vand.u32 $0x3FFF, v47;
	v12 =	vshrl.u32 v47, $0x10  }
0x2b9: {  	[tilespmem:$0x710] =	vst v12;
	v52 =	vadd.s32 v50, v16  }
0x2ba: {  	[tilespmem:$0x510] =	vst v52  }
0x2bb: {  	[tilespmem:v13+s20+$0x0] =	vst.idx.msk $0xffff, v3  }
0x2bc: {  	[tilespmem:v51+s20+$0x0] =	vst.idx.msk $0xffff, v4  }
0x2bd: {  	v53 =	vld [tilespmem:$0x320];
	_ =	sdelay $0x1  }
0x2be: {  	v13 =	vld [tilespmem:$0xA920];
	_ =	sdelay $0x2  }
0x2bf: {  	v54 =	vshrl.u32 v53, $0xE  }
0x2c0: {  	v14 =	vand.u32 $0x3, v54  }
0x2c1: {  	v13 =	vadd.s32 v6, v13;
	v55 =	vadd.s32 v1, v14  }
0x2c2: {  	v57 =	vor.u32 v6, v14;
	v16 =	vmul.u32 $0x2710, v55  }
0x2c3: {  	[tilespmem:$0xA910] =	vst v15;
	v56 =	vand.u32 $0x3FFF, v53;
	v12 =	vshrl.u32 v53, $0x10  }
0x2c4: {  	[tilespmem:$0x720] =	vst v12;
	v58 =	vadd.s32 v56, v16  }
0x2c5: {  	[tilespmem:$0x520] =	vst v58  }
0x2c6: {  	[tilespmem:v13+s20+$0x0] =	vst.idx.msk $0xffff, v3  }
0x2c7: {  	[tilespmem:v57+s20+$0x0] =	vst.idx.msk $0xffff, v4  }
0x2c8: {  	v59 =	vld [tilespmem:$0x330];
	_ =	sdelay $0x1  }
0x2c9: {  	v13 =	vld [tilespmem:$0xA930];
	_ =	sdelay $0x2  }
0x2ca: {  	v60 =	vshrl.u32 v59, $0xE  }
0x2cb: {  	v15 =	vand.u32 $0x3, v60  }
0x2cc: {  	v13 =	vadd.s32 v7, v13;
	v61 =	vadd.s32 v1, v15  }
0x2cd: {  	v63 =	vor.u32 v7, v15;
	v16 =	vmul.u32 $0x2710, v61  }
0x2ce: {  	[tilespmem:$0xA920] =	vst v14;
	v62 =	vand.u32 $0x3FFF, v59;
	v12 =	vshrl.u32 v59, $0x10  }
0x2cf: {  	[tilespmem:$0x730] =	vst v12;
	v20 =	vadd.s32 v62, v16  }
0x2d0: {  	[tilespmem:$0x530] =	vst v20  }
0x2d1: {  	[tilespmem:v13+s20+$0x0] =	vst.idx.msk $0xffff, v3  }
0x2d2: {  	[tilespmem:v63+s20+$0x0] =	vst.idx.msk $0xffff, v4  }
0x2d3: {  	v21 =	vld [tilespmem:$0x340];
	_ =	sdelay $0x1  }
0x2d4: {  	v13 =	vld [tilespmem:$0xA940];
	_ =	sdelay $0x2  }
0x2d5: {  	v22 =	vshrl.u32 v21, $0xE  }
0x2d6: {  	v14 =	vand.u32 $0x3, v22  }
0x2d7: {  	v13 =	vadd.s32 v8, v13;
	v23 =	vadd.s32 v1, v14  }
0x2d8: {  	v25 =	vor.u32 v8, v14;
	v16 =	vmul.u32 $0x2710, v23  }
0x2d9: {  	[tilespmem:$0xA930] =	vst v15;
	v24 =	vand.u32 $0x3FFF, v21;
	v12 =	vshrl.u32 v21, $0x10  }
0x2da: {  	[tilespmem:$0x740] =	vst v12;
	v26 =	vadd.s32 v24, v16  }
0x2db: {  	[tilespmem:$0x540] =	vst v26  }
0x2dc: {  	[tilespmem:v13+s20+$0x0] =	vst.idx.msk $0xffff, v3  }
0x2dd: {  	[tilespmem:v25+s20+$0x0] =	vst.idx.msk $0xffff, v4  }
0x2de: {  	v27 =	vld [tilespmem:$0x350];
	_ =	sdelay $0x1  }
0x2df: {  	v13 =	vld [tilespmem:$0xA950];
	_ =	sdelay $0x2  }
0x2e0: {  	v28 =	vshrl.u32 v27, $0xE  }
0x2e1: {  	v15 =	vand.u32 $0x3, v28  }
0x2e2: {  	v13 =	vadd.s32 v9, v13;
	v29 =	vadd.s32 v1, v15  }
0x2e3: {  	v31 =	vor.u32 v9, v15;
	v16 =	vmul.u32 $0x2710, v29  }
0x2e4: {  	[tilespmem:$0xA940] =	vst v14;
	v30 =	vand.u32 $0x3FFF, v27;
	v12 =	vshrl.u32 v27, $0x10  }
0x2e5: {  	[tilespmem:$0x750] =	vst v12;
	v32 =	vadd.s32 v30, v16  }
0x2e6: {  	[tilespmem:$0x550] =	vst v32  }
0x2e7: {  	[tilespmem:v13+s20+$0x0] =	vst.idx.msk $0xffff, v3  }
0x2e8: {  	[tilespmem:v31+s20+$0x0] =	vst.idx.msk $0xffff, v4  }
0x2e9: {  	v33 =	vld [tilespmem:$0x360];
	_ =	sdelay $0x1  }
0x2ea: {  	v13 =	vld [tilespmem:$0xA960];
	_ =	sdelay $0x2  }
0x2eb: {  	v34 =	vshrl.u32 v33, $0xE  }
0x2ec: {  	v14 =	vand.u32 $0x3, v34  }
0x2ed: {  	v13 =	vadd.s32 v10, v13;
	v35 =	vadd.s32 v1, v14  }
0x2ee: {  	v37 =	vor.u32 v10, v14;
	v16 =	vmul.u32 $0x2710, v35  }
0x2ef: {  	[tilespmem:$0xA950] =	vst v15;
	v36 =	vand.u32 $0x3FFF, v33;
	v12 =	vshrl.u32 v33, $0x10  }
0x2f0: {  	[tilespmem:$0x760] =	vst v12;
	v38 =	vadd.s32 v36, v16  }
0x2f1: {  	[tilespmem:$0x560] =	vst v38  }
0x2f2: {  	[tilespmem:v13+s20+$0x0] =	vst.idx.msk $0xffff, v3  }
0x2f3: {  	[tilespmem:v37+s20+$0x0] =	vst.idx.msk $0xffff, v4  }
0x2f4: {  	v39 =	vld [tilespmem:$0x370];
	_ =	sdelay $0x1  }
0x2f5: {  	v13 =	vld [tilespmem:$0xA970];
	_ =	sdelay $0x2  }
0x2f6: {  	v40 =	vshrl.u32 v39, $0xE  }
0x2f7: {  	v15 =	vand.u32 $0x3, v40  }
0x2f8: {  	v13 =	vadd.s32 v11, v13;
	v41 =	vadd.s32 v1, v15  }
0x2f9: {  	v43 =	vor.u32 v11, v15;
	v16 =	vmul.u32 $0x2710, v41  }
0x2fa: {  	[tilespmem:$0xA960] =	vst v14;
	v42 =	vand.u32 $0x3FFF, v39;
	v12 =	vshrl.u32 v39, $0x10  }
0x2fb: {  	[tilespmem:$0x770] =	vst v12;
	v44 =	vadd.s32 v42, v16  }
0x2fc: {  	[tilespmem:$0x570] =	vst v44  }
0x2fd: {  	[tilespmem:v13+s20+$0x0] =	vst.idx.msk $0xffff, v3  }
0x2fe: {  	[tilespmem:v43+s20+$0x0] =	vst.idx.msk $0xffff, v4  }
0x2ff: {  	s9 =	simm.s32 $0x500;
	[tilespmem:$0xA970] =	vst v15  }
0x300: {  	[tilespmem:s29], [sflag:$0x5] =	stream.indirect.gather [hbm4b:s5+s22], $0x40, s9, s22, $0xb8;
	[tilespmem:$0x17200] =	vst v63  }
0x301: {  	_ =	swait.ge [sflag:s17], $0x2000  }
0x302: {  	[sflag:s17] =	ssyncset.done $0x0  }
0x303: {  	[sflag:s17] =	ssyncadd.s32 $0xFFFFE000  }
0x304: {  	[spmem:s2] =	stream.indirect.scatter.add.f32 [tilespmem:s31], [sflag:$0x7], $0x40, s8, s22, $0xb8;
	[tilespmem:$0x17200] =	vst v63  }
0x305: {  	_ = 	snop  }
0x306: {  	[spmem:s3] =	stream.indirect.scatter.add.f32 [tilespmem:s21], [sflag:$0x8], $0x10, s8, s22, $0xb8;
	[tilespmem:$0x17200] =	vst v63  }
0x307: {  	_ =	swait.ge [sflag:s11], $0x2000  }
0x308: {  	[sflag:s11] =	ssyncset.done $0x0  }
0x309: {  	[sflag:s11] =	ssyncadd.s32 $0xFFFFE000  }
0x30a: {  	_ =	swait.ge [sflag:s12], $0x800  }
0x30b: {  	[sflag:s12] =	ssyncset.done $0x0  }
0x30c: {  	[sflag:s12] =	ssyncadd.s32 $0xFFFFF800  }
0x30d: {  	v45 =	vld [tilespmem:$0x380];
	_ =	sdelay $0x1  }
0x30e: {  	v46 =	vld [tilespmem:$0xA980];
	_ =	sdelay $0x2  }
0x30f: {  	v47 =	vshrl.u32 v45, $0xE  }
0x310: {  	v14 =	vand.u32 $0x3, v47  }
0x311: {  	v13 =	vadd.s32 v0, v46;
	v48 =	vadd.s32 v1, v14  }
0x312: {  	v50 =	vor.u32 v0, v14;
	v15 =	vmul.u32 $0x2710, v48  }
0x313: {  	v49 =	vand.u32 $0x3FFF, v45;
	v12 =	vshrl.u32 v45, $0x10  }
0x314: {  	[tilespmem:$0x780] =	vst v12;
	v15 =	vadd.s32 v49, v15  }
0x315: {  	[tilespmem:$0x580] =	vst v15  }
0x316: {  	[tilespmem:v13+s21+$0x0] =	vst.idx.msk $0xffff, v3  }
0x317: {  	[tilespmem:v50+s21+$0x0] =	vst.idx.msk $0xffff, v4  }
0x318: {  	v51 =	vld [tilespmem:$0x390];
	_ =	sdelay $0x1  }
0x319: {  	v13 =	vld [tilespmem:$0xA990];
	_ =	sdelay $0x2  }
0x31a: {  	v52 =	vshrl.u32 v51, $0xE  }
0x31b: {  	v15 =	vand.u32 $0x3, v52  }
0x31c: {  	v13 =	vadd.s32 v5, v13;
	v53 =	vadd.s32 v1, v15  }
0x31d: {  	v55 =	vor.u32 v5, v15;
	v16 =	vmul.u32 $0x2710, v53  }
0x31e: {  	[tilespmem:$0xA980] =	vst v14;
	v54 =	vand.u32 $0x3FFF, v51;
	v12 =	vshrl.u32 v51, $0x10  }
0x31f: {  	[tilespmem:$0x790] =	vst v12;
	v56 =	vadd.s32 v54, v16  }
0x320: {  	[tilespmem:$0x590] =	vst v56  }
0x321: {  	[tilespmem:v13+s21+$0x0] =	vst.idx.msk $0xffff, v3  }
0x322: {  	[tilespmem:v55+s21+$0x0] =	vst.idx.msk $0xffff, v4  }
0x323: {  	v57 =	vld [tilespmem:$0x3A0];
	_ =	sdelay $0x1  }
0x324: {  	v13 =	vld [tilespmem:$0xA9A0];
	_ =	sdelay $0x2  }
0x325: {  	v58 =	vshrl.u32 v57, $0xE  }
0x326: {  	v14 =	vand.u32 $0x3, v58  }
0x327: {  	v13 =	vadd.s32 v6, v13;
	v59 =	vadd.s32 v1, v14  }
0x328: {  	v61 =	vor.u32 v6, v14;
	v16 =	vmul.u32 $0x2710, v59  }
0x329: {  	[tilespmem:$0xA990] =	vst v15;
	v60 =	vand.u32 $0x3FFF, v57;
	v12 =	vshrl.u32 v57, $0x10  }
0x32a: {  	[tilespmem:$0x7A0] =	vst v12;
	v62 =	vadd.s32 v60, v16  }
0x32b: {  	[tilespmem:$0x5A0] =	vst v62  }
0x32c: {  	[tilespmem:v13+s21+$0x0] =	vst.idx.msk $0xffff, v3  }
0x32d: {  	[tilespmem:v61+s21+$0x0] =	vst.idx.msk $0xffff, v4  }
0x32e: {  	v63 =	vld [tilespmem:$0x3B0];
	_ =	sdelay $0x1  }
0x32f: {  	v13 =	vld [tilespmem:$0xA9B0];
	_ =	sdelay $0x2  }
0x330: {  	v19 =	vshrl.u32 v63, $0xE  }
0x331: {  	v15 =	vand.u32 $0x3, v19  }
0x332: {  	v13 =	vadd.s32 v7, v13;
	v20 =	vadd.s32 v1, v15  }
0x333: {  	v22 =	vor.u32 v7, v15;
	v16 =	vmul.u32 $0x2710, v20  }
0x334: {  	[tilespmem:$0xA9A0] =	vst v14;
	v21 =	vand.u32 $0x3FFF, v63;
	v12 =	vshrl.u32 v63, $0x10  }
0x335: {  	[tilespmem:$0x7B0] =	vst v12;
	v23 =	vadd.s32 v21, v16  }
0x336: {  	[tilespmem:$0x5B0] =	vst v23  }
0x337: {  	[tilespmem:v13+s21+$0x0] =	vst.idx.msk $0xffff, v3  }
0x338: {  	[tilespmem:v22+s21+$0x0] =	vst.idx.msk $0xffff, v4  }
0x339: {  	v24 =	vld [tilespmem:$0x3C0];
	_ =	sdelay $0x1  }
0x33a: {  	v13 =	vld [tilespmem:$0xA9C0];
	_ =	sdelay $0x2  }
0x33b: {  	v25 =	vshrl.u32 v24, $0xE  }
0x33c: {  	v14 =	vand.u32 $0x3, v25  }
0x33d: {  	v13 =	vadd.s32 v8, v13;
	v26 =	vadd.s32 v1, v14  }
0x33e: {  	v28 =	vor.u32 v8, v14;
	v16 =	vmul.u32 $0x2710, v26  }
0x33f: {  	[tilespmem:$0xA9B0] =	vst v15;
	v27 =	vand.u32 $0x3FFF, v24;
	v12 =	vshrl.u32 v24, $0x10  }
0x340: {  	[tilespmem:$0x7C0] =	vst v12;
	v29 =	vadd.s32 v27, v16  }
0x341: {  	[tilespmem:$0x5C0] =	vst v29  }
0x342: {  	[tilespmem:v13+s21+$0x0] =	vst.idx.msk $0xffff, v3  }
0x343: {  	[tilespmem:v28+s21+$0x0] =	vst.idx.msk $0xffff, v4  }
0x344: {  	v30 =	vld [tilespmem:$0x3D0];
	_ =	sdelay $0x1  }
0x345: {  	v13 =	vld [tilespmem:$0xA9D0];
	_ =	sdelay $0x2  }
0x346: {  	v31 =	vshrl.u32 v30, $0xE  }
0x347: {  	v15 =	vand.u32 $0x3, v31  }
0x348: {  	v13 =	vadd.s32 v9, v13;
	v32 =	vadd.s32 v1, v15  }
0x349: {  	v34 =	vor.u32 v9, v15;
	v16 =	vmul.u32 $0x2710, v32  }
0x34a: {  	[tilespmem:$0xA9C0] =	vst v14;
	v33 =	vand.u32 $0x3FFF, v30;
	v12 =	vshrl.u32 v30, $0x10  }
0x34b: {  	[tilespmem:$0x7D0] =	vst v12;
	v35 =	vadd.s32 v33, v16  }
0x34c: {  	[tilespmem:$0x5D0] =	vst v35  }
0x34d: {  	[tilespmem:v13+s21+$0x0] =	vst.idx.msk $0xffff, v3  }
0x34e: {  	[tilespmem:v34+s21+$0x0] =	vst.idx.msk $0xffff, v4  }
0x34f: {  	v36 =	vld [tilespmem:$0x3E0];
	_ =	sdelay $0x1  }
0x350: {  	v13 =	vld [tilespmem:$0xA9E0];
	_ =	sdelay $0x2  }
0x351: {  	v37 =	vshrl.u32 v36, $0xE  }
0x352: {  	v14 =	vand.u32 $0x3, v37  }
0x353: {  	v13 =	vadd.s32 v10, v13;
	v38 =	vadd.s32 v1, v14  }
0x354: {  	v40 =	vor.u32 v10, v14;
	v16 =	vmul.u32 $0x2710, v38  }
0x355: {  	[tilespmem:$0xA9D0] =	vst v15;
	v39 =	vand.u32 $0x3FFF, v36;
	v12 =	vshrl.u32 v36, $0x10  }
0x356: {  	[tilespmem:$0x7E0] =	vst v12;
	v41 =	vadd.s32 v39, v16  }
0x357: {  	[tilespmem:$0x5E0] =	vst v41  }
0x358: {  	[tilespmem:v13+s21+$0x0] =	vst.idx.msk $0xffff, v3  }
0x359: {  	[tilespmem:v40+s21+$0x0] =	vst.idx.msk $0xffff, v4  }
0x35a: {  	v42 =	vld [tilespmem:$0x3F0];
	_ =	sdelay $0x1  }
0x35b: {  	v13 =	vld [tilespmem:$0xA9F0];
	_ =	sdelay $0x2  }
0x35c: {  	v43 =	vshrl.u32 v42, $0xE  }
0x35d: {  	v15 =	vand.u32 $0x3, v43  }
0x35e: {  	v13 =	vadd.s32 v11, v13;
	v44 =	vadd.s32 v1, v15  }
0x35f: {  	v46 =	vor.u32 v11, v15;
	v16 =	vmul.u32 $0x2710, v44  }
0x360: {  	[tilespmem:$0xA9E0] =	vst v14;
	v45 =	vand.u32 $0x3FFF, v42;
	v12 =	vshrl.u32 v42, $0x10  }
0x361: {  	[tilespmem:$0x7F0] =	vst v12;
	v47 =	vadd.s32 v45, v16  }
0x362: {  	[tilespmem:$0x5F0] =	vst v47  }
0x363: {  	[tilespmem:v13+s21+$0x0] =	vst.idx.msk $0xffff, v3  }
0x364: {  	[tilespmem:v46+s21+$0x0] =	vst.idx.msk $0xffff, v4  }
0x365: {  	[tilespmem:$0xA9F0] =	vst v15  }
0x366: {  	[tilespmem:s31], [sflag:$0x6] =	stream.indirect.gather [hbm4b:s5+s22], $0x40, s25, s22, $0xb8;
	[tilespmem:$0x17200] =	vst v63  }
0x367: {  	_ =	swait.ge [sflag:s0], $0x200  }
0x368: {  	s28 =	simm.s32 $0x200;
	[sflag:s0] =	ssyncset.done $0x0  }
0x369: {  	s1 =	sadd.s32 $0xAC0, s1;
	s4 =	simm.s32 $0x0;
	[sflag:s0] =	ssyncadd.s32 $0xFFFFFE00  }
0x36a: {  	[tilespmem:s28], [sflag:$0x2] =	stream.linear.gather [hbm4b:s1+s4], $0x200, $0x38;
	[tilespmem:$0x17200] =	vst v63  }
0x36b: {  	_ =	swait.ge [sflag:s6], $0x2000  }
0x36c: {  	[sflag:s6] =	ssyncset.done $0x0  }
0x36d: {  	[sflag:s6] =	ssyncadd.s32 $0xFFFFE000  }
0x36e: {  	[spmem:s2] =	stream.indirect.scatter.add.f32 [tilespmem:s24], [sflag:$0x7], $0x40, s7, s22, $0xb8;
	[tilespmem:$0x17200] =	vst v63  }
0x36f: {  	_ = 	snop  }
0x370: {  	[spmem:s3] =	stream.indirect.scatter.add.f32 [tilespmem:s18], [sflag:$0x8], $0x10, s7, s22, $0xb8;
	[tilespmem:$0x17200] =	vst v63  }
0x371: {  	_ =	swait.ge [sflag:s11], $0x2000  }
0x372: {  	[sflag:s11] =	ssyncset.done $0x0  }
0x373: {  	[sflag:s11] =	ssyncadd.s32 $0xFFFFE000  }
0x374: {  	_ =	swait.ge [sflag:s12], $0x800  }
0x375: {  	[sflag:s12] =	ssyncset.done $0x0  }
0x376: {  	[sflag:s12] =	ssyncadd.s32 $0xFFFFF800  }
0x377: {  	v48 =	vld [tilespmem:$0x0];
	_ =	sdelay $0x1  }
0x378: {  	v49 =	vld [tilespmem:$0xA800];
	_ =	sdelay $0x2  }
0x379: {  	v50 =	vshrl.u32 v48, $0xE  }
0x37a: {  	v14 =	vand.u32 $0x3, v50  }
0x37b: {  	v13 =	vadd.s32 v0, v49;
	v51 =	vadd.s32 v1, v14  }
0x37c: {  	v53 =	vor.u32 v0, v14;
	v15 =	vmul.u32 $0x2710, v51  }
0x37d: {  	v52 =	vand.u32 $0x3FFF, v48;
	v12 =	vshrl.u32 v48, $0x10  }
0x37e: {  	[tilespmem:$0x600] =	vst v12;
	v15 =	vadd.s32 v52, v15  }
0x37f: {  	[tilespmem:$0x400] =	vst v15  }
0x380: {  	[tilespmem:v13+s18+$0x0] =	vst.idx.msk $0xffff, v3  }
0x381: {  	[tilespmem:v53+s18+$0x0] =	vst.idx.msk $0xffff, v4  }
0x382: {  	v54 =	vld [tilespmem:$0x10];
	_ =	sdelay $0x1  }
0x383: {  	v13 =	vld [tilespmem:$0xA810];
	_ =	sdelay $0x2  }
0x384: {  	v55 =	vshrl.u32 v54, $0xE  }
0x385: {  	v15 =	vand.u32 $0x3, v55  }
0x386: {  	v13 =	vadd.s32 v5, v13;
	v56 =	vadd.s32 v1, v15  }
0x387: {  	v58 =	vor.u32 v5, v15;
	v16 =	vmul.u32 $0x2710, v56  }
0x388: {  	[tilespmem:$0xA800] =	vst v14;
	v57 =	vand.u32 $0x3FFF, v54;
	v12 =	vshrl.u32 v54, $0x10  }
0x389: {  	[tilespmem:$0x610] =	vst v12;
	v59 =	vadd.s32 v57, v16  }
0x38a: {  	[tilespmem:$0x410] =	vst v59  }
0x38b: {  	[tilespmem:v13+s18+$0x0] =	vst.idx.msk $0xffff, v3  }
0x38c: {  	[tilespmem:v58+s18+$0x0] =	vst.idx.msk $0xffff, v4  }
0x38d: {  	v60 =	vld [tilespmem:$0x20];
	_ =	sdelay $0x1  }
0x38e: {  	v13 =	vld [tilespmem:$0xA820];
	_ =	sdelay $0x2  }
0x38f: {  	v61 =	vshrl.u32 v60, $0xE  }
0x390: {  	v14 =	vand.u32 $0x3, v61  }
0x391: {  	v13 =	vadd.s32 v6, v13;
	v62 =	vadd.s32 v1, v14  }
0x392: {  	v21 =	vor.u32 v6, v14;
	v16 =	vmul.u32 $0x2710, v62  }
0x393: {  	[tilespmem:$0xA810] =	vst v15;
	v63 =	vand.u32 $0x3FFF, v60;
	v12 =	vshrl.u32 v60, $0x10  }
0x394: {  	[tilespmem:$0x620] =	vst v12;
	v22 =	vadd.s32 v63, v16  }
0x395: {  	[tilespmem:$0x420] =	vst v22  }
0x396: {  	[tilespmem:v13+s18+$0x0] =	vst.idx.msk $0xffff, v3  }
0x397: {  	[tilespmem:v21+s18+$0x0] =	vst.idx.msk $0xffff, v4  }
0x398: {  	v23 =	vld [tilespmem:$0x30];
	_ =	sdelay $0x1  }
0x399: {  	v13 =	vld [tilespmem:$0xA830];
	_ =	sdelay $0x2  }
0x39a: {  	v24 =	vshrl.u32 v23, $0xE  }
0x39b: {  	v15 =	vand.u32 $0x3, v24  }
0x39c: {  	v13 =	vadd.s32 v7, v13;
	v25 =	vadd.s32 v1, v15  }
0x39d: {  	v27 =	vor.u32 v7, v15;
	v16 =	vmul.u32 $0x2710, v25  }
0x39e: {  	[tilespmem:$0xA820] =	vst v14;
	v26 =	vand.u32 $0x3FFF, v23;
	v12 =	vshrl.u32 v23, $0x10  }
0x39f: {  	[tilespmem:$0x630] =	vst v12;
	v28 =	vadd.s32 v26, v16  }
0x3a0: {  	[tilespmem:$0x430] =	vst v28  }
0x3a1: {  	[tilespmem:v13+s18+$0x0] =	vst.idx.msk $0xffff, v3  }
0x3a2: {  	[tilespmem:v27+s18+$0x0] =	vst.idx.msk $0xffff, v4  }
0x3a3: {  	v29 =	vld [tilespmem:$0x40];
	_ =	sdelay $0x1  }
0x3a4: {  	v13 =	vld [tilespmem:$0xA840];
	_ =	sdelay $0x2  }
0x3a5: {  	v30 =	vshrl.u32 v29, $0xE  }
0x3a6: {  	v14 =	vand.u32 $0x3, v30  }
0x3a7: {  	v13 =	vadd.s32 v8, v13;
	v31 =	vadd.s32 v1, v14  }
0x3a8: {  	v33 =	vor.u32 v8, v14;
	v16 =	vmul.u32 $0x2710, v31  }
0x3a9: {  	[tilespmem:$0xA830] =	vst v15;
	v32 =	vand.u32 $0x3FFF, v29;
	v12 =	vshrl.u32 v29, $0x10  }
0x3aa: {  	[tilespmem:$0x640] =	vst v12;
	v34 =	vadd.s32 v32, v16  }
0x3ab: {  	[tilespmem:$0x440] =	vst v34  }
0x3ac: {  	[tilespmem:v13+s18+$0x0] =	vst.idx.msk $0xffff, v3  }
0x3ad: {  	[tilespmem:v33+s18+$0x0] =	vst.idx.msk $0xffff, v4  }
0x3ae: {  	v35 =	vld [tilespmem:$0x50];
	_ =	sdelay $0x1  }
0x3af: {  	v13 =	vld [tilespmem:$0xA850];
	_ =	sdelay $0x2  }
0x3b0: {  	v36 =	vshrl.u32 v35, $0xE  }
0x3b1: {  	v15 =	vand.u32 $0x3, v36  }
0x3b2: {  	v13 =	vadd.s32 v9, v13;
	v37 =	vadd.s32 v1, v15  }
0x3b3: {  	v39 =	vor.u32 v9, v15;
	v16 =	vmul.u32 $0x2710, v37  }
0x3b4: {  	[tilespmem:$0xA840] =	vst v14;
	v38 =	vand.u32 $0x3FFF, v35;
	v12 =	vshrl.u32 v35, $0x10  }
0x3b5: {  	[tilespmem:$0x650] =	vst v12;
	v40 =	vadd.s32 v38, v16  }
0x3b6: {  	[tilespmem:$0x450] =	vst v40  }
0x3b7: {  	[tilespmem:v13+s18+$0x0] =	vst.idx.msk $0xffff, v3  }
0x3b8: {  	[tilespmem:v39+s18+$0x0] =	vst.idx.msk $0xffff, v4  }
0x3b9: {  	v41 =	vld [tilespmem:$0x60];
	_ =	sdelay $0x1  }
0x3ba: {  	v13 =	vld [tilespmem:$0xA860];
	_ =	sdelay $0x2  }
0x3bb: {  	v42 =	vshrl.u32 v41, $0xE  }
0x3bc: {  	v14 =	vand.u32 $0x3, v42  }
0x3bd: {  	v13 =	vadd.s32 v10, v13;
	v43 =	vadd.s32 v1, v14  }
0x3be: {  	v45 =	vor.u32 v10, v14;
	v16 =	vmul.u32 $0x2710, v43  }
0x3bf: {  	[tilespmem:$0xA850] =	vst v15;
	v44 =	vand.u32 $0x3FFF, v41;
	v12 =	vshrl.u32 v41, $0x10  }
0x3c0: {  	[tilespmem:$0x660] =	vst v12;
	v46 =	vadd.s32 v44, v16  }
0x3c1: {  	[tilespmem:$0x460] =	vst v46  }
0x3c2: {  	[tilespmem:v13+s18+$0x0] =	vst.idx.msk $0xffff, v3  }
0x3c3: {  	[tilespmem:v45+s18+$0x0] =	vst.idx.msk $0xffff, v4  }
0x3c4: {  	v47 =	vld [tilespmem:$0x70];
	_ =	sdelay $0x1  }
0x3c5: {  	v13 =	vld [tilespmem:$0xA870];
	_ =	sdelay $0x2  }
0x3c6: {  	v48 =	vshrl.u32 v47, $0xE  }
0x3c7: {  	v15 =	vand.u32 $0x3, v48  }
0x3c8: {  	v13 =	vadd.s32 v11, v13;
	v49 =	vadd.s32 v1, v15  }
0x3c9: {  	v51 =	vor.u32 v11, v15;
	v16 =	vmul.u32 $0x2710, v49  }
0x3ca: {  	[tilespmem:$0xA860] =	vst v14;
	v50 =	vand.u32 $0x3FFF, v47;
	v12 =	vshrl.u32 v47, $0x10  }
0x3cb: {  	[tilespmem:$0x670] =	vst v12;
	v52 =	vadd.s32 v50, v16  }
0x3cc: {  	[tilespmem:$0x470] =	vst v52  }
0x3cd: {  	[tilespmem:v13+s18+$0x0] =	vst.idx.msk $0xffff, v3  }
0x3ce: {  	[tilespmem:v51+s18+$0x0] =	vst.idx.msk $0xffff, v4  }
0x3cf: {  	[tilespmem:$0xA870] =	vst v15  }
0x3d0: {  	[tilespmem:s24], [sflag:$0x3] =	stream.indirect.gather [hbm4b:s5+s22], $0x40, s23, s22, $0xb8;
	[tilespmem:$0x17200] =	vst v63  }
0x3d1: {  	_ =	swait.ge [sflag:s13], $0x2000  }
0x3d2: {  	[sflag:s13] =	ssyncset.done $0x0  }
0x3d3: {  	[sflag:s13] =	ssyncadd.s32 $0xFFFFE000  }
0x3d4: {  	[spmem:s2] =	stream.indirect.scatter.add.f32 [tilespmem:s26], [sflag:$0x7], $0x40, s14, s22, $0xb8;
	[tilespmem:$0x17200] =	vst v63  }
0x3d5: {  	_ = 	snop  }
0x3d6: {  	[spmem:s3] =	stream.indirect.scatter.add.f32 [tilespmem:s19], [sflag:$0x8], $0x10, s14, s22, $0xb8;
	[tilespmem:$0x17200] =	vst v63  }
0x3d7: {  	_ =	swait.ge [sflag:s11], $0x2000  }
0x3d8: {  	[sflag:s11] =	ssyncset.done $0x0  }
0x3d9: {  	[sflag:s11] =	ssyncadd.s32 $0xFFFFE000  }
0x3da: {  	_ =	swait.ge [sflag:s12], $0x800  }
0x3db: {  	[sflag:s12] =	ssyncset.done $0x0  }
0x3dc: {  	[sflag:s12] =	ssyncadd.s32 $0xFFFFF800  }
0x3dd: {  	v53 =	vld [tilespmem:$0x80];
	_ =	sdelay $0x1  }
0x3de: {  	v54 =	vld [tilespmem:$0xA880];
	_ =	sdelay $0x2  }
0x3df: {  	v55 =	vshrl.u32 v53, $0xE  }
0x3e0: {  	v14 =	vand.u32 $0x3, v55  }
0x3e1: {  	v13 =	vadd.s32 v0, v54;
	v56 =	vadd.s32 v1, v14  }
0x3e2: {  	v58 =	vor.u32 v0, v14;
	v15 =	vmul.u32 $0x2710, v56  }
0x3e3: {  	v57 =	vand.u32 $0x3FFF, v53;
	v12 =	vshrl.u32 v53, $0x10  }
0x3e4: {  	[tilespmem:$0x680] =	vst v12;
	v15 =	vadd.s32 v57, v15  }
0x3e5: {  	[tilespmem:$0x480] =	vst v15  }
0x3e6: {  	[tilespmem:v13+s19+$0x0] =	vst.idx.msk $0xffff, v3  }
0x3e7: {  	[tilespmem:v58+s19+$0x0] =	vst.idx.msk $0xffff, v4  }
0x3e8: {  	v59 =	vld [tilespmem:$0x90];
	_ =	sdelay $0x1  }
0x3e9: {  	v13 =	vld [tilespmem:$0xA890];
	_ =	sdelay $0x2  }
0x3ea: {  	v60 =	vshrl.u32 v59, $0xE  }
0x3eb: {  	v15 =	vand.u32 $0x3, v60  }
0x3ec: {  	v13 =	vadd.s32 v5, v13;
	v61 =	vadd.s32 v1, v15  }
0x3ed: {  	v63 =	vor.u32 v5, v15;
	v16 =	vmul.u32 $0x2710, v61  }
0x3ee: {  	[tilespmem:$0xA880] =	vst v14;
	v62 =	vand.u32 $0x3FFF, v59;
	v12 =	vshrl.u32 v59, $0x10  }
0x3ef: {  	[tilespmem:$0x690] =	vst v12;
	v20 =	vadd.s32 v62, v16  }
0x3f0: {  	[tilespmem:$0x490] =	vst v20  }
0x3f1: {  	[tilespmem:v13+s19+$0x0] =	vst.idx.msk $0xffff, v3  }
0x3f2: {  	[tilespmem:v63+s19+$0x0] =	vst.idx.msk $0xffff, v4  }
0x3f3: {  	v21 =	vld [tilespmem:$0xA0];
	_ =	sdelay $0x1  }
0x3f4: {  	v13 =	vld [tilespmem:$0xA8A0];
	_ =	sdelay $0x2  }
0x3f5: {  	v22 =	vshrl.u32 v21, $0xE  }
0x3f6: {  	v14 =	vand.u32 $0x3, v22  }
0x3f7: {  	v13 =	vadd.s32 v6, v13;
	v23 =	vadd.s32 v1, v14  }
0x3f8: {  	v25 =	vor.u32 v6, v14;
	v16 =	vmul.u32 $0x2710, v23  }
0x3f9: {  	[tilespmem:$0xA890] =	vst v15;
	v24 =	vand.u32 $0x3FFF, v21;
	v12 =	vshrl.u32 v21, $0x10  }
0x3fa: {  	[tilespmem:$0x6A0] =	vst v12;
	v26 =	vadd.s32 v24, v16  }
0x3fb: {  	[tilespmem:$0x4A0] =	vst v26  }
0x3fc: {  	[tilespmem:v13+s19+$0x0] =	vst.idx.msk $0xffff, v3  }
0x3fd: {  	[tilespmem:v25+s19+$0x0] =	vst.idx.msk $0xffff, v4  }
0x3fe: {  	v27 =	vld [tilespmem:$0xB0];
	_ =	sdelay $0x1  }
0x3ff: {  	v13 =	vld [tilespmem:$0xA8B0];
	_ =	sdelay $0x2  }
0x400: {  	v28 =	vshrl.u32 v27, $0xE  }
0x401: {  	v15 =	vand.u32 $0x3, v28  }
0x402: {  	v13 =	vadd.s32 v7, v13;
	v29 =	vadd.s32 v1, v15  }
0x403: {  	v31 =	vor.u32 v7, v15;
	v16 =	vmul.u32 $0x2710, v29  }
0x404: {  	[tilespmem:$0xA8A0] =	vst v14;
	v30 =	vand.u32 $0x3FFF, v27;
	v12 =	vshrl.u32 v27, $0x10  }
0x405: {  	[tilespmem:$0x6B0] =	vst v12;
	v32 =	vadd.s32 v30, v16  }
0x406: {  	[tilespmem:$0x4B0] =	vst v32  }
0x407: {  	[tilespmem:v13+s19+$0x0] =	vst.idx.msk $0xffff, v3  }
0x408: {  	[tilespmem:v31+s19+$0x0] =	vst.idx.msk $0xffff, v4  }
0x409: {  	v33 =	vld [tilespmem:$0xC0];
	_ =	sdelay $0x1  }
0x40a: {  	v13 =	vld [tilespmem:$0xA8C0];
	_ =	sdelay $0x2  }
0x40b: {  	v34 =	vshrl.u32 v33, $0xE  }
0x40c: {  	v14 =	vand.u32 $0x3, v34  }
0x40d: {  	v13 =	vadd.s32 v8, v13;
	v35 =	vadd.s32 v1, v14  }
0x40e: {  	v37 =	vor.u32 v8, v14;
	v16 =	vmul.u32 $0x2710, v35  }
0x40f: {  	[tilespmem:$0xA8B0] =	vst v15;
	v36 =	vand.u32 $0x3FFF, v33;
	v12 =	vshrl.u32 v33, $0x10  }
0x410: {  	[tilespmem:$0x6C0] =	vst v12;
	v38 =	vadd.s32 v36, v16  }
0x411: {  	[tilespmem:$0x4C0] =	vst v38  }
0x412: {  	[tilespmem:v13+s19+$0x0] =	vst.idx.msk $0xffff, v3  }
0x413: {  	[tilespmem:v37+s19+$0x0] =	vst.idx.msk $0xffff, v4  }
0x414: {  	v39 =	vld [tilespmem:$0xD0];
	_ =	sdelay $0x1  }
0x415: {  	v13 =	vld [tilespmem:$0xA8D0];
	_ =	sdelay $0x2  }
0x416: {  	v40 =	vshrl.u32 v39, $0xE  }
0x417: {  	v15 =	vand.u32 $0x3, v40  }
0x418: {  	v13 =	vadd.s32 v9, v13;
	v41 =	vadd.s32 v1, v15  }
0x419: {  	v43 =	vor.u32 v9, v15;
	v16 =	vmul.u32 $0x2710, v41  }
0x41a: {  	[tilespmem:$0xA8C0] =	vst v14;
	v42 =	vand.u32 $0x3FFF, v39;
	v12 =	vshrl.u32 v39, $0x10  }
0x41b: {  	[tilespmem:$0x6D0] =	vst v12;
	v44 =	vadd.s32 v42, v16  }
0x41c: {  	[tilespmem:$0x4D0] =	vst v44  }
0x41d: {  	[tilespmem:v13+s19+$0x0] =	vst.idx.msk $0xffff, v3  }
0x41e: {  	[tilespmem:v43+s19+$0x0] =	vst.idx.msk $0xffff, v4  }
0x41f: {  	v45 =	vld [tilespmem:$0xE0];
	_ =	sdelay $0x1  }
0x420: {  	v13 =	vld [tilespmem:$0xA8E0];
	_ =	sdelay $0x2  }
0x421: {  	v46 =	vshrl.u32 v45, $0xE  }
0x422: {  	v14 =	vand.u32 $0x3, v46  }
0x423: {  	v13 =	vadd.s32 v10, v13;
	v47 =	vadd.s32 v1, v14  }
0x424: {  	v49 =	vor.u32 v10, v14;
	v16 =	vmul.u32 $0x2710, v47  }
0x425: {  	[tilespmem:$0xA8D0] =	vst v15;
	v48 =	vand.u32 $0x3FFF, v45;
	v12 =	vshrl.u32 v45, $0x10  }
0x426: {  	[tilespmem:$0x6E0] =	vst v12;
	v50 =	vadd.s32 v48, v16  }
0x427: {  	[tilespmem:$0x4E0] =	vst v50  }
0x428: {  	[tilespmem:v13+s19+$0x0] =	vst.idx.msk $0xffff, v3  }
0x429: {  	[tilespmem:v49+s19+$0x0] =	vst.idx.msk $0xffff, v4  }
0x42a: {  	v51 =	vld [tilespmem:$0xF0];
	_ =	sdelay $0x1  }
0x42b: {  	v13 =	vld [tilespmem:$0xA8F0];
	_ =	sdelay $0x2  }
0x42c: {  	v52 =	vshrl.u32 v51, $0xE  }
0x42d: {  	v15 =	vand.u32 $0x3, v52  }
0x42e: {  	v13 =	vadd.s32 v11, v13;
	v53 =	vadd.s32 v1, v15  }
0x42f: {  	v55 =	vor.u32 v11, v15;
	v16 =	vmul.u32 $0x2710, v53  }
0x430: {  	[tilespmem:$0xA8E0] =	vst v14;
	v54 =	vand.u32 $0x3FFF, v51;
	v12 =	vshrl.u32 v51, $0x10  }
0x431: {  	[tilespmem:$0x6F0] =	vst v12;
	v56 =	vadd.s32 v54, v16  }
0x432: {  	[tilespmem:$0x4F0] =	vst v56  }
0x433: {  	[tilespmem:v13+s19+$0x0] =	vst.idx.msk $0xffff, v3  }
0x434: {  	[tilespmem:v55+s19+$0x0] =	vst.idx.msk $0xffff, v4  }
0x435: {  	[tilespmem:$0xA8F0] =	vst v15  }
0x436: {  	[tilespmem:s26], [sflag:$0x4] =	stream.indirect.gather [hbm4b:s5+s22], $0x40, s30, s22, $0xb8;
	[tilespmem:$0x17200] =	vst v63  }
0x437: {  	_ =	swait.ge [sflag:s10], $0x2000  }
0x438: {  	[sflag:s10] =	ssyncset.done $0x0  }
0x439: {  	[sflag:s10] =	ssyncadd.s32 $0xFFFFE000  }
0x43a: {  	[spmem:s2] =	stream.indirect.scatter.add.f32 [tilespmem:s29], [sflag:$0x7], $0x40, s15, s22, $0xb8;
	[tilespmem:$0x17200] =	vst v63  }
0x43b: {  	_ = 	snop  }
0x43c: {  	[spmem:s3] =	stream.indirect.scatter.add.f32 [tilespmem:s20], [sflag:$0x8], $0x10, s15, s22, $0xb8;
	[tilespmem:$0x17200] =	vst v63  }
0x43d: {  	_ =	swait.ge [sflag:s11], $0x2000  }
0x43e: {  	[sflag:s11] =	ssyncset.done $0x0  }
0x43f: {  	[sflag:s11] =	ssyncadd.s32 $0xFFFFE000  }
0x440: {  	_ =	swait.ge [sflag:s12], $0x800  }
0x441: {  	[sflag:s12] =	ssyncset.done $0x0  }
0x442: {  	[sflag:s12] =	ssyncadd.s32 $0xFFFFF800  }
0x443: {  	v57 =	vld [tilespmem:$0x100];
	_ =	sdelay $0x1  }
0x444: {  	v58 =	vld [tilespmem:$0xA900];
	_ =	sdelay $0x2  }
0x445: {  	v59 =	vshrl.u32 v57, $0xE  }
0x446: {  	v14 =	vand.u32 $0x3, v59  }
0x447: {  	v13 =	vadd.s32 v0, v58;
	v60 =	vadd.s32 v1, v14  }
0x448: {  	v62 =	vor.u32 v0, v14;
	v15 =	vmul.u32 $0x2710, v60  }
0x449: {  	v61 =	vand.u32 $0x3FFF, v57;
	v12 =	vshrl.u32 v57, $0x10  }
0x44a: {  	[tilespmem:$0x700] =	vst v12;
	v15 =	vadd.s32 v61, v15  }
0x44b: {  	[tilespmem:$0x500] =	vst v15  }
0x44c: {  	[tilespmem:v13+s20+$0x0] =	vst.idx.msk $0xffff, v3  }
0x44d: {  	[tilespmem:v62+s20+$0x0] =	vst.idx.msk $0xffff, v4  }
0x44e: {  	v63 =	vld [tilespmem:$0x110];
	_ =	sdelay $0x1  }
0x44f: {  	v13 =	vld [tilespmem:$0xA910];
	_ =	sdelay $0x2  }
0x450: {  	v21 =	vshrl.u32 v63, $0xE  }
0x451: {  	v15 =	vand.u32 $0x3, v21  }
0x452: {  	v13 =	vadd.s32 v5, v13;
	v22 =	vadd.s32 v1, v15  }
0x453: {  	v24 =	vor.u32 v5, v15;
	v16 =	vmul.u32 $0x2710, v22  }
0x454: {  	[tilespmem:$0xA900] =	vst v14;
	v23 =	vand.u32 $0x3FFF, v63;
	v12 =	vshrl.u32 v63, $0x10  }
0x455: {  	[tilespmem:$0x710] =	vst v12;
	v25 =	vadd.s32 v23, v16  }
0x456: {  	[tilespmem:$0x510] =	vst v25  }
0x457: {  	[tilespmem:v13+s20+$0x0] =	vst.idx.msk $0xffff, v3  }
0x458: {  	[tilespmem:v24+s20+$0x0] =	vst.idx.msk $0xffff, v4  }
0x459: {  	v26 =	vld [tilespmem:$0x120];
	_ =	sdelay $0x1  }
0x45a: {  	v13 =	vld [tilespmem:$0xA920];
	_ =	sdelay $0x2  }
0x45b: {  	v27 =	vshrl.u32 v26, $0xE  }
0x45c: {  	v14 =	vand.u32 $0x3, v27  }
0x45d: {  	v13 =	vadd.s32 v6, v13;
	v28 =	vadd.s32 v1, v14  }
0x45e: {  	v30 =	vor.u32 v6, v14;
	v16 =	vmul.u32 $0x2710, v28  }
0x45f: {  	[tilespmem:$0xA910] =	vst v15;
	v29 =	vand.u32 $0x3FFF, v26;
	v12 =	vshrl.u32 v26, $0x10  }
0x460: {  	[tilespmem:$0x720] =	vst v12;
	v31 =	vadd.s32 v29, v16  }
0x461: {  	[tilespmem:$0x520] =	vst v31  }
0x462: {  	[tilespmem:v13+s20+$0x0] =	vst.idx.msk $0xffff, v3  }
0x463: {  	[tilespmem:v30+s20+$0x0] =	vst.idx.msk $0xffff, v4  }
0x464: {  	v32 =	vld [tilespmem:$0x130];
	_ =	sdelay $0x1  }
0x465: {  	v13 =	vld [tilespmem:$0xA930];
	_ =	sdelay $0x2  }
0x466: {  	v33 =	vshrl.u32 v32, $0xE  }
0x467: {  	v15 =	vand.u32 $0x3, v33  }
0x468: {  	v13 =	vadd.s32 v7, v13;
	v34 =	vadd.s32 v1, v15  }
0x469: {  	v36 =	vor.u32 v7, v15;
	v16 =	vmul.u32 $0x2710, v34  }
0x46a: {  	[tilespmem:$0xA920] =	vst v14;
	v35 =	vand.u32 $0x3FFF, v32;
	v12 =	vshrl.u32 v32, $0x10  }
0x46b: {  	[tilespmem:$0x730] =	vst v12;
	v37 =	vadd.s32 v35, v16  }
0x46c: {  	[tilespmem:$0x530] =	vst v37  }
0x46d: {  	[tilespmem:v13+s20+$0x0] =	vst.idx.msk $0xffff, v3  }
0x46e: {  	[tilespmem:v36+s20+$0x0] =	vst.idx.msk $0xffff, v4  }
0x46f: {  	v38 =	vld [tilespmem:$0x140];
	_ =	sdelay $0x1  }
0x470: {  	v13 =	vld [tilespmem:$0xA940];
	_ =	sdelay $0x2  }
0x471: {  	v39 =	vshrl.u32 v38, $0xE  }
0x472: {  	v14 =	vand.u32 $0x3, v39  }
0x473: {  	v13 =	vadd.s32 v8, v13;
	v40 =	vadd.s32 v1, v14  }
0x474: {  	v42 =	vor.u32 v8, v14;
	v16 =	vmul.u32 $0x2710, v40  }
0x475: {  	[tilespmem:$0xA930] =	vst v15;
	v41 =	vand.u32 $0x3FFF, v38;
	v12 =	vshrl.u32 v38, $0x10  }
0x476: {  	[tilespmem:$0x740] =	vst v12;
	v43 =	vadd.s32 v41, v16  }
0x477: {  	[tilespmem:$0x540] =	vst v43  }
0x478: {  	[tilespmem:v13+s20+$0x0] =	vst.idx.msk $0xffff, v3  }
0x479: {  	[tilespmem:v42+s20+$0x0] =	vst.idx.msk $0xffff, v4  }
0x47a: {  	v44 =	vld [tilespmem:$0x150];
	_ =	sdelay $0x1  }
0x47b: {  	v13 =	vld [tilespmem:$0xA950];
	_ =	sdelay $0x2  }
0x47c: {  	v45 =	vshrl.u32 v44, $0xE  }
0x47d: {  	v15 =	vand.u32 $0x3, v45  }
0x47e: {  	v13 =	vadd.s32 v9, v13;
	v46 =	vadd.s32 v1, v15  }
0x47f: {  	v48 =	vor.u32 v9, v15;
	v16 =	vmul.u32 $0x2710, v46  }
0x480: {  	[tilespmem:$0xA940] =	vst v14;
	v47 =	vand.u32 $0x3FFF, v44;
	v12 =	vshrl.u32 v44, $0x10  }
0x481: {  	[tilespmem:$0x750] =	vst v12;
	v49 =	vadd.s32 v47, v16  }
0x482: {  	[tilespmem:$0x550] =	vst v49  }
0x483: {  	[tilespmem:v13+s20+$0x0] =	vst.idx.msk $0xffff, v3  }
0x484: {  	[tilespmem:v48+s20+$0x0] =	vst.idx.msk $0xffff, v4  }
0x485: {  	v50 =	vld [tilespmem:$0x160];
	_ =	sdelay $0x1  }
0x486: {  	v13 =	vld [tilespmem:$0xA960];
	_ =	sdelay $0x2  }
0x487: {  	v51 =	vshrl.u32 v50, $0xE  }
0x488: {  	v14 =	vand.u32 $0x3, v51  }
0x489: {  	v13 =	vadd.s32 v10, v13;
	v52 =	vadd.s32 v1, v14  }
0x48a: {  	v54 =	vor.u32 v10, v14;
	v16 =	vmul.u32 $0x2710, v52  }
0x48b: {  	[tilespmem:$0xA950] =	vst v15;
	v53 =	vand.u32 $0x3FFF, v50;
	v12 =	vshrl.u32 v50, $0x10  }
0x48c: {  	[tilespmem:$0x760] =	vst v12;
	v55 =	vadd.s32 v53, v16  }
0x48d: {  	[tilespmem:$0x560] =	vst v55  }
0x48e: {  	[tilespmem:v13+s20+$0x0] =	vst.idx.msk $0xffff, v3  }
0x48f: {  	[tilespmem:v54+s20+$0x0] =	vst.idx.msk $0xffff, v4  }
0x490: {  	v56 =	vld [tilespmem:$0x170];
	_ =	sdelay $0x1  }
0x491: {  	v13 =	vld [tilespmem:$0xA970];
	_ =	sdelay $0x2  }
0x492: {  	v57 =	vshrl.u32 v56, $0xE  }
0x493: {  	v15 =	vand.u32 $0x3, v57  }
0x494: {  	v13 =	vadd.s32 v11, v13;
	v58 =	vadd.s32 v1, v15  }
0x495: {  	v60 =	vor.u32 v11, v15;
	v16 =	vmul.u32 $0x2710, v58  }
0x496: {  	[tilespmem:$0xA960] =	vst v14;
	v59 =	vand.u32 $0x3FFF, v56;
	v12 =	vshrl.u32 v56, $0x10  }
0x497: {  	[tilespmem:$0x770] =	vst v12;
	v61 =	vadd.s32 v59, v16  }
0x498: {  	[tilespmem:$0x570] =	vst v61  }
0x499: {  	[tilespmem:v13+s20+$0x0] =	vst.idx.msk $0xffff, v3  }
0x49a: {  	[tilespmem:v60+s20+$0x0] =	vst.idx.msk $0xffff, v4  }
0x49b: {  	[tilespmem:$0xA970] =	vst v15  }
0x49c: {  	[tilespmem:s29], [sflag:$0x5] =	stream.indirect.gather [hbm4b:s5+s22], $0x40, s9, s22, $0xb8;
	[tilespmem:$0x17200] =	vst v63  }
0x49d: {  	_ =	swait.ge [sflag:s17], $0x2000  }
0x49e: {  	[sflag:s17] =	ssyncset.done $0x0  }
0x49f: {  	[sflag:s17] =	ssyncadd.s32 $0xFFFFE000  }
0x4a0: {  	[spmem:s2] =	stream.indirect.scatter.add.f32 [tilespmem:s31], [sflag:$0x7], $0x40, s8, s22, $0xb8;
	[tilespmem:$0x17200] =	vst v63  }
0x4a1: {  	_ = 	snop  }
0x4a2: {  	[spmem:s3] =	stream.indirect.scatter.add.f32 [tilespmem:s21], [sflag:$0x8], $0x10, s8, s22, $0xb8;
	[tilespmem:$0x17200] =	vst v63  }
0x4a3: {  	_ =	swait.ge [sflag:s11], $0x2000  }
0x4a4: {  	[sflag:s11] =	ssyncset.done $0x0  }
0x4a5: {  	[sflag:s11] =	ssyncadd.s32 $0xFFFFE000  }
0x4a6: {  	_ =	swait.ge [sflag:s12], $0x800  }
0x4a7: {  	[sflag:s12] =	ssyncset.done $0x0  }
0x4a8: {  	[sflag:s12] =	ssyncadd.s32 $0xFFFFF800  }
0x4a9: {  	v62 =	vld [tilespmem:$0x180];
	_ =	sdelay $0x1  }
0x4aa: {  	v63 =	vld [tilespmem:$0xA980];
	_ =	sdelay $0x2  }
0x4ab: {  	v18 =	vshrl.u32 v62, $0xE  }
0x4ac: {  	v14 =	vand.u32 $0x3, v18  }
0x4ad: {  	v13 =	vadd.s32 v0, v63;
	v19 =	vadd.s32 v1, v14  }
0x4ae: {  	v21 =	vor.u32 v0, v14;
	v15 =	vmul.u32 $0x2710, v19  }
0x4af: {  	v20 =	vand.u32 $0x3FFF, v62;
	v12 =	vshrl.u32 v62, $0x10  }
0x4b0: {  	[tilespmem:$0x780] =	vst v12;
	v15 =	vadd.s32 v20, v15  }
0x4b1: {  	[tilespmem:$0x580] =	vst v15  }
0x4b2: {  	[tilespmem:v13+s21+$0x0] =	vst.idx.msk $0xffff, v3  }
0x4b3: {  	[tilespmem:v21+s21+$0x0] =	vst.idx.msk $0xffff, v4  }
0x4b4: {  	v22 =	vld [tilespmem:$0x190];
	_ =	sdelay $0x1  }
0x4b5: {  	v13 =	vld [tilespmem:$0xA990];
	_ =	sdelay $0x2  }
0x4b6: {  	v23 =	vshrl.u32 v22, $0xE  }
0x4b7: {  	v15 =	vand.u32 $0x3, v23  }
0x4b8: {  	v13 =	vadd.s32 v5, v13;
	v24 =	vadd.s32 v1, v15  }
0x4b9: {  	v26 =	vor.u32 v5, v15;
	v16 =	vmul.u32 $0x2710, v24  }
0x4ba: {  	[tilespmem:$0xA980] =	vst v14;
	v25 =	vand.u32 $0x3FFF, v22;
	v12 =	vshrl.u32 v22, $0x10  }
0x4bb: {  	[tilespmem:$0x790] =	vst v12;
	v27 =	vadd.s32 v25, v16  }
0x4bc: {  	[tilespmem:$0x590] =	vst v27  }
0x4bd: {  	[tilespmem:v13+s21+$0x0] =	vst.idx.msk $0xffff, v3  }
0x4be: {  	[tilespmem:v26+s21+$0x0] =	vst.idx.msk $0xffff, v4  }
0x4bf: {  	v28 =	vld [tilespmem:$0x1A0];
	_ =	sdelay $0x1  }
0x4c0: {  	v13 =	vld [tilespmem:$0xA9A0];
	_ =	sdelay $0x2  }
0x4c1: {  	v29 =	vshrl.u32 v28, $0xE  }
0x4c2: {  	v14 =	vand.u32 $0x3, v29  }
0x4c3: {  	v13 =	vadd.s32 v6, v13;
	v30 =	vadd.s32 v1, v14  }
0x4c4: {  	v32 =	vor.u32 v6, v14;
	v16 =	vmul.u32 $0x2710, v30  }
0x4c5: {  	[tilespmem:$0xA990] =	vst v15;
	v31 =	vand.u32 $0x3FFF, v28;
	v12 =	vshrl.u32 v28, $0x10  }
0x4c6: {  	[tilespmem:$0x7A0] =	vst v12;
	v33 =	vadd.s32 v31, v16  }
0x4c7: {  	[tilespmem:$0x5A0] =	vst v33  }
0x4c8: {  	[tilespmem:v13+s21+$0x0] =	vst.idx.msk $0xffff, v3  }
0x4c9: {  	[tilespmem:v32+s21+$0x0] =	vst.idx.msk $0xffff, v4  }
0x4ca: {  	v34 =	vld [tilespmem:$0x1B0];
	_ =	sdelay $0x1  }
0x4cb: {  	v13 =	vld [tilespmem:$0xA9B0];
	_ =	sdelay $0x2  }
0x4cc: {  	v35 =	vshrl.u32 v34, $0xE  }
0x4cd: {  	v15 =	vand.u32 $0x3, v35  }
0x4ce: {  	v13 =	vadd.s32 v7, v13;
	v36 =	vadd.s32 v1, v15  }
0x4cf: {  	v38 =	vor.u32 v7, v15;
	v16 =	vmul.u32 $0x2710, v36  }
0x4d0: {  	[tilespmem:$0xA9A0] =	vst v14;
	v37 =	vand.u32 $0x3FFF, v34;
	v12 =	vshrl.u32 v34, $0x10  }
0x4d1: {  	[tilespmem:$0x7B0] =	vst v12;
	v39 =	vadd.s32 v37, v16  }
0x4d2: {  	[tilespmem:$0x5B0] =	vst v39  }
0x4d3: {  	[tilespmem:v13+s21+$0x0] =	vst.idx.msk $0xffff, v3  }
0x4d4: {  	[tilespmem:v38+s21+$0x0] =	vst.idx.msk $0xffff, v4  }
0x4d5: {  	v40 =	vld [tilespmem:$0x1C0];
	_ =	sdelay $0x1  }
0x4d6: {  	v13 =	vld [tilespmem:$0xA9C0];
	_ =	sdelay $0x2  }
0x4d7: {  	v41 =	vshrl.u32 v40, $0xE  }
0x4d8: {  	v14 =	vand.u32 $0x3, v41  }
0x4d9: {  	v13 =	vadd.s32 v8, v13;
	v42 =	vadd.s32 v1, v14  }
0x4da: {  	v44 =	vor.u32 v8, v14;
	v16 =	vmul.u32 $0x2710, v42  }
0x4db: {  	[tilespmem:$0xA9B0] =	vst v15;
	v43 =	vand.u32 $0x3FFF, v40;
	v12 =	vshrl.u32 v40, $0x10  }
0x4dc: {  	[tilespmem:$0x7C0] =	vst v12;
	v45 =	vadd.s32 v43, v16  }
0x4dd: {  	[tilespmem:$0x5C0] =	vst v45  }
0x4de: {  	[tilespmem:v13+s21+$0x0] =	vst.idx.msk $0xffff, v3  }
0x4df: {  	[tilespmem:v44+s21+$0x0] =	vst.idx.msk $0xffff, v4  }
0x4e0: {  	v46 =	vld [tilespmem:$0x1D0];
	_ =	sdelay $0x1  }
0x4e1: {  	v13 =	vld [tilespmem:$0xA9D0];
	_ =	sdelay $0x2  }
0x4e2: {  	v47 =	vshrl.u32 v46, $0xE  }
0x4e3: {  	v15 =	vand.u32 $0x3, v47  }
0x4e4: {  	v13 =	vadd.s32 v9, v13;
	v48 =	vadd.s32 v1, v15  }
0x4e5: {  	v50 =	vor.u32 v9, v15;
	v16 =	vmul.u32 $0x2710, v48  }
0x4e6: {  	[tilespmem:$0xA9C0] =	vst v14;
	v49 =	vand.u32 $0x3FFF, v46;
	v12 =	vshrl.u32 v46, $0x10  }
0x4e7: {  	[tilespmem:$0x7D0] =	vst v12;
	v51 =	vadd.s32 v49, v16  }
0x4e8: {  	[tilespmem:$0x5D0] =	vst v51  }
0x4e9: {  	[tilespmem:v13+s21+$0x0] =	vst.idx.msk $0xffff, v3  }
0x4ea: {  	[tilespmem:v50+s21+$0x0] =	vst.idx.msk $0xffff, v4  }
0x4eb: {  	v52 =	vld [tilespmem:$0x1E0];
	_ =	sdelay $0x1  }
0x4ec: {  	v13 =	vld [tilespmem:$0xA9E0];
	_ =	sdelay $0x2  }
0x4ed: {  	v53 =	vshrl.u32 v52, $0xE  }
0x4ee: {  	v14 =	vand.u32 $0x3, v53  }
0x4ef: {  	v13 =	vadd.s32 v10, v13;
	v54 =	vadd.s32 v1, v14  }
0x4f0: {  	v56 =	vor.u32 v10, v14;
	v16 =	vmul.u32 $0x2710, v54  }
0x4f1: {  	[tilespmem:$0xA9D0] =	vst v15;
	v55 =	vand.u32 $0x3FFF, v52;
	v12 =	vshrl.u32 v52, $0x10  }
0x4f2: {  	[tilespmem:$0x7E0] =	vst v12;
	v57 =	vadd.s32 v55, v16  }
0x4f3: {  	[tilespmem:$0x5E0] =	vst v57  }
0x4f4: {  	[tilespmem:v13+s21+$0x0] =	vst.idx.msk $0xffff, v3  }
0x4f5: {  	[tilespmem:v56+s21+$0x0] =	vst.idx.msk $0xffff, v4  }
0x4f6: {  	v58 =	vld [tilespmem:$0x1F0];
	_ =	sdelay $0x1  }
0x4f7: {  	v13 =	vld [tilespmem:$0xA9F0];
	_ =	sdelay $0x2  }
0x4f8: {  	v59 =	vshrl.u32 v58, $0xE  }
0x4f9: {  	v15 =	vand.u32 $0x3, v59  }
0x4fa: {  	v13 =	vadd.s32 v11, v13;
	v60 =	vadd.s32 v1, v15  }
0x4fb: {  	v62 =	vor.u32 v11, v15;
	v16 =	vmul.u32 $0x2710, v60  }
0x4fc: {  	[tilespmem:$0xA9E0] =	vst v14;
	v61 =	vand.u32 $0x3FFF, v58;
	v12 =	vshrl.u32 v58, $0x10  }
0x4fd: {  	p0 =	sne.s32 s16, $0xFFFFFF80;
	[tilespmem:$0x7F0] =	vst v12;
	v63 =	vadd.s32 v61, v16  }
.Ltmp0:
0x4fe: {  	[tilespmem:$0x5F0] =	vst v63;
	(pc) =	sbr.rel @p0 .LBB2_2-.Ltmp0, $4  }
0x4ff: {  	[tilespmem:v13+s21+$0x0] =	vst.idx.msk $0xffff, v3  }
0x500: {  	[tilespmem:v62+s21+$0x0] =	vst.idx.msk $0xffff, v4  }
0x501: {  	s16 =	sadd.s32 $0x80, s16;
	s9 =	simm.s32 $0x2;
	[tilespmem:$0xA9F0] =	vst v15  }
0x502: {  	[tilespmem:s31], [sflag:$0x6] =	stream.indirect.gather [hbm4b:s5+s22], $0x40, s25, s22, $0xb8;
	[tilespmem:$0x17200] =	vst v63  }
0x503: {  	_ =	swait.ge [sflag:s6], $0x2000  }
0x504: {  	[sflag:s6] =	ssyncset.done $0x0  }
0x505: {  	[sflag:s6] =	ssyncadd.s32 $0xFFFFE000  }
0x506: {  	_ =	swait.ge [sflag:s13], $0x2000  }
0x507: {  	[sflag:s13] =	ssyncset.done $0x0  }
0x508: {  	[sflag:s13] =	ssyncadd.s32 $0xFFFFE000  }
0x509: {  	_ =	swait.ge [sflag:s10], $0x2000  }
0x50a: {  	[sflag:s10] =	ssyncset.done $0x0  }
0x50b: {  	[sflag:s10] =	ssyncadd.s32 $0xFFFFE000  }
0x50c: {  	_ =	swait.ge [sflag:s17], $0x2000  }
0x50d: {  	[sflag:s17] =	ssyncset.done $0x0  }
0x50e: {  	[sflag:s17] =	ssyncadd.s32 $0xFFFFE000  }
0x50f: {  	_ =	swait.ge [sflag:s9], $0x200  }
0x510: {  	[sflag:s9] =	ssyncset.done $0x0  }
0x511: {  	[sflag:s9] =	ssyncadd.s32 $0xFFFFFE00  }
0x512: {  	[bflag:$0x0] =	sbarrier.arrive $0xFFFF  }
0x513: {  	s16 =	rddreg [dreg:$0x8]  }
0x514: {  	s1 =	rddreg [dreg:$0xc]  }
0x515: {  	s25 =	simm.s32 $0x9;
	s23 =	rddreg [dreg:$0xf]  }
0x516: {  	[hbm:s1], [sflag:s16] =	dma.local [spmem:s23], $0x1400  }
0x517: {  	_ =	swait.ge [sflag:s25], $0x1400  }
0x518: {  	[sflag:s25] =	ssyncset.done $0x0;
	s1 =	rddreg [dreg:$0xd]  }
0x519: {  	s28 =	rddreg [dreg:$0x10];
	[sflag:s25] =	ssyncadd.s32 $0xFFFFEC00  }
0x51a: {  	[hbm:s1], [sflag:s16] =	dma.local [spmem:s28], $0x500  }
0x51b: {  	_ =	swait.ge [sflag:s25], $0x500  }
0x51c: {  	s30 =	rddreg [dreg:$0x11]  }
0x51d: {  	[sflag:s25] =	ssyncset.done $0x0;
	s25 =	rddreg [dreg:$0xe];
	s30 =	sadd.s32 $0x1, s30  }
0x51e: {  	p0 =	sne.s32 s30, s25  }
.Ltmp1:
0x51f: {  	_ = 	snop;
	(pc) =	sbr.rel @p0 .LBB2_1-.Ltmp1, $3  }
0x520: {  	_ =	sdelay $0x1  }
0x521: {  	s25 =	simm.s32 $0x9  }
0x522: {  	[sflag:s25] =	ssyncadd.s32 $0xFFFFFB00  }
0x523: {  	_ =	sfence.sel $0x180000  }
0x524: {  	[bflag:$0x0] =	sbarrier.arrive $0xFFFF  }
0x525: {  	_ =	strace $0x90000047  }
0x526: {  	s0 =	stileid.u32;
	[bflag:$0x2] =	sbarrier.arrive $0xFFFF  }
0x527: {  	p0 =	sne.s32 s0, $0x0;
	s0 =	rddreg [dreg:$0x4]  }
0x528: {  	s0 =	sadd.s32 @!p0 $0x100000, s0  }
0x529: {  	[sflag:s0] =	ssyncadd.tile.s32 @!p0 $0x1;
	_ =	shalt  }
.Lfunc_end2:
_tile_overlayer_lowered:
.L_overlay_start_2:
0x52a: {  	(tag) =	ssettag $0x2  }
0x52b: {  	s0 =	rddreg [dreg:$0x0];
	s2 =	stileid.u32  }
0x52c: {  	s1 =	rddreg [dreg:$0x1];
	p0 =	sne.s32 s2, $0x0  }
0x52d: {  	s3 =	rddreg [dreg:$0x2];
	[bflag:$0x3] =	sbarrier.arrive $0xFFFF;
	s2 =	simm.s32 @!p0 $0x1C09  }
0x52e: {  	[timem:s3], [sflag:s2] =	dma.local @!p0 [hbm:s0], s1  }
0x52f: {  	s0 =	simm.s32 @!p0 $0x9  }
0x530: {  	_ =	swait.ge @!p0 [sflag:s0], s1  }
0x531: {  	s1 =	ssub.s32 @!p0 $0x0, s1;
	[sflag:s0] =	ssyncset.done @!p0 $0x0  }
0x532: {  	[sflag:s0] =	ssyncadd.s32 @!p0 s1  }
0x533: {  	[bflag:$0x3] =	sbarrier.arrive $0xFFFF  }
0x534: {  	_ =	shalt  }

</sc_bundles>
